<compile_context>
chip_gen: v7x
topology: tpu7x:2x2x1
jax: 0.10.2.dev20260603
libtpu: 0.0.44.dev20260713+nightly
codegen_flags: <defaults>
</compile_context>

<pallas_src>
import functools

import jax
import jax.numpy as jnp
from jax import lax
from jax.experimental import pallas as pl
from jax.experimental.pallas import tpu as pltpu
from jax.experimental.pallas import tpu_sc as plsc

_NC = 2
_NS = 16
_NW = _NC * _NS

_B = 4096
_S = 200
_N = _B * _S
_WD = 50
_PD = 5
_OD = _WD + 2 * _PD
_WDP = 56
_PDP = 8

_C = _S
_SPLITS = ((0, 128), (128, 72))
_NPW = _N // _NW
_NCHUNK = _NPW // _C
_SUP = 8
_NSUP = _NCHUNK // _SUP
_U = 4


def _ivec(vals):
    lanes = lax.broadcasted_iota(jnp.int32, (16,), 0)
    out = lanes * 0
    for i, x in enumerate(vals):
        out = jnp.where(lanes == i, jnp.int32(x), out)
    return out


def _make_body():
    def body(word_hbm, pos1_hbm, pos2_hbm, wtab_hbm, p1tab_hbm, p2tab_hbm,
             out_hbm,
             sidxw, sidxp1, sidxp2,
             wrow0, pbuf0, outv0, wrow1, pbuf1, outv1,
             gsem0, gsem1, osem0, osem1):
        wid = lax.axis_index("s") * _NC + lax.axis_index("c")
        row0 = wid * _NPW
        lanes = lax.broadcasted_iota(jnp.int32, (16,), 0)
        w_col = _ivec([44, 45, 46, 47, 48, 49] + [0] * 10)
        pos_rowoff = _ivec([0] * 11 + [_C] * 5)
        pos_col = _ivec([0] * 6 + [0, 1, 2, 3, 4, 0, 1, 2, 3, 4])
        m_w = lanes < 6
        zeros = lanes * 0

        bufs = ((wrow0, pbuf0, outv0, gsem0, osem0),
                (wrow1, pbuf1, outv1, gsem1, osem1))

        def load_idx(si):
            base = row0 + si * _SUP * _C
            pltpu.sync_copy(word_hbm.at[pl.ds(base, _SUP * _C)], sidxw)
            pltpu.sync_copy(pos1_hbm.at[pl.ds(base, _SUP * _C)], sidxp1)
            pltpu.sync_copy(pos2_hbm.at[pl.ds(base, _SUP * _C)], sidxp2)

        def fire(cis, b):
            wrow, pbuf, _, gsem, _ = bufs[b]
            for so, sn in _SPLITS:
                off = cis * _C + so
                rows = pl.ds(so, sn)
                pltpu.async_copy(
                    wtab_hbm.at[sidxw.at[pl.ds(off, sn)]],
                    wrow.at[rows], gsem)
                pltpu.async_copy(
                    p1tab_hbm.at[sidxp1.at[pl.ds(off, sn)]],
                    pbuf.at[rows], gsem)
                pltpu.async_copy(
                    p2tab_hbm.at[sidxp2.at[pl.ds(off, sn)]],
                    pbuf.at[pl.ds(_C + so, sn)], gsem)

        def wait_gathers(cis, b):
            wrow, pbuf, _, gsem, _ = bufs[b]
            for so, sn in _SPLITS:
                off = cis * _C + so
                rows = pl.ds(so, sn)
                pltpu.make_async_copy(
                    wtab_hbm.at[sidxw.at[pl.ds(off, sn)]],
                    wrow.at[rows], gsem).wait()
                pltpu.make_async_copy(
                    p1tab_hbm.at[sidxp1.at[pl.ds(off, sn)]],
                    pbuf.at[rows], gsem).wait()
                pltpu.make_async_copy(
                    p2tab_hbm.at[sidxp2.at[pl.ds(off, sn)]],
                    pbuf.at[pl.ds(_C + so, sn)], gsem).wait()

        def assemble(b):
            wrow, pbuf, outv, _, _ = bufs[b]

            def rows_body(g, _):
                r_base = g * _U
                for u in range(_U):
                    r = r_base + u
                    outv[r, pl.ds(0, 16)] = wrow[r, pl.ds(0, 16)]
                    outv[r, pl.ds(16, 16)] = wrow[r, pl.ds(16, 16)]
                    outv[r, pl.ds(28, 16)] = wrow[r, pl.ds(28, 16)]
                    rv = zeros + r
                    gw = plsc.load_gather(wrow, [rv, w_col])
                    gp = plsc.load_gather(pbuf, [rv + pos_rowoff, pos_col])
                    outv[r, pl.ds(44, 16)] = jnp.where(m_w, gw, gp)
                return ()

            lax.fori_loop(0, _C // _U, rows_body, ())

        batch0 = wid * (_NPW // _S)

        def write_out(cg, b):
            _, _, outv, _, osem = bufs[b]
            pltpu.async_copy(outv, out_hbm.at[batch0 + cg], osem)

        def wait_out(cg, b):
            _, _, outv, _, osem = bufs[b]
            pltpu.make_async_copy(
                outv, out_hbm.at[batch0 + cg], osem).wait()

        def sup_body(si, _):
            load_idx(si)
            fire(0, 0)
            for pj in range(_SUP // 2):
                cg0 = si * _SUP + pj * 2
                wait_gathers(pj * 2, 0)
                fire(pj * 2 + 1, 1)
                lax.cond(cg0 >= 2, lambda: wait_out(cg0 - 2, 0),
                         lambda: None)
                assemble(0)
                write_out(cg0, 0)
                wait_gathers(pj * 2 + 1, 1)
                if pj < _SUP // 2 - 1:
                    fire(pj * 2 + 2, 0)
                lax.cond(cg0 >= 1, lambda: wait_out(cg0 - 1, 1),
                         lambda: None)
                assemble(1)
                write_out(cg0 + 1, 1)
            return ()

        lax.fori_loop(0, _NSUP, sup_body, ())
        wait_out(_NCHUNK - 2, 0)
        wait_out(_NCHUNK - 1, 1)

    return body


@jax.jit
def _embed(word, pos1, pos2, word_table, pos1_table, pos2_table):
    mesh = plsc.VectorSubcoreMesh(
        core_axis_name="c", subcore_axis_name="s",
        num_cores=_NC, num_subcores=_NS)
    run = pl.kernel(
        _make_body(),
        out_type=jax.ShapeDtypeStruct((_B, _S, _OD), jnp.float32),
        mesh=mesh,
        scratch_types=[
            pltpu.VMEM((_SUP * _C,), jnp.int32),
            pltpu.VMEM((_SUP * _C,), jnp.int32),
            pltpu.VMEM((_SUP * _C,), jnp.int32),
            pltpu.VMEM((_C, _WDP), jnp.float32),
            pltpu.VMEM((2 * _C, _PDP), jnp.float32),
            pltpu.VMEM((_C, _OD), jnp.float32),
            pltpu.VMEM((_C, _WDP), jnp.float32),
            pltpu.VMEM((2 * _C, _PDP), jnp.float32),
            pltpu.VMEM((_C, _OD), jnp.float32),
            pltpu.SemaphoreType.DMA,
            pltpu.SemaphoreType.DMA,
            pltpu.SemaphoreType.DMA,
            pltpu.SemaphoreType.DMA,
        ],
        compiler_params=pltpu.CompilerParams(
            use_tc_tiling_on_sc=False, needs_layout_passes=False),
    )
    wtab = jnp.pad(word_table, ((0, 0), (0, _WDP - _WD)))
    p1tab = jnp.pad(pos1_table, ((0, 0), (0, _PDP - _PD)))
    p2tab = jnp.pad(pos2_table, ((0, 0), (0, _PDP - _PD)))
    return run(word.reshape(_N), pos1.reshape(_N), pos2.reshape(_N),
               wtab, p1tab, p2tab)


def kernel(word, pos1, pos2, word_table, pos1_table, pos2_table):
    return _embed(word, pos1, pos2, word_table, pos1_table, pos2_table)

# --- scband reference (transcript-rebuilt; emitter-appended) ---
"""Pipeline reference for scband-embedding-4372276707777 (READ-ONLY COPY).

The authoritative reference and input builder live on the scoring server;
editing this copy changes nothing except your own understanding.
"""

import jax, jax.numpy as jnp
import numpy as np

VOCAB = 100000
MAX_LENGTH = 200
WORD_DIM = 50
POS_DIM = 5
BATCH = 4096
SEQ = 200


def setup_inputs(seed: int = 0) -> dict:
    key = jax.random.key(seed)
    k1, k2, k3, k4, k5, k6 = jax.random.split(key, 6)
    word = jax.random.randint(k1, (BATCH, SEQ), 0, VOCAB, dtype=jnp.int32)
    pos1 = jax.random.randint(k2, (BATCH, SEQ), 0, 2 * MAX_LENGTH, dtype=jnp.int32)
    pos2 = jax.random.randint(k3, (BATCH, SEQ), 0, 2 * MAX_LENGTH, dtype=jnp.int32)
    # Learned parameters. Note: in the original torch code, from_pretrained's
    # result is discarded, so the word table keeps its random nn.Embedding init.
    word_table = jax.random.normal(k4, (VOCAB, WORD_DIM), dtype=jnp.float32)
    # padding_idx rows initialized to zero (matching nn.Embedding padding_idx init)
    word_table = word_table.at[VOCAB - 1].set(0.0)
    pos1_table = jax.random.normal(k5, (2 * MAX_LENGTH, POS_DIM), dtype=jnp.float32)
    pos1_table = pos1_table.at[0].set(0.0)
    pos2_table = jax.random.normal(k6, (2 * MAX_LENGTH, POS_DIM), dtype=jnp.float32)
    pos2_table = pos2_table.at[0].set(0.0)
    return {
        "word": word,
        "pos1": pos1,
        "pos2": pos2,
        "word_table": word_table,
        "pos1_table": pos1_table,
        "pos2_table": pos2_table,
    }


def reference(word, pos1, pos2, word_table, pos1_table, pos2_table):
    w = jnp.take(word_table, word, axis=0)    # [B, S, 50]
    p1 = jnp.take(pos1_table, pos1, axis=0)   # [B, S, 5]
    p2 = jnp.take(pos2_table, pos2, axis=0)   # [B, S, 5]
    x = jnp.concatenate([w, p1, p2], axis=2)  # [B, S, 60]
    return x

if __name__ == "__main__":
    import jax
    _d = setup_inputs()
    print(jax.jit(kernel)(*tuple(_d.values())))

</pallas_src>

<mosaic_0001>
#map = affine_map<(d0, d1) -> (0)>
#map1 = affine_map<(d0, d1) -> (0, 0)>
#map2 = affine_map<(d0, d1) -> (0, 0, 0)>
module attributes {stable_mosaic.version = 14 : i64} {
  func.func @body(%arg0: i32, %arg1: i32, %arg2: memref<819200xi32, #tpu.memory_space<hbm>>, %arg3: memref<819200xi32, #tpu.memory_space<hbm>>, %arg4: memref<819200xi32, #tpu.memory_space<hbm>>, %arg5: memref<100000x56xf32, #tpu.memory_space<hbm>>, %arg6: memref<400x8xf32, #tpu.memory_space<hbm>>, %arg7: memref<400x8xf32, #tpu.memory_space<hbm>>, %arg8: memref<4096x200x60xf32, #tpu.memory_space<hbm>>, %arg9: memref<1600xi32, #tpu.memory_space<vmem>>, %arg10: memref<1600xi32, #tpu.memory_space<vmem>>, %arg11: memref<1600xi32, #tpu.memory_space<vmem>>, %arg12: memref<200x56xf32, #tpu.memory_space<vmem>>, %arg13: memref<400x8xf32, #tpu.memory_space<vmem>>, %arg14: memref<200x60xf32, #tpu.memory_space<vmem>>, %arg15: memref<200x56xf32, #tpu.memory_space<vmem>>, %arg16: memref<400x8xf32, #tpu.memory_space<vmem>>, %arg17: memref<200x60xf32, #tpu.memory_space<vmem>>, %arg18: memref<!tpu.dma_semaphore, #tpu.memory_space<semaphore_mem>>, %arg19: memref<!tpu.dma_semaphore, #tpu.memory_space<semaphore_mem>>, %arg20: memref<!tpu.dma_semaphore, #tpu.memory_space<semaphore_mem>>, %arg21: memref<!tpu.dma_semaphore, #tpu.memory_space<semaphore_mem>>) attributes {dimension_semantics = [#tpu.dimension_semantics<core_parallel>, #tpu.dimension_semantics<subcore_parallel>], iteration_bounds = array<i64: 2, 16>, scalar_prefetch = 0 : i64, scratch_operands = 13 : i64, tpu.core_type = #tpu.core_type<sc_vector_subcore>, window_params = [{transform_indices = #map}, {transform_indices = #map}, {transform_indices = #map}, {transform_indices = #map1}, {transform_indices = #map1}, {transform_indices = #map1}, {transform_indices = #map2}]} {
    %mul3A = arith.constant 2 : i32
    %mul3A_0 = arith.muli %arg1, %mul3A : i32
    %add3A = arith.addi %mul3A_0, %arg0 : i32
    %mul3A_1 = arith.constant 25600 : i32
    %mul3A_2 = arith.muli %add3A, %mul3A_1 : i32
    %iota3A = tpu.iota {dimensions = array<i32: 0>} : vector<16xi32>
    %iota3A_3 = tpu.iota {dimensions = array<i32: 0>} : vector<16xi32>
    %mul3A_4 = arith.constant 0 : i32
    %mul3A_5 = vector.broadcast %mul3A_4 : i32 to vector<16xi32>
    %mul3A_6 = arith.muli %iota3A_3, %mul3A_5 : vector<16xi32>
    %eq3A = arith.constant 0 : i32
    %eq3A_7 = vector.broadcast %eq3A : i32 to vector<16xi32>
    %eq3A_8 = arith.cmpi eq, %iota3A_3, %eq3A_7 : vector<16xi32>
    %jit3A = arith.constant 44 : i32
    %broadcast_in_dim3A = vector.broadcast %jit3A : i32 to vector<16xi32>
    %select_n3A = arith.select %eq3A_8, %broadcast_in_dim3A, %mul3A_6 : vector<16xi1>, vector<16xi32>
    %eq3A_9 = arith.constant 1 : i32
    %eq3A_10 = vector.broadcast %eq3A_9 : i32 to vector<16xi32>
    %eq3A_11 = arith.cmpi eq, %iota3A_3, %eq3A_10 : vector<16xi32>
    %jit3A_12 = arith.constant 45 : i32
    %broadcast_in_dim3A_13 = vector.broadcast %jit3A_12 : i32 to vector<16xi32>
    %select_n3A_14 = arith.select %eq3A_11, %broadcast_in_dim3A_13, %select_n3A : vector<16xi1>, vector<16xi32>
    %eq3A_15 = arith.constant 2 : i32
    %eq3A_16 = vector.broadcast %eq3A_15 : i32 to vector<16xi32>
    %eq3A_17 = arith.cmpi eq, %iota3A_3, %eq3A_16 : vector<16xi32>
    %jit3A_18 = arith.constant 46 : i32
    %broadcast_in_dim3A_19 = vector.broadcast %jit3A_18 : i32 to vector<16xi32>
    %select_n3A_20 = arith.select %eq3A_17, %broadcast_in_dim3A_19, %select_n3A_14 : vector<16xi1>, vector<16xi32>
    %eq3A_21 = arith.constant 3 : i32
    %eq3A_22 = vector.broadcast %eq3A_21 : i32 to vector<16xi32>
    %eq3A_23 = arith.cmpi eq, %iota3A_3, %eq3A_22 : vector<16xi32>
    %jit3A_24 = arith.constant 47 : i32
    %broadcast_in_dim3A_25 = vector.broadcast %jit3A_24 : i32 to vector<16xi32>
    %select_n3A_26 = arith.select %eq3A_23, %broadcast_in_dim3A_25, %select_n3A_20 : vector<16xi1>, vector<16xi32>
    %eq3A_27 = arith.constant 4 : i32
    %eq3A_28 = vector.broadcast %eq3A_27 : i32 to vector<16xi32>
    %eq3A_29 = arith.cmpi eq, %iota3A_3, %eq3A_28 : vector<16xi32>
    %jit3A_30 = arith.constant 48 : i32
    %broadcast_in_dim3A_31 = vector.broadcast %jit3A_30 : i32 to vector<16xi32>
    %select_n3A_32 = arith.select %eq3A_29, %broadcast_in_dim3A_31, %select_n3A_26 : vector<16xi1>, vector<16xi32>
    %eq3A_33 = arith.constant 5 : i32
    %eq3A_34 = vector.broadcast %eq3A_33 : i32 to vector<16xi32>
    %eq3A_35 = arith.cmpi eq, %iota3A_3, %eq3A_34 : vector<16xi32>
    %jit3A_36 = arith.constant 49 : i32
    %broadcast_in_dim3A_37 = vector.broadcast %jit3A_36 : i32 to vector<16xi32>
    %select_n3A_38 = arith.select %eq3A_35, %broadcast_in_dim3A_37, %select_n3A_32 : vector<16xi1>, vector<16xi32>
    %eq3A_39 = arith.constant 6 : i32
    %eq3A_40 = vector.broadcast %eq3A_39 : i32 to vector<16xi32>
    %eq3A_41 = arith.cmpi eq, %iota3A_3, %eq3A_40 : vector<16xi32>
    %jit3A_42 = arith.constant 0 : i32
    %broadcast_in_dim3A_43 = vector.broadcast %jit3A_42 : i32 to vector<16xi32>
    %select_n3A_44 = arith.select %eq3A_41, %broadcast_in_dim3A_43, %select_n3A_38 : vector<16xi1>, vector<16xi32>
    %eq3A_45 = arith.constant 7 : i32
    %eq3A_46 = vector.broadcast %eq3A_45 : i32 to vector<16xi32>
    %eq3A_47 = arith.cmpi eq, %iota3A_3, %eq3A_46 : vector<16xi32>
    %jit3A_48 = arith.constant 0 : i32
    %broadcast_in_dim3A_49 = vector.broadcast %jit3A_48 : i32 to vector<16xi32>
    %select_n3A_50 = arith.select %eq3A_47, %broadcast_in_dim3A_49, %select_n3A_44 : vector<16xi1>, vector<16xi32>
    %eq3A_51 = arith.constant 8 : i32
    %eq3A_52 = vector.broadcast %eq3A_51 : i32 to vector<16xi32>
    %eq3A_53 = arith.cmpi eq, %iota3A_3, %eq3A_52 : vector<16xi32>
    %jit3A_54 = arith.constant 0 : i32
    %broadcast_in_dim3A_55 = vector.broadcast %jit3A_54 : i32 to vector<16xi32>
    %select_n3A_56 = arith.select %eq3A_53, %broadcast_in_dim3A_55, %select_n3A_50 : vector<16xi1>, vector<16xi32>
    %eq3A_57 = arith.constant 9 : i32
    %eq3A_58 = vector.broadcast %eq3A_57 : i32 to vector<16xi32>
    %eq3A_59 = arith.cmpi eq, %iota3A_3, %eq3A_58 : vector<16xi32>
    %jit3A_60 = arith.constant 0 : i32
    %broadcast_in_dim3A_61 = vector.broadcast %jit3A_60 : i32 to vector<16xi32>
    %select_n3A_62 = arith.select %eq3A_59, %broadcast_in_dim3A_61, %select_n3A_56 : vector<16xi1>, vector<16xi32>
    %eq3A_63 = arith.constant 10 : i32
    %eq3A_64 = vector.broadcast %eq3A_63 : i32 to vector<16xi32>
    %eq3A_65 = arith.cmpi eq, %iota3A_3, %eq3A_64 : vector<16xi32>
    %jit3A_66 = arith.constant 0 : i32
    %broadcast_in_dim3A_67 = vector.broadcast %jit3A_66 : i32 to vector<16xi32>
    %select_n3A_68 = arith.select %eq3A_65, %broadcast_in_dim3A_67, %select_n3A_62 : vector<16xi1>, vector<16xi32>
    %eq3A_69 = arith.constant 11 : i32
    %eq3A_70 = vector.broadcast %eq3A_69 : i32 to vector<16xi32>
    %eq3A_71 = arith.cmpi eq, %iota3A_3, %eq3A_70 : vector<16xi32>
    %jit3A_72 = arith.constant 0 : i32
    %broadcast_in_dim3A_73 = vector.broadcast %jit3A_72 : i32 to vector<16xi32>
    %select_n3A_74 = arith.select %eq3A_71, %broadcast_in_dim3A_73, %select_n3A_68 : vector<16xi1>, vector<16xi32>
    %eq3A_75 = arith.constant 12 : i32
    %eq3A_76 = vector.broadcast %eq3A_75 : i32 to vector<16xi32>
    %eq3A_77 = arith.cmpi eq, %iota3A_3, %eq3A_76 : vector<16xi32>
    %jit3A_78 = arith.constant 0 : i32
    %broadcast_in_dim3A_79 = vector.broadcast %jit3A_78 : i32 to vector<16xi32>
    %select_n3A_80 = arith.select %eq3A_77, %broadcast_in_dim3A_79, %select_n3A_74 : vector<16xi1>, vector<16xi32>
    %eq3A_81 = arith.constant 13 : i32
    %eq3A_82 = vector.broadcast %eq3A_81 : i32 to vector<16xi32>
    %eq3A_83 = arith.cmpi eq, %iota3A_3, %eq3A_82 : vector<16xi32>
    %jit3A_84 = arith.constant 0 : i32
    %broadcast_in_dim3A_85 = vector.broadcast %jit3A_84 : i32 to vector<16xi32>
    %select_n3A_86 = arith.select %eq3A_83, %broadcast_in_dim3A_85, %select_n3A_80 : vector<16xi1>, vector<16xi32>
    %eq3A_87 = arith.constant 14 : i32
    %eq3A_88 = vector.broadcast %eq3A_87 : i32 to vector<16xi32>
    %eq3A_89 = arith.cmpi eq, %iota3A_3, %eq3A_88 : vector<16xi32>
    %jit3A_90 = arith.constant 0 : i32
    %broadcast_in_dim3A_91 = vector.broadcast %jit3A_90 : i32 to vector<16xi32>
    %select_n3A_92 = arith.select %eq3A_89, %broadcast_in_dim3A_91, %select_n3A_86 : vector<16xi1>, vector<16xi32>
    %eq3A_93 = arith.constant 15 : i32
    %eq3A_94 = vector.broadcast %eq3A_93 : i32 to vector<16xi32>
    %eq3A_95 = arith.cmpi eq, %iota3A_3, %eq3A_94 : vector<16xi32>
    %jit3A_96 = arith.constant 0 : i32
    %broadcast_in_dim3A_97 = vector.broadcast %jit3A_96 : i32 to vector<16xi32>
    %select_n3A_98 = arith.select %eq3A_95, %broadcast_in_dim3A_97, %select_n3A_92 : vector<16xi1>, vector<16xi32>
    %iota3A_99 = tpu.iota {dimensions = array<i32: 0>} : vector<16xi32>
    %mul3A_100 = arith.constant 0 : i32
    %mul3A_101 = vector.broadcast %mul3A_100 : i32 to vector<16xi32>
    %mul3A_102 = arith.muli %iota3A_99, %mul3A_101 : vector<16xi32>
    %eq3A_103 = arith.constant 0 : i32
    %eq3A_104 = vector.broadcast %eq3A_103 : i32 to vector<16xi32>
    %eq3A_105 = arith.cmpi eq, %iota3A_99, %eq3A_104 : vector<16xi32>
    %jit3A_106 = arith.constant 0 : i32
    %broadcast_in_dim3A_107 = vector.broadcast %jit3A_106 : i32 to vector<16xi32>
    %select_n3A_108 = arith.select %eq3A_105, %broadcast_in_dim3A_107, %mul3A_102 : vector<16xi1>, vector<16xi32>
    %eq3A_109 = arith.constant 1 : i32
    %eq3A_110 = vector.broadcast %eq3A_109 : i32 to vector<16xi32>
    %eq3A_111 = arith.cmpi eq, %iota3A_99, %eq3A_110 : vector<16xi32>
    %jit3A_112 = arith.constant 0 : i32
    %broadcast_in_dim3A_113 = vector.broadcast %jit3A_112 : i32 to vector<16xi32>
    %select_n3A_114 = arith.select %eq3A_111, %broadcast_in_dim3A_113, %select_n3A_108 : vector<16xi1>, vector<16xi32>
    %eq3A_115 = arith.constant 2 : i32
    %eq3A_116 = vector.broadcast %eq3A_115 : i32 to vector<16xi32>
    %eq3A_117 = arith.cmpi eq, %iota3A_99, %eq3A_116 : vector<16xi32>
    %jit3A_118 = arith.constant 0 : i32
    %broadcast_in_dim3A_119 = vector.broadcast %jit3A_118 : i32 to vector<16xi32>
    %select_n3A_120 = arith.select %eq3A_117, %broadcast_in_dim3A_119, %select_n3A_114 : vector<16xi1>, vector<16xi32>
    %eq3A_121 = arith.constant 3 : i32
    %eq3A_122 = vector.broadcast %eq3A_121 : i32 to vector<16xi32>
    %eq3A_123 = arith.cmpi eq, %iota3A_99, %eq3A_122 : vector<16xi32>
    %jit3A_124 = arith.constant 0 : i32
    %broadcast_in_dim3A_125 = vector.broadcast %jit3A_124 : i32 to vector<16xi32>
    %select_n3A_126 = arith.select %eq3A_123, %broadcast_in_dim3A_125, %select_n3A_120 : vector<16xi1>, vector<16xi32>
    %eq3A_127 = arith.constant 4 : i32
    %eq3A_128 = vector.broadcast %eq3A_127 : i32 to vector<16xi32>
    %eq3A_129 = arith.cmpi eq, %iota3A_99, %eq3A_128 : vector<16xi32>
    %jit3A_130 = arith.constant 0 : i32
    %broadcast_in_dim3A_131 = vector.broadcast %jit3A_130 : i32 to vector<16xi32>
    %select_n3A_132 = arith.select %eq3A_129, %broadcast_in_dim3A_131, %select_n3A_126 : vector<16xi1>, vector<16xi32>
    %eq3A_133 = arith.constant 5 : i32
    %eq3A_134 = vector.broadcast %eq3A_133 : i32 to vector<16xi32>
    %eq3A_135 = arith.cmpi eq, %iota3A_99, %eq3A_134 : vector<16xi32>
    %jit3A_136 = arith.constant 0 : i32
    %broadcast_in_dim3A_137 = vector.broadcast %jit3A_136 : i32 to vector<16xi32>
    %select_n3A_138 = arith.select %eq3A_135, %broadcast_in_dim3A_137, %select_n3A_132 : vector<16xi1>, vector<16xi32>
    %eq3A_139 = arith.constant 6 : i32
    %eq3A_140 = vector.broadcast %eq3A_139 : i32 to vector<16xi32>
    %eq3A_141 = arith.cmpi eq, %iota3A_99, %eq3A_140 : vector<16xi32>
    %jit3A_142 = arith.constant 0 : i32
    %broadcast_in_dim3A_143 = vector.broadcast %jit3A_142 : i32 to vector<16xi32>
    %select_n3A_144 = arith.select %eq3A_141, %broadcast_in_dim3A_143, %select_n3A_138 : vector<16xi1>, vector<16xi32>
    %eq3A_145 = arith.constant 7 : i32
    %eq3A_146 = vector.broadcast %eq3A_145 : i32 to vector<16xi32>
    %eq3A_147 = arith.cmpi eq, %iota3A_99, %eq3A_146 : vector<16xi32>
    %jit3A_148 = arith.constant 0 : i32
    %broadcast_in_dim3A_149 = vector.broadcast %jit3A_148 : i32 to vector<16xi32>
    %select_n3A_150 = arith.select %eq3A_147, %broadcast_in_dim3A_149, %select_n3A_144 : vector<16xi1>, vector<16xi32>
    %eq3A_151 = arith.constant 8 : i32
    %eq3A_152 = vector.broadcast %eq3A_151 : i32 to vector<16xi32>
    %eq3A_153 = arith.cmpi eq, %iota3A_99, %eq3A_152 : vector<16xi32>
    %jit3A_154 = arith.constant 0 : i32
    %broadcast_in_dim3A_155 = vector.broadcast %jit3A_154 : i32 to vector<16xi32>
    %select_n3A_156 = arith.select %eq3A_153, %broadcast_in_dim3A_155, %select_n3A_150 : vector<16xi1>, vector<16xi32>
    %eq3A_157 = arith.constant 9 : i32
    %eq3A_158 = vector.broadcast %eq3A_157 : i32 to vector<16xi32>
    %eq3A_159 = arith.cmpi eq, %iota3A_99, %eq3A_158 : vector<16xi32>
    %jit3A_160 = arith.constant 0 : i32
    %broadcast_in_dim3A_161 = vector.broadcast %jit3A_160 : i32 to vector<16xi32>
    %select_n3A_162 = arith.select %eq3A_159, %broadcast_in_dim3A_161, %select_n3A_156 : vector<16xi1>, vector<16xi32>
    %eq3A_163 = arith.constant 10 : i32
    %eq3A_164 = vector.broadcast %eq3A_163 : i32 to vector<16xi32>
    %eq3A_165 = arith.cmpi eq, %iota3A_99, %eq3A_164 : vector<16xi32>
    %jit3A_166 = arith.constant 0 : i32
    %broadcast_in_dim3A_167 = vector.broadcast %jit3A_166 : i32 to vector<16xi32>
    %select_n3A_168 = arith.select %eq3A_165, %broadcast_in_dim3A_167, %select_n3A_162 : vector<16xi1>, vector<16xi32>
    %eq3A_169 = arith.constant 11 : i32
    %eq3A_170 = vector.broadcast %eq3A_169 : i32 to vector<16xi32>
    %eq3A_171 = arith.cmpi eq, %iota3A_99, %eq3A_170 : vector<16xi32>
    %jit3A_172 = arith.constant 200 : i32
    %broadcast_in_dim3A_173 = vector.broadcast %jit3A_172 : i32 to vector<16xi32>
    %select_n3A_174 = arith.select %eq3A_171, %broadcast_in_dim3A_173, %select_n3A_168 : vector<16xi1>, vector<16xi32>
    %eq3A_175 = arith.constant 12 : i32
    %eq3A_176 = vector.broadcast %eq3A_175 : i32 to vector<16xi32>
    %eq3A_177 = arith.cmpi eq, %iota3A_99, %eq3A_176 : vector<16xi32>
    %jit3A_178 = arith.constant 200 : i32
    %broadcast_in_dim3A_179 = vector.broadcast %jit3A_178 : i32 to vector<16xi32>
    %select_n3A_180 = arith.select %eq3A_177, %broadcast_in_dim3A_179, %select_n3A_174 : vector<16xi1>, vector<16xi32>
    %eq3A_181 = arith.constant 13 : i32
    %eq3A_182 = vector.broadcast %eq3A_181 : i32 to vector<16xi32>
    %eq3A_183 = arith.cmpi eq, %iota3A_99, %eq3A_182 : vector<16xi32>
    %jit3A_184 = arith.constant 200 : i32
    %broadcast_in_dim3A_185 = vector.broadcast %jit3A_184 : i32 to vector<16xi32>
    %select_n3A_186 = arith.select %eq3A_183, %broadcast_in_dim3A_185, %select_n3A_180 : vector<16xi1>, vector<16xi32>
    %eq3A_187 = arith.constant 14 : i32
    %eq3A_188 = vector.broadcast %eq3A_187 : i32 to vector<16xi32>
    %eq3A_189 = arith.cmpi eq, %iota3A_99, %eq3A_188 : vector<16xi32>
    %jit3A_190 = arith.constant 200 : i32
    %broadcast_in_dim3A_191 = vector.broadcast %jit3A_190 : i32 to vector<16xi32>
    %select_n3A_192 = arith.select %eq3A_189, %broadcast_in_dim3A_191, %select_n3A_186 : vector<16xi1>, vector<16xi32>
    %eq3A_193 = arith.constant 15 : i32
    %eq3A_194 = vector.broadcast %eq3A_193 : i32 to vector<16xi32>
    %eq3A_195 = arith.cmpi eq, %iota3A_99, %eq3A_194 : vector<16xi32>
    %jit3A_196 = arith.constant 200 : i32
    %broadcast_in_dim3A_197 = vector.broadcast %jit3A_196 : i32 to vector<16xi32>
    %select_n3A_198 = arith.select %eq3A_195, %broadcast_in_dim3A_197, %select_n3A_192 : vector<16xi1>, vector<16xi32>
    %iota3A_199 = tpu.iota {dimensions = array<i32: 0>} : vector<16xi32>
    %mul3A_200 = arith.constant 0 : i32
    %mul3A_201 = vector.broadcast %mul3A_200 : i32 to vector<16xi32>
    %mul3A_202 = arith.muli %iota3A_199, %mul3A_201 : vector<16xi32>
    %eq3A_203 = arith.constant 0 : i32
    %eq3A_204 = vector.broadcast %eq3A_203 : i32 to vector<16xi32>
    %eq3A_205 = arith.cmpi eq, %iota3A_199, %eq3A_204 : vector<16xi32>
    %jit3A_206 = arith.constant 0 : i32
    %broadcast_in_dim3A_207 = vector.broadcast %jit3A_206 : i32 to vector<16xi32>
    %select_n3A_208 = arith.select %eq3A_205, %broadcast_in_dim3A_207, %mul3A_202 : vector<16xi1>, vector<16xi32>
    %eq3A_209 = arith.constant 1 : i32
    %eq3A_210 = vector.broadcast %eq3A_209 : i32 to vector<16xi32>
    %eq3A_211 = arith.cmpi eq, %iota3A_199, %eq3A_210 : vector<16xi32>
    %jit3A_212 = arith.constant 0 : i32
    %broadcast_in_dim3A_213 = vector.broadcast %jit3A_212 : i32 to vector<16xi32>
    %select_n3A_214 = arith.select %eq3A_211, %broadcast_in_dim3A_213, %select_n3A_208 : vector<16xi1>, vector<16xi32>
    %eq3A_215 = arith.constant 2 : i32
    %eq3A_216 = vector.broadcast %eq3A_215 : i32 to vector<16xi32>
    %eq3A_217 = arith.cmpi eq, %iota3A_199, %eq3A_216 : vector<16xi32>
    %jit3A_218 = arith.constant 0 : i32
    %broadcast_in_dim3A_219 = vector.broadcast %jit3A_218 : i32 to vector<16xi32>
    %select_n3A_220 = arith.select %eq3A_217, %broadcast_in_dim3A_219, %select_n3A_214 : vector<16xi1>, vector<16xi32>
    %eq3A_221 = arith.constant 3 : i32
    %eq3A_222 = vector.broadcast %eq3A_221 : i32 to vector<16xi32>
    %eq3A_223 = arith.cmpi eq, %iota3A_199, %eq3A_222 : vector<16xi32>
    %jit3A_224 = arith.constant 0 : i32
    %broadcast_in_dim3A_225 = vector.broadcast %jit3A_224 : i32 to vector<16xi32>
    %select_n3A_226 = arith.select %eq3A_223, %broadcast_in_dim3A_225, %select_n3A_220 : vector<16xi1>, vector<16xi32>
    %eq3A_227 = arith.constant 4 : i32
    %eq3A_228 = vector.broadcast %eq3A_227 : i32 to vector<16xi32>
    %eq3A_229 = arith.cmpi eq, %iota3A_199, %eq3A_228 : vector<16xi32>
    %jit3A_230 = arith.constant 0 : i32
    %broadcast_in_dim3A_231 = vector.broadcast %jit3A_230 : i32 to vector<16xi32>
    %select_n3A_232 = arith.select %eq3A_229, %broadcast_in_dim3A_231, %select_n3A_226 : vector<16xi1>, vector<16xi32>
    %eq3A_233 = arith.constant 5 : i32
    %eq3A_234 = vector.broadcast %eq3A_233 : i32 to vector<16xi32>
    %eq3A_235 = arith.cmpi eq, %iota3A_199, %eq3A_234 : vector<16xi32>
    %jit3A_236 = arith.constant 0 : i32
    %broadcast_in_dim3A_237 = vector.broadcast %jit3A_236 : i32 to vector<16xi32>
    %select_n3A_238 = arith.select %eq3A_235, %broadcast_in_dim3A_237, %select_n3A_232 : vector<16xi1>, vector<16xi32>
    %eq3A_239 = arith.constant 6 : i32
    %eq3A_240 = vector.broadcast %eq3A_239 : i32 to vector<16xi32>
    %eq3A_241 = arith.cmpi eq, %iota3A_199, %eq3A_240 : vector<16xi32>
    %jit3A_242 = arith.constant 0 : i32
    %broadcast_in_dim3A_243 = vector.broadcast %jit3A_242 : i32 to vector<16xi32>
    %select_n3A_244 = arith.select %eq3A_241, %broadcast_in_dim3A_243, %select_n3A_238 : vector<16xi1>, vector<16xi32>
    %eq3A_245 = arith.constant 7 : i32
    %eq3A_246 = vector.broadcast %eq3A_245 : i32 to vector<16xi32>
    %eq3A_247 = arith.cmpi eq, %iota3A_199, %eq3A_246 : vector<16xi32>
    %jit3A_248 = arith.constant 1 : i32
    %broadcast_in_dim3A_249 = vector.broadcast %jit3A_248 : i32 to vector<16xi32>
    %select_n3A_250 = arith.select %eq3A_247, %broadcast_in_dim3A_249, %select_n3A_244 : vector<16xi1>, vector<16xi32>
    %eq3A_251 = arith.constant 8 : i32
    %eq3A_252 = vector.broadcast %eq3A_251 : i32 to vector<16xi32>
    %eq3A_253 = arith.cmpi eq, %iota3A_199, %eq3A_252 : vector<16xi32>
    %jit3A_254 = arith.constant 2 : i32
    %broadcast_in_dim3A_255 = vector.broadcast %jit3A_254 : i32 to vector<16xi32>
    %select_n3A_256 = arith.select %eq3A_253, %broadcast_in_dim3A_255, %select_n3A_250 : vector<16xi1>, vector<16xi32>
    %eq3A_257 = arith.constant 9 : i32
    %eq3A_258 = vector.broadcast %eq3A_257 : i32 to vector<16xi32>
    %eq3A_259 = arith.cmpi eq, %iota3A_199, %eq3A_258 : vector<16xi32>
    %jit3A_260 = arith.constant 3 : i32
    %broadcast_in_dim3A_261 = vector.broadcast %jit3A_260 : i32 to vector<16xi32>
    %select_n3A_262 = arith.select %eq3A_259, %broadcast_in_dim3A_261, %select_n3A_256 : vector<16xi1>, vector<16xi32>
    %eq3A_263 = arith.constant 10 : i32
    %eq3A_264 = vector.broadcast %eq3A_263 : i32 to vector<16xi32>
    %eq3A_265 = arith.cmpi eq, %iota3A_199, %eq3A_264 : vector<16xi32>
    %jit3A_266 = arith.constant 4 : i32
    %broadcast_in_dim3A_267 = vector.broadcast %jit3A_266 : i32 to vector<16xi32>
    %select_n3A_268 = arith.select %eq3A_265, %broadcast_in_dim3A_267, %select_n3A_262 : vector<16xi1>, vector<16xi32>
    %eq3A_269 = arith.constant 11 : i32
    %eq3A_270 = vector.broadcast %eq3A_269 : i32 to vector<16xi32>
    %eq3A_271 = arith.cmpi eq, %iota3A_199, %eq3A_270 : vector<16xi32>
    %jit3A_272 = arith.constant 0 : i32
    %broadcast_in_dim3A_273 = vector.broadcast %jit3A_272 : i32 to vector<16xi32>
    %select_n3A_274 = arith.select %eq3A_271, %broadcast_in_dim3A_273, %select_n3A_268 : vector<16xi1>, vector<16xi32>
    %eq3A_275 = arith.constant 12 : i32
    %eq3A_276 = vector.broadcast %eq3A_275 : i32 to vector<16xi32>
    %eq3A_277 = arith.cmpi eq, %iota3A_199, %eq3A_276 : vector<16xi32>
    %jit3A_278 = arith.constant 1 : i32
    %broadcast_in_dim3A_279 = vector.broadcast %jit3A_278 : i32 to vector<16xi32>
    %select_n3A_280 = arith.select %eq3A_277, %broadcast_in_dim3A_279, %select_n3A_274 : vector<16xi1>, vector<16xi32>
    %eq3A_281 = arith.constant 13 : i32
    %eq3A_282 = vector.broadcast %eq3A_281 : i32 to vector<16xi32>
    %eq3A_283 = arith.cmpi eq, %iota3A_199, %eq3A_282 : vector<16xi32>
    %jit3A_284 = arith.constant 2 : i32
    %broadcast_in_dim3A_285 = vector.broadcast %jit3A_284 : i32 to vector<16xi32>
    %select_n3A_286 = arith.select %eq3A_283, %broadcast_in_dim3A_285, %select_n3A_280 : vector<16xi1>, vector<16xi32>
    %eq3A_287 = arith.constant 14 : i32
    %eq3A_288 = vector.broadcast %eq3A_287 : i32 to vector<16xi32>
    %eq3A_289 = arith.cmpi eq, %iota3A_199, %eq3A_288 : vector<16xi32>
    %jit3A_290 = arith.constant 3 : i32
    %broadcast_in_dim3A_291 = vector.broadcast %jit3A_290 : i32 to vector<16xi32>
    %select_n3A_292 = arith.select %eq3A_289, %broadcast_in_dim3A_291, %select_n3A_286 : vector<16xi1>, vector<16xi32>
    %eq3A_293 = arith.constant 15 : i32
    %eq3A_294 = vector.broadcast %eq3A_293 : i32 to vector<16xi32>
    %eq3A_295 = arith.cmpi eq, %iota3A_199, %eq3A_294 : vector<16xi32>
    %jit3A_296 = arith.constant 4 : i32
    %broadcast_in_dim3A_297 = vector.broadcast %jit3A_296 : i32 to vector<16xi32>
    %select_n3A_298 = arith.select %eq3A_295, %broadcast_in_dim3A_297, %select_n3A_292 : vector<16xi1>, vector<16xi32>
    %lt3A = arith.constant 6 : i32
    %lt3A_299 = vector.broadcast %lt3A : i32 to vector<16xi32>
    %lt3A_300 = arith.cmpi slt, %iota3A, %lt3A_299 : vector<16xi32>
    %mul3A_301 = arith.constant 0 : i32
    %mul3A_302 = vector.broadcast %mul3A_301 : i32 to vector<16xi32>
    %mul3A_303 = arith.muli %iota3A, %mul3A_302 : vector<16xi32>
    %mul3A_304 = arith.constant 128 : i32
    %mul3A_305 = arith.muli %add3A, %mul3A_304 : i32
    %scan3A = arith.constant 0 : i32
    %scan3A_306 = arith.constant 16 : i32
    %scan3A_307 = arith.addi %scan3A, %scan3A_306 : i32
    %scan3A_308 = arith.constant 1 : i32
    scf.for %scan3A_329 = %scan3A to %scan3A_307 step %scan3A_308  : i32 {
      %mul3A_330 = arith.constant 8 : i32
      %mul3A_331 = arith.muli %scan3A_329, %mul3A_330 : i32
      %mul3A_332 = arith.constant 200 : i32
      %mul3A_333 = arith.muli %mul3A_331, %mul3A_332 : i32
      %add3A_334 = arith.addi %mul3A_2, %mul3A_333 : i32
      "tpu.region"() ({
        %run_scoped3A = tpu.sem_alloc : memref<!tpu.dma_semaphore, #tpu.memory_space<semaphore_mem>>
        %dma_start3A_1275 = tpu.memref_slice %arg2[%add3A_334] : memref<819200xi32, #tpu.memory_space<hbm>> -> memref<1600xi32, #tpu.memory_space<hbm>>
        %dma_start3A_1276 = tpu.memref_slice %arg2[%add3A_334] : memref<819200xi32, #tpu.memory_space<hbm>> -> memref<1600xi32, #tpu.memory_space<hbm>>
        tpu.enqueue_dma source(%dma_start3A_1276 : memref<1600xi32, #tpu.memory_space<hbm>>) target(%arg9 : memref<1600xi32, #tpu.memory_space<vmem>>) target_semaphore(%run_scoped3A : memref<!tpu.dma_semaphore, #tpu.memory_space<semaphore_mem>>)
        %dma_wait3A_1277 = tpu.memref_slice %arg2[%add3A_334] : memref<819200xi32, #tpu.memory_space<hbm>> -> memref<1600xi32, #tpu.memory_space<hbm>>
        %dma_wait3A_1278 = tpu.memref_slice %arg2[%add3A_334] : memref<819200xi32, #tpu.memory_space<hbm>> -> memref<1600xi32, #tpu.memory_space<hbm>>
        tpu.wait_dma2 semaphore(%run_scoped3A : memref<!tpu.dma_semaphore, #tpu.memory_space<semaphore_mem>>) src(%dma_wait3A_1278 : memref<1600xi32, #tpu.memory_space<hbm>>) dst(%arg9 : memref<1600xi32, #tpu.memory_space<vmem>>)
        tpu.yield
      }) : () -> ()
      "tpu.region"() ({
        %run_scoped3A = tpu.sem_alloc : memref<!tpu.dma_semaphore, #tpu.memory_space<semaphore_mem>>
        %dma_start3A_1275 = tpu.memref_slice %arg3[%add3A_334] : memref<819200xi32, #tpu.memory_space<hbm>> -> memref<1600xi32, #tpu.memory_space<hbm>>
        %dma_start3A_1276 = tpu.memref_slice %arg3[%add3A_334] : memref<819200xi32, #tpu.memory_space<hbm>> -> memref<1600xi32, #tpu.memory_space<hbm>>
        tpu.enqueue_dma source(%dma_start3A_1276 : memref<1600xi32, #tpu.memory_space<hbm>>) target(%arg10 : memref<1600xi32, #tpu.memory_space<vmem>>) target_semaphore(%run_scoped3A : memref<!tpu.dma_semaphore, #tpu.memory_space<semaphore_mem>>)
        %dma_wait3A_1277 = tpu.memref_slice %arg3[%add3A_334] : memref<819200xi32, #tpu.memory_space<hbm>> -> memref<1600xi32, #tpu.memory_space<hbm>>
        %dma_wait3A_1278 = tpu.memref_slice %arg3[%add3A_334] : memref<819200xi32, #tpu.memory_space<hbm>> -> memref<1600xi32, #tpu.memory_space<hbm>>
        tpu.wait_dma2 semaphore(%run_scoped3A : memref<!tpu.dma_semaphore, #tpu.memory_space<semaphore_mem>>) src(%dma_wait3A_1278 : memref<1600xi32, #tpu.memory_space<hbm>>) dst(%arg10 : memref<1600xi32, #tpu.memory_space<vmem>>)
        tpu.yield
      }) : () -> ()
      "tpu.region"() ({
        %run_scoped3A = tpu.sem_alloc : memref<!tpu.dma_semaphore, #tpu.memory_space<semaphore_mem>>
        %dma_start3A_1275 = tpu.memref_slice %arg4[%add3A_334] : memref<819200xi32, #tpu.memory_space<hbm>> -> memref<1600xi32, #tpu.memory_space<hbm>>
        %dma_start3A_1276 = tpu.memref_slice %arg4[%add3A_334] : memref<819200xi32, #tpu.memory_space<hbm>> -> memref<1600xi32, #tpu.memory_space<hbm>>
        tpu.enqueue_dma source(%dma_start3A_1276 : memref<1600xi32, #tpu.memory_space<hbm>>) target(%arg11 : memref<1600xi32, #tpu.memory_space<vmem>>) target_semaphore(%run_scoped3A : memref<!tpu.dma_semaphore, #tpu.memory_space<semaphore_mem>>)
        %dma_wait3A_1277 = tpu.memref_slice %arg4[%add3A_334] : memref<819200xi32, #tpu.memory_space<hbm>> -> memref<1600xi32, #tpu.memory_space<hbm>>
        %dma_wait3A_1278 = tpu.memref_slice %arg4[%add3A_334] : memref<819200xi32, #tpu.memory_space<hbm>> -> memref<1600xi32, #tpu.memory_space<hbm>>
        tpu.wait_dma2 semaphore(%run_scoped3A : memref<!tpu.dma_semaphore, #tpu.memory_space<semaphore_mem>>) src(%dma_wait3A_1278 : memref<1600xi32, #tpu.memory_space<hbm>>) dst(%arg11 : memref<1600xi32, #tpu.memory_space<vmem>>)
        tpu.yield
      }) : () -> ()
      %dma_start3A = arith.constant 0 : i32
      %dma_start3A_335 = arith.constant 0 : i32
      %dma_start3A_336 = tpu.memref_slice %arg12[%dma_start3A, %dma_start3A_335] : memref<200x56xf32, #tpu.memory_space<vmem>> -> memref<128x56xf32, #tpu.memory_space<vmem>>
      %dma_start3A_337 = arith.constant 0 : i32
      %dma_start3A_338 = tpu.memref_slice %arg9[%dma_start3A_337] : memref<1600xi32, #tpu.memory_space<vmem>> -> memref<128xi32, #tpu.memory_space<vmem>>
      %dma_start3A_339 = arith.constant 0 : i32
      %dma_start3A_340 = arith.constant 0 : i32
      %dma_start3A_341 = tpu.memref_slice %arg5[%dma_start3A_339, %dma_start3A_340] : memref<100000x56xf32, #tpu.memory_space<hbm>> -> memref<100000x56xf32, #tpu.memory_space<hbm>>
      tpu.enqueue_indirect_dma source(%dma_start3A_341 : memref<100000x56xf32, #tpu.memory_space<hbm>>) target(%dma_start3A_336 : memref<128x56xf32, #tpu.memory_space<vmem>>) offsets(%dma_start3A_338 : memref<128xi32, #tpu.memory_space<vmem>>) semaphore(%arg18 : memref<!tpu.dma_semaphore, #tpu.memory_space<semaphore_mem>>)
      %dma_start3A_342 = arith.constant 0 : i32
      %dma_start3A_343 = arith.constant 0 : i32
      %dma_start3A_344 = tpu.memref_slice %arg13[%dma_start3A_342, %dma_start3A_343] : memref<400x8xf32, #tpu.memory_space<vmem>> -> memref<128x8xf32, #tpu.memory_space<vmem>>
      %dma_start3A_345 = arith.constant 0 : i32
      %dma_start3A_346 = tpu.memref_slice %arg10[%dma_start3A_345] : memref<1600xi32, #tpu.memory_space<vmem>> -> memref<128xi32, #tpu.memory_space<vmem>>
      %dma_start3A_347 = arith.constant 0 : i32
      %dma_start3A_348 = arith.constant 0 : i32
      %dma_start3A_349 = tpu.memref_slice %arg6[%dma_start3A_347, %dma_start3A_348] : memref<400x8xf32, #tpu.memory_space<hbm>> -> memref<400x8xf32, #tpu.memory_space<hbm>>
      tpu.enqueue_indirect_dma source(%dma_start3A_349 : memref<400x8xf32, #tpu.memory_space<hbm>>) target(%dma_start3A_344 : memref<128x8xf32, #tpu.memory_space<vmem>>) offsets(%dma_start3A_346 : memref<128xi32, #tpu.memory_space<vmem>>) semaphore(%arg18 : memref<!tpu.dma_semaphore, #tpu.memory_space<semaphore_mem>>)
      %dma_start3A_350 = arith.constant 200 : i32
      %dma_start3A_351 = arith.constant 0 : i32
      %dma_start3A_352 = tpu.memref_slice %arg13[%dma_start3A_350, %dma_start3A_351] : memref<400x8xf32, #tpu.memory_space<vmem>> -> memref<128x8xf32, #tpu.memory_space<vmem>>
      %dma_start3A_353 = arith.constant 0 : i32
      %dma_start3A_354 = tpu.memref_slice %arg11[%dma_start3A_353] : memref<1600xi32, #tpu.memory_space<vmem>> -> memref<128xi32, #tpu.memory_space<vmem>>
      %dma_start3A_355 = arith.constant 0 : i32
      %dma_start3A_356 = arith.constant 0 : i32
      %dma_start3A_357 = tpu.memref_slice %arg7[%dma_start3A_355, %dma_start3A_356] : memref<400x8xf32, #tpu.memory_space<hbm>> -> memref<400x8xf32, #tpu.memory_space<hbm>>
      tpu.enqueue_indirect_dma source(%dma_start3A_357 : memref<400x8xf32, #tpu.memory_space<hbm>>) target(%dma_start3A_352 : memref<128x8xf32, #tpu.memory_space<vmem>>) offsets(%dma_start3A_354 : memref<128xi32, #tpu.memory_space<vmem>>) semaphore(%arg18 : memref<!tpu.dma_semaphore, #tpu.memory_space<semaphore_mem>>)
      %dma_start3A_358 = arith.constant 128 : i32
      %dma_start3A_359 = arith.constant 0 : i32
      %dma_start3A_360 = tpu.memref_slice %arg12[%dma_start3A_358, %dma_start3A_359] : memref<200x56xf32, #tpu.memory_space<vmem>> -> memref<72x56xf32, #tpu.memory_space<vmem>>
      %dma_start3A_361 = arith.constant 128 : i32
      %dma_start3A_362 = tpu.memref_slice %arg9[%dma_start3A_361] : memref<1600xi32, #tpu.memory_space<vmem>> -> memref<72xi32, #tpu.memory_space<vmem>>
      %dma_start3A_363 = arith.constant 0 : i32
      %dma_start3A_364 = arith.constant 0 : i32
      %dma_start3A_365 = tpu.memref_slice %arg5[%dma_start3A_363, %dma_start3A_364] : memref<100000x56xf32, #tpu.memory_space<hbm>> -> memref<100000x56xf32, #tpu.memory_space<hbm>>
      tpu.enqueue_indirect_dma source(%dma_start3A_365 : memref<100000x56xf32, #tpu.memory_space<hbm>>) target(%dma_start3A_360 : memref<72x56xf32, #tpu.memory_space<vmem>>) offsets(%dma_start3A_362 : memref<72xi32, #tpu.memory_space<vmem>>) semaphore(%arg18 : memref<!tpu.dma_semaphore, #tpu.memory_space<semaphore_mem>>)
      %dma_start3A_366 = arith.constant 128 : i32
      %dma_start3A_367 = arith.constant 0 : i32
      %dma_start3A_368 = tpu.memref_slice %arg13[%dma_start3A_366, %dma_start3A_367] : memref<400x8xf32, #tpu.memory_space<vmem>> -> memref<72x8xf32, #tpu.memory_space<vmem>>
      %dma_start3A_369 = arith.constant 128 : i32
      %dma_start3A_370 = tpu.memref_slice %arg10[%dma_start3A_369] : memref<1600xi32, #tpu.memory_space<vmem>> -> memref<72xi32, #tpu.memory_space<vmem>>
      %dma_start3A_371 = arith.constant 0 : i32
      %dma_start3A_372 = arith.constant 0 : i32
      %dma_start3A_373 = tpu.memref_slice %arg6[%dma_start3A_371, %dma_start3A_372] : memref<400x8xf32, #tpu.memory_space<hbm>> -> memref<400x8xf32, #tpu.memory_space<hbm>>
      tpu.enqueue_indirect_dma source(%dma_start3A_373 : memref<400x8xf32, #tpu.memory_space<hbm>>) target(%dma_start3A_368 : memref<72x8xf32, #tpu.memory_space<vmem>>) offsets(%dma_start3A_370 : memref<72xi32, #tpu.memory_space<vmem>>) semaphore(%arg18 : memref<!tpu.dma_semaphore, #tpu.memory_space<semaphore_mem>>)
      %dma_start3A_374 = arith.constant 328 : i32
      %dma_start3A_375 = arith.constant 0 : i32
      %dma_start3A_376 = tpu.memref_slice %arg13[%dma_start3A_374, %dma_start3A_375] : memref<400x8xf32, #tpu.memory_space<vmem>> -> memref<72x8xf32, #tpu.memory_space<vmem>>
      %dma_start3A_377 = arith.constant 128 : i32
      %dma_start3A_378 = tpu.memref_slice %arg11[%dma_start3A_377] : memref<1600xi32, #tpu.memory_space<vmem>> -> memref<72xi32, #tpu.memory_space<vmem>>
      %dma_start3A_379 = arith.constant 0 : i32
      %dma_start3A_380 = arith.constant 0 : i32
      %dma_start3A_381 = tpu.memref_slice %arg7[%dma_start3A_379, %dma_start3A_380] : memref<400x8xf32, #tpu.memory_space<hbm>> -> memref<400x8xf32, #tpu.memory_space<hbm>>
      tpu.enqueue_indirect_dma source(%dma_start3A_381 : memref<400x8xf32, #tpu.memory_space<hbm>>) target(%dma_start3A_376 : memref<72x8xf32, #tpu.memory_space<vmem>>) offsets(%dma_start3A_378 : memref<72xi32, #tpu.memory_space<vmem>>) semaphore(%arg18 : memref<!tpu.dma_semaphore, #tpu.memory_space<semaphore_mem>>)
      %mul3A_382 = arith.constant 8 : i32
      %mul3A_383 = arith.muli %scan3A_329, %mul3A_382 : i32
      %add3A_384 = arith.constant 0 : i32
      %add3A_385 = arith.addi %mul3A_383, %add3A_384 : i32
      %dma_wait3A_386 = arith.constant 0 : i32
      %dma_wait3A_387 = arith.constant 0 : i32
      %dma_wait3A_388 = tpu.memref_slice %arg12[%dma_wait3A_386, %dma_wait3A_387] : memref<200x56xf32, #tpu.memory_space<vmem>> -> memref<128x56xf32, #tpu.memory_space<vmem>>
      %dma_wait3A_389 = arith.constant 0 : i32
      %dma_wait3A_390 = tpu.memref_slice %arg9[%dma_wait3A_389] : memref<1600xi32, #tpu.memory_space<vmem>> -> memref<128xi32, #tpu.memory_space<vmem>>
      %dma_wait3A_391 = arith.constant 0 : i32
      %dma_wait3A_392 = arith.constant 0 : i32
      %dma_wait3A_393 = tpu.memref_slice %arg5[%dma_wait3A_391, %dma_wait3A_392] : memref<100000x56xf32, #tpu.memory_space<hbm>> -> memref<100000x56xf32, #tpu.memory_space<hbm>>
      tpu.wait_indirect_dma semaphore(%arg18 : memref<!tpu.dma_semaphore, #tpu.memory_space<semaphore_mem>>) src(%dma_wait3A_393 : memref<100000x56xf32, #tpu.memory_space<hbm>>) dst(%dma_wait3A_388 : memref<128x56xf32, #tpu.memory_space<vmem>>)
      %dma_wait3A_394 = arith.constant 0 : i32
      %dma_wait3A_395 = arith.constant 0 : i32
      %dma_wait3A_396 = tpu.memref_slice %arg13[%dma_wait3A_394, %dma_wait3A_395] : memref<400x8xf32, #tpu.memory_space<vmem>> -> memref<128x8xf32, #tpu.memory_space<vmem>>
      %dma_wait3A_397 = arith.constant 0 : i32
      %dma_wait3A_398 = tpu.memref_slice %arg10[%dma_wait3A_397] : memref<1600xi32, #tpu.memory_space<vmem>> -> memref<128xi32, #tpu.memory_space<vmem>>
      %dma_wait3A_399 = arith.constant 0 : i32
      %dma_wait3A_400 = arith.constant 0 : i32
      %dma_wait3A_401 = tpu.memref_slice %arg6[%dma_wait3A_399, %dma_wait3A_400] : memref<400x8xf32, #tpu.memory_space<hbm>> -> memref<400x8xf32, #tpu.memory_space<hbm>>
      tpu.wait_indirect_dma semaphore(%arg18 : memref<!tpu.dma_semaphore, #tpu.memory_space<semaphore_mem>>) src(%dma_wait3A_401 : memref<400x8xf32, #tpu.memory_space<hbm>>) dst(%dma_wait3A_396 : memref<128x8xf32, #tpu.memory_space<vmem>>)
      %dma_wait3A_402 = arith.constant 200 : i32
      %dma_wait3A_403 = arith.constant 0 : i32
      %dma_wait3A_404 = tpu.memref_slice %arg13[%dma_wait3A_402, %dma_wait3A_403] : memref<400x8xf32, #tpu.memory_space<vmem>> -> memref<128x8xf32, #tpu.memory_space<vmem>>
      %dma_wait3A_405 = arith.constant 0 : i32
      %dma_wait3A_406 = tpu.memref_slice %arg11[%dma_wait3A_405] : memref<1600xi32, #tpu.memory_space<vmem>> -> memref<128xi32, #tpu.memory_space<vmem>>
      %dma_wait3A_407 = arith.constant 0 : i32
      %dma_wait3A_408 = arith.constant 0 : i32
      %dma_wait3A_409 = tpu.memref_slice %arg7[%dma_wait3A_407, %dma_wait3A_408] : memref<400x8xf32, #tpu.memory_space<hbm>> -> memref<400x8xf32, #tpu.memory_space<hbm>>
      tpu.wait_indirect_dma semaphore(%arg18 : memref<!tpu.dma_semaphore, #tpu.memory_space<semaphore_mem>>) src(%dma_wait3A_409 : memref<400x8xf32, #tpu.memory_space<hbm>>) dst(%dma_wait3A_404 : memref<128x8xf32, #tpu.memory_space<vmem>>)
      %dma_wait3A_410 = arith.constant 128 : i32
      %dma_wait3A_411 = arith.constant 0 : i32
      %dma_wait3A_412 = tpu.memref_slice %arg12[%dma_wait3A_410, %dma_wait3A_411] : memref<200x56xf32, #tpu.memory_space<vmem>> -> memref<72x56xf32, #tpu.memory_space<vmem>>
      %dma_wait3A_413 = arith.constant 128 : i32
      %dma_wait3A_414 = tpu.memref_slice %arg9[%dma_wait3A_413] : memref<1600xi32, #tpu.memory_space<vmem>> -> memref<72xi32, #tpu.memory_space<vmem>>
      %dma_wait3A_415 = arith.constant 0 : i32
      %dma_wait3A_416 = arith.constant 0 : i32
      %dma_wait3A_417 = tpu.memref_slice %arg5[%dma_wait3A_415, %dma_wait3A_416] : memref<100000x56xf32, #tpu.memory_space<hbm>> -> memref<100000x56xf32, #tpu.memory_space<hbm>>
      tpu.wait_indirect_dma semaphore(%arg18 : memref<!tpu.dma_semaphore, #tpu.memory_space<semaphore_mem>>) src(%dma_wait3A_417 : memref<100000x56xf32, #tpu.memory_space<hbm>>) dst(%dma_wait3A_412 : memref<72x56xf32, #tpu.memory_space<vmem>>)
      %dma_wait3A_418 = arith.constant 128 : i32
      %dma_wait3A_419 = arith.constant 0 : i32
      %dma_wait3A_420 = tpu.memref_slice %arg13[%dma_wait3A_418, %dma_wait3A_419] : memref<400x8xf32, #tpu.memory_space<vmem>> -> memref<72x8xf32, #tpu.memory_space<vmem>>
      %dma_wait3A_421 = arith.constant 128 : i32
      %dma_wait3A_422 = tpu.memref_slice %arg10[%dma_wait3A_421] : memref<1600xi32, #tpu.memory_space<vmem>> -> memref<72xi32, #tpu.memory_space<vmem>>
      %dma_wait3A_423 = arith.constant 0 : i32
      %dma_wait3A_424 = arith.constant 0 : i32
      %dma_wait3A_425 = tpu.memref_slice %arg6[%dma_wait3A_423, %dma_wait3A_424] : memref<400x8xf32, #tpu.memory_space<hbm>> -> memref<400x8xf32, #tpu.memory_space<hbm>>
      tpu.wait_indirect_dma semaphore(%arg18 : memref<!tpu.dma_semaphore, #tpu.memory_space<semaphore_mem>>) src(%dma_wait3A_425 : memref<400x8xf32, #tpu.memory_space<hbm>>) dst(%dma_wait3A_420 : memref<72x8xf32, #tpu.memory_space<vmem>>)
      %dma_wait3A_426 = arith.constant 328 : i32
      %dma_wait3A_427 = arith.constant 0 : i32
      %dma_wait3A_428 = tpu.memref_slice %arg13[%dma_wait3A_426, %dma_wait3A_427] : memref<400x8xf32, #tpu.memory_space<vmem>> -> memref<72x8xf32, #tpu.memory_space<vmem>>
      %dma_wait3A_429 = arith.constant 128 : i32
      %dma_wait3A_430 = tpu.memref_slice %arg11[%dma_wait3A_429] : memref<1600xi32, #tpu.memory_space<vmem>> -> memref<72xi32, #tpu.memory_space<vmem>>
      %dma_wait3A_431 = arith.constant 0 : i32
      %dma_wait3A_432 = arith.constant 0 : i32
      %dma_wait3A_433 = tpu.memref_slice %arg7[%dma_wait3A_431, %dma_wait3A_432] : memref<400x8xf32, #tpu.memory_space<hbm>> -> memref<400x8xf32, #tpu.memory_space<hbm>>
      tpu.wait_indirect_dma semaphore(%arg18 : memref<!tpu.dma_semaphore, #tpu.memory_space<semaphore_mem>>) src(%dma_wait3A_433 : memref<400x8xf32, #tpu.memory_space<hbm>>) dst(%dma_wait3A_428 : memref<72x8xf32, #tpu.memory_space<vmem>>)
      %dma_start3A_434 = arith.constant 0 : i32
      %dma_start3A_435 = arith.constant 0 : i32
      %dma_start3A_436 = tpu.memref_slice %arg15[%dma_start3A_434, %dma_start3A_435] : memref<200x56xf32, #tpu.memory_space<vmem>> -> memref<128x56xf32, #tpu.memory_space<vmem>>
      %dma_start3A_437 = arith.constant 200 : i32
      %dma_start3A_438 = tpu.memref_slice %arg9[%dma_start3A_437] : memref<1600xi32, #tpu.memory_space<vmem>> -> memref<128xi32, #tpu.memory_space<vmem>>
      %dma_start3A_439 = arith.constant 0 : i32
      %dma_start3A_440 = arith.constant 0 : i32
      %dma_start3A_441 = tpu.memref_slice %arg5[%dma_start3A_439, %dma_start3A_440] : memref<100000x56xf32, #tpu.memory_space<hbm>> -> memref<100000x56xf32, #tpu.memory_space<hbm>>
      tpu.enqueue_indirect_dma source(%dma_start3A_441 : memref<100000x56xf32, #tpu.memory_space<hbm>>) target(%dma_start3A_436 : memref<128x56xf32, #tpu.memory_space<vmem>>) offsets(%dma_start3A_438 : memref<128xi32, #tpu.memory_space<vmem>>) semaphore(%arg19 : memref<!tpu.dma_semaphore, #tpu.memory_space<semaphore_mem>>)
      %dma_start3A_442 = arith.constant 0 : i32
      %dma_start3A_443 = arith.constant 0 : i32
      %dma_start3A_444 = tpu.memref_slice %arg16[%dma_start3A_442, %dma_start3A_443] : memref<400x8xf32, #tpu.memory_space<vmem>> -> memref<128x8xf32, #tpu.memory_space<vmem>>
      %dma_start3A_445 = arith.constant 200 : i32
      %dma_start3A_446 = tpu.memref_slice %arg10[%dma_start3A_445] : memref<1600xi32, #tpu.memory_space<vmem>> -> memref<128xi32, #tpu.memory_space<vmem>>
      %dma_start3A_447 = arith.constant 0 : i32
      %dma_start3A_448 = arith.constant 0 : i32
      %dma_start3A_449 = tpu.memref_slice %arg6[%dma_start3A_447, %dma_start3A_448] : memref<400x8xf32, #tpu.memory_space<hbm>> -> memref<400x8xf32, #tpu.memory_space<hbm>>
      tpu.enqueue_indirect_dma source(%dma_start3A_449 : memref<400x8xf32, #tpu.memory_space<hbm>>) target(%dma_start3A_444 : memref<128x8xf32, #tpu.memory_space<vmem>>) offsets(%dma_start3A_446 : memref<128xi32, #tpu.memory_space<vmem>>) semaphore(%arg19 : memref<!tpu.dma_semaphore, #tpu.memory_space<semaphore_mem>>)
      %dma_start3A_450 = arith.constant 200 : i32
      %dma_start3A_451 = arith.constant 0 : i32
      %dma_start3A_452 = tpu.memref_slice %arg16[%dma_start3A_450, %dma_start3A_451] : memref<400x8xf32, #tpu.memory_space<vmem>> -> memref<128x8xf32, #tpu.memory_space<vmem>>
      %dma_start3A_453 = arith.constant 200 : i32
      %dma_start3A_454 = tpu.memref_slice %arg11[%dma_start3A_453] : memref<1600xi32, #tpu.memory_space<vmem>> -> memref<128xi32, #tpu.memory_space<vmem>>
      %dma_start3A_455 = arith.constant 0 : i32
      %dma_start3A_456 = arith.constant 0 : i32
      %dma_start3A_457 = tpu.memref_slice %arg7[%dma_start3A_455, %dma_start3A_456] : memref<400x8xf32, #tpu.memory_space<hbm>> -> memref<400x8xf32, #tpu.memory_space<hbm>>
      tpu.enqueue_indirect_dma source(%dma_start3A_457 : memref<400x8xf32, #tpu.memory_space<hbm>>) target(%dma_start3A_452 : memref<128x8xf32, #tpu.memory_space<vmem>>) offsets(%dma_start3A_454 : memref<128xi32, #tpu.memory_space<vmem>>) semaphore(%arg19 : memref<!tpu.dma_semaphore, #tpu.memory_space<semaphore_mem>>)
      %dma_start3A_458 = arith.constant 128 : i32
      %dma_start3A_459 = arith.constant 0 : i32
      %dma_start3A_460 = tpu.memref_slice %arg15[%dma_start3A_458, %dma_start3A_459] : memref<200x56xf32, #tpu.memory_space<vmem>> -> memref<72x56xf32, #tpu.memory_space<vmem>>
      %dma_start3A_461 = arith.constant 328 : i32
      %dma_start3A_462 = tpu.memref_slice %arg9[%dma_start3A_461] : memref<1600xi32, #tpu.memory_space<vmem>> -> memref<72xi32, #tpu.memory_space<vmem>>
      %dma_start3A_463 = arith.constant 0 : i32
      %dma_start3A_464 = arith.constant 0 : i32
      %dma_start3A_465 = tpu.memref_slice %arg5[%dma_start3A_463, %dma_start3A_464] : memref<100000x56xf32, #tpu.memory_space<hbm>> -> memref<100000x56xf32, #tpu.memory_space<hbm>>
      tpu.enqueue_indirect_dma source(%dma_start3A_465 : memref<100000x56xf32, #tpu.memory_space<hbm>>) target(%dma_start3A_460 : memref<72x56xf32, #tpu.memory_space<vmem>>) offsets(%dma_start3A_462 : memref<72xi32, #tpu.memory_space<vmem>>) semaphore(%arg19 : memref<!tpu.dma_semaphore, #tpu.memory_space<semaphore_mem>>)
      %dma_start3A_466 = arith.constant 128 : i32
      %dma_start3A_467 = arith.constant 0 : i32
      %dma_start3A_468 = tpu.memref_slice %arg16[%dma_start3A_466, %dma_start3A_467] : memref<400x8xf32, #tpu.memory_space<vmem>> -> memref<72x8xf32, #tpu.memory_space<vmem>>
      %dma_start3A_469 = arith.constant 328 : i32
      %dma_start3A_470 = tpu.memref_slice %arg10[%dma_start3A_469] : memref<1600xi32, #tpu.memory_space<vmem>> -> memref<72xi32, #tpu.memory_space<vmem>>
      %dma_start3A_471 = arith.constant 0 : i32
      %dma_start3A_472 = arith.constant 0 : i32
      %dma_start3A_473 = tpu.memref_slice %arg6[%dma_start3A_471, %dma_start3A_472] : memref<400x8xf32, #tpu.memory_space<hbm>> -> memref<400x8xf32, #tpu.memory_space<hbm>>
      tpu.enqueue_indirect_dma source(%dma_start3A_473 : memref<400x8xf32, #tpu.memory_space<hbm>>) target(%dma_start3A_468 : memref<72x8xf32, #tpu.memory_space<vmem>>) offsets(%dma_start3A_470 : memref<72xi32, #tpu.memory_space<vmem>>) semaphore(%arg19 : memref<!tpu.dma_semaphore, #tpu.memory_space<semaphore_mem>>)
      %dma_start3A_474 = arith.constant 328 : i32
      %dma_start3A_475 = arith.constant 0 : i32
      %dma_start3A_476 = tpu.memref_slice %arg16[%dma_start3A_474, %dma_start3A_475] : memref<400x8xf32, #tpu.memory_space<vmem>> -> memref<72x8xf32, #tpu.memory_space<vmem>>
      %dma_start3A_477 = arith.constant 328 : i32
      %dma_start3A_478 = tpu.memref_slice %arg11[%dma_start3A_477] : memref<1600xi32, #tpu.memory_space<vmem>> -> memref<72xi32, #tpu.memory_space<vmem>>
      %dma_start3A_479 = arith.constant 0 : i32
      %dma_start3A_480 = arith.constant 0 : i32
      %dma_start3A_481 = tpu.memref_slice %arg7[%dma_start3A_479, %dma_start3A_480] : memref<400x8xf32, #tpu.memory_space<hbm>> -> memref<400x8xf32, #tpu.memory_space<hbm>>
      tpu.enqueue_indirect_dma source(%dma_start3A_481 : memref<400x8xf32, #tpu.memory_space<hbm>>) target(%dma_start3A_476 : memref<72x8xf32, #tpu.memory_space<vmem>>) offsets(%dma_start3A_478 : memref<72xi32, #tpu.memory_space<vmem>>) semaphore(%arg19 : memref<!tpu.dma_semaphore, #tpu.memory_space<semaphore_mem>>)
      %ge3A = arith.constant 2 : i32
      %ge3A_482 = arith.cmpi sge, %add3A_385, %ge3A : i32
      %convert_element_type3A = arith.extui %ge3A_482 : i1 to i32
      %cond3A = arith.constant 0 : i32
      %cond3A_483 = arith.cmpi ne, %convert_element_type3A, %cond3A : i32
      scf.if %cond3A_483 {
        %sub3A = arith.constant 2 : i32
        %sub3A_1275 = arith.subi %add3A_385, %sub3A : i32
        %add3A_1276 = arith.addi %mul3A_305, %sub3A_1275 : i32
        %dma_wait3A_1277 = arith.constant 0 : i32
        %dma_wait3A_1278 = arith.constant 0 : i32
        %dma_wait3A_1279 = tpu.memref_slice %arg8[%add3A_1276, %dma_wait3A_1277, %dma_wait3A_1278] : memref<4096x200x60xf32, #tpu.memory_space<hbm>> -> memref<1x200x60xf32, #tpu.memory_space<hbm>>
        %dma_wait3A_1280 = tpu.memref_squeeze %dma_wait3A_1279 : memref<1x200x60xf32, #tpu.memory_space<hbm>> -> memref<200x60xf32, #tpu.memory_space<hbm>>
        %dma_wait3A_1281 = arith.constant 0 : i32
        %dma_wait3A_1282 = arith.constant 0 : i32
        %dma_wait3A_1283 = tpu.memref_slice %arg8[%add3A_1276, %dma_wait3A_1281, %dma_wait3A_1282] : memref<4096x200x60xf32, #tpu.memory_space<hbm>> -> memref<1x200x60xf32, #tpu.memory_space<hbm>>
        %dma_wait3A_1284 = tpu.memref_squeeze %dma_wait3A_1283 : memref<1x200x60xf32, #tpu.memory_space<hbm>> -> memref<200x60xf32, #tpu.memory_space<hbm>>
        tpu.wait_dma2 semaphore(%arg20 : memref<!tpu.dma_semaphore, #tpu.memory_space<semaphore_mem>>) src(%arg14 : memref<200x60xf32, #tpu.memory_space<vmem>>) dst(%dma_wait3A_1284 : memref<200x60xf32, #tpu.memory_space<hbm>>)
      } else {
      }
      %scan3A_484 = arith.constant 0 : i32
      %scan3A_485 = arith.constant 50 : i32
      %scan3A_486 = arith.addi %scan3A_484, %scan3A_485 : i32
      %scan3A_487 = arith.constant 1 : i32
      scf.for %scan3A_1275 = %scan3A_484 to %scan3A_486 step %scan3A_487  : i32 {
        %mul3A_1276 = arith.constant 4 : i32
        %mul3A_1277 = arith.muli %scan3A_1275, %mul3A_1276 : i32
        %add3A_1278 = arith.constant 0 : i32
        %add3A_1279 = arith.addi %mul3A_1277, %add3A_1278 : i32
        %get3A = arith.index_cast %add3A_1279 : i32 to index
        %get3A_1280 = arith.constant 0 : index
        %get3A_1281 = tpu.vector_load %arg12[%get3A, %get3A_1280] {strides = array<i32>} : memref<200x56xf32, #tpu.memory_space<vmem>>, vector<16xf32>,
        %swap3A = arith.index_cast %add3A_1279 : i32 to index
        %swap3A_1282 = arith.constant 0 : index
        %swap3A_1283 = tpu.vector_load %arg14[%swap3A, %swap3A_1282] {strides = array<i32>} : memref<200x60xf32, #tpu.memory_space<vmem>>, vector<16xf32>,
        tpu.vector_store %arg14[%swap3A, %swap3A_1282], %get3A_1281 {strides = array<i32>} : memref<200x60xf32, #tpu.memory_space<vmem>>, vector<16xf32>,
        %get3A_1284 = arith.index_cast %add3A_1279 : i32 to index
        %get3A_1285 = arith.constant 16 : index
        %get3A_1286 = tpu.vector_load %arg12[%get3A_1284, %get3A_1285] {strides = array<i32>} : memref<200x56xf32, #tpu.memory_space<vmem>>, vector<16xf32>,
        %swap3A_1287 = arith.index_cast %add3A_1279 : i32 to index
        %swap3A_1288 = arith.constant 16 : index
        %swap3A_1289 = tpu.vector_load %arg14[%swap3A_1287, %swap3A_1288] {strides = array<i32>} : memref<200x60xf32, #tpu.memory_space<vmem>>, vector<16xf32>,
        tpu.vector_store %arg14[%swap3A_1287, %swap3A_1288], %get3A_1286 {strides = array<i32>} : memref<200x60xf32, #tpu.memory_space<vmem>>, vector<16xf32>,
        %get3A_1290 = arith.index_cast %add3A_1279 : i32 to index
        %get3A_1291 = arith.constant 28 : index
        %get3A_1292 = tpu.vector_load %arg12[%get3A_1290, %get3A_1291] {strides = array<i32>} : memref<200x56xf32, #tpu.memory_space<vmem>>, vector<16xf32>,
        %swap3A_1293 = arith.index_cast %add3A_1279 : i32 to index
        %swap3A_1294 = arith.constant 28 : index
        %swap3A_1295 = tpu.vector_load %arg14[%swap3A_1293, %swap3A_1294] {strides = array<i32>} : memref<200x60xf32, #tpu.memory_space<vmem>>, vector<16xf32>,
        tpu.vector_store %arg14[%swap3A_1293, %swap3A_1294], %get3A_1292 {strides = array<i32>} : memref<200x60xf32, #tpu.memory_space<vmem>>, vector<16xf32>,
        %add3A_1296 = vector.broadcast %add3A_1279 : i32 to vector<16xi32>
        %add3A_1297 = arith.addi %mul3A_303, %add3A_1296 : vector<16xi32>
        %gather3A = tpu.vector_load_idx %arg12[%add3A_1297, %select_n3A_98] : memref<200x56xf32, #tpu.memory_space<vmem>>[vector<16xi32>, vector<16xi32>], vector<16xf32>,
        %add3A_1298 = arith.addi %add3A_1297, %select_n3A_198 : vector<16xi32>
        %gather3A_1299 = tpu.vector_load_idx %arg13[%add3A_1298, %select_n3A_298] : memref<400x8xf32, #tpu.memory_space<vmem>>[vector<16xi32>, vector<16xi32>], vector<16xf32>,
        %select_n3A_1300 = arith.select %lt3A_300, %gather3A, %gather3A_1299 : vector<16xi1>, vector<16xf32>
        %swap3A_1301 = arith.index_cast %add3A_1279 : i32 to index
        %swap3A_1302 = arith.constant 44 : index
        %swap3A_1303 = tpu.vector_load %arg14[%swap3A_1301, %swap3A_1302] {strides = array<i32>} : memref<200x60xf32, #tpu.memory_space<vmem>>, vector<16xf32>,
        tpu.vector_store %arg14[%swap3A_1301, %swap3A_1302], %select_n3A_1300 {strides = array<i32>} : memref<200x60xf32, #tpu.memory_space<vmem>>, vector<16xf32>,
        %add3A_1304 = arith.constant 1 : i32
        %add3A_1305 = arith.addi %mul3A_1277, %add3A_1304 : i32
        %get3A_1306 = arith.index_cast %add3A_1305 : i32 to index
        %get3A_1307 = arith.constant 0 : index
        %get3A_1308 = tpu.vector_load %arg12[%get3A_1306, %get3A_1307] {strides = array<i32>} : memref<200x56xf32, #tpu.memory_space<vmem>>, vector<16xf32>,
        %swap3A_1309 = arith.index_cast %add3A_1305 : i32 to index
        %swap3A_1310 = arith.constant 0 : index
        %swap3A_1311 = tpu.vector_load %arg14[%swap3A_1309, %swap3A_1310] {strides = array<i32>} : memref<200x60xf32, #tpu.memory_space<vmem>>, vector<16xf32>,
        tpu.vector_store %arg14[%swap3A_1309, %swap3A_1310], %get3A_1308 {strides = array<i32>} : memref<200x60xf32, #tpu.memory_space<vmem>>, vector<16xf32>,
        %get3A_1312 = arith.index_cast %add3A_1305 : i32 to index
        %get3A_1313 = arith.constant 16 : index
        %get3A_1314 = tpu.vector_load %arg12[%get3A_1312, %get3A_1313] {strides = array<i32>} : memref<200x56xf32, #tpu.memory_space<vmem>>, vector<16xf32>,
        %swap3A_1315 = arith.index_cast %add3A_1305 : i32 to index
        %swap3A_1316 = arith.constant 16 : index
        %swap3A_1317 = tpu.vector_load %arg14[%swap3A_1315, %swap3A_1316] {strides = array<i32>} : memref<200x60xf32, #tpu.memory_space<vmem>>, vector<16xf32>,
        tpu.vector_store %arg14[%swap3A_1315, %swap3A_1316], %get3A_1314 {strides = array<i32>} : memref<200x60xf32, #tpu.memory_space<vmem>>, vector<16xf32>,
        %get3A_1318 = arith.index_cast %add3A_1305 : i32 to index
        %get3A_1319 = arith.constant 28 : index
        %get3A_1320 = tpu.vector_load %arg12[%get3A_1318, %get3A_1319] {strides = array<i32>} : memref<200x56xf32, #tpu.memory_space<vmem>>, vector<16xf32>,
        %swap3A_1321 = arith.index_cast %add3A_1305 : i32 to index
        %swap3A_1322 = arith.constant 28 : index
        %swap3A_1323 = tpu.vector_load %arg14[%swap3A_1321, %swap3A_1322] {strides = array<i32>} : memref<200x60xf32, #tpu.memory_space<vmem>>, vector<16xf32>,
        tpu.vector_store %arg14[%swap3A_1321, %swap3A_1322], %get3A_1320 {strides = array<i32>} : memref<200x60xf32, #tpu.memory_space<vmem>>, vector<16xf32>,
        %add3A_1324 = vector.broadcast %add3A_1305 : i32 to vector<16xi32>
        %add3A_1325 = arith.addi %mul3A_303, %add3A_1324 : vector<16xi32>
        %gather3A_1326 = tpu.vector_load_idx %arg12[%add3A_1325, %select_n3A_98] : memref<200x56xf32, #tpu.memory_space<vmem>>[vector<16xi32>, vector<16xi32>], vector<16xf32>,
        %add3A_1327 = arith.addi %add3A_1325, %select_n3A_198 : vector<16xi32>
        %gather3A_1328 = tpu.vector_load_idx %arg13[%add3A_1327, %select_n3A_298] : memref<400x8xf32, #tpu.memory_space<vmem>>[vector<16xi32>, vector<16xi32>], vector<16xf32>,
        %select_n3A_1329 = arith.select %lt3A_300, %gather3A_1326, %gather3A_1328 : vector<16xi1>, vector<16xf32>
        %swap3A_1330 = arith.index_cast %add3A_1305 : i32 to index
        %swap3A_1331 = arith.constant 44 : index
        %swap3A_1332 = tpu.vector_load %arg14[%swap3A_1330, %swap3A_1331] {strides = array<i32>} : memref<200x60xf32, #tpu.memory_space<vmem>>, vector<16xf32>,
        tpu.vector_store %arg14[%swap3A_1330, %swap3A_1331], %select_n3A_1329 {strides = array<i32>} : memref<200x60xf32, #tpu.memory_space<vmem>>, vector<16xf32>,
        %add3A_1333 = arith.constant 2 : i32
        %add3A_1334 = arith.addi %mul3A_1277, %add3A_1333 : i32
        %get3A_1335 = arith.index_cast %add3A_1334 : i32 to index
        %get3A_1336 = arith.constant 0 : index
        %get3A_1337 = tpu.vector_load %arg12[%get3A_1335, %get3A_1336] {strides = array<i32>} : memref<200x56xf32, #tpu.memory_space<vmem>>, vector<16xf32>,
        %swap3A_1338 = arith.index_cast %add3A_1334 : i32 to index
        %swap3A_1339 = arith.constant 0 : index
        %swap3A_1340 = tpu.vector_load %arg14[%swap3A_1338, %swap3A_1339] {strides = array<i32>} : memref<200x60xf32, #tpu.memory_space<vmem>>, vector<16xf32>,
        tpu.vector_store %arg14[%swap3A_1338, %swap3A_1339], %get3A_1337 {strides = array<i32>} : memref<200x60xf32, #tpu.memory_space<vmem>>, vector<16xf32>,
        %get3A_1341 = arith.index_cast %add3A_1334 : i32 to index
        %get3A_1342 = arith.constant 16 : index
        %get3A_1343 = tpu.vector_load %arg12[%get3A_1341, %get3A_1342] {strides = array<i32>} : memref<200x56xf32, #tpu.memory_space<vmem>>, vector<16xf32>,
        %swap3A_1344 = arith.index_cast %add3A_1334 : i32 to index
        %swap3A_1345 = arith.constant 16 : index
        %swap3A_1346 = tpu.vector_load %arg14[%swap3A_1344, %swap3A_1345] {strides = array<i32>} : memref<200x60xf32, #tpu.memory_space<vmem>>, vector<16xf32>,
        tpu.vector_store %arg14[%swap3A_1344, %swap3A_1345], %get3A_1343 {strides = array<i32>} : memref<200x60xf32, #tpu.memory_space<vmem>>, vector<16xf32>,
        %get3A_1347 = arith.index_cast %add3A_1334 : i32 to index
        %get3A_1348 = arith.constant 28 : index
        %get3A_1349 = tpu.vector_load %arg12[%get3A_1347, %get3A_1348] {strides = array<i32>} : memref<200x56xf32, #tpu.memory_space<vmem>>, vector<16xf32>,
        %swap3A_1350 = arith.index_cast %add3A_1334 : i32 to index
        %swap3A_1351 = arith.constant 28 : index
        %swap3A_1352 = tpu.vector_load %arg14[%swap3A_1350, %swap3A_1351] {strides = array<i32>} : memref<200x60xf32, #tpu.memory_space<vmem>>, vector<16xf32>,
        tpu.vector_store %arg14[%swap3A_1350, %swap3A_1351], %get3A_1349 {strides = array<i32>} : memref<200x60xf32, #tpu.memory_space<vmem>>, vector<16xf32>,
        %add3A_1353 = vector.broadcast %add3A_1334 : i32 to vector<16xi32>
        %add3A_1354 = arith.addi %mul3A_303, %add3A_1353 : vector<16xi32>
        %gather3A_1355 = tpu.vector_load_idx %arg12[%add3A_1354, %select_n3A_98] : memref<200x56xf32, #tpu.memory_space<vmem>>[vector<16xi32>, vector<16xi32>], vector<16xf32>,
        %add3A_1356 = arith.addi %add3A_1354, %select_n3A_198 : vector<16xi32>
        %gather3A_1357 = tpu.vector_load_idx %arg13[%add3A_1356, %select_n3A_298] : memref<400x8xf32, #tpu.memory_space<vmem>>[vector<16xi32>, vector<16xi32>], vector<16xf32>,
        %select_n3A_1358 = arith.select %lt3A_300, %gather3A_1355, %gather3A_1357 : vector<16xi1>, vector<16xf32>
        %swap3A_1359 = arith.index_cast %add3A_1334 : i32 to index
        %swap3A_1360 = arith.constant 44 : index
        %swap3A_1361 = tpu.vector_load %arg14[%swap3A_1359, %swap3A_1360] {strides = array<i32>} : memref<200x60xf32, #tpu.memory_space<vmem>>, vector<16xf32>,
        tpu.vector_store %arg14[%swap3A_1359, %swap3A_1360], %select_n3A_1358 {strides = array<i32>} : memref<200x60xf32, #tpu.memory_space<vmem>>, vector<16xf32>,
        %add3A_1362 = arith.constant 3 : i32
        %add3A_1363 = arith.addi %mul3A_1277, %add3A_1362 : i32
        %get3A_1364 = arith.index_cast %add3A_1363 : i32 to index
        %get3A_1365 = arith.constant 0 : index
        %get3A_1366 = tpu.vector_load %arg12[%get3A_1364, %get3A_1365] {strides = array<i32>} : memref<200x56xf32, #tpu.memory_space<vmem>>, vector<16xf32>,
        %swap3A_1367 = arith.index_cast %add3A_1363 : i32 to index
        %swap3A_1368 = arith.constant 0 : index
        %swap3A_1369 = tpu.vector_load %arg14[%swap3A_1367, %swap3A_1368] {strides = array<i32>} : memref<200x60xf32, #tpu.memory_space<vmem>>, vector<16xf32>,
        tpu.vector_store %arg14[%swap3A_1367, %swap3A_1368], %get3A_1366 {strides = array<i32>} : memref<200x60xf32, #tpu.memory_space<vmem>>, vector<16xf32>,
        %get3A_1370 = arith.index_cast %add3A_1363 : i32 to index
        %get3A_1371 = arith.constant 16 : index
        %get3A_1372 = tpu.vector_load %arg12[%get3A_1370, %get3A_1371] {strides = array<i32>} : memref<200x56xf32, #tpu.memory_space<vmem>>, vector<16xf32>,
        %swap3A_1373 = arith.index_cast %add3A_1363 : i32 to index
        %swap3A_1374 = arith.constant 16 : index
        %swap3A_1375 = tpu.vector_load %arg14[%swap3A_1373, %swap3A_1374] {strides = array<i32>} : memref<200x60xf32, #tpu.memory_space<vmem>>, vector<16xf32>,
        tpu.vector_store %arg14[%swap3A_1373, %swap3A_1374], %get3A_1372 {strides = array<i32>} : memref<200x60xf32, #tpu.memory_space<vmem>>, vector<16xf32>,
        %get3A_1376 = arith.index_cast %add3A_1363 : i32 to index
        %get3A_1377 = arith.constant 28 : index
        %get3A_1378 = tpu.vector_load %arg12[%get3A_1376, %get3A_1377] {strides = array<i32>} : memref<200x56xf32, #tpu.memory_space<vmem>>, vector<16xf32>,
        %swap3A_1379 = arith.index_cast %add3A_1363 : i32 to index
        %swap3A_1380 = arith.constant 28 : index
        %swap3A_1381 = tpu.vector_load %arg14[%swap3A_1379, %swap3A_1380] {strides = array<i32>} : memref<200x60xf32, #tpu.memory_space<vmem>>, vector<16xf32>,
        tpu.vector_store %arg14[%swap3A_1379, %swap3A_1380], %get3A_1378 {strides = array<i32>} : memref<200x60xf32, #tpu.memory_space<vmem>>, vector<16xf32>,
        %add3A_1382 = vector.broadcast %add3A_1363 : i32 to vector<16xi32>
        %add3A_1383 = arith.addi %mul3A_303, %add3A_1382 : vector<16xi32>
        %gather3A_1384 = tpu.vector_load_idx %arg12[%add3A_1383, %select_n3A_98] : memref<200x56xf32, #tpu.memory_space<vmem>>[vector<16xi32>, vector<16xi32>], vector<16xf32>,
        %add3A_1385 = arith.addi %add3A_1383, %select_n3A_198 : vector<16xi32>
        %gather3A_1386 = tpu.vector_load_idx %arg13[%add3A_1385, %select_n3A_298] : memref<400x8xf32, #tpu.memory_space<vmem>>[vector<16xi32>, vector<16xi32>], vector<16xf32>,
        %select_n3A_1387 = arith.select %lt3A_300, %gather3A_1384, %gather3A_1386 : vector<16xi1>, vector<16xf32>
        %swap3A_1388 = arith.index_cast %add3A_1363 : i32 to index
        %swap3A_1389 = arith.constant 44 : index
        %swap3A_1390 = tpu.vector_load %arg14[%swap3A_1388, %swap3A_1389] {strides = array<i32>} : memref<200x60xf32, #tpu.memory_space<vmem>>, vector<16xf32>,
        tpu.vector_store %arg14[%swap3A_1388, %swap3A_1389], %select_n3A_1387 {strides = array<i32>} : memref<200x60xf32, #tpu.memory_space<vmem>>, vector<16xf32>,
      }
      %scan3A_488 = arith.constant 50 : i32
      %add3A_489 = arith.addi %mul3A_305, %add3A_385 : i32
      %dma_start3A_490 = arith.constant 0 : i32
      %dma_start3A_491 = arith.constant 0 : i32
      %dma_start3A_492 = tpu.memref_slice %arg8[%add3A_489, %dma_start3A_490, %dma_start3A_491] : memref<4096x200x60xf32, #tpu.memory_space<hbm>> -> memref<1x200x60xf32, #tpu.memory_space<hbm>>
      %dma_start3A_493 = tpu.memref_squeeze %dma_start3A_492 : memref<1x200x60xf32, #tpu.memory_space<hbm>> -> memref<200x60xf32, #tpu.memory_space<hbm>>
      %dma_start3A_494 = arith.constant 0 : i32
      %dma_start3A_495 = arith.constant 0 : i32
      %dma_start3A_496 = tpu.memref_slice %arg8[%add3A_489, %dma_start3A_494, %dma_start3A_495] : memref<4096x200x60xf32, #tpu.memory_space<hbm>> -> memref<1x200x60xf32, #tpu.memory_space<hbm>>
      %dma_start3A_497 = tpu.memref_squeeze %dma_start3A_496 : memref<1x200x60xf32, #tpu.memory_space<hbm>> -> memref<200x60xf32, #tpu.memory_space<hbm>>
      tpu.enqueue_dma source(%arg14 : memref<200x60xf32, #tpu.memory_space<vmem>>) target(%dma_start3A_497 : memref<200x60xf32, #tpu.memory_space<hbm>>) target_semaphore(%arg20 : memref<!tpu.dma_semaphore, #tpu.memory_space<semaphore_mem>>)
      %dma_wait3A_498 = arith.constant 0 : i32
      %dma_wait3A_499 = arith.constant 0 : i32
      %dma_wait3A_500 = tpu.memref_slice %arg15[%dma_wait3A_498, %dma_wait3A_499] : memref<200x56xf32, #tpu.memory_space<vmem>> -> memref<128x56xf32, #tpu.memory_space<vmem>>
      %dma_wait3A_501 = arith.constant 200 : i32
      %dma_wait3A_502 = tpu.memref_slice %arg9[%dma_wait3A_501] : memref<1600xi32, #tpu.memory_space<vmem>> -> memref<128xi32, #tpu.memory_space<vmem>>
      %dma_wait3A_503 = arith.constant 0 : i32
      %dma_wait3A_504 = arith.constant 0 : i32
      %dma_wait3A_505 = tpu.memref_slice %arg5[%dma_wait3A_503, %dma_wait3A_504] : memref<100000x56xf32, #tpu.memory_space<hbm>> -> memref<100000x56xf32, #tpu.memory_space<hbm>>
      tpu.wait_indirect_dma semaphore(%arg19 : memref<!tpu.dma_semaphore, #tpu.memory_space<semaphore_mem>>) src(%dma_wait3A_505 : memref<100000x56xf32, #tpu.memory_space<hbm>>) dst(%dma_wait3A_500 : memref<128x56xf32, #tpu.memory_space<vmem>>)
      %dma_wait3A_506 = arith.constant 0 : i32
      %dma_wait3A_507 = arith.constant 0 : i32
      %dma_wait3A_508 = tpu.memref_slice %arg16[%dma_wait3A_506, %dma_wait3A_507] : memref<400x8xf32, #tpu.memory_space<vmem>> -> memref<128x8xf32, #tpu.memory_space<vmem>>
      %dma_wait3A_509 = arith.constant 200 : i32
      %dma_wait3A_510 = tpu.memref_slice %arg10[%dma_wait3A_509] : memref<1600xi32, #tpu.memory_space<vmem>> -> memref<128xi32, #tpu.memory_space<vmem>>
      %dma_wait3A_511 = arith.constant 0 : i32
      %dma_wait3A_512 = arith.constant 0 : i32
      %dma_wait3A_513 = tpu.memref_slice %arg6[%dma_wait3A_511, %dma_wait3A_512] : memref<400x8xf32, #tpu.memory_space<hbm>> -> memref<400x8xf32, #tpu.memory_space<hbm>>
      tpu.wait_indirect_dma semaphore(%arg19 : memref<!tpu.dma_semaphore, #tpu.memory_space<semaphore_mem>>) src(%dma_wait3A_513 : memref<400x8xf32, #tpu.memory_space<hbm>>) dst(%dma_wait3A_508 : memref<128x8xf32, #tpu.memory_space<vmem>>)
      %dma_wait3A_514 = arith.constant 200 : i32
      %dma_wait3A_515 = arith.constant 0 : i32
      %dma_wait3A_516 = tpu.memref_slice %arg16[%dma_wait3A_514, %dma_wait3A_515] : memref<400x8xf32, #tpu.memory_space<vmem>> -> memref<128x8xf32, #tpu.memory_space<vmem>>
      %dma_wait3A_517 = arith.constant 200 : i32
      %dma_wait3A_518 = tpu.memref_slice %arg11[%dma_wait3A_517] : memref<1600xi32, #tpu.memory_space<vmem>> -> memref<128xi32, #tpu.memory_space<vmem>>
      %dma_wait3A_519 = arith.constant 0 : i32
      %dma_wait3A_520 = arith.constant 0 : i32
      %dma_wait3A_521 = tpu.memref_slice %arg7[%dma_wait3A_519, %dma_wait3A_520] : memref<400x8xf32, #tpu.memory_space<hbm>> -> memref<400x8xf32, #tpu.memory_space<hbm>>
      tpu.wait_indirect_dma semaphore(%arg19 : memref<!tpu.dma_semaphore, #tpu.memory_space<semaphore_mem>>) src(%dma_wait3A_521 : memref<400x8xf32, #tpu.memory_space<hbm>>) dst(%dma_wait3A_516 : memref<128x8xf32, #tpu.memory_space<vmem>>)
      %dma_wait3A_522 = arith.constant 128 : i32
      %dma_wait3A_523 = arith.constant 0 : i32
      %dma_wait3A_524 = tpu.memref_slice %arg15[%dma_wait3A_522, %dma_wait3A_523] : memref<200x56xf32, #tpu.memory_space<vmem>> -> memref<72x56xf32, #tpu.memory_space<vmem>>
      %dma_wait3A_525 = arith.constant 328 : i32
      %dma_wait3A_526 = tpu.memref_slice %arg9[%dma_wait3A_525] : memref<1600xi32, #tpu.memory_space<vmem>> -> memref<72xi32, #tpu.memory_space<vmem>>
      %dma_wait3A_527 = arith.constant 0 : i32
      %dma_wait3A_528 = arith.constant 0 : i32
      %dma_wait3A_529 = tpu.memref_slice %arg5[%dma_wait3A_527, %dma_wait3A_528] : memref<100000x56xf32, #tpu.memory_space<hbm>> -> memref<100000x56xf32, #tpu.memory_space<hbm>>
      tpu.wait_indirect_dma semaphore(%arg19 : memref<!tpu.dma_semaphore, #tpu.memory_space<semaphore_mem>>) src(%dma_wait3A_529 : memref<100000x56xf32, #tpu.memory_space<hbm>>) dst(%dma_wait3A_524 : memref<72x56xf32, #tpu.memory_space<vmem>>)
      %dma_wait3A_530 = arith.constant 128 : i32
      %dma_wait3A_531 = arith.constant 0 : i32
      %dma_wait3A_532 = tpu.memref_slice %arg16[%dma_wait3A_530, %dma_wait3A_531] : memref<400x8xf32, #tpu.memory_space<vmem>> -> memref<72x8xf32, #tpu.memory_space<vmem>>
      %dma_wait3A_533 = arith.constant 328 : i32
      %dma_wait3A_534 = tpu.memref_slice %arg10[%dma_wait3A_533] : memref<1600xi32, #tpu.memory_space<vmem>> -> memref<72xi32, #tpu.memory_space<vmem>>
      %dma_wait3A_535 = arith.constant 0 : i32
      %dma_wait3A_536 = arith.constant 0 : i32
      %dma_wait3A_537 = tpu.memref_slice %arg6[%dma_wait3A_535, %dma_wait3A_536] : memref<400x8xf32, #tpu.memory_space<hbm>> -> memref<400x8xf32, #tpu.memory_space<hbm>>
      tpu.wait_indirect_dma semaphore(%arg19 : memref<!tpu.dma_semaphore, #tpu.memory_space<semaphore_mem>>) src(%dma_wait3A_537 : memref<400x8xf32, #tpu.memory_space<hbm>>) dst(%dma_wait3A_532 : memref<72x8xf32, #tpu.memory_space<vmem>>)
      %dma_wait3A_538 = arith.constant 328 : i32
      %dma_wait3A_539 = arith.constant 0 : i32
      %dma_wait3A_540 = tpu.memref_slice %arg16[%dma_wait3A_538, %dma_wait3A_539] : memref<400x8xf32, #tpu.memory_space<vmem>> -> memref<72x8xf32, #tpu.memory_space<vmem>>
      %dma_wait3A_541 = arith.constant 328 : i32
      %dma_wait3A_542 = tpu.memref_slice %arg11[%dma_wait3A_541] : memref<1600xi32, #tpu.memory_space<vmem>> -> memref<72xi32, #tpu.memory_space<vmem>>
      %dma_wait3A_543 = arith.constant 0 : i32
      %dma_wait3A_544 = arith.constant 0 : i32
      %dma_wait3A_545 = tpu.memref_slice %arg7[%dma_wait3A_543, %dma_wait3A_544] : memref<400x8xf32, #tpu.memory_space<hbm>> -> memref<400x8xf32, #tpu.memory_space<hbm>>
      tpu.wait_indirect_dma semaphore(%arg19 : memref<!tpu.dma_semaphore, #tpu.memory_space<semaphore_mem>>) src(%dma_wait3A_545 : memref<400x8xf32, #tpu.memory_space<hbm>>) dst(%dma_wait3A_540 : memref<72x8xf32, #tpu.memory_space<vmem>>)
      %dma_start3A_546 = arith.constant 0 : i32
      %dma_start3A_547 = arith.constant 0 : i32
      %dma_start3A_548 = tpu.memref_slice %arg12[%dma_start3A_546, %dma_start3A_547] : memref<200x56xf32, #tpu.memory_space<vmem>> -> memref<128x56xf32, #tpu.memory_space<vmem>>
      %dma_start3A_549 = arith.constant 400 : i32
      %dma_start3A_550 = tpu.memref_slice %arg9[%dma_start3A_549] : memref<1600xi32, #tpu.memory_space<vmem>> -> memref<128xi32, #tpu.memory_space<vmem>>
      %dma_start3A_551 = arith.constant 0 : i32
      %dma_start3A_552 = arith.constant 0 : i32
      %dma_start3A_553 = tpu.memref_slice %arg5[%dma_start3A_551, %dma_start3A_552] : memref<100000x56xf32, #tpu.memory_space<hbm>> -> memref<100000x56xf32, #tpu.memory_space<hbm>>
      tpu.enqueue_indirect_dma source(%dma_start3A_553 : memref<100000x56xf32, #tpu.memory_space<hbm>>) target(%dma_start3A_548 : memref<128x56xf32, #tpu.memory_space<vmem>>) offsets(%dma_start3A_550 : memref<128xi32, #tpu.memory_space<vmem>>) semaphore(%arg18 : memref<!tpu.dma_semaphore, #tpu.memory_space<semaphore_mem>>)
      %dma_start3A_554 = arith.constant 0 : i32
      %dma_start3A_555 = arith.constant 0 : i32
      %dma_start3A_556 = tpu.memref_slice %arg13[%dma_start3A_554, %dma_start3A_555] : memref<400x8xf32, #tpu.memory_space<vmem>> -> memref<128x8xf32, #tpu.memory_space<vmem>>
      %dma_start3A_557 = arith.constant 400 : i32
      %dma_start3A_558 = tpu.memref_slice %arg10[%dma_start3A_557] : memref<1600xi32, #tpu.memory_space<vmem>> -> memref<128xi32, #tpu.memory_space<vmem>>
      %dma_start3A_559 = arith.constant 0 : i32
      %dma_start3A_560 = arith.constant 0 : i32
      %dma_start3A_561 = tpu.memref_slice %arg6[%dma_start3A_559, %dma_start3A_560] : memref<400x8xf32, #tpu.memory_space<hbm>> -> memref<400x8xf32, #tpu.memory_space<hbm>>
      tpu.enqueue_indirect_dma source(%dma_start3A_561 : memref<400x8xf32, #tpu.memory_space<hbm>>) target(%dma_start3A_556 : memref<128x8xf32, #tpu.memory_space<vmem>>) offsets(%dma_start3A_558 : memref<128xi32, #tpu.memory_space<vmem>>) semaphore(%arg18 : memref<!tpu.dma_semaphore, #tpu.memory_space<semaphore_mem>>)
      %dma_start3A_562 = arith.constant 200 : i32
      %dma_start3A_563 = arith.constant 0 : i32
      %dma_start3A_564 = tpu.memref_slice %arg13[%dma_start3A_562, %dma_start3A_563] : memref<400x8xf32, #tpu.memory_space<vmem>> -> memref<128x8xf32, #tpu.memory_space<vmem>>
      %dma_start3A_565 = arith.constant 400 : i32
      %dma_start3A_566 = tpu.memref_slice %arg11[%dma_start3A_565] : memref<1600xi32, #tpu.memory_space<vmem>> -> memref<128xi32, #tpu.memory_space<vmem>>
      %dma_start3A_567 = arith.constant 0 : i32
      %dma_start3A_568 = arith.constant 0 : i32
      %dma_start3A_569 = tpu.memref_slice %arg7[%dma_start3A_567, %dma_start3A_568] : memref<400x8xf32, #tpu.memory_space<hbm>> -> memref<400x8xf32, #tpu.memory_space<hbm>>
      tpu.enqueue_indirect_dma source(%dma_start3A_569 : memref<400x8xf32, #tpu.memory_space<hbm>>) target(%dma_start3A_564 : memref<128x8xf32, #tpu.memory_space<vmem>>) offsets(%dma_start3A_566 : memref<128xi32, #tpu.memory_space<vmem>>) semaphore(%arg18 : memref<!tpu.dma_semaphore, #tpu.memory_space<semaphore_mem>>)
      %dma_start3A_570 = arith.constant 128 : i32
      %dma_start3A_571 = arith.constant 0 : i32
      %dma_start3A_572 = tpu.memref_slice %arg12[%dma_start3A_570, %dma_start3A_571] : memref<200x56xf32, #tpu.memory_space<vmem>> -> memref<72x56xf32, #tpu.memory_space<vmem>>
      %dma_start3A_573 = arith.constant 528 : i32
      %dma_start3A_574 = tpu.memref_slice %arg9[%dma_start3A_573] : memref<1600xi32, #tpu.memory_space<vmem>> -> memref<72xi32, #tpu.memory_space<vmem>>
      %dma_start3A_575 = arith.constant 0 : i32
      %dma_start3A_576 = arith.constant 0 : i32
      %dma_start3A_577 = tpu.memref_slice %arg5[%dma_start3A_575, %dma_start3A_576] : memref<100000x56xf32, #tpu.memory_space<hbm>> -> memref<100000x56xf32, #tpu.memory_space<hbm>>
      tpu.enqueue_indirect_dma source(%dma_start3A_577 : memref<100000x56xf32, #tpu.memory_space<hbm>>) target(%dma_start3A_572 : memref<72x56xf32, #tpu.memory_space<vmem>>) offsets(%dma_start3A_574 : memref<72xi32, #tpu.memory_space<vmem>>) semaphore(%arg18 : memref<!tpu.dma_semaphore, #tpu.memory_space<semaphore_mem>>)
      %dma_start3A_578 = arith.constant 128 : i32
      %dma_start3A_579 = arith.constant 0 : i32
      %dma_start3A_580 = tpu.memref_slice %arg13[%dma_start3A_578, %dma_start3A_579] : memref<400x8xf32, #tpu.memory_space<vmem>> -> memref<72x8xf32, #tpu.memory_space<vmem>>
      %dma_start3A_581 = arith.constant 528 : i32
      %dma_start3A_582 = tpu.memref_slice %arg10[%dma_start3A_581] : memref<1600xi32, #tpu.memory_space<vmem>> -> memref<72xi32, #tpu.memory_space<vmem>>
      %dma_start3A_583 = arith.constant 0 : i32
      %dma_start3A_584 = arith.constant 0 : i32
      %dma_start3A_585 = tpu.memref_slice %arg6[%dma_start3A_583, %dma_start3A_584] : memref<400x8xf32, #tpu.memory_space<hbm>> -> memref<400x8xf32, #tpu.memory_space<hbm>>
      tpu.enqueue_indirect_dma source(%dma_start3A_585 : memref<400x8xf32, #tpu.memory_space<hbm>>) target(%dma_start3A_580 : memref<72x8xf32, #tpu.memory_space<vmem>>) offsets(%dma_start3A_582 : memref<72xi32, #tpu.memory_space<vmem>>) semaphore(%arg18 : memref<!tpu.dma_semaphore, #tpu.memory_space<semaphore_mem>>)
      %dma_start3A_586 = arith.constant 328 : i32
      %dma_start3A_587 = arith.constant 0 : i32
      %dma_start3A_588 = tpu.memref_slice %arg13[%dma_start3A_586, %dma_start3A_587] : memref<400x8xf32, #tpu.memory_space<vmem>> -> memref<72x8xf32, #tpu.memory_space<vmem>>
      %dma_start3A_589 = arith.constant 528 : i32
      %dma_start3A_590 = tpu.memref_slice %arg11[%dma_start3A_589] : memref<1600xi32, #tpu.memory_space<vmem>> -> memref<72xi32, #tpu.memory_space<vmem>>
      %dma_start3A_591 = arith.constant 0 : i32
      %dma_start3A_592 = arith.constant 0 : i32
      %dma_start3A_593 = tpu.memref_slice %arg7[%dma_start3A_591, %dma_start3A_592] : memref<400x8xf32, #tpu.memory_space<hbm>> -> memref<400x8xf32, #tpu.memory_space<hbm>>
      tpu.enqueue_indirect_dma source(%dma_start3A_593 : memref<400x8xf32, #tpu.memory_space<hbm>>) target(%dma_start3A_588 : memref<72x8xf32, #tpu.memory_space<vmem>>) offsets(%dma_start3A_590 : memref<72xi32, #tpu.memory_space<vmem>>) semaphore(%arg18 : memref<!tpu.dma_semaphore, #tpu.memory_space<semaphore_mem>>)
      %ge3A_594 = arith.constant 1 : i32
      %ge3A_595 = arith.cmpi sge, %add3A_385, %ge3A_594 : i32
      %convert_element_type3A_596 = arith.extui %ge3A_595 : i1 to i32
      %cond3A_597 = arith.constant 0 : i32
      %cond3A_598 = arith.cmpi ne, %convert_element_type3A_596, %cond3A_597 : i32
      scf.if %cond3A_598 {
        %sub3A = arith.constant 1 : i32
        %sub3A_1275 = arith.subi %add3A_385, %sub3A : i32
        %add3A_1276 = arith.addi %mul3A_305, %sub3A_1275 : i32
        %dma_wait3A_1277 = arith.constant 0 : i32
        %dma_wait3A_1278 = arith.constant 0 : i32
        %dma_wait3A_1279 = tpu.memref_slice %arg8[%add3A_1276, %dma_wait3A_1277, %dma_wait3A_1278] : memref<4096x200x60xf32, #tpu.memory_space<hbm>> -> memref<1x200x60xf32, #tpu.memory_space<hbm>>
        %dma_wait3A_1280 = tpu.memref_squeeze %dma_wait3A_1279 : memref<1x200x60xf32, #tpu.memory_space<hbm>> -> memref<200x60xf32, #tpu.memory_space<hbm>>
        %dma_wait3A_1281 = arith.constant 0 : i32
        %dma_wait3A_1282 = arith.constant 0 : i32
        %dma_wait3A_1283 = tpu.memref_slice %arg8[%add3A_1276, %dma_wait3A_1281, %dma_wait3A_1282] : memref<4096x200x60xf32, #tpu.memory_space<hbm>> -> memref<1x200x60xf32, #tpu.memory_space<hbm>>
        %dma_wait3A_1284 = tpu.memref_squeeze %dma_wait3A_1283 : memref<1x200x60xf32, #tpu.memory_space<hbm>> -> memref<200x60xf32, #tpu.memory_space<hbm>>
        tpu.wait_dma2 semaphore(%arg21 : memref<!tpu.dma_semaphore, #tpu.memory_space<semaphore_mem>>) src(%arg17 : memref<200x60xf32, #tpu.memory_space<vmem>>) dst(%dma_wait3A_1284 : memref<200x60xf32, #tpu.memory_space<hbm>>)
      } else {
      }
      %scan3A_599 = arith.constant 0 : i32
      %scan3A_600 = arith.constant 50 : i32
      %scan3A_601 = arith.addi %scan3A_599, %scan3A_600 : i32
      %scan3A_602 = arith.constant 1 : i32
      scf.for %scan3A_1275 = %scan3A_599 to %scan3A_601 step %scan3A_602  : i32 {
        %mul3A_1276 = arith.constant 4 : i32
        %mul3A_1277 = arith.muli %scan3A_1275, %mul3A_1276 : i32
        %add3A_1278 = arith.constant 0 : i32
        %add3A_1279 = arith.addi %mul3A_1277, %add3A_1278 : i32
        %get3A = arith.index_cast %add3A_1279 : i32 to index
        %get3A_1280 = arith.constant 0 : index
        %get3A_1281 = tpu.vector_load %arg15[%get3A, %get3A_1280] {strides = array<i32>} : memref<200x56xf32, #tpu.memory_space<vmem>>, vector<16xf32>,
        %swap3A = arith.index_cast %add3A_1279 : i32 to index
        %swap3A_1282 = arith.constant 0 : index
        %swap3A_1283 = tpu.vector_load %arg17[%swap3A, %swap3A_1282] {strides = array<i32>} : memref<200x60xf32, #tpu.memory_space<vmem>>, vector<16xf32>,
        tpu.vector_store %arg17[%swap3A, %swap3A_1282], %get3A_1281 {strides = array<i32>} : memref<200x60xf32, #tpu.memory_space<vmem>>, vector<16xf32>,
        %get3A_1284 = arith.index_cast %add3A_1279 : i32 to index
        %get3A_1285 = arith.constant 16 : index
        %get3A_1286 = tpu.vector_load %arg15[%get3A_1284, %get3A_1285] {strides = array<i32>} : memref<200x56xf32, #tpu.memory_space<vmem>>, vector<16xf32>,
        %swap3A_1287 = arith.index_cast %add3A_1279 : i32 to index
        %swap3A_1288 = arith.constant 16 : index
        %swap3A_1289 = tpu.vector_load %arg17[%swap3A_1287, %swap3A_1288] {strides = array<i32>} : memref<200x60xf32, #tpu.memory_space<vmem>>, vector<16xf32>,
        tpu.vector_store %arg17[%swap3A_1287, %swap3A_1288], %get3A_1286 {strides = array<i32>} : memref<200x60xf32, #tpu.memory_space<vmem>>, vector<16xf32>,
        %get3A_1290 = arith.index_cast %add3A_1279 : i32 to index
        %get3A_1291 = arith.constant 28 : index
        %get3A_1292 = tpu.vector_load %arg15[%get3A_1290, %get3A_1291] {strides = array<i32>} : memref<200x56xf32, #tpu.memory_space<vmem>>, vector<16xf32>,
        %swap3A_1293 = arith.index_cast %add3A_1279 : i32 to index
        %swap3A_1294 = arith.constant 28 : index
        %swap3A_1295 = tpu.vector_load %arg17[%swap3A_1293, %swap3A_1294] {strides = array<i32>} : memref<200x60xf32, #tpu.memory_space<vmem>>, vector<16xf32>,
        tpu.vector_store %arg17[%swap3A_1293, %swap3A_1294], %get3A_1292 {strides = array<i32>} : memref<200x60xf32, #tpu.memory_space<vmem>>, vector<16xf32>,
        %add3A_1296 = vector.broadcast %add3A_1279 : i32 to vector<16xi32>
        %add3A_1297 = arith.addi %mul3A_303, %add3A_1296 : vector<16xi32>
        %gather3A = tpu.vector_load_idx %arg15[%add3A_1297, %select_n3A_98] : memref<200x56xf32, #tpu.memory_space<vmem>>[vector<16xi32>, vector<16xi32>], vector<16xf32>,
        %add3A_1298 = arith.addi %add3A_1297, %select_n3A_198 : vector<16xi32>
        %gather3A_1299 = tpu.vector_load_idx %arg16[%add3A_1298, %select_n3A_298] : memref<400x8xf32, #tpu.memory_space<vmem>>[vector<16xi32>, vector<16xi32>], vector<16xf32>,
        %select_n3A_1300 = arith.select %lt3A_300, %gather3A, %gather3A_1299 : vector<16xi1>, vector<16xf32>
        %swap3A_1301 = arith.index_cast %add3A_1279 : i32 to index
        %swap3A_1302 = arith.constant 44 : index
        %swap3A_1303 = tpu.vector_load %arg17[%swap3A_1301, %swap3A_1302] {strides = array<i32>} : memref<200x60xf32, #tpu.memory_space<vmem>>, vector<16xf32>,
        tpu.vector_store %arg17[%swap3A_1301, %swap3A_1302], %select_n3A_1300 {strides = array<i32>} : memref<200x60xf32, #tpu.memory_space<vmem>>, vector<16xf32>,
        %add3A_1304 = arith.constant 1 : i32
        %add3A_1305 = arith.addi %mul3A_1277, %add3A_1304 : i32
        %get3A_1306 = arith.index_cast %add3A_1305 : i32 to index
        %get3A_1307 = arith.constant 0 : index
        %get3A_1308 = tpu.vector_load %arg15[%get3A_1306, %get3A_1307] {strides = array<i32>} : memref<200x56xf32, #tpu.memory_space<vmem>>, vector<16xf32>,
        %swap3A_1309 = arith.index_cast %add3A_1305 : i32 to index
        %swap3A_1310 = arith.constant 0 : index
        %swap3A_1311 = tpu.vector_load %arg17[%swap3A_1309, %swap3A_1310] {strides = array<i32>} : memref<200x60xf32, #tpu.memory_space<vmem>>, vector<16xf32>,
        tpu.vector_store %arg17[%swap3A_1309, %swap3A_1310], %get3A_1308 {strides = array<i32>} : memref<200x60xf32, #tpu.memory_space<vmem>>, vector<16xf32>,
        %get3A_1312 = arith.index_cast %add3A_1305 : i32 to index
        %get3A_1313 = arith.constant 16 : index
        %get3A_1314 = tpu.vector_load %arg15[%get3A_1312, %get3A_1313] {strides = array<i32>} : memref<200x56xf32, #tpu.memory_space<vmem>>, vector<16xf32>,
        %swap3A_1315 = arith.index_cast %add3A_1305 : i32 to index
        %swap3A_1316 = arith.constant 16 : index
        %swap3A_1317 = tpu.vector_load %arg17[%swap3A_1315, %swap3A_1316] {strides = array<i32>} : memref<200x60xf32, #tpu.memory_space<vmem>>, vector<16xf32>,
        tpu.vector_store %arg17[%swap3A_1315, %swap3A_1316], %get3A_1314 {strides = array<i32>} : memref<200x60xf32, #tpu.memory_space<vmem>>, vector<16xf32>,
        %get3A_1318 = arith.index_cast %add3A_1305 : i32 to index
        %get3A_1319 = arith.constant 28 : index
        %get3A_1320 = tpu.vector_load %arg15[%get3A_1318, %get3A_1319] {strides = array<i32>} : memref<200x56xf32, #tpu.memory_space<vmem>>, vector<16xf32>,
        %swap3A_1321 = arith.index_cast %add3A_1305 : i32 to index
        %swap3A_1322 = arith.constant 28 : index
        %swap3A_1323 = tpu.vector_load %arg17[%swap3A_1321, %swap3A_1322] {strides = array<i32>} : memref<200x60xf32, #tpu.memory_space<vmem>>, vector<16xf32>,
        tpu.vector_store %arg17[%swap3A_1321, %swap3A_1322], %get3A_1320 {strides = array<i32>} : memref<200x60xf32, #tpu.memory_space<vmem>>, vector<16xf32>,
        %add3A_1324 = vector.broadcast %add3A_1305 : i32 to vector<16xi32>
        %add3A_1325 = arith.addi %mul3A_303, %add3A_1324 : vector<16xi32>
        %gather3A_1326 = tpu.vector_load_idx %arg15[%add3A_1325, %select_n3A_98] : memref<200x56xf32, #tpu.memory_space<vmem>>[vector<16xi32>, vector<16xi32>], vector<16xf32>,
        %add3A_1327 = arith.addi %add3A_1325, %select_n3A_198 : vector<16xi32>
        %gather3A_1328 = tpu.vector_load_idx %arg16[%add3A_1327, %select_n3A_298] : memref<400x8xf32, #tpu.memory_space<vmem>>[vector<16xi32>, vector<16xi32>], vector<16xf32>,
        %select_n3A_1329 = arith.select %lt3A_300, %gather3A_1326, %gather3A_1328 : vector<16xi1>, vector<16xf32>
        %swap3A_1330 = arith.index_cast %add3A_1305 : i32 to index
        %swap3A_1331 = arith.constant 44 : index
        %swap3A_1332 = tpu.vector_load %arg17[%swap3A_1330, %swap3A_1331] {strides = array<i32>} : memref<200x60xf32, #tpu.memory_space<vmem>>, vector<16xf32>,
        tpu.vector_store %arg17[%swap3A_1330, %swap3A_1331], %select_n3A_1329 {strides = array<i32>} : memref<200x60xf32, #tpu.memory_space<vmem>>, vector<16xf32>,
        %add3A_1333 = arith.constant 2 : i32
        %add3A_1334 = arith.addi %mul3A_1277, %add3A_1333 : i32
        %get3A_1335 = arith.index_cast %add3A_1334 : i32 to index
        %get3A_1336 = arith.constant 0 : index
        %get3A_1337 = tpu.vector_load %arg15[%get3A_1335, %get3A_1336] {strides = array<i32>} : memref<200x56xf32, #tpu.memory_space<vmem>>, vector<16xf32>,
        %swap3A_1338 = arith.index_cast %add3A_1334 : i32 to index
        %swap3A_1339 = arith.constant 0 : index
        %swap3A_1340 = tpu.vector_load %arg17[%swap3A_1338, %swap3A_1339] {strides = array<i32>} : memref<200x60xf32, #tpu.memory_space<vmem>>, vector<16xf32>,
        tpu.vector_store %arg17[%swap3A_1338, %swap3A_1339], %get3A_1337 {strides = array<i32>} : memref<200x60xf32, #tpu.memory_space<vmem>>, vector<16xf32>,
        %get3A_1341 = arith.index_cast %add3A_1334 : i32 to index
        %get3A_1342 = arith.constant 16 : index
        %get3A_1343 = tpu.vector_load %arg15[%get3A_1341, %get3A_1342] {strides = array<i32>} : memref<200x56xf32, #tpu.memory_space<vmem>>, vector<16xf32>,
        %swap3A_1344 = arith.index_cast %add3A_1334 : i32 to index
        %swap3A_1345 = arith.constant 16 : index
        %swap3A_1346 = tpu.vector_load %arg17[%swap3A_1344, %swap3A_1345] {strides = array<i32>} : memref<200x60xf32, #tpu.memory_space<vmem>>, vector<16xf32>,
        tpu.vector_store %arg17[%swap3A_1344, %swap3A_1345], %get3A_1343 {strides = array<i32>} : memref<200x60xf32, #tpu.memory_space<vmem>>, vector<16xf32>,
        %get3A_1347 = arith.index_cast %add3A_1334 : i32 to index
        %get3A_1348 = arith.constant 28 : index
        %get3A_1349 = tpu.vector_load %arg15[%get3A_1347, %get3A_1348] {strides = array<i32>} : memref<200x56xf32, #tpu.memory_space<vmem>>, vector<16xf32>,
        %swap3A_1350 = arith.index_cast %add3A_1334 : i32 to index
        %swap3A_1351 = arith.constant 28 : index
        %swap3A_1352 = tpu.vector_load %arg17[%swap3A_1350, %swap3A_1351] {strides = array<i32>} : memref<200x60xf32, #tpu.memory_space<vmem>>, vector<16xf32>,
        tpu.vector_store %arg17[%swap3A_1350, %swap3A_1351], %get3A_1349 {strides = array<i32>} : memref<200x60xf32, #tpu.memory_space<vmem>>, vector<16xf32>,
        %add3A_1353 = vector.broadcast %add3A_1334 : i32 to vector<16xi32>
        %add3A_1354 = arith.addi %mul3A_303, %add3A_1353 : vector<16xi32>
        %gather3A_1355 = tpu.vector_load_idx %arg15[%add3A_1354, %select_n3A_98] : memref<200x56xf32, #tpu.memory_space<vmem>>[vector<16xi32>, vector<16xi32>], vector<16xf32>,
        %add3A_1356 = arith.addi %add3A_1354, %select_n3A_198 : vector<16xi32>
        %gather3A_1357 = tpu.vector_load_idx %arg16[%add3A_1356, %select_n3A_298] : memref<400x8xf32, #tpu.memory_space<vmem>>[vector<16xi32>, vector<16xi32>], vector<16xf32>,
        %select_n3A_1358 = arith.select %lt3A_300, %gather3A_1355, %gather3A_1357 : vector<16xi1>, vector<16xf32>
        %swap3A_1359 = arith.index_cast %add3A_1334 : i32 to index
        %swap3A_1360 = arith.constant 44 : index
        %swap3A_1361 = tpu.vector_load %arg17[%swap3A_1359, %swap3A_1360] {strides = array<i32>} : memref<200x60xf32, #tpu.memory_space<vmem>>, vector<16xf32>,
        tpu.vector_store %arg17[%swap3A_1359, %swap3A_1360], %select_n3A_1358 {strides = array<i32>} : memref<200x60xf32, #tpu.memory_space<vmem>>, vector<16xf32>,
        %add3A_1362 = arith.constant 3 : i32
        %add3A_1363 = arith.addi %mul3A_1277, %add3A_1362 : i32
        %get3A_1364 = arith.index_cast %add3A_1363 : i32 to index
        %get3A_1365 = arith.constant 0 : index
        %get3A_1366 = tpu.vector_load %arg15[%get3A_1364, %get3A_1365] {strides = array<i32>} : memref<200x56xf32, #tpu.memory_space<vmem>>, vector<16xf32>,
        %swap3A_1367 = arith.index_cast %add3A_1363 : i32 to index
        %swap3A_1368 = arith.constant 0 : index
        %swap3A_1369 = tpu.vector_load %arg17[%swap3A_1367, %swap3A_1368] {strides = array<i32>} : memref<200x60xf32, #tpu.memory_space<vmem>>, vector<16xf32>,
        tpu.vector_store %arg17[%swap3A_1367, %swap3A_1368], %get3A_1366 {strides = array<i32>} : memref<200x60xf32, #tpu.memory_space<vmem>>, vector<16xf32>,
        %get3A_1370 = arith.index_cast %add3A_1363 : i32 to index
        %get3A_1371 = arith.constant 16 : index
        %get3A_1372 = tpu.vector_load %arg15[%get3A_1370, %get3A_1371] {strides = array<i32>} : memref<200x56xf32, #tpu.memory_space<vmem>>, vector<16xf32>,
        %swap3A_1373 = arith.index_cast %add3A_1363 : i32 to index
        %swap3A_1374 = arith.constant 16 : index
        %swap3A_1375 = tpu.vector_load %arg17[%swap3A_1373, %swap3A_1374] {strides = array<i32>} : memref<200x60xf32, #tpu.memory_space<vmem>>, vector<16xf32>,
        tpu.vector_store %arg17[%swap3A_1373, %swap3A_1374], %get3A_1372 {strides = array<i32>} : memref<200x60xf32, #tpu.memory_space<vmem>>, vector<16xf32>,
        %get3A_1376 = arith.index_cast %add3A_1363 : i32 to index
        %get3A_1377 = arith.constant 28 : index
        %get3A_1378 = tpu.vector_load %arg15[%get3A_1376, %get3A_1377] {strides = array<i32>} : memref<200x56xf32, #tpu.memory_space<vmem>>, vector<16xf32>,
        %swap3A_1379 = arith.index_cast %add3A_1363 : i32 to index
        %swap3A_1380 = arith.constant 28 : index
        %swap3A_1381 = tpu.vector_load %arg17[%swap3A_1379, %swap3A_1380] {strides = array<i32>} : memref<200x60xf32, #tpu.memory_space<vmem>>, vector<16xf32>,
        tpu.vector_store %arg17[%swap3A_1379, %swap3A_1380], %get3A_1378 {strides = array<i32>} : memref<200x60xf32, #tpu.memory_space<vmem>>, vector<16xf32>,
        %add3A_1382 = vector.broadcast %add3A_1363 : i32 to vector<16xi32>
        %add3A_1383 = arith.addi %mul3A_303, %add3A_1382 : vector<16xi32>
        %gather3A_1384 = tpu.vector_load_idx %arg15[%add3A_1383, %select_n3A_98] : memref<200x56xf32, #tpu.memory_space<vmem>>[vector<16xi32>, vector<16xi32>], vector<16xf32>,
        %add3A_1385 = arith.addi %add3A_1383, %select_n3A_198 : vector<16xi32>
        %gather3A_1386 = tpu.vector_load_idx %arg16[%add3A_1385, %select_n3A_298] : memref<400x8xf32, #tpu.memory_space<vmem>>[vector<16xi32>, vector<16xi32>], vector<16xf32>,
        %select_n3A_1387 = arith.select %lt3A_300, %gather3A_1384, %gather3A_1386 : vector<16xi1>, vector<16xf32>
        %swap3A_1388 = arith.index_cast %add3A_1363 : i32 to index
        %swap3A_1389 = arith.constant 44 : index
        %swap3A_1390 = tpu.vector_load %arg17[%swap3A_1388, %swap3A_1389] {strides = array<i32>} : memref<200x60xf32, #tpu.memory_space<vmem>>, vector<16xf32>,
        tpu.vector_store %arg17[%swap3A_1388, %swap3A_1389], %select_n3A_1387 {strides = array<i32>} : memref<200x60xf32, #tpu.memory_space<vmem>>, vector<16xf32>,
      }
      %scan3A_603 = arith.constant 50 : i32
      %add3A_604 = arith.constant 1 : i32
      %add3A_605 = arith.addi %add3A_385, %add3A_604 : i32
      %add3A_606 = arith.addi %mul3A_305, %add3A_605 : i32
      %dma_start3A_607 = arith.constant 0 : i32
      %dma_start3A_608 = arith.constant 0 : i32
      %dma_start3A_609 = tpu.memref_slice %arg8[%add3A_606, %dma_start3A_607, %dma_start3A_608] : memref<4096x200x60xf32, #tpu.memory_space<hbm>> -> memref<1x200x60xf32, #tpu.memory_space<hbm>>
      %dma_start3A_610 = tpu.memref_squeeze %dma_start3A_609 : memref<1x200x60xf32, #tpu.memory_space<hbm>> -> memref<200x60xf32, #tpu.memory_space<hbm>>
      %dma_start3A_611 = arith.constant 0 : i32
      %dma_start3A_612 = arith.constant 0 : i32
      %dma_start3A_613 = tpu.memref_slice %arg8[%add3A_606, %dma_start3A_611, %dma_start3A_612] : memref<4096x200x60xf32, #tpu.memory_space<hbm>> -> memref<1x200x60xf32, #tpu.memory_space<hbm>>
      %dma_start3A_614 = tpu.memref_squeeze %dma_start3A_613 : memref<1x200x60xf32, #tpu.memory_space<hbm>> -> memref<200x60xf32, #tpu.memory_space<hbm>>
      tpu.enqueue_dma source(%arg17 : memref<200x60xf32, #tpu.memory_space<vmem>>) target(%dma_start3A_614 : memref<200x60xf32, #tpu.memory_space<hbm>>) target_semaphore(%arg21 : memref<!tpu.dma_semaphore, #tpu.memory_space<semaphore_mem>>)
      %mul3A_615 = arith.constant 8 : i32
      %mul3A_616 = arith.muli %scan3A_329, %mul3A_615 : i32
      %add3A_617 = arith.constant 2 : i32
      %add3A_618 = arith.addi %mul3A_616, %add3A_617 : i32
      %dma_wait3A_619 = arith.constant 0 : i32
      %dma_wait3A_620 = arith.constant 0 : i32
      %dma_wait3A_621 = tpu.memref_slice %arg12[%dma_wait3A_619, %dma_wait3A_620] : memref<200x56xf32, #tpu.memory_space<vmem>> -> memref<128x56xf32, #tpu.memory_space<vmem>>
      %dma_wait3A_622 = arith.constant 400 : i32
      %dma_wait3A_623 = tpu.memref_slice %arg9[%dma_wait3A_622] : memref<1600xi32, #tpu.memory_space<vmem>> -> memref<128xi32, #tpu.memory_space<vmem>>
      %dma_wait3A_624 = arith.constant 0 : i32
      %dma_wait3A_625 = arith.constant 0 : i32
      %dma_wait3A_626 = tpu.memref_slice %arg5[%dma_wait3A_624, %dma_wait3A_625] : memref<100000x56xf32, #tpu.memory_space<hbm>> -> memref<100000x56xf32, #tpu.memory_space<hbm>>
      tpu.wait_indirect_dma semaphore(%arg18 : memref<!tpu.dma_semaphore, #tpu.memory_space<semaphore_mem>>) src(%dma_wait3A_626 : memref<100000x56xf32, #tpu.memory_space<hbm>>) dst(%dma_wait3A_621 : memref<128x56xf32, #tpu.memory_space<vmem>>)
      %dma_wait3A_627 = arith.constant 0 : i32
      %dma_wait3A_628 = arith.constant 0 : i32
      %dma_wait3A_629 = tpu.memref_slice %arg13[%dma_wait3A_627, %dma_wait3A_628] : memref<400x8xf32, #tpu.memory_space<vmem>> -> memref<128x8xf32, #tpu.memory_space<vmem>>
      %dma_wait3A_630 = arith.constant 400 : i32
      %dma_wait3A_631 = tpu.memref_slice %arg10[%dma_wait3A_630] : memref<1600xi32, #tpu.memory_space<vmem>> -> memref<128xi32, #tpu.memory_space<vmem>>
      %dma_wait3A_632 = arith.constant 0 : i32
      %dma_wait3A_633 = arith.constant 0 : i32
      %dma_wait3A_634 = tpu.memref_slice %arg6[%dma_wait3A_632, %dma_wait3A_633] : memref<400x8xf32, #tpu.memory_space<hbm>> -> memref<400x8xf32, #tpu.memory_space<hbm>>
      tpu.wait_indirect_dma semaphore(%arg18 : memref<!tpu.dma_semaphore, #tpu.memory_space<semaphore_mem>>) src(%dma_wait3A_634 : memref<400x8xf32, #tpu.memory_space<hbm>>) dst(%dma_wait3A_629 : memref<128x8xf32, #tpu.memory_space<vmem>>)
      %dma_wait3A_635 = arith.constant 200 : i32
      %dma_wait3A_636 = arith.constant 0 : i32
      %dma_wait3A_637 = tpu.memref_slice %arg13[%dma_wait3A_635, %dma_wait3A_636] : memref<400x8xf32, #tpu.memory_space<vmem>> -> memref<128x8xf32, #tpu.memory_space<vmem>>
      %dma_wait3A_638 = arith.constant 400 : i32
      %dma_wait3A_639 = tpu.memref_slice %arg11[%dma_wait3A_638] : memref<1600xi32, #tpu.memory_space<vmem>> -> memref<128xi32, #tpu.memory_space<vmem>>
      %dma_wait3A_640 = arith.constant 0 : i32
      %dma_wait3A_641 = arith.constant 0 : i32
      %dma_wait3A_642 = tpu.memref_slice %arg7[%dma_wait3A_640, %dma_wait3A_641] : memref<400x8xf32, #tpu.memory_space<hbm>> -> memref<400x8xf32, #tpu.memory_space<hbm>>
      tpu.wait_indirect_dma semaphore(%arg18 : memref<!tpu.dma_semaphore, #tpu.memory_space<semaphore_mem>>) src(%dma_wait3A_642 : memref<400x8xf32, #tpu.memory_space<hbm>>) dst(%dma_wait3A_637 : memref<128x8xf32, #tpu.memory_space<vmem>>)
      %dma_wait3A_643 = arith.constant 128 : i32
      %dma_wait3A_644 = arith.constant 0 : i32
      %dma_wait3A_645 = tpu.memref_slice %arg12[%dma_wait3A_643, %dma_wait3A_644] : memref<200x56xf32, #tpu.memory_space<vmem>> -> memref<72x56xf32, #tpu.memory_space<vmem>>
      %dma_wait3A_646 = arith.constant 528 : i32
      %dma_wait3A_647 = tpu.memref_slice %arg9[%dma_wait3A_646] : memref<1600xi32, #tpu.memory_space<vmem>> -> memref<72xi32, #tpu.memory_space<vmem>>
      %dma_wait3A_648 = arith.constant 0 : i32
      %dma_wait3A_649 = arith.constant 0 : i32
      %dma_wait3A_650 = tpu.memref_slice %arg5[%dma_wait3A_648, %dma_wait3A_649] : memref<100000x56xf32, #tpu.memory_space<hbm>> -> memref<100000x56xf32, #tpu.memory_space<hbm>>
      tpu.wait_indirect_dma semaphore(%arg18 : memref<!tpu.dma_semaphore, #tpu.memory_space<semaphore_mem>>) src(%dma_wait3A_650 : memref<100000x56xf32, #tpu.memory_space<hbm>>) dst(%dma_wait3A_645 : memref<72x56xf32, #tpu.memory_space<vmem>>)
      %dma_wait3A_651 = arith.constant 128 : i32
      %dma_wait3A_652 = arith.constant 0 : i32
      %dma_wait3A_653 = tpu.memref_slice %arg13[%dma_wait3A_651, %dma_wait3A_652] : memref<400x8xf32, #tpu.memory_space<vmem>> -> memref<72x8xf32, #tpu.memory_space<vmem>>
      %dma_wait3A_654 = arith.constant 528 : i32
      %dma_wait3A_655 = tpu.memref_slice %arg10[%dma_wait3A_654] : memref<1600xi32, #tpu.memory_space<vmem>> -> memref<72xi32, #tpu.memory_space<vmem>>
      %dma_wait3A_656 = arith.constant 0 : i32
      %dma_wait3A_657 = arith.constant 0 : i32
      %dma_wait3A_658 = tpu.memref_slice %arg6[%dma_wait3A_656, %dma_wait3A_657] : memref<400x8xf32, #tpu.memory_space<hbm>> -> memref<400x8xf32, #tpu.memory_space<hbm>>
      tpu.wait_indirect_dma semaphore(%arg18 : memref<!tpu.dma_semaphore, #tpu.memory_space<semaphore_mem>>) src(%dma_wait3A_658 : memref<400x8xf32, #tpu.memory_space<hbm>>) dst(%dma_wait3A_653 : memref<72x8xf32, #tpu.memory_space<vmem>>)
      %dma_wait3A_659 = arith.constant 328 : i32
      %dma_wait3A_660 = arith.constant 0 : i32
      %dma_wait3A_661 = tpu.memref_slice %arg13[%dma_wait3A_659, %dma_wait3A_660] : memref<400x8xf32, #tpu.memory_space<vmem>> -> memref<72x8xf32, #tpu.memory_space<vmem>>
      %dma_wait3A_662 = arith.constant 528 : i32
      %dma_wait3A_663 = tpu.memref_slice %arg11[%dma_wait3A_662] : memref<1600xi32, #tpu.memory_space<vmem>> -> memref<72xi32, #tpu.memory_space<vmem>>
      %dma_wait3A_664 = arith.constant 0 : i32
      %dma_wait3A_665 = arith.constant 0 : i32
      %dma_wait3A_666 = tpu.memref_slice %arg7[%dma_wait3A_664, %dma_wait3A_665] : memref<400x8xf32, #tpu.memory_space<hbm>> -> memref<400x8xf32, #tpu.memory_space<hbm>>
      tpu.wait_indirect_dma semaphore(%arg18 : memref<!tpu.dma_semaphore, #tpu.memory_space<semaphore_mem>>) src(%dma_wait3A_666 : memref<400x8xf32, #tpu.memory_space<hbm>>) dst(%dma_wait3A_661 : memref<72x8xf32, #tpu.memory_space<vmem>>)
      %dma_start3A_667 = arith.constant 0 : i32
      %dma_start3A_668 = arith.constant 0 : i32
      %dma_start3A_669 = tpu.memref_slice %arg15[%dma_start3A_667, %dma_start3A_668] : memref<200x56xf32, #tpu.memory_space<vmem>> -> memref<128x56xf32, #tpu.memory_space<vmem>>
      %dma_start3A_670 = arith.constant 600 : i32
      %dma_start3A_671 = tpu.memref_slice %arg9[%dma_start3A_670] : memref<1600xi32, #tpu.memory_space<vmem>> -> memref<128xi32, #tpu.memory_space<vmem>>
      %dma_start3A_672 = arith.constant 0 : i32
      %dma_start3A_673 = arith.constant 0 : i32
      %dma_start3A_674 = tpu.memref_slice %arg5[%dma_start3A_672, %dma_start3A_673] : memref<100000x56xf32, #tpu.memory_space<hbm>> -> memref<100000x56xf32, #tpu.memory_space<hbm>>
      tpu.enqueue_indirect_dma source(%dma_start3A_674 : memref<100000x56xf32, #tpu.memory_space<hbm>>) target(%dma_start3A_669 : memref<128x56xf32, #tpu.memory_space<vmem>>) offsets(%dma_start3A_671 : memref<128xi32, #tpu.memory_space<vmem>>) semaphore(%arg19 : memref<!tpu.dma_semaphore, #tpu.memory_space<semaphore_mem>>)
      %dma_start3A_675 = arith.constant 0 : i32
      %dma_start3A_676 = arith.constant 0 : i32
      %dma_start3A_677 = tpu.memref_slice %arg16[%dma_start3A_675, %dma_start3A_676] : memref<400x8xf32, #tpu.memory_space<vmem>> -> memref<128x8xf32, #tpu.memory_space<vmem>>
      %dma_start3A_678 = arith.constant 600 : i32
      %dma_start3A_679 = tpu.memref_slice %arg10[%dma_start3A_678] : memref<1600xi32, #tpu.memory_space<vmem>> -> memref<128xi32, #tpu.memory_space<vmem>>
      %dma_start3A_680 = arith.constant 0 : i32
      %dma_start3A_681 = arith.constant 0 : i32
      %dma_start3A_682 = tpu.memref_slice %arg6[%dma_start3A_680, %dma_start3A_681] : memref<400x8xf32, #tpu.memory_space<hbm>> -> memref<400x8xf32, #tpu.memory_space<hbm>>
      tpu.enqueue_indirect_dma source(%dma_start3A_682 : memref<400x8xf32, #tpu.memory_space<hbm>>) target(%dma_start3A_677 : memref<128x8xf32, #tpu.memory_space<vmem>>) offsets(%dma_start3A_679 : memref<128xi32, #tpu.memory_space<vmem>>) semaphore(%arg19 : memref<!tpu.dma_semaphore, #tpu.memory_space<semaphore_mem>>)
      %dma_start3A_683 = arith.constant 200 : i32
      %dma_start3A_684 = arith.constant 0 : i32
      %dma_start3A_685 = tpu.memref_slice %arg16[%dma_start3A_683, %dma_start3A_684] : memref<400x8xf32, #tpu.memory_space<vmem>> -> memref<128x8xf32, #tpu.memory_space<vmem>>
      %dma_start3A_686 = arith.constant 600 : i32
      %dma_start3A_687 = tpu.memref_slice %arg11[%dma_start3A_686] : memref<1600xi32, #tpu.memory_space<vmem>> -> memref<128xi32, #tpu.memory_space<vmem>>
      %dma_start3A_688 = arith.constant 0 : i32
      %dma_start3A_689 = arith.constant 0 : i32
      %dma_start3A_690 = tpu.memref_slice %arg7[%dma_start3A_688, %dma_start3A_689] : memref<400x8xf32, #tpu.memory_space<hbm>> -> memref<400x8xf32, #tpu.memory_space<hbm>>
      tpu.enqueue_indirect_dma source(%dma_start3A_690 : memref<400x8xf32, #tpu.memory_space<hbm>>) target(%dma_start3A_685 : memref<128x8xf32, #tpu.memory_space<vmem>>) offsets(%dma_start3A_687 : memref<128xi32, #tpu.memory_space<vmem>>) semaphore(%arg19 : memref<!tpu.dma_semaphore, #tpu.memory_space<semaphore_mem>>)
      %dma_start3A_691 = arith.constant 128 : i32
      %dma_start3A_692 = arith.constant 0 : i32
      %dma_start3A_693 = tpu.memref_slice %arg15[%dma_start3A_691, %dma_start3A_692] : memref<200x56xf32, #tpu.memory_space<vmem>> -> memref<72x56xf32, #tpu.memory_space<vmem>>
      %dma_start3A_694 = arith.constant 728 : i32
      %dma_start3A_695 = tpu.memref_slice %arg9[%dma_start3A_694] : memref<1600xi32, #tpu.memory_space<vmem>> -> memref<72xi32, #tpu.memory_space<vmem>>
      %dma_start3A_696 = arith.constant 0 : i32
      %dma_start3A_697 = arith.constant 0 : i32
      %dma_start3A_698 = tpu.memref_slice %arg5[%dma_start3A_696, %dma_start3A_697] : memref<100000x56xf32, #tpu.memory_space<hbm>> -> memref<100000x56xf32, #tpu.memory_space<hbm>>
      tpu.enqueue_indirect_dma source(%dma_start3A_698 : memref<100000x56xf32, #tpu.memory_space<hbm>>) target(%dma_start3A_693 : memref<72x56xf32, #tpu.memory_space<vmem>>) offsets(%dma_start3A_695 : memref<72xi32, #tpu.memory_space<vmem>>) semaphore(%arg19 : memref<!tpu.dma_semaphore, #tpu.memory_space<semaphore_mem>>)
      %dma_start3A_699 = arith.constant 128 : i32
      %dma_start3A_700 = arith.constant 0 : i32
      %dma_start3A_701 = tpu.memref_slice %arg16[%dma_start3A_699, %dma_start3A_700] : memref<400x8xf32, #tpu.memory_space<vmem>> -> memref<72x8xf32, #tpu.memory_space<vmem>>
      %dma_start3A_702 = arith.constant 728 : i32
      %dma_start3A_703 = tpu.memref_slice %arg10[%dma_start3A_702] : memref<1600xi32, #tpu.memory_space<vmem>> -> memref<72xi32, #tpu.memory_space<vmem>>
      %dma_start3A_704 = arith.constant 0 : i32
      %dma_start3A_705 = arith.constant 0 : i32
      %dma_start3A_706 = tpu.memref_slice %arg6[%dma_start3A_704, %dma_start3A_705] : memref<400x8xf32, #tpu.memory_space<hbm>> -> memref<400x8xf32, #tpu.memory_space<hbm>>
      tpu.enqueue_indirect_dma source(%dma_start3A_706 : memref<400x8xf32, #tpu.memory_space<hbm>>) target(%dma_start3A_701 : memref<72x8xf32, #tpu.memory_space<vmem>>) offsets(%dma_start3A_703 : memref<72xi32, #tpu.memory_space<vmem>>) semaphore(%arg19 : memref<!tpu.dma_semaphore, #tpu.memory_space<semaphore_mem>>)
      %dma_start3A_707 = arith.constant 328 : i32
      %dma_start3A_708 = arith.constant 0 : i32
      %dma_start3A_709 = tpu.memref_slice %arg16[%dma_start3A_707, %dma_start3A_708] : memref<400x8xf32, #tpu.memory_space<vmem>> -> memref<72x8xf32, #tpu.memory_space<vmem>>
      %dma_start3A_710 = arith.constant 728 : i32
      %dma_start3A_711 = tpu.memref_slice %arg11[%dma_start3A_710] : memref<1600xi32, #tpu.memory_space<vmem>> -> memref<72xi32, #tpu.memory_space<vmem>>
      %dma_start3A_712 = arith.constant 0 : i32
      %dma_start3A_713 = arith.constant 0 : i32
      %dma_start3A_714 = tpu.memref_slice %arg7[%dma_start3A_712, %dma_start3A_713] : memref<400x8xf32, #tpu.memory_space<hbm>> -> memref<400x8xf32, #tpu.memory_space<hbm>>
      tpu.enqueue_indirect_dma source(%dma_start3A_714 : memref<400x8xf32, #tpu.memory_space<hbm>>) target(%dma_start3A_709 : memref<72x8xf32, #tpu.memory_space<vmem>>) offsets(%dma_start3A_711 : memref<72xi32, #tpu.memory_space<vmem>>) semaphore(%arg19 : memref<!tpu.dma_semaphore, #tpu.memory_space<semaphore_mem>>)
      %ge3A_715 = arith.constant 2 : i32
      %ge3A_716 = arith.cmpi sge, %add3A_618, %ge3A_715 : i32
      %convert_element_type3A_717 = arith.extui %ge3A_716 : i1 to i32
      %cond3A_718 = arith.constant 0 : i32
      %cond3A_719 = arith.cmpi ne, %convert_element_type3A_717, %cond3A_718 : i32
      scf.if %cond3A_719 {
        %sub3A = arith.constant 2 : i32
        %sub3A_1275 = arith.subi %add3A_618, %sub3A : i32
        %add3A_1276 = arith.addi %mul3A_305, %sub3A_1275 : i32
        %dma_wait3A_1277 = arith.constant 0 : i32
        %dma_wait3A_1278 = arith.constant 0 : i32
        %dma_wait3A_1279 = tpu.memref_slice %arg8[%add3A_1276, %dma_wait3A_1277, %dma_wait3A_1278] : memref<4096x200x60xf32, #tpu.memory_space<hbm>> -> memref<1x200x60xf32, #tpu.memory_space<hbm>>
        %dma_wait3A_1280 = tpu.memref_squeeze %dma_wait3A_1279 : memref<1x200x60xf32, #tpu.memory_space<hbm>> -> memref<200x60xf32, #tpu.memory_space<hbm>>
        %dma_wait3A_1281 = arith.constant 0 : i32
        %dma_wait3A_1282 = arith.constant 0 : i32
        %dma_wait3A_1283 = tpu.memref_slice %arg8[%add3A_1276, %dma_wait3A_1281, %dma_wait3A_1282] : memref<4096x200x60xf32, #tpu.memory_space<hbm>> -> memref<1x200x60xf32, #tpu.memory_space<hbm>>
        %dma_wait3A_1284 = tpu.memref_squeeze %dma_wait3A_1283 : memref<1x200x60xf32, #tpu.memory_space<hbm>> -> memref<200x60xf32, #tpu.memory_space<hbm>>
        tpu.wait_dma2 semaphore(%arg20 : memref<!tpu.dma_semaphore, #tpu.memory_space<semaphore_mem>>) src(%arg14 : memref<200x60xf32, #tpu.memory_space<vmem>>) dst(%dma_wait3A_1284 : memref<200x60xf32, #tpu.memory_space<hbm>>)
      } else {
      }
      %scan3A_720 = arith.constant 0 : i32
      %scan3A_721 = arith.constant 50 : i32
      %scan3A_722 = arith.addi %scan3A_720, %scan3A_721 : i32
      %scan3A_723 = arith.constant 1 : i32
      scf.for %scan3A_1275 = %scan3A_720 to %scan3A_722 step %scan3A_723  : i32 {
        %mul3A_1276 = arith.constant 4 : i32
        %mul3A_1277 = arith.muli %scan3A_1275, %mul3A_1276 : i32
        %add3A_1278 = arith.constant 0 : i32
        %add3A_1279 = arith.addi %mul3A_1277, %add3A_1278 : i32
        %get3A = arith.index_cast %add3A_1279 : i32 to index
        %get3A_1280 = arith.constant 0 : index
        %get3A_1281 = tpu.vector_load %arg12[%get3A, %get3A_1280] {strides = array<i32>} : memref<200x56xf32, #tpu.memory_space<vmem>>, vector<16xf32>,
        %swap3A = arith.index_cast %add3A_1279 : i32 to index
        %swap3A_1282 = arith.constant 0 : index
        %swap3A_1283 = tpu.vector_load %arg14[%swap3A, %swap3A_1282] {strides = array<i32>} : memref<200x60xf32, #tpu.memory_space<vmem>>, vector<16xf32>,
        tpu.vector_store %arg14[%swap3A, %swap3A_1282], %get3A_1281 {strides = array<i32>} : memref<200x60xf32, #tpu.memory_space<vmem>>, vector<16xf32>,
        %get3A_1284 = arith.index_cast %add3A_1279 : i32 to index
        %get3A_1285 = arith.constant 16 : index
        %get3A_1286 = tpu.vector_load %arg12[%get3A_1284, %get3A_1285] {strides = array<i32>} : memref<200x56xf32, #tpu.memory_space<vmem>>, vector<16xf32>,
        %swap3A_1287 = arith.index_cast %add3A_1279 : i32 to index
        %swap3A_1288 = arith.constant 16 : index
        %swap3A_1289 = tpu.vector_load %arg14[%swap3A_1287, %swap3A_1288] {strides = array<i32>} : memref<200x60xf32, #tpu.memory_space<vmem>>, vector<16xf32>,
        tpu.vector_store %arg14[%swap3A_1287, %swap3A_1288], %get3A_1286 {strides = array<i32>} : memref<200x60xf32, #tpu.memory_space<vmem>>, vector<16xf32>,
        %get3A_1290 = arith.index_cast %add3A_1279 : i32 to index
        %get3A_1291 = arith.constant 28 : index
        %get3A_1292 = tpu.vector_load %arg12[%get3A_1290, %get3A_1291] {strides = array<i32>} : memref<200x56xf32, #tpu.memory_space<vmem>>, vector<16xf32>,
        %swap3A_1293 = arith.index_cast %add3A_1279 : i32 to index
        %swap3A_1294 = arith.constant 28 : index
        %swap3A_1295 = tpu.vector_load %arg14[%swap3A_1293, %swap3A_1294] {strides = array<i32>} : memref<200x60xf32, #tpu.memory_space<vmem>>, vector<16xf32>,
        tpu.vector_store %arg14[%swap3A_1293, %swap3A_1294], %get3A_1292 {strides = array<i32>} : memref<200x60xf32, #tpu.memory_space<vmem>>, vector<16xf32>,
        %add3A_1296 = vector.broadcast %add3A_1279 : i32 to vector<16xi32>
        %add3A_1297 = arith.addi %mul3A_303, %add3A_1296 : vector<16xi32>
        %gather3A = tpu.vector_load_idx %arg12[%add3A_1297, %select_n3A_98] : memref<200x56xf32, #tpu.memory_space<vmem>>[vector<16xi32>, vector<16xi32>], vector<16xf32>,
        %add3A_1298 = arith.addi %add3A_1297, %select_n3A_198 : vector<16xi32>
        %gather3A_1299 = tpu.vector_load_idx %arg13[%add3A_1298, %select_n3A_298] : memref<400x8xf32, #tpu.memory_space<vmem>>[vector<16xi32>, vector<16xi32>], vector<16xf32>,
        %select_n3A_1300 = arith.select %lt3A_300, %gather3A, %gather3A_1299 : vector<16xi1>, vector<16xf32>
        %swap3A_1301 = arith.index_cast %add3A_1279 : i32 to index
        %swap3A_1302 = arith.constant 44 : index
        %swap3A_1303 = tpu.vector_load %arg14[%swap3A_1301, %swap3A_1302] {strides = array<i32>} : memref<200x60xf32, #tpu.memory_space<vmem>>, vector<16xf32>,
        tpu.vector_store %arg14[%swap3A_1301, %swap3A_1302], %select_n3A_1300 {strides = array<i32>} : memref<200x60xf32, #tpu.memory_space<vmem>>, vector<16xf32>,
        %add3A_1304 = arith.constant 1 : i32
        %add3A_1305 = arith.addi %mul3A_1277, %add3A_1304 : i32
        %get3A_1306 = arith.index_cast %add3A_1305 : i32 to index
        %get3A_1307 = arith.constant 0 : index
        %get3A_1308 = tpu.vector_load %arg12[%get3A_1306, %get3A_1307] {strides = array<i32>} : memref<200x56xf32, #tpu.memory_space<vmem>>, vector<16xf32>,
        %swap3A_1309 = arith.index_cast %add3A_1305 : i32 to index
        %swap3A_1310 = arith.constant 0 : index
        %swap3A_1311 = tpu.vector_load %arg14[%swap3A_1309, %swap3A_1310] {strides = array<i32>} : memref<200x60xf32, #tpu.memory_space<vmem>>, vector<16xf32>,
        tpu.vector_store %arg14[%swap3A_1309, %swap3A_1310], %get3A_1308 {strides = array<i32>} : memref<200x60xf32, #tpu.memory_space<vmem>>, vector<16xf32>,
        %get3A_1312 = arith.index_cast %add3A_1305 : i32 to index
        %get3A_1313 = arith.constant 16 : index
        %get3A_1314 = tpu.vector_load %arg12[%get3A_1312, %get3A_1313] {strides = array<i32>} : memref<200x56xf32, #tpu.memory_space<vmem>>, vector<16xf32>,
        %swap3A_1315 = arith.index_cast %add3A_1305 : i32 to index
        %swap3A_1316 = arith.constant 16 : index
        %swap3A_1317 = tpu.vector_load %arg14[%swap3A_1315, %swap3A_1316] {strides = array<i32>} : memref<200x60xf32, #tpu.memory_space<vmem>>, vector<16xf32>,
        tpu.vector_store %arg14[%swap3A_1315, %swap3A_1316], %get3A_1314 {strides = array<i32>} : memref<200x60xf32, #tpu.memory_space<vmem>>, vector<16xf32>,
        %get3A_1318 = arith.index_cast %add3A_1305 : i32 to index
        %get3A_1319 = arith.constant 28 : index
        %get3A_1320 = tpu.vector_load %arg12[%get3A_1318, %get3A_1319] {strides = array<i32>} : memref<200x56xf32, #tpu.memory_space<vmem>>, vector<16xf32>,
        %swap3A_1321 = arith.index_cast %add3A_1305 : i32 to index
        %swap3A_1322 = arith.constant 28 : index
        %swap3A_1323 = tpu.vector_load %arg14[%swap3A_1321, %swap3A_1322] {strides = array<i32>} : memref<200x60xf32, #tpu.memory_space<vmem>>, vector<16xf32>,
        tpu.vector_store %arg14[%swap3A_1321, %swap3A_1322], %get3A_1320 {strides = array<i32>} : memref<200x60xf32, #tpu.memory_space<vmem>>, vector<16xf32>,
        %add3A_1324 = vector.broadcast %add3A_1305 : i32 to vector<16xi32>
        %add3A_1325 = arith.addi %mul3A_303, %add3A_1324 : vector<16xi32>
        %gather3A_1326 = tpu.vector_load_idx %arg12[%add3A_1325, %select_n3A_98] : memref<200x56xf32, #tpu.memory_space<vmem>>[vector<16xi32>, vector<16xi32>], vector<16xf32>,
        %add3A_1327 = arith.addi %add3A_1325, %select_n3A_198 : vector<16xi32>
        %gather3A_1328 = tpu.vector_load_idx %arg13[%add3A_1327, %select_n3A_298] : memref<400x8xf32, #tpu.memory_space<vmem>>[vector<16xi32>, vector<16xi32>], vector<16xf32>,
        %select_n3A_1329 = arith.select %lt3A_300, %gather3A_1326, %gather3A_1328 : vector<16xi1>, vector<16xf32>
        %swap3A_1330 = arith.index_cast %add3A_1305 : i32 to index
        %swap3A_1331 = arith.constant 44 : index
        %swap3A_1332 = tpu.vector_load %arg14[%swap3A_1330, %swap3A_1331] {strides = array<i32>} : memref<200x60xf32, #tpu.memory_space<vmem>>, vector<16xf32>,
        tpu.vector_store %arg14[%swap3A_1330, %swap3A_1331], %select_n3A_1329 {strides = array<i32>} : memref<200x60xf32, #tpu.memory_space<vmem>>, vector<16xf32>,
        %add3A_1333 = arith.constant 2 : i32
        %add3A_1334 = arith.addi %mul3A_1277, %add3A_1333 : i32
        %get3A_1335 = arith.index_cast %add3A_1334 : i32 to index
        %get3A_1336 = arith.constant 0 : index
        %get3A_1337 = tpu.vector_load %arg12[%get3A_1335, %get3A_1336] {strides = array<i32>} : memref<200x56xf32, #tpu.memory_space<vmem>>, vector<16xf32>,
        %swap3A_1338 = arith.index_cast %add3A_1334 : i32 to index
        %swap3A_1339 = arith.constant 0 : index
        %swap3A_1340 = tpu.vector_load %arg14[%swap3A_1338, %swap3A_1339] {strides = array<i32>} : memref<200x60xf32, #tpu.memory_space<vmem>>, vector<16xf32>,
        tpu.vector_store %arg14[%swap3A_1338, %swap3A_1339], %get3A_1337 {strides = array<i32>} : memref<200x60xf32, #tpu.memory_space<vmem>>, vector<16xf32>,
        %get3A_1341 = arith.index_cast %add3A_1334 : i32 to index
        %get3A_1342 = arith.constant 16 : index
        %get3A_1343 = tpu.vector_load %arg12[%get3A_1341, %get3A_1342] {strides = array<i32>} : memref<200x56xf32, #tpu.memory_space<vmem>>, vector<16xf32>,
        %swap3A_1344 = arith.index_cast %add3A_1334 : i32 to index
        %swap3A_1345 = arith.constant 16 : index
        %swap3A_1346 = tpu.vector_load %arg14[%swap3A_1344, %swap3A_1345] {strides = array<i32>} : memref<200x60xf32, #tpu.memory_space<vmem>>, vector<16xf32>,
        tpu.vector_store %arg14[%swap3A_1344, %swap3A_1345], %get3A_1343 {strides = array<i32>} : memref<200x60xf32, #tpu.memory_space<vmem>>, vector<16xf32>,
        %get3A_1347 = arith.index_cast %add3A_1334 : i32 to index
        %get3A_1348 = arith.constant 28 : index
        %get3A_1349 = tpu.vector_load %arg12[%get3A_1347, %get3A_1348] {strides = array<i32>} : memref<200x56xf32, #tpu.memory_space<vmem>>, vector<16xf32>,
        %swap3A_1350 = arith.index_cast %add3A_1334 : i32 to index
        %swap3A_1351 = arith.constant 28 : index
        %swap3A_1352 = tpu.vector_load %arg14[%swap3A_1350, %swap3A_1351] {strides = array<i32>} : memref<200x60xf32, #tpu.memory_space<vmem>>, vector<16xf32>,
        tpu.vector_store %arg14[%swap3A_1350, %swap3A_1351], %get3A_1349 {strides = array<i32>} : memref<200x60xf32, #tpu.memory_space<vmem>>, vector<16xf32>,
        %add3A_1353 = vector.broadcast %add3A_1334 : i32 to vector<16xi32>
        %add3A_1354 = arith.addi %mul3A_303, %add3A_1353 : vector<16xi32>
        %gather3A_1355 = tpu.vector_load_idx %arg12[%add3A_1354, %select_n3A_98] : memref<200x56xf32, #tpu.memory_space<vmem>>[vector<16xi32>, vector<16xi32>], vector<16xf32>,
        %add3A_1356 = arith.addi %add3A_1354, %select_n3A_198 : vector<16xi32>
        %gather3A_1357 = tpu.vector_load_idx %arg13[%add3A_1356, %select_n3A_298] : memref<400x8xf32, #tpu.memory_space<vmem>>[vector<16xi32>, vector<16xi32>], vector<16xf32>,
        %select_n3A_1358 = arith.select %lt3A_300, %gather3A_1355, %gather3A_1357 : vector<16xi1>, vector<16xf32>
        %swap3A_1359 = arith.index_cast %add3A_1334 : i32 to index
        %swap3A_1360 = arith.constant 44 : index
        %swap3A_1361 = tpu.vector_load %arg14[%swap3A_1359, %swap3A_1360] {strides = array<i32>} : memref<200x60xf32, #tpu.memory_space<vmem>>, vector<16xf32>,
        tpu.vector_store %arg14[%swap3A_1359, %swap3A_1360], %select_n3A_1358 {strides = array<i32>} : memref<200x60xf32, #tpu.memory_space<vmem>>, vector<16xf32>,
        %add3A_1362 = arith.constant 3 : i32
        %add3A_1363 = arith.addi %mul3A_1277, %add3A_1362 : i32
        %get3A_1364 = arith.index_cast %add3A_1363 : i32 to index
        %get3A_1365 = arith.constant 0 : index
        %get3A_1366 = tpu.vector_load %arg12[%get3A_1364, %get3A_1365] {strides = array<i32>} : memref<200x56xf32, #tpu.memory_space<vmem>>, vector<16xf32>,
        %swap3A_1367 = arith.index_cast %add3A_1363 : i32 to index
        %swap3A_1368 = arith.constant 0 : index
        %swap3A_1369 = tpu.vector_load %arg14[%swap3A_1367, %swap3A_1368] {strides = array<i32>} : memref<200x60xf32, #tpu.memory_space<vmem>>, vector<16xf32>,
        tpu.vector_store %arg14[%swap3A_1367, %swap3A_1368], %get3A_1366 {strides = array<i32>} : memref<200x60xf32, #tpu.memory_space<vmem>>, vector<16xf32>,
        %get3A_1370 = arith.index_cast %add3A_1363 : i32 to index
        %get3A_1371 = arith.constant 16 : index
        %get3A_1372 = tpu.vector_load %arg12[%get3A_1370, %get3A_1371] {strides = array<i32>} : memref<200x56xf32, #tpu.memory_space<vmem>>, vector<16xf32>,
        %swap3A_1373 = arith.index_cast %add3A_1363 : i32 to index
        %swap3A_1374 = arith.constant 16 : index
        %swap3A_1375 = tpu.vector_load %arg14[%swap3A_1373, %swap3A_1374] {strides = array<i32>} : memref<200x60xf32, #tpu.memory_space<vmem>>, vector<16xf32>,
        tpu.vector_store %arg14[%swap3A_1373, %swap3A_1374], %get3A_1372 {strides = array<i32>} : memref<200x60xf32, #tpu.memory_space<vmem>>, vector<16xf32>,
        %get3A_1376 = arith.index_cast %add3A_1363 : i32 to index
        %get3A_1377 = arith.constant 28 : index
        %get3A_1378 = tpu.vector_load %arg12[%get3A_1376, %get3A_1377] {strides = array<i32>} : memref<200x56xf32, #tpu.memory_space<vmem>>, vector<16xf32>,
        %swap3A_1379 = arith.index_cast %add3A_1363 : i32 to index
        %swap3A_1380 = arith.constant 28 : index
        %swap3A_1381 = tpu.vector_load %arg14[%swap3A_1379, %swap3A_1380] {strides = array<i32>} : memref<200x60xf32, #tpu.memory_space<vmem>>, vector<16xf32>,
        tpu.vector_store %arg14[%swap3A_1379, %swap3A_1380], %get3A_1378 {strides = array<i32>} : memref<200x60xf32, #tpu.memory_space<vmem>>, vector<16xf32>,
        %add3A_1382 = vector.broadcast %add3A_1363 : i32 to vector<16xi32>
        %add3A_1383 = arith.addi %mul3A_303, %add3A_1382 : vector<16xi32>
        %gather3A_1384 = tpu.vector_load_idx %arg12[%add3A_1383, %select_n3A_98] : memref<200x56xf32, #tpu.memory_space<vmem>>[vector<16xi32>, vector<16xi32>], vector<16xf32>,
        %add3A_1385 = arith.addi %add3A_1383, %select_n3A_198 : vector<16xi32>
        %gather3A_1386 = tpu.vector_load_idx %arg13[%add3A_1385, %select_n3A_298] : memref<400x8xf32, #tpu.memory_space<vmem>>[vector<16xi32>, vector<16xi32>], vector<16xf32>,
        %select_n3A_1387 = arith.select %lt3A_300, %gather3A_1384, %gather3A_1386 : vector<16xi1>, vector<16xf32>
        %swap3A_1388 = arith.index_cast %add3A_1363 : i32 to index
        %swap3A_1389 = arith.constant 44 : index
        %swap3A_1390 = tpu.vector_load %arg14[%swap3A_1388, %swap3A_1389] {strides = array<i32>} : memref<200x60xf32, #tpu.memory_space<vmem>>, vector<16xf32>,
        tpu.vector_store %arg14[%swap3A_1388, %swap3A_1389], %select_n3A_1387 {strides = array<i32>} : memref<200x60xf32, #tpu.memory_space<vmem>>, vector<16xf32>,
      }
      %scan3A_724 = arith.constant 50 : i32
      %add3A_725 = arith.addi %mul3A_305, %add3A_618 : i32
      %dma_start3A_726 = arith.constant 0 : i32
      %dma_start3A_727 = arith.constant 0 : i32
      %dma_start3A_728 = tpu.memref_slice %arg8[%add3A_725, %dma_start3A_726, %dma_start3A_727] : memref<4096x200x60xf32, #tpu.memory_space<hbm>> -> memref<1x200x60xf32, #tpu.memory_space<hbm>>
      %dma_start3A_729 = tpu.memref_squeeze %dma_start3A_728 : memref<1x200x60xf32, #tpu.memory_space<hbm>> -> memref<200x60xf32, #tpu.memory_space<hbm>>
      %dma_start3A_730 = arith.constant 0 : i32
      %dma_start3A_731 = arith.constant 0 : i32
      %dma_start3A_732 = tpu.memref_slice %arg8[%add3A_725, %dma_start3A_730, %dma_start3A_731] : memref<4096x200x60xf32, #tpu.memory_space<hbm>> -> memref<1x200x60xf32, #tpu.memory_space<hbm>>
      %dma_start3A_733 = tpu.memref_squeeze %dma_start3A_732 : memref<1x200x60xf32, #tpu.memory_space<hbm>> -> memref<200x60xf32, #tpu.memory_space<hbm>>
      tpu.enqueue_dma source(%arg14 : memref<200x60xf32, #tpu.memory_space<vmem>>) target(%dma_start3A_733 : memref<200x60xf32, #tpu.memory_space<hbm>>) target_semaphore(%arg20 : memref<!tpu.dma_semaphore, #tpu.memory_space<semaphore_mem>>)
      %dma_wait3A_734 = arith.constant 0 : i32
      %dma_wait3A_735 = arith.constant 0 : i32
      %dma_wait3A_736 = tpu.memref_slice %arg15[%dma_wait3A_734, %dma_wait3A_735] : memref<200x56xf32, #tpu.memory_space<vmem>> -> memref<128x56xf32, #tpu.memory_space<vmem>>
      %dma_wait3A_737 = arith.constant 600 : i32
      %dma_wait3A_738 = tpu.memref_slice %arg9[%dma_wait3A_737] : memref<1600xi32, #tpu.memory_space<vmem>> -> memref<128xi32, #tpu.memory_space<vmem>>
      %dma_wait3A_739 = arith.constant 0 : i32
      %dma_wait3A_740 = arith.constant 0 : i32
      %dma_wait3A_741 = tpu.memref_slice %arg5[%dma_wait3A_739, %dma_wait3A_740] : memref<100000x56xf32, #tpu.memory_space<hbm>> -> memref<100000x56xf32, #tpu.memory_space<hbm>>
      tpu.wait_indirect_dma semaphore(%arg19 : memref<!tpu.dma_semaphore, #tpu.memory_space<semaphore_mem>>) src(%dma_wait3A_741 : memref<100000x56xf32, #tpu.memory_space<hbm>>) dst(%dma_wait3A_736 : memref<128x56xf32, #tpu.memory_space<vmem>>)
      %dma_wait3A_742 = arith.constant 0 : i32
      %dma_wait3A_743 = arith.constant 0 : i32
      %dma_wait3A_744 = tpu.memref_slice %arg16[%dma_wait3A_742, %dma_wait3A_743] : memref<400x8xf32, #tpu.memory_space<vmem>> -> memref<128x8xf32, #tpu.memory_space<vmem>>
      %dma_wait3A_745 = arith.constant 600 : i32
      %dma_wait3A_746 = tpu.memref_slice %arg10[%dma_wait3A_745] : memref<1600xi32, #tpu.memory_space<vmem>> -> memref<128xi32, #tpu.memory_space<vmem>>
      %dma_wait3A_747 = arith.constant 0 : i32
      %dma_wait3A_748 = arith.constant 0 : i32
      %dma_wait3A_749 = tpu.memref_slice %arg6[%dma_wait3A_747, %dma_wait3A_748] : memref<400x8xf32, #tpu.memory_space<hbm>> -> memref<400x8xf32, #tpu.memory_space<hbm>>
      tpu.wait_indirect_dma semaphore(%arg19 : memref<!tpu.dma_semaphore, #tpu.memory_space<semaphore_mem>>) src(%dma_wait3A_749 : memref<400x8xf32, #tpu.memory_space<hbm>>) dst(%dma_wait3A_744 : memref<128x8xf32, #tpu.memory_space<vmem>>)
      %dma_wait3A_750 = arith.constant 200 : i32
      %dma_wait3A_751 = arith.constant 0 : i32
      %dma_wait3A_752 = tpu.memref_slice %arg16[%dma_wait3A_750, %dma_wait3A_751] : memref<400x8xf32, #tpu.memory_space<vmem>> -> memref<128x8xf32, #tpu.memory_space<vmem>>
      %dma_wait3A_753 = arith.constant 600 : i32
      %dma_wait3A_754 = tpu.memref_slice %arg11[%dma_wait3A_753] : memref<1600xi32, #tpu.memory_space<vmem>> -> memref<128xi32, #tpu.memory_space<vmem>>
      %dma_wait3A_755 = arith.constant 0 : i32
      %dma_wait3A_756 = arith.constant 0 : i32
      %dma_wait3A_757 = tpu.memref_slice %arg7[%dma_wait3A_755, %dma_wait3A_756] : memref<400x8xf32, #tpu.memory_space<hbm>> -> memref<400x8xf32, #tpu.memory_space<hbm>>
      tpu.wait_indirect_dma semaphore(%arg19 : memref<!tpu.dma_semaphore, #tpu.memory_space<semaphore_mem>>) src(%dma_wait3A_757 : memref<400x8xf32, #tpu.memory_space<hbm>>) dst(%dma_wait3A_752 : memref<128x8xf32, #tpu.memory_space<vmem>>)
      %dma_wait3A_758 = arith.constant 128 : i32
      %dma_wait3A_759 = arith.constant 0 : i32
      %dma_wait3A_760 = tpu.memref_slice %arg15[%dma_wait3A_758, %dma_wait3A_759] : memref<200x56xf32, #tpu.memory_space<vmem>> -> memref<72x56xf32, #tpu.memory_space<vmem>>
      %dma_wait3A_761 = arith.constant 728 : i32
      %dma_wait3A_762 = tpu.memref_slice %arg9[%dma_wait3A_761] : memref<1600xi32, #tpu.memory_space<vmem>> -> memref<72xi32, #tpu.memory_space<vmem>>
      %dma_wait3A_763 = arith.constant 0 : i32
      %dma_wait3A_764 = arith.constant 0 : i32
      %dma_wait3A_765 = tpu.memref_slice %arg5[%dma_wait3A_763, %dma_wait3A_764] : memref<100000x56xf32, #tpu.memory_space<hbm>> -> memref<100000x56xf32, #tpu.memory_space<hbm>>
      tpu.wait_indirect_dma semaphore(%arg19 : memref<!tpu.dma_semaphore, #tpu.memory_space<semaphore_mem>>) src(%dma_wait3A_765 : memref<100000x56xf32, #tpu.memory_space<hbm>>) dst(%dma_wait3A_760 : memref<72x56xf32, #tpu.memory_space<vmem>>)
      %dma_wait3A_766 = arith.constant 128 : i32
      %dma_wait3A_767 = arith.constant 0 : i32
      %dma_wait3A_768 = tpu.memref_slice %arg16[%dma_wait3A_766, %dma_wait3A_767] : memref<400x8xf32, #tpu.memory_space<vmem>> -> memref<72x8xf32, #tpu.memory_space<vmem>>
      %dma_wait3A_769 = arith.constant 728 : i32
      %dma_wait3A_770 = tpu.memref_slice %arg10[%dma_wait3A_769] : memref<1600xi32, #tpu.memory_space<vmem>> -> memref<72xi32, #tpu.memory_space<vmem>>
      %dma_wait3A_771 = arith.constant 0 : i32
      %dma_wait3A_772 = arith.constant 0 : i32
      %dma_wait3A_773 = tpu.memref_slice %arg6[%dma_wait3A_771, %dma_wait3A_772] : memref<400x8xf32, #tpu.memory_space<hbm>> -> memref<400x8xf32, #tpu.memory_space<hbm>>
      tpu.wait_indirect_dma semaphore(%arg19 : memref<!tpu.dma_semaphore, #tpu.memory_space<semaphore_mem>>) src(%dma_wait3A_773 : memref<400x8xf32, #tpu.memory_space<hbm>>) dst(%dma_wait3A_768 : memref<72x8xf32, #tpu.memory_space<vmem>>)
      %dma_wait3A_774 = arith.constant 328 : i32
      %dma_wait3A_775 = arith.constant 0 : i32
      %dma_wait3A_776 = tpu.memref_slice %arg16[%dma_wait3A_774, %dma_wait3A_775] : memref<400x8xf32, #tpu.memory_space<vmem>> -> memref<72x8xf32, #tpu.memory_space<vmem>>
      %dma_wait3A_777 = arith.constant 728 : i32
      %dma_wait3A_778 = tpu.memref_slice %arg11[%dma_wait3A_777] : memref<1600xi32, #tpu.memory_space<vmem>> -> memref<72xi32, #tpu.memory_space<vmem>>
      %dma_wait3A_779 = arith.constant 0 : i32
      %dma_wait3A_780 = arith.constant 0 : i32
      %dma_wait3A_781 = tpu.memref_slice %arg7[%dma_wait3A_779, %dma_wait3A_780] : memref<400x8xf32, #tpu.memory_space<hbm>> -> memref<400x8xf32, #tpu.memory_space<hbm>>
      tpu.wait_indirect_dma semaphore(%arg19 : memref<!tpu.dma_semaphore, #tpu.memory_space<semaphore_mem>>) src(%dma_wait3A_781 : memref<400x8xf32, #tpu.memory_space<hbm>>) dst(%dma_wait3A_776 : memref<72x8xf32, #tpu.memory_space<vmem>>)
      %dma_start3A_782 = arith.constant 0 : i32
      %dma_start3A_783 = arith.constant 0 : i32
      %dma_start3A_784 = tpu.memref_slice %arg12[%dma_start3A_782, %dma_start3A_783] : memref<200x56xf32, #tpu.memory_space<vmem>> -> memref<128x56xf32, #tpu.memory_space<vmem>>
      %dma_start3A_785 = arith.constant 800 : i32
      %dma_start3A_786 = tpu.memref_slice %arg9[%dma_start3A_785] : memref<1600xi32, #tpu.memory_space<vmem>> -> memref<128xi32, #tpu.memory_space<vmem>>
      %dma_start3A_787 = arith.constant 0 : i32
      %dma_start3A_788 = arith.constant 0 : i32
      %dma_start3A_789 = tpu.memref_slice %arg5[%dma_start3A_787, %dma_start3A_788] : memref<100000x56xf32, #tpu.memory_space<hbm>> -> memref<100000x56xf32, #tpu.memory_space<hbm>>
      tpu.enqueue_indirect_dma source(%dma_start3A_789 : memref<100000x56xf32, #tpu.memory_space<hbm>>) target(%dma_start3A_784 : memref<128x56xf32, #tpu.memory_space<vmem>>) offsets(%dma_start3A_786 : memref<128xi32, #tpu.memory_space<vmem>>) semaphore(%arg18 : memref<!tpu.dma_semaphore, #tpu.memory_space<semaphore_mem>>)
      %dma_start3A_790 = arith.constant 0 : i32
      %dma_start3A_791 = arith.constant 0 : i32
      %dma_start3A_792 = tpu.memref_slice %arg13[%dma_start3A_790, %dma_start3A_791] : memref<400x8xf32, #tpu.memory_space<vmem>> -> memref<128x8xf32, #tpu.memory_space<vmem>>
      %dma_start3A_793 = arith.constant 800 : i32
      %dma_start3A_794 = tpu.memref_slice %arg10[%dma_start3A_793] : memref<1600xi32, #tpu.memory_space<vmem>> -> memref<128xi32, #tpu.memory_space<vmem>>
      %dma_start3A_795 = arith.constant 0 : i32
      %dma_start3A_796 = arith.constant 0 : i32
      %dma_start3A_797 = tpu.memref_slice %arg6[%dma_start3A_795, %dma_start3A_796] : memref<400x8xf32, #tpu.memory_space<hbm>> -> memref<400x8xf32, #tpu.memory_space<hbm>>
      tpu.enqueue_indirect_dma source(%dma_start3A_797 : memref<400x8xf32, #tpu.memory_space<hbm>>) target(%dma_start3A_792 : memref<128x8xf32, #tpu.memory_space<vmem>>) offsets(%dma_start3A_794 : memref<128xi32, #tpu.memory_space<vmem>>) semaphore(%arg18 : memref<!tpu.dma_semaphore, #tpu.memory_space<semaphore_mem>>)
      %dma_start3A_798 = arith.constant 200 : i32
      %dma_start3A_799 = arith.constant 0 : i32
      %dma_start3A_800 = tpu.memref_slice %arg13[%dma_start3A_798, %dma_start3A_799] : memref<400x8xf32, #tpu.memory_space<vmem>> -> memref<128x8xf32, #tpu.memory_space<vmem>>
      %dma_start3A_801 = arith.constant 800 : i32
      %dma_start3A_802 = tpu.memref_slice %arg11[%dma_start3A_801] : memref<1600xi32, #tpu.memory_space<vmem>> -> memref<128xi32, #tpu.memory_space<vmem>>
      %dma_start3A_803 = arith.constant 0 : i32
      %dma_start3A_804 = arith.constant 0 : i32
      %dma_start3A_805 = tpu.memref_slice %arg7[%dma_start3A_803, %dma_start3A_804] : memref<400x8xf32, #tpu.memory_space<hbm>> -> memref<400x8xf32, #tpu.memory_space<hbm>>
      tpu.enqueue_indirect_dma source(%dma_start3A_805 : memref<400x8xf32, #tpu.memory_space<hbm>>) target(%dma_start3A_800 : memref<128x8xf32, #tpu.memory_space<vmem>>) offsets(%dma_start3A_802 : memref<128xi32, #tpu.memory_space<vmem>>) semaphore(%arg18 : memref<!tpu.dma_semaphore, #tpu.memory_space<semaphore_mem>>)
      %dma_start3A_806 = arith.constant 128 : i32
      %dma_start3A_807 = arith.constant 0 : i32
      %dma_start3A_808 = tpu.memref_slice %arg12[%dma_start3A_806, %dma_start3A_807] : memref<200x56xf32, #tpu.memory_space<vmem>> -> memref<72x56xf32, #tpu.memory_space<vmem>>
      %dma_start3A_809 = arith.constant 928 : i32
      %dma_start3A_810 = tpu.memref_slice %arg9[%dma_start3A_809] : memref<1600xi32, #tpu.memory_space<vmem>> -> memref<72xi32, #tpu.memory_space<vmem>>
      %dma_start3A_811 = arith.constant 0 : i32
      %dma_start3A_812 = arith.constant 0 : i32
      %dma_start3A_813 = tpu.memref_slice %arg5[%dma_start3A_811, %dma_start3A_812] : memref<100000x56xf32, #tpu.memory_space<hbm>> -> memref<100000x56xf32, #tpu.memory_space<hbm>>
      tpu.enqueue_indirect_dma source(%dma_start3A_813 : memref<100000x56xf32, #tpu.memory_space<hbm>>) target(%dma_start3A_808 : memref<72x56xf32, #tpu.memory_space<vmem>>) offsets(%dma_start3A_810 : memref<72xi32, #tpu.memory_space<vmem>>) semaphore(%arg18 : memref<!tpu.dma_semaphore, #tpu.memory_space<semaphore_mem>>)
      %dma_start3A_814 = arith.constant 128 : i32
      %dma_start3A_815 = arith.constant 0 : i32
      %dma_start3A_816 = tpu.memref_slice %arg13[%dma_start3A_814, %dma_start3A_815] : memref<400x8xf32, #tpu.memory_space<vmem>> -> memref<72x8xf32, #tpu.memory_space<vmem>>
      %dma_start3A_817 = arith.constant 928 : i32
      %dma_start3A_818 = tpu.memref_slice %arg10[%dma_start3A_817] : memref<1600xi32, #tpu.memory_space<vmem>> -> memref<72xi32, #tpu.memory_space<vmem>>
      %dma_start3A_819 = arith.constant 0 : i32
      %dma_start3A_820 = arith.constant 0 : i32
      %dma_start3A_821 = tpu.memref_slice %arg6[%dma_start3A_819, %dma_start3A_820] : memref<400x8xf32, #tpu.memory_space<hbm>> -> memref<400x8xf32, #tpu.memory_space<hbm>>
      tpu.enqueue_indirect_dma source(%dma_start3A_821 : memref<400x8xf32, #tpu.memory_space<hbm>>) target(%dma_start3A_816 : memref<72x8xf32, #tpu.memory_space<vmem>>) offsets(%dma_start3A_818 : memref<72xi32, #tpu.memory_space<vmem>>) semaphore(%arg18 : memref<!tpu.dma_semaphore, #tpu.memory_space<semaphore_mem>>)
      %dma_start3A_822 = arith.constant 328 : i32
      %dma_start3A_823 = arith.constant 0 : i32
      %dma_start3A_824 = tpu.memref_slice %arg13[%dma_start3A_822, %dma_start3A_823] : memref<400x8xf32, #tpu.memory_space<vmem>> -> memref<72x8xf32, #tpu.memory_space<vmem>>
      %dma_start3A_825 = arith.constant 928 : i32
      %dma_start3A_826 = tpu.memref_slice %arg11[%dma_start3A_825] : memref<1600xi32, #tpu.memory_space<vmem>> -> memref<72xi32, #tpu.memory_space<vmem>>
      %dma_start3A_827 = arith.constant 0 : i32
      %dma_start3A_828 = arith.constant 0 : i32
      %dma_start3A_829 = tpu.memref_slice %arg7[%dma_start3A_827, %dma_start3A_828] : memref<400x8xf32, #tpu.memory_space<hbm>> -> memref<400x8xf32, #tpu.memory_space<hbm>>
      tpu.enqueue_indirect_dma source(%dma_start3A_829 : memref<400x8xf32, #tpu.memory_space<hbm>>) target(%dma_start3A_824 : memref<72x8xf32, #tpu.memory_space<vmem>>) offsets(%dma_start3A_826 : memref<72xi32, #tpu.memory_space<vmem>>) semaphore(%arg18 : memref<!tpu.dma_semaphore, #tpu.memory_space<semaphore_mem>>)
      %ge3A_830 = arith.constant 1 : i32
      %ge3A_831 = arith.cmpi sge, %add3A_618, %ge3A_830 : i32
      %convert_element_type3A_832 = arith.extui %ge3A_831 : i1 to i32
      %cond3A_833 = arith.constant 0 : i32
      %cond3A_834 = arith.cmpi ne, %convert_element_type3A_832, %cond3A_833 : i32
      scf.if %cond3A_834 {
        %sub3A = arith.constant 1 : i32
        %sub3A_1275 = arith.subi %add3A_618, %sub3A : i32
        %add3A_1276 = arith.addi %mul3A_305, %sub3A_1275 : i32
        %dma_wait3A_1277 = arith.constant 0 : i32
        %dma_wait3A_1278 = arith.constant 0 : i32
        %dma_wait3A_1279 = tpu.memref_slice %arg8[%add3A_1276, %dma_wait3A_1277, %dma_wait3A_1278] : memref<4096x200x60xf32, #tpu.memory_space<hbm>> -> memref<1x200x60xf32, #tpu.memory_space<hbm>>
        %dma_wait3A_1280 = tpu.memref_squeeze %dma_wait3A_1279 : memref<1x200x60xf32, #tpu.memory_space<hbm>> -> memref<200x60xf32, #tpu.memory_space<hbm>>
        %dma_wait3A_1281 = arith.constant 0 : i32
        %dma_wait3A_1282 = arith.constant 0 : i32
        %dma_wait3A_1283 = tpu.memref_slice %arg8[%add3A_1276, %dma_wait3A_1281, %dma_wait3A_1282] : memref<4096x200x60xf32, #tpu.memory_space<hbm>> -> memref<1x200x60xf32, #tpu.memory_space<hbm>>
        %dma_wait3A_1284 = tpu.memref_squeeze %dma_wait3A_1283 : memref<1x200x60xf32, #tpu.memory_space<hbm>> -> memref<200x60xf32, #tpu.memory_space<hbm>>
        tpu.wait_dma2 semaphore(%arg21 : memref<!tpu.dma_semaphore, #tpu.memory_space<semaphore_mem>>) src(%arg17 : memref<200x60xf32, #tpu.memory_space<vmem>>) dst(%dma_wait3A_1284 : memref<200x60xf32, #tpu.memory_space<hbm>>)
      } else {
      }
      %scan3A_835 = arith.constant 0 : i32
      %scan3A_836 = arith.constant 50 : i32
      %scan3A_837 = arith.addi %scan3A_835, %scan3A_836 : i32
      %scan3A_838 = arith.constant 1 : i32
      scf.for %scan3A_1275 = %scan3A_835 to %scan3A_837 step %scan3A_838  : i32 {
        %mul3A_1276 = arith.constant 4 : i32
        %mul3A_1277 = arith.muli %scan3A_1275, %mul3A_1276 : i32
        %add3A_1278 = arith.constant 0 : i32
        %add3A_1279 = arith.addi %mul3A_1277, %add3A_1278 : i32
        %get3A = arith.index_cast %add3A_1279 : i32 to index
        %get3A_1280 = arith.constant 0 : index
        %get3A_1281 = tpu.vector_load %arg15[%get3A, %get3A_1280] {strides = array<i32>} : memref<200x56xf32, #tpu.memory_space<vmem>>, vector<16xf32>,
        %swap3A = arith.index_cast %add3A_1279 : i32 to index
        %swap3A_1282 = arith.constant 0 : index
        %swap3A_1283 = tpu.vector_load %arg17[%swap3A, %swap3A_1282] {strides = array<i32>} : memref<200x60xf32, #tpu.memory_space<vmem>>, vector<16xf32>,
        tpu.vector_store %arg17[%swap3A, %swap3A_1282], %get3A_1281 {strides = array<i32>} : memref<200x60xf32, #tpu.memory_space<vmem>>, vector<16xf32>,
        %get3A_1284 = arith.index_cast %add3A_1279 : i32 to index
        %get3A_1285 = arith.constant 16 : index
        %get3A_1286 = tpu.vector_load %arg15[%get3A_1284, %get3A_1285] {strides = array<i32>} : memref<200x56xf32, #tpu.memory_space<vmem>>, vector<16xf32>,
        %swap3A_1287 = arith.index_cast %add3A_1279 : i32 to index
        %swap3A_1288 = arith.constant 16 : index
        %swap3A_1289 = tpu.vector_load %arg17[%swap3A_1287, %swap3A_1288] {strides = array<i32>} : memref<200x60xf32, #tpu.memory_space<vmem>>, vector<16xf32>,
        tpu.vector_store %arg17[%swap3A_1287, %swap3A_1288], %get3A_1286 {strides = array<i32>} : memref<200x60xf32, #tpu.memory_space<vmem>>, vector<16xf32>,
        %get3A_1290 = arith.index_cast %add3A_1279 : i32 to index
        %get3A_1291 = arith.constant 28 : index
        %get3A_1292 = tpu.vector_load %arg15[%get3A_1290, %get3A_1291] {strides = array<i32>} : memref<200x56xf32, #tpu.memory_space<vmem>>, vector<16xf32>,
        %swap3A_1293 = arith.index_cast %add3A_1279 : i32 to index
        %swap3A_1294 = arith.constant 28 : index
        %swap3A_1295 = tpu.vector_load %arg17[%swap3A_1293, %swap3A_1294] {strides = array<i32>} : memref<200x60xf32, #tpu.memory_space<vmem>>, vector<16xf32>,
        tpu.vector_store %arg17[%swap3A_1293, %swap3A_1294], %get3A_1292 {strides = array<i32>} : memref<200x60xf32, #tpu.memory_space<vmem>>, vector<16xf32>,
        %add3A_1296 = vector.broadcast %add3A_1279 : i32 to vector<16xi32>
        %add3A_1297 = arith.addi %mul3A_303, %add3A_1296 : vector<16xi32>
        %gather3A = tpu.vector_load_idx %arg15[%add3A_1297, %select_n3A_98] : memref<200x56xf32, #tpu.memory_space<vmem>>[vector<16xi32>, vector<16xi32>], vector<16xf32>,
        %add3A_1298 = arith.addi %add3A_1297, %select_n3A_198 : vector<16xi32>
        %gather3A_1299 = tpu.vector_load_idx %arg16[%add3A_1298, %select_n3A_298] : memref<400x8xf32, #tpu.memory_space<vmem>>[vector<16xi32>, vector<16xi32>], vector<16xf32>,
        %select_n3A_1300 = arith.select %lt3A_300, %gather3A, %gather3A_1299 : vector<16xi1>, vector<16xf32>
        %swap3A_1301 = arith.index_cast %add3A_1279 : i32 to index
        %swap3A_1302 = arith.constant 44 : index
        %swap3A_1303 = tpu.vector_load %arg17[%swap3A_1301, %swap3A_1302] {strides = array<i32>} : memref<200x60xf32, #tpu.memory_space<vmem>>, vector<16xf32>,
        tpu.vector_store %arg17[%swap3A_1301, %swap3A_1302], %select_n3A_1300 {strides = array<i32>} : memref<200x60xf32, #tpu.memory_space<vmem>>, vector<16xf32>,
        %add3A_1304 = arith.constant 1 : i32
        %add3A_1305 = arith.addi %mul3A_1277, %add3A_1304 : i32
        %get3A_1306 = arith.index_cast %add3A_1305 : i32 to index
        %get3A_1307 = arith.constant 0 : index
        %get3A_1308 = tpu.vector_load %arg15[%get3A_1306, %get3A_1307] {strides = array<i32>} : memref<200x56xf32, #tpu.memory_space<vmem>>, vector<16xf32>,
        %swap3A_1309 = arith.index_cast %add3A_1305 : i32 to index
        %swap3A_1310 = arith.constant 0 : index
        %swap3A_1311 = tpu.vector_load %arg17[%swap3A_1309, %swap3A_1310] {strides = array<i32>} : memref<200x60xf32, #tpu.memory_space<vmem>>, vector<16xf32>,
        tpu.vector_store %arg17[%swap3A_1309, %swap3A_1310], %get3A_1308 {strides = array<i32>} : memref<200x60xf32, #tpu.memory_space<vmem>>, vector<16xf32>,
        %get3A_1312 = arith.index_cast %add3A_1305 : i32 to index
        %get3A_1313 = arith.constant 16 : index
        %get3A_1314 = tpu.vector_load %arg15[%get3A_1312, %get3A_1313] {strides = array<i32>} : memref<200x56xf32, #tpu.memory_space<vmem>>, vector<16xf32>,
        %swap3A_1315 = arith.index_cast %add3A_1305 : i32 to index
        %swap3A_1316 = arith.constant 16 : index
        %swap3A_1317 = tpu.vector_load %arg17[%swap3A_1315, %swap3A_1316] {strides = array<i32>} : memref<200x60xf32, #tpu.memory_space<vmem>>, vector<16xf32>,
        tpu.vector_store %arg17[%swap3A_1315, %swap3A_1316], %get3A_1314 {strides = array<i32>} : memref<200x60xf32, #tpu.memory_space<vmem>>, vector<16xf32>,
        %get3A_1318 = arith.index_cast %add3A_1305 : i32 to index
        %get3A_1319 = arith.constant 28 : index
        %get3A_1320 = tpu.vector_load %arg15[%get3A_1318, %get3A_1319] {strides = array<i32>} : memref<200x56xf32, #tpu.memory_space<vmem>>, vector<16xf32>,
        %swap3A_1321 = arith.index_cast %add3A_1305 : i32 to index
        %swap3A_1322 = arith.constant 28 : index
        %swap3A_1323 = tpu.vector_load %arg17[%swap3A_1321, %swap3A_1322] {strides = array<i32>} : memref<200x60xf32, #tpu.memory_space<vmem>>, vector<16xf32>,
        tpu.vector_store %arg17[%swap3A_1321, %swap3A_1322], %get3A_1320 {strides = array<i32>} : memref<200x60xf32, #tpu.memory_space<vmem>>, vector<16xf32>,
        %add3A_1324 = vector.broadcast %add3A_1305 : i32 to vector<16xi32>
        %add3A_1325 = arith.addi %mul3A_303, %add3A_1324 : vector<16xi32>
        %gather3A_1326 = tpu.vector_load_idx %arg15[%add3A_1325, %select_n3A_98] : memref<200x56xf32, #tpu.memory_space<vmem>>[vector<16xi32>, vector<16xi32>], vector<16xf32>,
        %add3A_1327 = arith.addi %add3A_1325, %select_n3A_198 : vector<16xi32>
        %gather3A_1328 = tpu.vector_load_idx %arg16[%add3A_1327, %select_n3A_298] : memref<400x8xf32, #tpu.memory_space<vmem>>[vector<16xi32>, vector<16xi32>], vector<16xf32>,
        %select_n3A_1329 = arith.select %lt3A_300, %gather3A_1326, %gather3A_1328 : vector<16xi1>, vector<16xf32>
        %swap3A_1330 = arith.index_cast %add3A_1305 : i32 to index
        %swap3A_1331 = arith.constant 44 : index
        %swap3A_1332 = tpu.vector_load %arg17[%swap3A_1330, %swap3A_1331] {strides = array<i32>} : memref<200x60xf32, #tpu.memory_space<vmem>>, vector<16xf32>,
        tpu.vector_store %arg17[%swap3A_1330, %swap3A_1331], %select_n3A_1329 {strides = array<i32>} : memref<200x60xf32, #tpu.memory_space<vmem>>, vector<16xf32>,
        %add3A_1333 = arith.constant 2 : i32
        %add3A_1334 = arith.addi %mul3A_1277, %add3A_1333 : i32
        %get3A_1335 = arith.index_cast %add3A_1334 : i32 to index
        %get3A_1336 = arith.constant 0 : index
        %get3A_1337 = tpu.vector_load %arg15[%get3A_1335, %get3A_1336] {strides = array<i32>} : memref<200x56xf32, #tpu.memory_space<vmem>>, vector<16xf32>,
        %swap3A_1338 = arith.index_cast %add3A_1334 : i32 to index
        %swap3A_1339 = arith.constant 0 : index
        %swap3A_1340 = tpu.vector_load %arg17[%swap3A_1338, %swap3A_1339] {strides = array<i32>} : memref<200x60xf32, #tpu.memory_space<vmem>>, vector<16xf32>,
        tpu.vector_store %arg17[%swap3A_1338, %swap3A_1339], %get3A_1337 {strides = array<i32>} : memref<200x60xf32, #tpu.memory_space<vmem>>, vector<16xf32>,
        %get3A_1341 = arith.index_cast %add3A_1334 : i32 to index
        %get3A_1342 = arith.constant 16 : index
        %get3A_1343 = tpu.vector_load %arg15[%get3A_1341, %get3A_1342] {strides = array<i32>} : memref<200x56xf32, #tpu.memory_space<vmem>>, vector<16xf32>,
        %swap3A_1344 = arith.index_cast %add3A_1334 : i32 to index
        %swap3A_1345 = arith.constant 16 : index
        %swap3A_1346 = tpu.vector_load %arg17[%swap3A_1344, %swap3A_1345] {strides = array<i32>} : memref<200x60xf32, #tpu.memory_space<vmem>>, vector<16xf32>,
        tpu.vector_store %arg17[%swap3A_1344, %swap3A_1345], %get3A_1343 {strides = array<i32>} : memref<200x60xf32, #tpu.memory_space<vmem>>, vector<16xf32>,
        %get3A_1347 = arith.index_cast %add3A_1334 : i32 to index
        %get3A_1348 = arith.constant 28 : index
        %get3A_1349 = tpu.vector_load %arg15[%get3A_1347, %get3A_1348] {strides = array<i32>} : memref<200x56xf32, #tpu.memory_space<vmem>>, vector<16xf32>,
        %swap3A_1350 = arith.index_cast %add3A_1334 : i32 to index
        %swap3A_1351 = arith.constant 28 : index
        %swap3A_1352 = tpu.vector_load %arg17[%swap3A_1350, %swap3A_1351] {strides = array<i32>} : memref<200x60xf32, #tpu.memory_space<vmem>>, vector<16xf32>,
        tpu.vector_store %arg17[%swap3A_1350, %swap3A_1351], %get3A_1349 {strides = array<i32>} : memref<200x60xf32, #tpu.memory_space<vmem>>, vector<16xf32>,
        %add3A_1353 = vector.broadcast %add3A_1334 : i32 to vector<16xi32>
        %add3A_1354 = arith.addi %mul3A_303, %add3A_1353 : vector<16xi32>
        %gather3A_1355 = tpu.vector_load_idx %arg15[%add3A_1354, %select_n3A_98] : memref<200x56xf32, #tpu.memory_space<vmem>>[vector<16xi32>, vector<16xi32>], vector<16xf32>,
        %add3A_1356 = arith.addi %add3A_1354, %select_n3A_198 : vector<16xi32>
        %gather3A_1357 = tpu.vector_load_idx %arg16[%add3A_1356, %select_n3A_298] : memref<400x8xf32, #tpu.memory_space<vmem>>[vector<16xi32>, vector<16xi32>], vector<16xf32>,
        %select_n3A_1358 = arith.select %lt3A_300, %gather3A_1355, %gather3A_1357 : vector<16xi1>, vector<16xf32>
        %swap3A_1359 = arith.index_cast %add3A_1334 : i32 to index
        %swap3A_1360 = arith.constant 44 : index
        %swap3A_1361 = tpu.vector_load %arg17[%swap3A_1359, %swap3A_1360] {strides = array<i32>} : memref<200x60xf32, #tpu.memory_space<vmem>>, vector<16xf32>,
        tpu.vector_store %arg17[%swap3A_1359, %swap3A_1360], %select_n3A_1358 {strides = array<i32>} : memref<200x60xf32, #tpu.memory_space<vmem>>, vector<16xf32>,
        %add3A_1362 = arith.constant 3 : i32
        %add3A_1363 = arith.addi %mul3A_1277, %add3A_1362 : i32
        %get3A_1364 = arith.index_cast %add3A_1363 : i32 to index
        %get3A_1365 = arith.constant 0 : index
        %get3A_1366 = tpu.vector_load %arg15[%get3A_1364, %get3A_1365] {strides = array<i32>} : memref<200x56xf32, #tpu.memory_space<vmem>>, vector<16xf32>,
        %swap3A_1367 = arith.index_cast %add3A_1363 : i32 to index
        %swap3A_1368 = arith.constant 0 : index
        %swap3A_1369 = tpu.vector_load %arg17[%swap3A_1367, %swap3A_1368] {strides = array<i32>} : memref<200x60xf32, #tpu.memory_space<vmem>>, vector<16xf32>,
        tpu.vector_store %arg17[%swap3A_1367, %swap3A_1368], %get3A_1366 {strides = array<i32>} : memref<200x60xf32, #tpu.memory_space<vmem>>, vector<16xf32>,
        %get3A_1370 = arith.index_cast %add3A_1363 : i32 to index
        %get3A_1371 = arith.constant 16 : index
        %get3A_1372 = tpu.vector_load %arg15[%get3A_1370, %get3A_1371] {strides = array<i32>} : memref<200x56xf32, #tpu.memory_space<vmem>>, vector<16xf32>,
        %swap3A_1373 = arith.index_cast %add3A_1363 : i32 to index
        %swap3A_1374 = arith.constant 16 : index
        %swap3A_1375 = tpu.vector_load %arg17[%swap3A_1373, %swap3A_1374] {strides = array<i32>} : memref<200x60xf32, #tpu.memory_space<vmem>>, vector<16xf32>,
        tpu.vector_store %arg17[%swap3A_1373, %swap3A_1374], %get3A_1372 {strides = array<i32>} : memref<200x60xf32, #tpu.memory_space<vmem>>, vector<16xf32>,
        %get3A_1376 = arith.index_cast %add3A_1363 : i32 to index
        %get3A_1377 = arith.constant 28 : index
        %get3A_1378 = tpu.vector_load %arg15[%get3A_1376, %get3A_1377] {strides = array<i32>} : memref<200x56xf32, #tpu.memory_space<vmem>>, vector<16xf32>,
        %swap3A_1379 = arith.index_cast %add3A_1363 : i32 to index
        %swap3A_1380 = arith.constant 28 : index
        %swap3A_1381 = tpu.vector_load %arg17[%swap3A_1379, %swap3A_1380] {strides = array<i32>} : memref<200x60xf32, #tpu.memory_space<vmem>>, vector<16xf32>,
        tpu.vector_store %arg17[%swap3A_1379, %swap3A_1380], %get3A_1378 {strides = array<i32>} : memref<200x60xf32, #tpu.memory_space<vmem>>, vector<16xf32>,
        %add3A_1382 = vector.broadcast %add3A_1363 : i32 to vector<16xi32>
        %add3A_1383 = arith.addi %mul3A_303, %add3A_1382 : vector<16xi32>
        %gather3A_1384 = tpu.vector_load_idx %arg15[%add3A_1383, %select_n3A_98] : memref<200x56xf32, #tpu.memory_space<vmem>>[vector<16xi32>, vector<16xi32>], vector<16xf32>,
        %add3A_1385 = arith.addi %add3A_1383, %select_n3A_198 : vector<16xi32>
        %gather3A_1386 = tpu.vector_load_idx %arg16[%add3A_1385, %select_n3A_298] : memref<400x8xf32, #tpu.memory_space<vmem>>[vector<16xi32>, vector<16xi32>], vector<16xf32>,
        %select_n3A_1387 = arith.select %lt3A_300, %gather3A_1384, %gather3A_1386 : vector<16xi1>, vector<16xf32>
        %swap3A_1388 = arith.index_cast %add3A_1363 : i32 to index
        %swap3A_1389 = arith.constant 44 : index
        %swap3A_1390 = tpu.vector_load %arg17[%swap3A_1388, %swap3A_1389] {strides = array<i32>} : memref<200x60xf32, #tpu.memory_space<vmem>>, vector<16xf32>,
        tpu.vector_store %arg17[%swap3A_1388, %swap3A_1389], %select_n3A_1387 {strides = array<i32>} : memref<200x60xf32, #tpu.memory_space<vmem>>, vector<16xf32>,
      }
      %scan3A_839 = arith.constant 50 : i32
      %add3A_840 = arith.constant 1 : i32
      %add3A_841 = arith.addi %add3A_618, %add3A_840 : i32
      %add3A_842 = arith.addi %mul3A_305, %add3A_841 : i32
      %dma_start3A_843 = arith.constant 0 : i32
      %dma_start3A_844 = arith.constant 0 : i32
      %dma_start3A_845 = tpu.memref_slice %arg8[%add3A_842, %dma_start3A_843, %dma_start3A_844] : memref<4096x200x60xf32, #tpu.memory_space<hbm>> -> memref<1x200x60xf32, #tpu.memory_space<hbm>>
      %dma_start3A_846 = tpu.memref_squeeze %dma_start3A_845 : memref<1x200x60xf32, #tpu.memory_space<hbm>> -> memref<200x60xf32, #tpu.memory_space<hbm>>
      %dma_start3A_847 = arith.constant 0 : i32
      %dma_start3A_848 = arith.constant 0 : i32
      %dma_start3A_849 = tpu.memref_slice %arg8[%add3A_842, %dma_start3A_847, %dma_start3A_848] : memref<4096x200x60xf32, #tpu.memory_space<hbm>> -> memref<1x200x60xf32, #tpu.memory_space<hbm>>
      %dma_start3A_850 = tpu.memref_squeeze %dma_start3A_849 : memref<1x200x60xf32, #tpu.memory_space<hbm>> -> memref<200x60xf32, #tpu.memory_space<hbm>>
      tpu.enqueue_dma source(%arg17 : memref<200x60xf32, #tpu.memory_space<vmem>>) target(%dma_start3A_850 : memref<200x60xf32, #tpu.memory_space<hbm>>) target_semaphore(%arg21 : memref<!tpu.dma_semaphore, #tpu.memory_space<semaphore_mem>>)
      %mul3A_851 = arith.constant 8 : i32
      %mul3A_852 = arith.muli %scan3A_329, %mul3A_851 : i32
      %add3A_853 = arith.constant 4 : i32
      %add3A_854 = arith.addi %mul3A_852, %add3A_853 : i32
      %dma_wait3A_855 = arith.constant 0 : i32
      %dma_wait3A_856 = arith.constant 0 : i32
      %dma_wait3A_857 = tpu.memref_slice %arg12[%dma_wait3A_855, %dma_wait3A_856] : memref<200x56xf32, #tpu.memory_space<vmem>> -> memref<128x56xf32, #tpu.memory_space<vmem>>
      %dma_wait3A_858 = arith.constant 800 : i32
      %dma_wait3A_859 = tpu.memref_slice %arg9[%dma_wait3A_858] : memref<1600xi32, #tpu.memory_space<vmem>> -> memref<128xi32, #tpu.memory_space<vmem>>
      %dma_wait3A_860 = arith.constant 0 : i32
      %dma_wait3A_861 = arith.constant 0 : i32
      %dma_wait3A_862 = tpu.memref_slice %arg5[%dma_wait3A_860, %dma_wait3A_861] : memref<100000x56xf32, #tpu.memory_space<hbm>> -> memref<100000x56xf32, #tpu.memory_space<hbm>>
      tpu.wait_indirect_dma semaphore(%arg18 : memref<!tpu.dma_semaphore, #tpu.memory_space<semaphore_mem>>) src(%dma_wait3A_862 : memref<100000x56xf32, #tpu.memory_space<hbm>>) dst(%dma_wait3A_857 : memref<128x56xf32, #tpu.memory_space<vmem>>)
      %dma_wait3A_863 = arith.constant 0 : i32
      %dma_wait3A_864 = arith.constant 0 : i32
      %dma_wait3A_865 = tpu.memref_slice %arg13[%dma_wait3A_863, %dma_wait3A_864] : memref<400x8xf32, #tpu.memory_space<vmem>> -> memref<128x8xf32, #tpu.memory_space<vmem>>
      %dma_wait3A_866 = arith.constant 800 : i32
      %dma_wait3A_867 = tpu.memref_slice %arg10[%dma_wait3A_866] : memref<1600xi32, #tpu.memory_space<vmem>> -> memref<128xi32, #tpu.memory_space<vmem>>
      %dma_wait3A_868 = arith.constant 0 : i32
      %dma_wait3A_869 = arith.constant 0 : i32
      %dma_wait3A_870 = tpu.memref_slice %arg6[%dma_wait3A_868, %dma_wait3A_869] : memref<400x8xf32, #tpu.memory_space<hbm>> -> memref<400x8xf32, #tpu.memory_space<hbm>>
      tpu.wait_indirect_dma semaphore(%arg18 : memref<!tpu.dma_semaphore, #tpu.memory_space<semaphore_mem>>) src(%dma_wait3A_870 : memref<400x8xf32, #tpu.memory_space<hbm>>) dst(%dma_wait3A_865 : memref<128x8xf32, #tpu.memory_space<vmem>>)
      %dma_wait3A_871 = arith.constant 200 : i32
      %dma_wait3A_872 = arith.constant 0 : i32
      %dma_wait3A_873 = tpu.memref_slice %arg13[%dma_wait3A_871, %dma_wait3A_872] : memref<400x8xf32, #tpu.memory_space<vmem>> -> memref<128x8xf32, #tpu.memory_space<vmem>>
      %dma_wait3A_874 = arith.constant 800 : i32
      %dma_wait3A_875 = tpu.memref_slice %arg11[%dma_wait3A_874] : memref<1600xi32, #tpu.memory_space<vmem>> -> memref<128xi32, #tpu.memory_space<vmem>>
      %dma_wait3A_876 = arith.constant 0 : i32
      %dma_wait3A_877 = arith.constant 0 : i32
      %dma_wait3A_878 = tpu.memref_slice %arg7[%dma_wait3A_876, %dma_wait3A_877] : memref<400x8xf32, #tpu.memory_space<hbm>> -> memref<400x8xf32, #tpu.memory_space<hbm>>
      tpu.wait_indirect_dma semaphore(%arg18 : memref<!tpu.dma_semaphore, #tpu.memory_space<semaphore_mem>>) src(%dma_wait3A_878 : memref<400x8xf32, #tpu.memory_space<hbm>>) dst(%dma_wait3A_873 : memref<128x8xf32, #tpu.memory_space<vmem>>)
      %dma_wait3A_879 = arith.constant 128 : i32
      %dma_wait3A_880 = arith.constant 0 : i32
      %dma_wait3A_881 = tpu.memref_slice %arg12[%dma_wait3A_879, %dma_wait3A_880] : memref<200x56xf32, #tpu.memory_space<vmem>> -> memref<72x56xf32, #tpu.memory_space<vmem>>
      %dma_wait3A_882 = arith.constant 928 : i32
      %dma_wait3A_883 = tpu.memref_slice %arg9[%dma_wait3A_882] : memref<1600xi32, #tpu.memory_space<vmem>> -> memref<72xi32, #tpu.memory_space<vmem>>
      %dma_wait3A_884 = arith.constant 0 : i32
      %dma_wait3A_885 = arith.constant 0 : i32
      %dma_wait3A_886 = tpu.memref_slice %arg5[%dma_wait3A_884, %dma_wait3A_885] : memref<100000x56xf32, #tpu.memory_space<hbm>> -> memref<100000x56xf32, #tpu.memory_space<hbm>>
      tpu.wait_indirect_dma semaphore(%arg18 : memref<!tpu.dma_semaphore, #tpu.memory_space<semaphore_mem>>) src(%dma_wait3A_886 : memref<100000x56xf32, #tpu.memory_space<hbm>>) dst(%dma_wait3A_881 : memref<72x56xf32, #tpu.memory_space<vmem>>)
      %dma_wait3A_887 = arith.constant 128 : i32
      %dma_wait3A_888 = arith.constant 0 : i32
      %dma_wait3A_889 = tpu.memref_slice %arg13[%dma_wait3A_887, %dma_wait3A_888] : memref<400x8xf32, #tpu.memory_space<vmem>> -> memref<72x8xf32, #tpu.memory_space<vmem>>
      %dma_wait3A_890 = arith.constant 928 : i32
      %dma_wait3A_891 = tpu.memref_slice %arg10[%dma_wait3A_890] : memref<1600xi32, #tpu.memory_space<vmem>> -> memref<72xi32, #tpu.memory_space<vmem>>
      %dma_wait3A_892 = arith.constant 0 : i32
      %dma_wait3A_893 = arith.constant 0 : i32
      %dma_wait3A_894 = tpu.memref_slice %arg6[%dma_wait3A_892, %dma_wait3A_893] : memref<400x8xf32, #tpu.memory_space<hbm>> -> memref<400x8xf32, #tpu.memory_space<hbm>>
      tpu.wait_indirect_dma semaphore(%arg18 : memref<!tpu.dma_semaphore, #tpu.memory_space<semaphore_mem>>) src(%dma_wait3A_894 : memref<400x8xf32, #tpu.memory_space<hbm>>) dst(%dma_wait3A_889 : memref<72x8xf32, #tpu.memory_space<vmem>>)
      %dma_wait3A_895 = arith.constant 328 : i32
      %dma_wait3A_896 = arith.constant 0 : i32
      %dma_wait3A_897 = tpu.memref_slice %arg13[%dma_wait3A_895, %dma_wait3A_896] : memref<400x8xf32, #tpu.memory_space<vmem>> -> memref<72x8xf32, #tpu.memory_space<vmem>>
      %dma_wait3A_898 = arith.constant 928 : i32
      %dma_wait3A_899 = tpu.memref_slice %arg11[%dma_wait3A_898] : memref<1600xi32, #tpu.memory_space<vmem>> -> memref<72xi32, #tpu.memory_space<vmem>>
      %dma_wait3A_900 = arith.constant 0 : i32
      %dma_wait3A_901 = arith.constant 0 : i32
      %dma_wait3A_902 = tpu.memref_slice %arg7[%dma_wait3A_900, %dma_wait3A_901] : memref<400x8xf32, #tpu.memory_space<hbm>> -> memref<400x8xf32, #tpu.memory_space<hbm>>
      tpu.wait_indirect_dma semaphore(%arg18 : memref<!tpu.dma_semaphore, #tpu.memory_space<semaphore_mem>>) src(%dma_wait3A_902 : memref<400x8xf32, #tpu.memory_space<hbm>>) dst(%dma_wait3A_897 : memref<72x8xf32, #tpu.memory_space<vmem>>)
      %dma_start3A_903 = arith.constant 0 : i32
      %dma_start3A_904 = arith.constant 0 : i32
      %dma_start3A_905 = tpu.memref_slice %arg15[%dma_start3A_903, %dma_start3A_904] : memref<200x56xf32, #tpu.memory_space<vmem>> -> memref<128x56xf32, #tpu.memory_space<vmem>>
      %dma_start3A_906 = arith.constant 1000 : i32
      %dma_start3A_907 = tpu.memref_slice %arg9[%dma_start3A_906] : memref<1600xi32, #tpu.memory_space<vmem>> -> memref<128xi32, #tpu.memory_space<vmem>>
      %dma_start3A_908 = arith.constant 0 : i32
      %dma_start3A_909 = arith.constant 0 : i32
      %dma_start3A_910 = tpu.memref_slice %arg5[%dma_start3A_908, %dma_start3A_909] : memref<100000x56xf32, #tpu.memory_space<hbm>> -> memref<100000x56xf32, #tpu.memory_space<hbm>>
      tpu.enqueue_indirect_dma source(%dma_start3A_910 : memref<100000x56xf32, #tpu.memory_space<hbm>>) target(%dma_start3A_905 : memref<128x56xf32, #tpu.memory_space<vmem>>) offsets(%dma_start3A_907 : memref<128xi32, #tpu.memory_space<vmem>>) semaphore(%arg19 : memref<!tpu.dma_semaphore, #tpu.memory_space<semaphore_mem>>)
      %dma_start3A_911 = arith.constant 0 : i32
      %dma_start3A_912 = arith.constant 0 : i32
      %dma_start3A_913 = tpu.memref_slice %arg16[%dma_start3A_911, %dma_start3A_912] : memref<400x8xf32, #tpu.memory_space<vmem>> -> memref<128x8xf32, #tpu.memory_space<vmem>>
      %dma_start3A_914 = arith.constant 1000 : i32
      %dma_start3A_915 = tpu.memref_slice %arg10[%dma_start3A_914] : memref<1600xi32, #tpu.memory_space<vmem>> -> memref<128xi32, #tpu.memory_space<vmem>>
      %dma_start3A_916 = arith.constant 0 : i32
      %dma_start3A_917 = arith.constant 0 : i32
      %dma_start3A_918 = tpu.memref_slice %arg6[%dma_start3A_916, %dma_start3A_917] : memref<400x8xf32, #tpu.memory_space<hbm>> -> memref<400x8xf32, #tpu.memory_space<hbm>>
      tpu.enqueue_indirect_dma source(%dma_start3A_918 : memref<400x8xf32, #tpu.memory_space<hbm>>) target(%dma_start3A_913 : memref<128x8xf32, #tpu.memory_space<vmem>>) offsets(%dma_start3A_915 : memref<128xi32, #tpu.memory_space<vmem>>) semaphore(%arg19 : memref<!tpu.dma_semaphore, #tpu.memory_space<semaphore_mem>>)
      %dma_start3A_919 = arith.constant 200 : i32
      %dma_start3A_920 = arith.constant 0 : i32
      %dma_start3A_921 = tpu.memref_slice %arg16[%dma_start3A_919, %dma_start3A_920] : memref<400x8xf32, #tpu.memory_space<vmem>> -> memref<128x8xf32, #tpu.memory_space<vmem>>
      %dma_start3A_922 = arith.constant 1000 : i32
      %dma_start3A_923 = tpu.memref_slice %arg11[%dma_start3A_922] : memref<1600xi32, #tpu.memory_space<vmem>> -> memref<128xi32, #tpu.memory_space<vmem>>
      %dma_start3A_924 = arith.constant 0 : i32
      %dma_start3A_925 = arith.constant 0 : i32
      %dma_start3A_926 = tpu.memref_slice %arg7[%dma_start3A_924, %dma_start3A_925] : memref<400x8xf32, #tpu.memory_space<hbm>> -> memref<400x8xf32, #tpu.memory_space<hbm>>
      tpu.enqueue_indirect_dma source(%dma_start3A_926 : memref<400x8xf32, #tpu.memory_space<hbm>>) target(%dma_start3A_921 : memref<128x8xf32, #tpu.memory_space<vmem>>) offsets(%dma_start3A_923 : memref<128xi32, #tpu.memory_space<vmem>>) semaphore(%arg19 : memref<!tpu.dma_semaphore, #tpu.memory_space<semaphore_mem>>)
      %dma_start3A_927 = arith.constant 128 : i32
      %dma_start3A_928 = arith.constant 0 : i32
      %dma_start3A_929 = tpu.memref_slice %arg15[%dma_start3A_927, %dma_start3A_928] : memref<200x56xf32, #tpu.memory_space<vmem>> -> memref<72x56xf32, #tpu.memory_space<vmem>>
      %dma_start3A_930 = arith.constant 1128 : i32
      %dma_start3A_931 = tpu.memref_slice %arg9[%dma_start3A_930] : memref<1600xi32, #tpu.memory_space<vmem>> -> memref<72xi32, #tpu.memory_space<vmem>>
      %dma_start3A_932 = arith.constant 0 : i32
      %dma_start3A_933 = arith.constant 0 : i32
      %dma_start3A_934 = tpu.memref_slice %arg5[%dma_start3A_932, %dma_start3A_933] : memref<100000x56xf32, #tpu.memory_space<hbm>> -> memref<100000x56xf32, #tpu.memory_space<hbm>>
      tpu.enqueue_indirect_dma source(%dma_start3A_934 : memref<100000x56xf32, #tpu.memory_space<hbm>>) target(%dma_start3A_929 : memref<72x56xf32, #tpu.memory_space<vmem>>) offsets(%dma_start3A_931 : memref<72xi32, #tpu.memory_space<vmem>>) semaphore(%arg19 : memref<!tpu.dma_semaphore, #tpu.memory_space<semaphore_mem>>)
      %dma_start3A_935 = arith.constant 128 : i32
      %dma_start3A_936 = arith.constant 0 : i32
      %dma_start3A_937 = tpu.memref_slice %arg16[%dma_start3A_935, %dma_start3A_936] : memref<400x8xf32, #tpu.memory_space<vmem>> -> memref<72x8xf32, #tpu.memory_space<vmem>>
      %dma_start3A_938 = arith.constant 1128 : i32
      %dma_start3A_939 = tpu.memref_slice %arg10[%dma_start3A_938] : memref<1600xi32, #tpu.memory_space<vmem>> -> memref<72xi32, #tpu.memory_space<vmem>>
      %dma_start3A_940 = arith.constant 0 : i32
      %dma_start3A_941 = arith.constant 0 : i32
      %dma_start3A_942 = tpu.memref_slice %arg6[%dma_start3A_940, %dma_start3A_941] : memref<400x8xf32, #tpu.memory_space<hbm>> -> memref<400x8xf32, #tpu.memory_space<hbm>>
      tpu.enqueue_indirect_dma source(%dma_start3A_942 : memref<400x8xf32, #tpu.memory_space<hbm>>) target(%dma_start3A_937 : memref<72x8xf32, #tpu.memory_space<vmem>>) offsets(%dma_start3A_939 : memref<72xi32, #tpu.memory_space<vmem>>) semaphore(%arg19 : memref<!tpu.dma_semaphore, #tpu.memory_space<semaphore_mem>>)
      %dma_start3A_943 = arith.constant 328 : i32
      %dma_start3A_944 = arith.constant 0 : i32
      %dma_start3A_945 = tpu.memref_slice %arg16[%dma_start3A_943, %dma_start3A_944] : memref<400x8xf32, #tpu.memory_space<vmem>> -> memref<72x8xf32, #tpu.memory_space<vmem>>
      %dma_start3A_946 = arith.constant 1128 : i32
      %dma_start3A_947 = tpu.memref_slice %arg11[%dma_start3A_946] : memref<1600xi32, #tpu.memory_space<vmem>> -> memref<72xi32, #tpu.memory_space<vmem>>
      %dma_start3A_948 = arith.constant 0 : i32
      %dma_start3A_949 = arith.constant 0 : i32
      %dma_start3A_950 = tpu.memref_slice %arg7[%dma_start3A_948, %dma_start3A_949] : memref<400x8xf32, #tpu.memory_space<hbm>> -> memref<400x8xf32, #tpu.memory_space<hbm>>
      tpu.enqueue_indirect_dma source(%dma_start3A_950 : memref<400x8xf32, #tpu.memory_space<hbm>>) target(%dma_start3A_945 : memref<72x8xf32, #tpu.memory_space<vmem>>) offsets(%dma_start3A_947 : memref<72xi32, #tpu.memory_space<vmem>>) semaphore(%arg19 : memref<!tpu.dma_semaphore, #tpu.memory_space<semaphore_mem>>)
      %ge3A_951 = arith.constant 2 : i32
      %ge3A_952 = arith.cmpi sge, %add3A_854, %ge3A_951 : i32
      %convert_element_type3A_953 = arith.extui %ge3A_952 : i1 to i32
      %cond3A_954 = arith.constant 0 : i32
      %cond3A_955 = arith.cmpi ne, %convert_element_type3A_953, %cond3A_954 : i32
      scf.if %cond3A_955 {
        %sub3A = arith.constant 2 : i32
        %sub3A_1275 = arith.subi %add3A_854, %sub3A : i32
        %add3A_1276 = arith.addi %mul3A_305, %sub3A_1275 : i32
        %dma_wait3A_1277 = arith.constant 0 : i32
        %dma_wait3A_1278 = arith.constant 0 : i32
        %dma_wait3A_1279 = tpu.memref_slice %arg8[%add3A_1276, %dma_wait3A_1277, %dma_wait3A_1278] : memref<4096x200x60xf32, #tpu.memory_space<hbm>> -> memref<1x200x60xf32, #tpu.memory_space<hbm>>
        %dma_wait3A_1280 = tpu.memref_squeeze %dma_wait3A_1279 : memref<1x200x60xf32, #tpu.memory_space<hbm>> -> memref<200x60xf32, #tpu.memory_space<hbm>>
        %dma_wait3A_1281 = arith.constant 0 : i32
        %dma_wait3A_1282 = arith.constant 0 : i32
        %dma_wait3A_1283 = tpu.memref_slice %arg8[%add3A_1276, %dma_wait3A_1281, %dma_wait3A_1282] : memref<4096x200x60xf32, #tpu.memory_space<hbm>> -> memref<1x200x60xf32, #tpu.memory_space<hbm>>
        %dma_wait3A_1284 = tpu.memref_squeeze %dma_wait3A_1283 : memref<1x200x60xf32, #tpu.memory_space<hbm>> -> memref<200x60xf32, #tpu.memory_space<hbm>>
        tpu.wait_dma2 semaphore(%arg20 : memref<!tpu.dma_semaphore, #tpu.memory_space<semaphore_mem>>) src(%arg14 : memref<200x60xf32, #tpu.memory_space<vmem>>) dst(%dma_wait3A_1284 : memref<200x60xf32, #tpu.memory_space<hbm>>)
      } else {
      }
      %scan3A_956 = arith.constant 0 : i32
      %scan3A_957 = arith.constant 50 : i32
      %scan3A_958 = arith.addi %scan3A_956, %scan3A_957 : i32
      %scan3A_959 = arith.constant 1 : i32
      scf.for %scan3A_1275 = %scan3A_956 to %scan3A_958 step %scan3A_959  : i32 {
        %mul3A_1276 = arith.constant 4 : i32
        %mul3A_1277 = arith.muli %scan3A_1275, %mul3A_1276 : i32
        %add3A_1278 = arith.constant 0 : i32
        %add3A_1279 = arith.addi %mul3A_1277, %add3A_1278 : i32
        %get3A = arith.index_cast %add3A_1279 : i32 to index
        %get3A_1280 = arith.constant 0 : index
        %get3A_1281 = tpu.vector_load %arg12[%get3A, %get3A_1280] {strides = array<i32>} : memref<200x56xf32, #tpu.memory_space<vmem>>, vector<16xf32>,
        %swap3A = arith.index_cast %add3A_1279 : i32 to index
        %swap3A_1282 = arith.constant 0 : index
        %swap3A_1283 = tpu.vector_load %arg14[%swap3A, %swap3A_1282] {strides = array<i32>} : memref<200x60xf32, #tpu.memory_space<vmem>>, vector<16xf32>,
        tpu.vector_store %arg14[%swap3A, %swap3A_1282], %get3A_1281 {strides = array<i32>} : memref<200x60xf32, #tpu.memory_space<vmem>>, vector<16xf32>,
        %get3A_1284 = arith.index_cast %add3A_1279 : i32 to index
        %get3A_1285 = arith.constant 16 : index
        %get3A_1286 = tpu.vector_load %arg12[%get3A_1284, %get3A_1285] {strides = array<i32>} : memref<200x56xf32, #tpu.memory_space<vmem>>, vector<16xf32>,
        %swap3A_1287 = arith.index_cast %add3A_1279 : i32 to index
        %swap3A_1288 = arith.constant 16 : index
        %swap3A_1289 = tpu.vector_load %arg14[%swap3A_1287, %swap3A_1288] {strides = array<i32>} : memref<200x60xf32, #tpu.memory_space<vmem>>, vector<16xf32>,
        tpu.vector_store %arg14[%swap3A_1287, %swap3A_1288], %get3A_1286 {strides = array<i32>} : memref<200x60xf32, #tpu.memory_space<vmem>>, vector<16xf32>,
        %get3A_1290 = arith.index_cast %add3A_1279 : i32 to index
        %get3A_1291 = arith.constant 28 : index
        %get3A_1292 = tpu.vector_load %arg12[%get3A_1290, %get3A_1291] {strides = array<i32>} : memref<200x56xf32, #tpu.memory_space<vmem>>, vector<16xf32>,
        %swap3A_1293 = arith.index_cast %add3A_1279 : i32 to index
        %swap3A_1294 = arith.constant 28 : index
        %swap3A_1295 = tpu.vector_load %arg14[%swap3A_1293, %swap3A_1294] {strides = array<i32>} : memref<200x60xf32, #tpu.memory_space<vmem>>, vector<16xf32>,
        tpu.vector_store %arg14[%swap3A_1293, %swap3A_1294], %get3A_1292 {strides = array<i32>} : memref<200x60xf32, #tpu.memory_space<vmem>>, vector<16xf32>,
        %add3A_1296 = vector.broadcast %add3A_1279 : i32 to vector<16xi32>
        %add3A_1297 = arith.addi %mul3A_303, %add3A_1296 : vector<16xi32>
        %gather3A = tpu.vector_load_idx %arg12[%add3A_1297, %select_n3A_98] : memref<200x56xf32, #tpu.memory_space<vmem>>[vector<16xi32>, vector<16xi32>], vector<16xf32>,
        %add3A_1298 = arith.addi %add3A_1297, %select_n3A_198 : vector<16xi32>
        %gather3A_1299 = tpu.vector_load_idx %arg13[%add3A_1298, %select_n3A_298] : memref<400x8xf32, #tpu.memory_space<vmem>>[vector<16xi32>, vector<16xi32>], vector<16xf32>,
        %select_n3A_1300 = arith.select %lt3A_300, %gather3A, %gather3A_1299 : vector<16xi1>, vector<16xf32>
        %swap3A_1301 = arith.index_cast %add3A_1279 : i32 to index
        %swap3A_1302 = arith.constant 44 : index
        %swap3A_1303 = tpu.vector_load %arg14[%swap3A_1301, %swap3A_1302] {strides = array<i32>} : memref<200x60xf32, #tpu.memory_space<vmem>>, vector<16xf32>,
        tpu.vector_store %arg14[%swap3A_1301, %swap3A_1302], %select_n3A_1300 {strides = array<i32>} : memref<200x60xf32, #tpu.memory_space<vmem>>, vector<16xf32>,
        %add3A_1304 = arith.constant 1 : i32
        %add3A_1305 = arith.addi %mul3A_1277, %add3A_1304 : i32
        %get3A_1306 = arith.index_cast %add3A_1305 : i32 to index
        %get3A_1307 = arith.constant 0 : index
        %get3A_1308 = tpu.vector_load %arg12[%get3A_1306, %get3A_1307] {strides = array<i32>} : memref<200x56xf32, #tpu.memory_space<vmem>>, vector<16xf32>,
        %swap3A_1309 = arith.index_cast %add3A_1305 : i32 to index
        %swap3A_1310 = arith.constant 0 : index
        %swap3A_1311 = tpu.vector_load %arg14[%swap3A_1309, %swap3A_1310] {strides = array<i32>} : memref<200x60xf32, #tpu.memory_space<vmem>>, vector<16xf32>,
        tpu.vector_store %arg14[%swap3A_1309, %swap3A_1310], %get3A_1308 {strides = array<i32>} : memref<200x60xf32, #tpu.memory_space<vmem>>, vector<16xf32>,
        %get3A_1312 = arith.index_cast %add3A_1305 : i32 to index
        %get3A_1313 = arith.constant 16 : index
        %get3A_1314 = tpu.vector_load %arg12[%get3A_1312, %get3A_1313] {strides = array<i32>} : memref<200x56xf32, #tpu.memory_space<vmem>>, vector<16xf32>,
        %swap3A_1315 = arith.index_cast %add3A_1305 : i32 to index
        %swap3A_1316 = arith.constant 16 : index
        %swap3A_1317 = tpu.vector_load %arg14[%swap3A_1315, %swap3A_1316] {strides = array<i32>} : memref<200x60xf32, #tpu.memory_space<vmem>>, vector<16xf32>,
        tpu.vector_store %arg14[%swap3A_1315, %swap3A_1316], %get3A_1314 {strides = array<i32>} : memref<200x60xf32, #tpu.memory_space<vmem>>, vector<16xf32>,
        %get3A_1318 = arith.index_cast %add3A_1305 : i32 to index
        %get3A_1319 = arith.constant 28 : index
        %get3A_1320 = tpu.vector_load %arg12[%get3A_1318, %get3A_1319] {strides = array<i32>} : memref<200x56xf32, #tpu.memory_space<vmem>>, vector<16xf32>,
        %swap3A_1321 = arith.index_cast %add3A_1305 : i32 to index
        %swap3A_1322 = arith.constant 28 : index
        %swap3A_1323 = tpu.vector_load %arg14[%swap3A_1321, %swap3A_1322] {strides = array<i32>} : memref<200x60xf32, #tpu.memory_space<vmem>>, vector<16xf32>,
        tpu.vector_store %arg14[%swap3A_1321, %swap3A_1322], %get3A_1320 {strides = array<i32>} : memref<200x60xf32, #tpu.memory_space<vmem>>, vector<16xf32>,
        %add3A_1324 = vector.broadcast %add3A_1305 : i32 to vector<16xi32>
        %add3A_1325 = arith.addi %mul3A_303, %add3A_1324 : vector<16xi32>
        %gather3A_1326 = tpu.vector_load_idx %arg12[%add3A_1325, %select_n3A_98] : memref<200x56xf32, #tpu.memory_space<vmem>>[vector<16xi32>, vector<16xi32>], vector<16xf32>,
        %add3A_1327 = arith.addi %add3A_1325, %select_n3A_198 : vector<16xi32>
        %gather3A_1328 = tpu.vector_load_idx %arg13[%add3A_1327, %select_n3A_298] : memref<400x8xf32, #tpu.memory_space<vmem>>[vector<16xi32>, vector<16xi32>], vector<16xf32>,
        %select_n3A_1329 = arith.select %lt3A_300, %gather3A_1326, %gather3A_1328 : vector<16xi1>, vector<16xf32>
        %swap3A_1330 = arith.index_cast %add3A_1305 : i32 to index
        %swap3A_1331 = arith.constant 44 : index
        %swap3A_1332 = tpu.vector_load %arg14[%swap3A_1330, %swap3A_1331] {strides = array<i32>} : memref<200x60xf32, #tpu.memory_space<vmem>>, vector<16xf32>,
        tpu.vector_store %arg14[%swap3A_1330, %swap3A_1331], %select_n3A_1329 {strides = array<i32>} : memref<200x60xf32, #tpu.memory_space<vmem>>, vector<16xf32>,
        %add3A_1333 = arith.constant 2 : i32
        %add3A_1334 = arith.addi %mul3A_1277, %add3A_1333 : i32
        %get3A_1335 = arith.index_cast %add3A_1334 : i32 to index
        %get3A_1336 = arith.constant 0 : index
        %get3A_1337 = tpu.vector_load %arg12[%get3A_1335, %get3A_1336] {strides = array<i32>} : memref<200x56xf32, #tpu.memory_space<vmem>>, vector<16xf32>,
        %swap3A_1338 = arith.index_cast %add3A_1334 : i32 to index
        %swap3A_1339 = arith.constant 0 : index
        %swap3A_1340 = tpu.vector_load %arg14[%swap3A_1338, %swap3A_1339] {strides = array<i32>} : memref<200x60xf32, #tpu.memory_space<vmem>>, vector<16xf32>,
        tpu.vector_store %arg14[%swap3A_1338, %swap3A_1339], %get3A_1337 {strides = array<i32>} : memref<200x60xf32, #tpu.memory_space<vmem>>, vector<16xf32>,
        %get3A_1341 = arith.index_cast %add3A_1334 : i32 to index
        %get3A_1342 = arith.constant 16 : index
        %get3A_1343 = tpu.vector_load %arg12[%get3A_1341, %get3A_1342] {strides = array<i32>} : memref<200x56xf32, #tpu.memory_space<vmem>>, vector<16xf32>,
        %swap3A_1344 = arith.index_cast %add3A_1334 : i32 to index
        %swap3A_1345 = arith.constant 16 : index
        %swap3A_1346 = tpu.vector_load %arg14[%swap3A_1344, %swap3A_1345] {strides = array<i32>} : memref<200x60xf32, #tpu.memory_space<vmem>>, vector<16xf32>,
        tpu.vector_store %arg14[%swap3A_1344, %swap3A_1345], %get3A_1343 {strides = array<i32>} : memref<200x60xf32, #tpu.memory_space<vmem>>, vector<16xf32>,
        %get3A_1347 = arith.index_cast %add3A_1334 : i32 to index
        %get3A_1348 = arith.constant 28 : index
        %get3A_1349 = tpu.vector_load %arg12[%get3A_1347, %get3A_1348] {strides = array<i32>} : memref<200x56xf32, #tpu.memory_space<vmem>>, vector<16xf32>,
        %swap3A_1350 = arith.index_cast %add3A_1334 : i32 to index
        %swap3A_1351 = arith.constant 28 : index
        %swap3A_1352 = tpu.vector_load %arg14[%swap3A_1350, %swap3A_1351] {strides = array<i32>} : memref<200x60xf32, #tpu.memory_space<vmem>>, vector<16xf32>,
        tpu.vector_store %arg14[%swap3A_1350, %swap3A_1351], %get3A_1349 {strides = array<i32>} : memref<200x60xf32, #tpu.memory_space<vmem>>, vector<16xf32>,
        %add3A_1353 = vector.broadcast %add3A_1334 : i32 to vector<16xi32>
        %add3A_1354 = arith.addi %mul3A_303, %add3A_1353 : vector<16xi32>
        %gather3A_1355 = tpu.vector_load_idx %arg12[%add3A_1354, %select_n3A_98] : memref<200x56xf32, #tpu.memory_space<vmem>>[vector<16xi32>, vector<16xi32>], vector<16xf32>,
        %add3A_1356 = arith.addi %add3A_1354, %select_n3A_198 : vector<16xi32>
        %gather3A_1357 = tpu.vector_load_idx %arg13[%add3A_1356, %select_n3A_298] : memref<400x8xf32, #tpu.memory_space<vmem>>[vector<16xi32>, vector<16xi32>], vector<16xf32>,
        %select_n3A_1358 = arith.select %lt3A_300, %gather3A_1355, %gather3A_1357 : vector<16xi1>, vector<16xf32>
        %swap3A_1359 = arith.index_cast %add3A_1334 : i32 to index
        %swap3A_1360 = arith.constant 44 : index
        %swap3A_1361 = tpu.vector_load %arg14[%swap3A_1359, %swap3A_1360] {strides = array<i32>} : memref<200x60xf32, #tpu.memory_space<vmem>>, vector<16xf32>,
        tpu.vector_store %arg14[%swap3A_1359, %swap3A_1360], %select_n3A_1358 {strides = array<i32>} : memref<200x60xf32, #tpu.memory_space<vmem>>, vector<16xf32>,
        %add3A_1362 = arith.constant 3 : i32
        %add3A_1363 = arith.addi %mul3A_1277, %add3A_1362 : i32
        %get3A_1364 = arith.index_cast %add3A_1363 : i32 to index
        %get3A_1365 = arith.constant 0 : index
        %get3A_1366 = tpu.vector_load %arg12[%get3A_1364, %get3A_1365] {strides = array<i32>} : memref<200x56xf32, #tpu.memory_space<vmem>>, vector<16xf32>,
        %swap3A_1367 = arith.index_cast %add3A_1363 : i32 to index
        %swap3A_1368 = arith.constant 0 : index
        %swap3A_1369 = tpu.vector_load %arg14[%swap3A_1367, %swap3A_1368] {strides = array<i32>} : memref<200x60xf32, #tpu.memory_space<vmem>>, vector<16xf32>,
        tpu.vector_store %arg14[%swap3A_1367, %swap3A_1368], %get3A_1366 {strides = array<i32>} : memref<200x60xf32, #tpu.memory_space<vmem>>, vector<16xf32>,
        %get3A_1370 = arith.index_cast %add3A_1363 : i32 to index
        %get3A_1371 = arith.constant 16 : index
        %get3A_1372 = tpu.vector_load %arg12[%get3A_1370, %get3A_1371] {strides = array<i32>} : memref<200x56xf32, #tpu.memory_space<vmem>>, vector<16xf32>,
        %swap3A_1373 = arith.index_cast %add3A_1363 : i32 to index
        %swap3A_1374 = arith.constant 16 : index
        %swap3A_1375 = tpu.vector_load %arg14[%swap3A_1373, %swap3A_1374] {strides = array<i32>} : memref<200x60xf32, #tpu.memory_space<vmem>>, vector<16xf32>,
        tpu.vector_store %arg14[%swap3A_1373, %swap3A_1374], %get3A_1372 {strides = array<i32>} : memref<200x60xf32, #tpu.memory_space<vmem>>, vector<16xf32>,
        %get3A_1376 = arith.index_cast %add3A_1363 : i32 to index
        %get3A_1377 = arith.constant 28 : index
        %get3A_1378 = tpu.vector_load %arg12[%get3A_1376, %get3A_1377] {strides = array<i32>} : memref<200x56xf32, #tpu.memory_space<vmem>>, vector<16xf32>,
        %swap3A_1379 = arith.index_cast %add3A_1363 : i32 to index
        %swap3A_1380 = arith.constant 28 : index
        %swap3A_1381 = tpu.vector_load %arg14[%swap3A_1379, %swap3A_1380] {strides = array<i32>} : memref<200x60xf32, #tpu.memory_space<vmem>>, vector<16xf32>,
        tpu.vector_store %arg14[%swap3A_1379, %swap3A_1380], %get3A_1378 {strides = array<i32>} : memref<200x60xf32, #tpu.memory_space<vmem>>, vector<16xf32>,
        %add3A_1382 = vector.broadcast %add3A_1363 : i32 to vector<16xi32>
        %add3A_1383 = arith.addi %mul3A_303, %add3A_1382 : vector<16xi32>
        %gather3A_1384 = tpu.vector_load_idx %arg12[%add3A_1383, %select_n3A_98] : memref<200x56xf32, #tpu.memory_space<vmem>>[vector<16xi32>, vector<16xi32>], vector<16xf32>,
        %add3A_1385 = arith.addi %add3A_1383, %select_n3A_198 : vector<16xi32>
        %gather3A_1386 = tpu.vector_load_idx %arg13[%add3A_1385, %select_n3A_298] : memref<400x8xf32, #tpu.memory_space<vmem>>[vector<16xi32>, vector<16xi32>], vector<16xf32>,
        %select_n3A_1387 = arith.select %lt3A_300, %gather3A_1384, %gather3A_1386 : vector<16xi1>, vector<16xf32>
        %swap3A_1388 = arith.index_cast %add3A_1363 : i32 to index
        %swap3A_1389 = arith.constant 44 : index
        %swap3A_1390 = tpu.vector_load %arg14[%swap3A_1388, %swap3A_1389] {strides = array<i32>} : memref<200x60xf32, #tpu.memory_space<vmem>>, vector<16xf32>,
        tpu.vector_store %arg14[%swap3A_1388, %swap3A_1389], %select_n3A_1387 {strides = array<i32>} : memref<200x60xf32, #tpu.memory_space<vmem>>, vector<16xf32>,
      }
      %scan3A_960 = arith.constant 50 : i32
      %add3A_961 = arith.addi %mul3A_305, %add3A_854 : i32
      %dma_start3A_962 = arith.constant 0 : i32
      %dma_start3A_963 = arith.constant 0 : i32
      %dma_start3A_964 = tpu.memref_slice %arg8[%add3A_961, %dma_start3A_962, %dma_start3A_963] : memref<4096x200x60xf32, #tpu.memory_space<hbm>> -> memref<1x200x60xf32, #tpu.memory_space<hbm>>
      %dma_start3A_965 = tpu.memref_squeeze %dma_start3A_964 : memref<1x200x60xf32, #tpu.memory_space<hbm>> -> memref<200x60xf32, #tpu.memory_space<hbm>>
      %dma_start3A_966 = arith.constant 0 : i32
      %dma_start3A_967 = arith.constant 0 : i32
      %dma_start3A_968 = tpu.memref_slice %arg8[%add3A_961, %dma_start3A_966, %dma_start3A_967] : memref<4096x200x60xf32, #tpu.memory_space<hbm>> -> memref<1x200x60xf32, #tpu.memory_space<hbm>>
      %dma_start3A_969 = tpu.memref_squeeze %dma_start3A_968 : memref<1x200x60xf32, #tpu.memory_space<hbm>> -> memref<200x60xf32, #tpu.memory_space<hbm>>
      tpu.enqueue_dma source(%arg14 : memref<200x60xf32, #tpu.memory_space<vmem>>) target(%dma_start3A_969 : memref<200x60xf32, #tpu.memory_space<hbm>>) target_semaphore(%arg20 : memref<!tpu.dma_semaphore, #tpu.memory_space<semaphore_mem>>)
      %dma_wait3A_970 = arith.constant 0 : i32
      %dma_wait3A_971 = arith.constant 0 : i32
      %dma_wait3A_972 = tpu.memref_slice %arg15[%dma_wait3A_970, %dma_wait3A_971] : memref<200x56xf32, #tpu.memory_space<vmem>> -> memref<128x56xf32, #tpu.memory_space<vmem>>
      %dma_wait3A_973 = arith.constant 1000 : i32
      %dma_wait3A_974 = tpu.memref_slice %arg9[%dma_wait3A_973] : memref<1600xi32, #tpu.memory_space<vmem>> -> memref<128xi32, #tpu.memory_space<vmem>>
      %dma_wait3A_975 = arith.constant 0 : i32
      %dma_wait3A_976 = arith.constant 0 : i32
      %dma_wait3A_977 = tpu.memref_slice %arg5[%dma_wait3A_975, %dma_wait3A_976] : memref<100000x56xf32, #tpu.memory_space<hbm>> -> memref<100000x56xf32, #tpu.memory_space<hbm>>
      tpu.wait_indirect_dma semaphore(%arg19 : memref<!tpu.dma_semaphore, #tpu.memory_space<semaphore_mem>>) src(%dma_wait3A_977 : memref<100000x56xf32, #tpu.memory_space<hbm>>) dst(%dma_wait3A_972 : memref<128x56xf32, #tpu.memory_space<vmem>>)
      %dma_wait3A_978 = arith.constant 0 : i32
      %dma_wait3A_979 = arith.constant 0 : i32
      %dma_wait3A_980 = tpu.memref_slice %arg16[%dma_wait3A_978, %dma_wait3A_979] : memref<400x8xf32, #tpu.memory_space<vmem>> -> memref<128x8xf32, #tpu.memory_space<vmem>>
      %dma_wait3A_981 = arith.constant 1000 : i32
      %dma_wait3A_982 = tpu.memref_slice %arg10[%dma_wait3A_981] : memref<1600xi32, #tpu.memory_space<vmem>> -> memref<128xi32, #tpu.memory_space<vmem>>
      %dma_wait3A_983 = arith.constant 0 : i32
      %dma_wait3A_984 = arith.constant 0 : i32
      %dma_wait3A_985 = tpu.memref_slice %arg6[%dma_wait3A_983, %dma_wait3A_984] : memref<400x8xf32, #tpu.memory_space<hbm>> -> memref<400x8xf32, #tpu.memory_space<hbm>>
      tpu.wait_indirect_dma semaphore(%arg19 : memref<!tpu.dma_semaphore, #tpu.memory_space<semaphore_mem>>) src(%dma_wait3A_985 : memref<400x8xf32, #tpu.memory_space<hbm>>) dst(%dma_wait3A_980 : memref<128x8xf32, #tpu.memory_space<vmem>>)
      %dma_wait3A_986 = arith.constant 200 : i32
      %dma_wait3A_987 = arith.constant 0 : i32
      %dma_wait3A_988 = tpu.memref_slice %arg16[%dma_wait3A_986, %dma_wait3A_987] : memref<400x8xf32, #tpu.memory_space<vmem>> -> memref<128x8xf32, #tpu.memory_space<vmem>>
      %dma_wait3A_989 = arith.constant 1000 : i32
      %dma_wait3A_990 = tpu.memref_slice %arg11[%dma_wait3A_989] : memref<1600xi32, #tpu.memory_space<vmem>> -> memref<128xi32, #tpu.memory_space<vmem>>
      %dma_wait3A_991 = arith.constant 0 : i32
      %dma_wait3A_992 = arith.constant 0 : i32
      %dma_wait3A_993 = tpu.memref_slice %arg7[%dma_wait3A_991, %dma_wait3A_992] : memref<400x8xf32, #tpu.memory_space<hbm>> -> memref<400x8xf32, #tpu.memory_space<hbm>>
      tpu.wait_indirect_dma semaphore(%arg19 : memref<!tpu.dma_semaphore, #tpu.memory_space<semaphore_mem>>) src(%dma_wait3A_993 : memref<400x8xf32, #tpu.memory_space<hbm>>) dst(%dma_wait3A_988 : memref<128x8xf32, #tpu.memory_space<vmem>>)
      %dma_wait3A_994 = arith.constant 128 : i32
      %dma_wait3A_995 = arith.constant 0 : i32
      %dma_wait3A_996 = tpu.memref_slice %arg15[%dma_wait3A_994, %dma_wait3A_995] : memref<200x56xf32, #tpu.memory_space<vmem>> -> memref<72x56xf32, #tpu.memory_space<vmem>>
      %dma_wait3A_997 = arith.constant 1128 : i32
      %dma_wait3A_998 = tpu.memref_slice %arg9[%dma_wait3A_997] : memref<1600xi32, #tpu.memory_space<vmem>> -> memref<72xi32, #tpu.memory_space<vmem>>
      %dma_wait3A_999 = arith.constant 0 : i32
      %dma_wait3A_1000 = arith.constant 0 : i32
      %dma_wait3A_1001 = tpu.memref_slice %arg5[%dma_wait3A_999, %dma_wait3A_1000] : memref<100000x56xf32, #tpu.memory_space<hbm>> -> memref<100000x56xf32, #tpu.memory_space<hbm>>
      tpu.wait_indirect_dma semaphore(%arg19 : memref<!tpu.dma_semaphore, #tpu.memory_space<semaphore_mem>>) src(%dma_wait3A_1001 : memref<100000x56xf32, #tpu.memory_space<hbm>>) dst(%dma_wait3A_996 : memref<72x56xf32, #tpu.memory_space<vmem>>)
      %dma_wait3A_1002 = arith.constant 128 : i32
      %dma_wait3A_1003 = arith.constant 0 : i32
      %dma_wait3A_1004 = tpu.memref_slice %arg16[%dma_wait3A_1002, %dma_wait3A_1003] : memref<400x8xf32, #tpu.memory_space<vmem>> -> memref<72x8xf32, #tpu.memory_space<vmem>>
      %dma_wait3A_1005 = arith.constant 1128 : i32
      %dma_wait3A_1006 = tpu.memref_slice %arg10[%dma_wait3A_1005] : memref<1600xi32, #tpu.memory_space<vmem>> -> memref<72xi32, #tpu.memory_space<vmem>>
      %dma_wait3A_1007 = arith.constant 0 : i32
      %dma_wait3A_1008 = arith.constant 0 : i32
      %dma_wait3A_1009 = tpu.memref_slice %arg6[%dma_wait3A_1007, %dma_wait3A_1008] : memref<400x8xf32, #tpu.memory_space<hbm>> -> memref<400x8xf32, #tpu.memory_space<hbm>>
      tpu.wait_indirect_dma semaphore(%arg19 : memref<!tpu.dma_semaphore, #tpu.memory_space<semaphore_mem>>) src(%dma_wait3A_1009 : memref<400x8xf32, #tpu.memory_space<hbm>>) dst(%dma_wait3A_1004 : memref<72x8xf32, #tpu.memory_space<vmem>>)
      %dma_wait3A_1010 = arith.constant 328 : i32
      %dma_wait3A_1011 = arith.constant 0 : i32
      %dma_wait3A_1012 = tpu.memref_slice %arg16[%dma_wait3A_1010, %dma_wait3A_1011] : memref<400x8xf32, #tpu.memory_space<vmem>> -> memref<72x8xf32, #tpu.memory_space<vmem>>
      %dma_wait3A_1013 = arith.constant 1128 : i32
      %dma_wait3A_1014 = tpu.memref_slice %arg11[%dma_wait3A_1013] : memref<1600xi32, #tpu.memory_space<vmem>> -> memref<72xi32, #tpu.memory_space<vmem>>
      %dma_wait3A_1015 = arith.constant 0 : i32
      %dma_wait3A_1016 = arith.constant 0 : i32
      %dma_wait3A_1017 = tpu.memref_slice %arg7[%dma_wait3A_1015, %dma_wait3A_1016] : memref<400x8xf32, #tpu.memory_space<hbm>> -> memref<400x8xf32, #tpu.memory_space<hbm>>
      tpu.wait_indirect_dma semaphore(%arg19 : memref<!tpu.dma_semaphore, #tpu.memory_space<semaphore_mem>>) src(%dma_wait3A_1017 : memref<400x8xf32, #tpu.memory_space<hbm>>) dst(%dma_wait3A_1012 : memref<72x8xf32, #tpu.memory_space<vmem>>)
      %dma_start3A_1018 = arith.constant 0 : i32
      %dma_start3A_1019 = arith.constant 0 : i32
      %dma_start3A_1020 = tpu.memref_slice %arg12[%dma_start3A_1018, %dma_start3A_1019] : memref<200x56xf32, #tpu.memory_space<vmem>> -> memref<128x56xf32, #tpu.memory_space<vmem>>
      %dma_start3A_1021 = arith.constant 1200 : i32
      %dma_start3A_1022 = tpu.memref_slice %arg9[%dma_start3A_1021] : memref<1600xi32, #tpu.memory_space<vmem>> -> memref<128xi32, #tpu.memory_space<vmem>>
      %dma_start3A_1023 = arith.constant 0 : i32
      %dma_start3A_1024 = arith.constant 0 : i32
      %dma_start3A_1025 = tpu.memref_slice %arg5[%dma_start3A_1023, %dma_start3A_1024] : memref<100000x56xf32, #tpu.memory_space<hbm>> -> memref<100000x56xf32, #tpu.memory_space<hbm>>
      tpu.enqueue_indirect_dma source(%dma_start3A_1025 : memref<100000x56xf32, #tpu.memory_space<hbm>>) target(%dma_start3A_1020 : memref<128x56xf32, #tpu.memory_space<vmem>>) offsets(%dma_start3A_1022 : memref<128xi32, #tpu.memory_space<vmem>>) semaphore(%arg18 : memref<!tpu.dma_semaphore, #tpu.memory_space<semaphore_mem>>)
      %dma_start3A_1026 = arith.constant 0 : i32
      %dma_start3A_1027 = arith.constant 0 : i32
      %dma_start3A_1028 = tpu.memref_slice %arg13[%dma_start3A_1026, %dma_start3A_1027] : memref<400x8xf32, #tpu.memory_space<vmem>> -> memref<128x8xf32, #tpu.memory_space<vmem>>
      %dma_start3A_1029 = arith.constant 1200 : i32
      %dma_start3A_1030 = tpu.memref_slice %arg10[%dma_start3A_1029] : memref<1600xi32, #tpu.memory_space<vmem>> -> memref<128xi32, #tpu.memory_space<vmem>>
      %dma_start3A_1031 = arith.constant 0 : i32
      %dma_start3A_1032 = arith.constant 0 : i32
      %dma_start3A_1033 = tpu.memref_slice %arg6[%dma_start3A_1031, %dma_start3A_1032] : memref<400x8xf32, #tpu.memory_space<hbm>> -> memref<400x8xf32, #tpu.memory_space<hbm>>
      tpu.enqueue_indirect_dma source(%dma_start3A_1033 : memref<400x8xf32, #tpu.memory_space<hbm>>) target(%dma_start3A_1028 : memref<128x8xf32, #tpu.memory_space<vmem>>) offsets(%dma_start3A_1030 : memref<128xi32, #tpu.memory_space<vmem>>) semaphore(%arg18 : memref<!tpu.dma_semaphore, #tpu.memory_space<semaphore_mem>>)
      %dma_start3A_1034 = arith.constant 200 : i32
      %dma_start3A_1035 = arith.constant 0 : i32
      %dma_start3A_1036 = tpu.memref_slice %arg13[%dma_start3A_1034, %dma_start3A_1035] : memref<400x8xf32, #tpu.memory_space<vmem>> -> memref<128x8xf32, #tpu.memory_space<vmem>>
      %dma_start3A_1037 = arith.constant 1200 : i32
      %dma_start3A_1038 = tpu.memref_slice %arg11[%dma_start3A_1037] : memref<1600xi32, #tpu.memory_space<vmem>> -> memref<128xi32, #tpu.memory_space<vmem>>
      %dma_start3A_1039 = arith.constant 0 : i32
      %dma_start3A_1040 = arith.constant 0 : i32
      %dma_start3A_1041 = tpu.memref_slice %arg7[%dma_start3A_1039, %dma_start3A_1040] : memref<400x8xf32, #tpu.memory_space<hbm>> -> memref<400x8xf32, #tpu.memory_space<hbm>>
      tpu.enqueue_indirect_dma source(%dma_start3A_1041 : memref<400x8xf32, #tpu.memory_space<hbm>>) target(%dma_start3A_1036 : memref<128x8xf32, #tpu.memory_space<vmem>>) offsets(%dma_start3A_1038 : memref<128xi32, #tpu.memory_space<vmem>>) semaphore(%arg18 : memref<!tpu.dma_semaphore, #tpu.memory_space<semaphore_mem>>)
      %dma_start3A_1042 = arith.constant 128 : i32
      %dma_start3A_1043 = arith.constant 0 : i32
      %dma_start3A_1044 = tpu.memref_slice %arg12[%dma_start3A_1042, %dma_start3A_1043] : memref<200x56xf32, #tpu.memory_space<vmem>> -> memref<72x56xf32, #tpu.memory_space<vmem>>
      %dma_start3A_1045 = arith.constant 1328 : i32
      %dma_start3A_1046 = tpu.memref_slice %arg9[%dma_start3A_1045] : memref<1600xi32, #tpu.memory_space<vmem>> -> memref<72xi32, #tpu.memory_space<vmem>>
      %dma_start3A_1047 = arith.constant 0 : i32
      %dma_start3A_1048 = arith.constant 0 : i32
      %dma_start3A_1049 = tpu.memref_slice %arg5[%dma_start3A_1047, %dma_start3A_1048] : memref<100000x56xf32, #tpu.memory_space<hbm>> -> memref<100000x56xf32, #tpu.memory_space<hbm>>
      tpu.enqueue_indirect_dma source(%dma_start3A_1049 : memref<100000x56xf32, #tpu.memory_space<hbm>>) target(%dma_start3A_1044 : memref<72x56xf32, #tpu.memory_space<vmem>>) offsets(%dma_start3A_1046 : memref<72xi32, #tpu.memory_space<vmem>>) semaphore(%arg18 : memref<!tpu.dma_semaphore, #tpu.memory_space<semaphore_mem>>)
      %dma_start3A_1050 = arith.constant 128 : i32
      %dma_start3A_1051 = arith.constant 0 : i32
      %dma_start3A_1052 = tpu.memref_slice %arg13[%dma_start3A_1050, %dma_start3A_1051] : memref<400x8xf32, #tpu.memory_space<vmem>> -> memref<72x8xf32, #tpu.memory_space<vmem>>
      %dma_start3A_1053 = arith.constant 1328 : i32
      %dma_start3A_1054 = tpu.memref_slice %arg10[%dma_start3A_1053] : memref<1600xi32, #tpu.memory_space<vmem>> -> memref<72xi32, #tpu.memory_space<vmem>>
      %dma_start3A_1055 = arith.constant 0 : i32
      %dma_start3A_1056 = arith.constant 0 : i32
      %dma_start3A_1057 = tpu.memref_slice %arg6[%dma_start3A_1055, %dma_start3A_1056] : memref<400x8xf32, #tpu.memory_space<hbm>> -> memref<400x8xf32, #tpu.memory_space<hbm>>
      tpu.enqueue_indirect_dma source(%dma_start3A_1057 : memref<400x8xf32, #tpu.memory_space<hbm>>) target(%dma_start3A_1052 : memref<72x8xf32, #tpu.memory_space<vmem>>) offsets(%dma_start3A_1054 : memref<72xi32, #tpu.memory_space<vmem>>) semaphore(%arg18 : memref<!tpu.dma_semaphore, #tpu.memory_space<semaphore_mem>>)
      %dma_start3A_1058 = arith.constant 328 : i32
      %dma_start3A_1059 = arith.constant 0 : i32
      %dma_start3A_1060 = tpu.memref_slice %arg13[%dma_start3A_1058, %dma_start3A_1059] : memref<400x8xf32, #tpu.memory_space<vmem>> -> memref<72x8xf32, #tpu.memory_space<vmem>>
      %dma_start3A_1061 = arith.constant 1328 : i32
      %dma_start3A_1062 = tpu.memref_slice %arg11[%dma_start3A_1061] : memref<1600xi32, #tpu.memory_space<vmem>> -> memref<72xi32, #tpu.memory_space<vmem>>
      %dma_start3A_1063 = arith.constant 0 : i32
      %dma_start3A_1064 = arith.constant 0 : i32
      %dma_start3A_1065 = tpu.memref_slice %arg7[%dma_start3A_1063, %dma_start3A_1064] : memref<400x8xf32, #tpu.memory_space<hbm>> -> memref<400x8xf32, #tpu.memory_space<hbm>>
      tpu.enqueue_indirect_dma source(%dma_start3A_1065 : memref<400x8xf32, #tpu.memory_space<hbm>>) target(%dma_start3A_1060 : memref<72x8xf32, #tpu.memory_space<vmem>>) offsets(%dma_start3A_1062 : memref<72xi32, #tpu.memory_space<vmem>>) semaphore(%arg18 : memref<!tpu.dma_semaphore, #tpu.memory_space<semaphore_mem>>)
      %ge3A_1066 = arith.constant 1 : i32
      %ge3A_1067 = arith.cmpi sge, %add3A_854, %ge3A_1066 : i32
      %convert_element_type3A_1068 = arith.extui %ge3A_1067 : i1 to i32
      %cond3A_1069 = arith.constant 0 : i32
      %cond3A_1070 = arith.cmpi ne, %convert_element_type3A_1068, %cond3A_1069 : i32
      scf.if %cond3A_1070 {
        %sub3A = arith.constant 1 : i32
        %sub3A_1275 = arith.subi %add3A_854, %sub3A : i32
        %add3A_1276 = arith.addi %mul3A_305, %sub3A_1275 : i32
        %dma_wait3A_1277 = arith.constant 0 : i32
        %dma_wait3A_1278 = arith.constant 0 : i32
        %dma_wait3A_1279 = tpu.memref_slice %arg8[%add3A_1276, %dma_wait3A_1277, %dma_wait3A_1278] : memref<4096x200x60xf32, #tpu.memory_space<hbm>> -> memref<1x200x60xf32, #tpu.memory_space<hbm>>
        %dma_wait3A_1280 = tpu.memref_squeeze %dma_wait3A_1279 : memref<1x200x60xf32, #tpu.memory_space<hbm>> -> memref<200x60xf32, #tpu.memory_space<hbm>>
        %dma_wait3A_1281 = arith.constant 0 : i32
        %dma_wait3A_1282 = arith.constant 0 : i32
        %dma_wait3A_1283 = tpu.memref_slice %arg8[%add3A_1276, %dma_wait3A_1281, %dma_wait3A_1282] : memref<4096x200x60xf32, #tpu.memory_space<hbm>> -> memref<1x200x60xf32, #tpu.memory_space<hbm>>
        %dma_wait3A_1284 = tpu.memref_squeeze %dma_wait3A_1283 : memref<1x200x60xf32, #tpu.memory_space<hbm>> -> memref<200x60xf32, #tpu.memory_space<hbm>>
        tpu.wait_dma2 semaphore(%arg21 : memref<!tpu.dma_semaphore, #tpu.memory_space<semaphore_mem>>) src(%arg17 : memref<200x60xf32, #tpu.memory_space<vmem>>) dst(%dma_wait3A_1284 : memref<200x60xf32, #tpu.memory_space<hbm>>)
      } else {
      }
      %scan3A_1071 = arith.constant 0 : i32
      %scan3A_1072 = arith.constant 50 : i32
      %scan3A_1073 = arith.addi %scan3A_1071, %scan3A_1072 : i32
      %scan3A_1074 = arith.constant 1 : i32
      scf.for %scan3A_1275 = %scan3A_1071 to %scan3A_1073 step %scan3A_1074  : i32 {
        %mul3A_1276 = arith.constant 4 : i32
        %mul3A_1277 = arith.muli %scan3A_1275, %mul3A_1276 : i32
        %add3A_1278 = arith.constant 0 : i32
        %add3A_1279 = arith.addi %mul3A_1277, %add3A_1278 : i32
        %get3A = arith.index_cast %add3A_1279 : i32 to index
        %get3A_1280 = arith.constant 0 : index
        %get3A_1281 = tpu.vector_load %arg15[%get3A, %get3A_1280] {strides = array<i32>} : memref<200x56xf32, #tpu.memory_space<vmem>>, vector<16xf32>,
        %swap3A = arith.index_cast %add3A_1279 : i32 to index
        %swap3A_1282 = arith.constant 0 : index
        %swap3A_1283 = tpu.vector_load %arg17[%swap3A, %swap3A_1282] {strides = array<i32>} : memref<200x60xf32, #tpu.memory_space<vmem>>, vector<16xf32>,
        tpu.vector_store %arg17[%swap3A, %swap3A_1282], %get3A_1281 {strides = array<i32>} : memref<200x60xf32, #tpu.memory_space<vmem>>, vector<16xf32>,
        %get3A_1284 = arith.index_cast %add3A_1279 : i32 to index
        %get3A_1285 = arith.constant 16 : index
        %get3A_1286 = tpu.vector_load %arg15[%get3A_1284, %get3A_1285] {strides = array<i32>} : memref<200x56xf32, #tpu.memory_space<vmem>>, vector<16xf32>,
        %swap3A_1287 = arith.index_cast %add3A_1279 : i32 to index
        %swap3A_1288 = arith.constant 16 : index
        %swap3A_1289 = tpu.vector_load %arg17[%swap3A_1287, %swap3A_1288] {strides = array<i32>} : memref<200x60xf32, #tpu.memory_space<vmem>>, vector<16xf32>,
        tpu.vector_store %arg17[%swap3A_1287, %swap3A_1288], %get3A_1286 {strides = array<i32>} : memref<200x60xf32, #tpu.memory_space<vmem>>, vector<16xf32>,
        %get3A_1290 = arith.index_cast %add3A_1279 : i32 to index
        %get3A_1291 = arith.constant 28 : index
        %get3A_1292 = tpu.vector_load %arg15[%get3A_1290, %get3A_1291] {strides = array<i32>} : memref<200x56xf32, #tpu.memory_space<vmem>>, vector<16xf32>,
        %swap3A_1293 = arith.index_cast %add3A_1279 : i32 to index
        %swap3A_1294 = arith.constant 28 : index
        %swap3A_1295 = tpu.vector_load %arg17[%swap3A_1293, %swap3A_1294] {strides = array<i32>} : memref<200x60xf32, #tpu.memory_space<vmem>>, vector<16xf32>,
        tpu.vector_store %arg17[%swap3A_1293, %swap3A_1294], %get3A_1292 {strides = array<i32>} : memref<200x60xf32, #tpu.memory_space<vmem>>, vector<16xf32>,
        %add3A_1296 = vector.broadcast %add3A_1279 : i32 to vector<16xi32>
        %add3A_1297 = arith.addi %mul3A_303, %add3A_1296 : vector<16xi32>
        %gather3A = tpu.vector_load_idx %arg15[%add3A_1297, %select_n3A_98] : memref<200x56xf32, #tpu.memory_space<vmem>>[vector<16xi32>, vector<16xi32>], vector<16xf32>,
        %add3A_1298 = arith.addi %add3A_1297, %select_n3A_198 : vector<16xi32>
        %gather3A_1299 = tpu.vector_load_idx %arg16[%add3A_1298, %select_n3A_298] : memref<400x8xf32, #tpu.memory_space<vmem>>[vector<16xi32>, vector<16xi32>], vector<16xf32>,
        %select_n3A_1300 = arith.select %lt3A_300, %gather3A, %gather3A_1299 : vector<16xi1>, vector<16xf32>
        %swap3A_1301 = arith.index_cast %add3A_1279 : i32 to index
        %swap3A_1302 = arith.constant 44 : index
        %swap3A_1303 = tpu.vector_load %arg17[%swap3A_1301, %swap3A_1302] {strides = array<i32>} : memref<200x60xf32, #tpu.memory_space<vmem>>, vector<16xf32>,
        tpu.vector_store %arg17[%swap3A_1301, %swap3A_1302], %select_n3A_1300 {strides = array<i32>} : memref<200x60xf32, #tpu.memory_space<vmem>>, vector<16xf32>,
        %add3A_1304 = arith.constant 1 : i32
        %add3A_1305 = arith.addi %mul3A_1277, %add3A_1304 : i32
        %get3A_1306 = arith.index_cast %add3A_1305 : i32 to index
        %get3A_1307 = arith.constant 0 : index
        %get3A_1308 = tpu.vector_load %arg15[%get3A_1306, %get3A_1307] {strides = array<i32>} : memref<200x56xf32, #tpu.memory_space<vmem>>, vector<16xf32>,
        %swap3A_1309 = arith.index_cast %add3A_1305 : i32 to index
        %swap3A_1310 = arith.constant 0 : index
        %swap3A_1311 = tpu.vector_load %arg17[%swap3A_1309, %swap3A_1310] {strides = array<i32>} : memref<200x60xf32, #tpu.memory_space<vmem>>, vector<16xf32>,
        tpu.vector_store %arg17[%swap3A_1309, %swap3A_1310], %get3A_1308 {strides = array<i32>} : memref<200x60xf32, #tpu.memory_space<vmem>>, vector<16xf32>,
        %get3A_1312 = arith.index_cast %add3A_1305 : i32 to index
        %get3A_1313 = arith.constant 16 : index
        %get3A_1314 = tpu.vector_load %arg15[%get3A_1312, %get3A_1313] {strides = array<i32>} : memref<200x56xf32, #tpu.memory_space<vmem>>, vector<16xf32>,
        %swap3A_1315 = arith.index_cast %add3A_1305 : i32 to index
        %swap3A_1316 = arith.constant 16 : index
        %swap3A_1317 = tpu.vector_load %arg17[%swap3A_1315, %swap3A_1316] {strides = array<i32>} : memref<200x60xf32, #tpu.memory_space<vmem>>, vector<16xf32>,
        tpu.vector_store %arg17[%swap3A_1315, %swap3A_1316], %get3A_1314 {strides = array<i32>} : memref<200x60xf32, #tpu.memory_space<vmem>>, vector<16xf32>,
        %get3A_1318 = arith.index_cast %add3A_1305 : i32 to index
        %get3A_1319 = arith.constant 28 : index
        %get3A_1320 = tpu.vector_load %arg15[%get3A_1318, %get3A_1319] {strides = array<i32>} : memref<200x56xf32, #tpu.memory_space<vmem>>, vector<16xf32>,
        %swap3A_1321 = arith.index_cast %add3A_1305 : i32 to index
        %swap3A_1322 = arith.constant 28 : index
        %swap3A_1323 = tpu.vector_load %arg17[%swap3A_1321, %swap3A_1322] {strides = array<i32>} : memref<200x60xf32, #tpu.memory_space<vmem>>, vector<16xf32>,
        tpu.vector_store %arg17[%swap3A_1321, %swap3A_1322], %get3A_1320 {strides = array<i32>} : memref<200x60xf32, #tpu.memory_space<vmem>>, vector<16xf32>,
        %add3A_1324 = vector.broadcast %add3A_1305 : i32 to vector<16xi32>
        %add3A_1325 = arith.addi %mul3A_303, %add3A_1324 : vector<16xi32>
        %gather3A_1326 = tpu.vector_load_idx %arg15[%add3A_1325, %select_n3A_98] : memref<200x56xf32, #tpu.memory_space<vmem>>[vector<16xi32>, vector<16xi32>], vector<16xf32>,
        %add3A_1327 = arith.addi %add3A_1325, %select_n3A_198 : vector<16xi32>
        %gather3A_1328 = tpu.vector_load_idx %arg16[%add3A_1327, %select_n3A_298] : memref<400x8xf32, #tpu.memory_space<vmem>>[vector<16xi32>, vector<16xi32>], vector<16xf32>,
        %select_n3A_1329 = arith.select %lt3A_300, %gather3A_1326, %gather3A_1328 : vector<16xi1>, vector<16xf32>
        %swap3A_1330 = arith.index_cast %add3A_1305 : i32 to index
        %swap3A_1331 = arith.constant 44 : index
        %swap3A_1332 = tpu.vector_load %arg17[%swap3A_1330, %swap3A_1331] {strides = array<i32>} : memref<200x60xf32, #tpu.memory_space<vmem>>, vector<16xf32>,
        tpu.vector_store %arg17[%swap3A_1330, %swap3A_1331], %select_n3A_1329 {strides = array<i32>} : memref<200x60xf32, #tpu.memory_space<vmem>>, vector<16xf32>,
        %add3A_1333 = arith.constant 2 : i32
        %add3A_1334 = arith.addi %mul3A_1277, %add3A_1333 : i32
        %get3A_1335 = arith.index_cast %add3A_1334 : i32 to index
        %get3A_1336 = arith.constant 0 : index
        %get3A_1337 = tpu.vector_load %arg15[%get3A_1335, %get3A_1336] {strides = array<i32>} : memref<200x56xf32, #tpu.memory_space<vmem>>, vector<16xf32>,
        %swap3A_1338 = arith.index_cast %add3A_1334 : i32 to index
        %swap3A_1339 = arith.constant 0 : index
        %swap3A_1340 = tpu.vector_load %arg17[%swap3A_1338, %swap3A_1339] {strides = array<i32>} : memref<200x60xf32, #tpu.memory_space<vmem>>, vector<16xf32>,
        tpu.vector_store %arg17[%swap3A_1338, %swap3A_1339], %get3A_1337 {strides = array<i32>} : memref<200x60xf32, #tpu.memory_space<vmem>>, vector<16xf32>,
        %get3A_1341 = arith.index_cast %add3A_1334 : i32 to index
        %get3A_1342 = arith.constant 16 : index
        %get3A_1343 = tpu.vector_load %arg15[%get3A_1341, %get3A_1342] {strides = array<i32>} : memref<200x56xf32, #tpu.memory_space<vmem>>, vector<16xf32>,
        %swap3A_1344 = arith.index_cast %add3A_1334 : i32 to index
        %swap3A_1345 = arith.constant 16 : index
        %swap3A_1346 = tpu.vector_load %arg17[%swap3A_1344, %swap3A_1345] {strides = array<i32>} : memref<200x60xf32, #tpu.memory_space<vmem>>, vector<16xf32>,
        tpu.vector_store %arg17[%swap3A_1344, %swap3A_1345], %get3A_1343 {strides = array<i32>} : memref<200x60xf32, #tpu.memory_space<vmem>>, vector<16xf32>,
        %get3A_1347 = arith.index_cast %add3A_1334 : i32 to index
        %get3A_1348 = arith.constant 28 : index
        %get3A_1349 = tpu.vector_load %arg15[%get3A_1347, %get3A_1348] {strides = array<i32>} : memref<200x56xf32, #tpu.memory_space<vmem>>, vector<16xf32>,
        %swap3A_1350 = arith.index_cast %add3A_1334 : i32 to index
        %swap3A_1351 = arith.constant 28 : index
        %swap3A_1352 = tpu.vector_load %arg17[%swap3A_1350, %swap3A_1351] {strides = array<i32>} : memref<200x60xf32, #tpu.memory_space<vmem>>, vector<16xf32>,
        tpu.vector_store %arg17[%swap3A_1350, %swap3A_1351], %get3A_1349 {strides = array<i32>} : memref<200x60xf32, #tpu.memory_space<vmem>>, vector<16xf32>,
        %add3A_1353 = vector.broadcast %add3A_1334 : i32 to vector<16xi32>
        %add3A_1354 = arith.addi %mul3A_303, %add3A_1353 : vector<16xi32>
        %gather3A_1355 = tpu.vector_load_idx %arg15[%add3A_1354, %select_n3A_98] : memref<200x56xf32, #tpu.memory_space<vmem>>[vector<16xi32>, vector<16xi32>], vector<16xf32>,
        %add3A_1356 = arith.addi %add3A_1354, %select_n3A_198 : vector<16xi32>
        %gather3A_1357 = tpu.vector_load_idx %arg16[%add3A_1356, %select_n3A_298] : memref<400x8xf32, #tpu.memory_space<vmem>>[vector<16xi32>, vector<16xi32>], vector<16xf32>,
        %select_n3A_1358 = arith.select %lt3A_300, %gather3A_1355, %gather3A_1357 : vector<16xi1>, vector<16xf32>
        %swap3A_1359 = arith.index_cast %add3A_1334 : i32 to index
        %swap3A_1360 = arith.constant 44 : index
        %swap3A_1361 = tpu.vector_load %arg17[%swap3A_1359, %swap3A_1360] {strides = array<i32>} : memref<200x60xf32, #tpu.memory_space<vmem>>, vector<16xf32>,
        tpu.vector_store %arg17[%swap3A_1359, %swap3A_1360], %select_n3A_1358 {strides = array<i32>} : memref<200x60xf32, #tpu.memory_space<vmem>>, vector<16xf32>,
        %add3A_1362 = arith.constant 3 : i32
        %add3A_1363 = arith.addi %mul3A_1277, %add3A_1362 : i32
        %get3A_1364 = arith.index_cast %add3A_1363 : i32 to index
        %get3A_1365 = arith.constant 0 : index
        %get3A_1366 = tpu.vector_load %arg15[%get3A_1364, %get3A_1365] {strides = array<i32>} : memref<200x56xf32, #tpu.memory_space<vmem>>, vector<16xf32>,
        %swap3A_1367 = arith.index_cast %add3A_1363 : i32 to index
        %swap3A_1368 = arith.constant 0 : index
        %swap3A_1369 = tpu.vector_load %arg17[%swap3A_1367, %swap3A_1368] {strides = array<i32>} : memref<200x60xf32, #tpu.memory_space<vmem>>, vector<16xf32>,
        tpu.vector_store %arg17[%swap3A_1367, %swap3A_1368], %get3A_1366 {strides = array<i32>} : memref<200x60xf32, #tpu.memory_space<vmem>>, vector<16xf32>,
        %get3A_1370 = arith.index_cast %add3A_1363 : i32 to index
        %get3A_1371 = arith.constant 16 : index
        %get3A_1372 = tpu.vector_load %arg15[%get3A_1370, %get3A_1371] {strides = array<i32>} : memref<200x56xf32, #tpu.memory_space<vmem>>, vector<16xf32>,
        %swap3A_1373 = arith.index_cast %add3A_1363 : i32 to index
        %swap3A_1374 = arith.constant 16 : index
        %swap3A_1375 = tpu.vector_load %arg17[%swap3A_1373, %swap3A_1374] {strides = array<i32>} : memref<200x60xf32, #tpu.memory_space<vmem>>, vector<16xf32>,
        tpu.vector_store %arg17[%swap3A_1373, %swap3A_1374], %get3A_1372 {strides = array<i32>} : memref<200x60xf32, #tpu.memory_space<vmem>>, vector<16xf32>,
        %get3A_1376 = arith.index_cast %add3A_1363 : i32 to index
        %get3A_1377 = arith.constant 28 : index
        %get3A_1378 = tpu.vector_load %arg15[%get3A_1376, %get3A_1377] {strides = array<i32>} : memref<200x56xf32, #tpu.memory_space<vmem>>, vector<16xf32>,
        %swap3A_1379 = arith.index_cast %add3A_1363 : i32 to index
        %swap3A_1380 = arith.constant 28 : index
        %swap3A_1381 = tpu.vector_load %arg17[%swap3A_1379, %swap3A_1380] {strides = array<i32>} : memref<200x60xf32, #tpu.memory_space<vmem>>, vector<16xf32>,
        tpu.vector_store %arg17[%swap3A_1379, %swap3A_1380], %get3A_1378 {strides = array<i32>} : memref<200x60xf32, #tpu.memory_space<vmem>>, vector<16xf32>,
        %add3A_1382 = vector.broadcast %add3A_1363 : i32 to vector<16xi32>
        %add3A_1383 = arith.addi %mul3A_303, %add3A_1382 : vector<16xi32>
        %gather3A_1384 = tpu.vector_load_idx %arg15[%add3A_1383, %select_n3A_98] : memref<200x56xf32, #tpu.memory_space<vmem>>[vector<16xi32>, vector<16xi32>], vector<16xf32>,
        %add3A_1385 = arith.addi %add3A_1383, %select_n3A_198 : vector<16xi32>
        %gather3A_1386 = tpu.vector_load_idx %arg16[%add3A_1385, %select_n3A_298] : memref<400x8xf32, #tpu.memory_space<vmem>>[vector<16xi32>, vector<16xi32>], vector<16xf32>,
        %select_n3A_1387 = arith.select %lt3A_300, %gather3A_1384, %gather3A_1386 : vector<16xi1>, vector<16xf32>
        %swap3A_1388 = arith.index_cast %add3A_1363 : i32 to index
        %swap3A_1389 = arith.constant 44 : index
        %swap3A_1390 = tpu.vector_load %arg17[%swap3A_1388, %swap3A_1389] {strides = array<i32>} : memref<200x60xf32, #tpu.memory_space<vmem>>, vector<16xf32>,
        tpu.vector_store %arg17[%swap3A_1388, %swap3A_1389], %select_n3A_1387 {strides = array<i32>} : memref<200x60xf32, #tpu.memory_space<vmem>>, vector<16xf32>,
      }
      %scan3A_1075 = arith.constant 50 : i32
      %add3A_1076 = arith.constant 1 : i32
      %add3A_1077 = arith.addi %add3A_854, %add3A_1076 : i32
      %add3A_1078 = arith.addi %mul3A_305, %add3A_1077 : i32
      %dma_start3A_1079 = arith.constant 0 : i32
      %dma_start3A_1080 = arith.constant 0 : i32
      %dma_start3A_1081 = tpu.memref_slice %arg8[%add3A_1078, %dma_start3A_1079, %dma_start3A_1080] : memref<4096x200x60xf32, #tpu.memory_space<hbm>> -> memref<1x200x60xf32, #tpu.memory_space<hbm>>
      %dma_start3A_1082 = tpu.memref_squeeze %dma_start3A_1081 : memref<1x200x60xf32, #tpu.memory_space<hbm>> -> memref<200x60xf32, #tpu.memory_space<hbm>>
      %dma_start3A_1083 = arith.constant 0 : i32
      %dma_start3A_1084 = arith.constant 0 : i32
      %dma_start3A_1085 = tpu.memref_slice %arg8[%add3A_1078, %dma_start3A_1083, %dma_start3A_1084] : memref<4096x200x60xf32, #tpu.memory_space<hbm>> -> memref<1x200x60xf32, #tpu.memory_space<hbm>>
      %dma_start3A_1086 = tpu.memref_squeeze %dma_start3A_1085 : memref<1x200x60xf32, #tpu.memory_space<hbm>> -> memref<200x60xf32, #tpu.memory_space<hbm>>
      tpu.enqueue_dma source(%arg17 : memref<200x60xf32, #tpu.memory_space<vmem>>) target(%dma_start3A_1086 : memref<200x60xf32, #tpu.memory_space<hbm>>) target_semaphore(%arg21 : memref<!tpu.dma_semaphore, #tpu.memory_space<semaphore_mem>>)
      %mul3A_1087 = arith.constant 8 : i32
      %mul3A_1088 = arith.muli %scan3A_329, %mul3A_1087 : i32
      %add3A_1089 = arith.constant 6 : i32
      %add3A_1090 = arith.addi %mul3A_1088, %add3A_1089 : i32
      %dma_wait3A_1091 = arith.constant 0 : i32
      %dma_wait3A_1092 = arith.constant 0 : i32
      %dma_wait3A_1093 = tpu.memref_slice %arg12[%dma_wait3A_1091, %dma_wait3A_1092] : memref<200x56xf32, #tpu.memory_space<vmem>> -> memref<128x56xf32, #tpu.memory_space<vmem>>
      %dma_wait3A_1094 = arith.constant 1200 : i32
      %dma_wait3A_1095 = tpu.memref_slice %arg9[%dma_wait3A_1094] : memref<1600xi32, #tpu.memory_space<vmem>> -> memref<128xi32, #tpu.memory_space<vmem>>
      %dma_wait3A_1096 = arith.constant 0 : i32
      %dma_wait3A_1097 = arith.constant 0 : i32
      %dma_wait3A_1098 = tpu.memref_slice %arg5[%dma_wait3A_1096, %dma_wait3A_1097] : memref<100000x56xf32, #tpu.memory_space<hbm>> -> memref<100000x56xf32, #tpu.memory_space<hbm>>
      tpu.wait_indirect_dma semaphore(%arg18 : memref<!tpu.dma_semaphore, #tpu.memory_space<semaphore_mem>>) src(%dma_wait3A_1098 : memref<100000x56xf32, #tpu.memory_space<hbm>>) dst(%dma_wait3A_1093 : memref<128x56xf32, #tpu.memory_space<vmem>>)
      %dma_wait3A_1099 = arith.constant 0 : i32
      %dma_wait3A_1100 = arith.constant 0 : i32
      %dma_wait3A_1101 = tpu.memref_slice %arg13[%dma_wait3A_1099, %dma_wait3A_1100] : memref<400x8xf32, #tpu.memory_space<vmem>> -> memref<128x8xf32, #tpu.memory_space<vmem>>
      %dma_wait3A_1102 = arith.constant 1200 : i32
      %dma_wait3A_1103 = tpu.memref_slice %arg10[%dma_wait3A_1102] : memref<1600xi32, #tpu.memory_space<vmem>> -> memref<128xi32, #tpu.memory_space<vmem>>
      %dma_wait3A_1104 = arith.constant 0 : i32
      %dma_wait3A_1105 = arith.constant 0 : i32
      %dma_wait3A_1106 = tpu.memref_slice %arg6[%dma_wait3A_1104, %dma_wait3A_1105] : memref<400x8xf32, #tpu.memory_space<hbm>> -> memref<400x8xf32, #tpu.memory_space<hbm>>
      tpu.wait_indirect_dma semaphore(%arg18 : memref<!tpu.dma_semaphore, #tpu.memory_space<semaphore_mem>>) src(%dma_wait3A_1106 : memref<400x8xf32, #tpu.memory_space<hbm>>) dst(%dma_wait3A_1101 : memref<128x8xf32, #tpu.memory_space<vmem>>)
      %dma_wait3A_1107 = arith.constant 200 : i32
      %dma_wait3A_1108 = arith.constant 0 : i32
      %dma_wait3A_1109 = tpu.memref_slice %arg13[%dma_wait3A_1107, %dma_wait3A_1108] : memref<400x8xf32, #tpu.memory_space<vmem>> -> memref<128x8xf32, #tpu.memory_space<vmem>>
      %dma_wait3A_1110 = arith.constant 1200 : i32
      %dma_wait3A_1111 = tpu.memref_slice %arg11[%dma_wait3A_1110] : memref<1600xi32, #tpu.memory_space<vmem>> -> memref<128xi32, #tpu.memory_space<vmem>>
      %dma_wait3A_1112 = arith.constant 0 : i32
      %dma_wait3A_1113 = arith.constant 0 : i32
      %dma_wait3A_1114 = tpu.memref_slice %arg7[%dma_wait3A_1112, %dma_wait3A_1113] : memref<400x8xf32, #tpu.memory_space<hbm>> -> memref<400x8xf32, #tpu.memory_space<hbm>>
      tpu.wait_indirect_dma semaphore(%arg18 : memref<!tpu.dma_semaphore, #tpu.memory_space<semaphore_mem>>) src(%dma_wait3A_1114 : memref<400x8xf32, #tpu.memory_space<hbm>>) dst(%dma_wait3A_1109 : memref<128x8xf32, #tpu.memory_space<vmem>>)
      %dma_wait3A_1115 = arith.constant 128 : i32
      %dma_wait3A_1116 = arith.constant 0 : i32
      %dma_wait3A_1117 = tpu.memref_slice %arg12[%dma_wait3A_1115, %dma_wait3A_1116] : memref<200x56xf32, #tpu.memory_space<vmem>> -> memref<72x56xf32, #tpu.memory_space<vmem>>
      %dma_wait3A_1118 = arith.constant 1328 : i32
      %dma_wait3A_1119 = tpu.memref_slice %arg9[%dma_wait3A_1118] : memref<1600xi32, #tpu.memory_space<vmem>> -> memref<72xi32, #tpu.memory_space<vmem>>
      %dma_wait3A_1120 = arith.constant 0 : i32
      %dma_wait3A_1121 = arith.constant 0 : i32
      %dma_wait3A_1122 = tpu.memref_slice %arg5[%dma_wait3A_1120, %dma_wait3A_1121] : memref<100000x56xf32, #tpu.memory_space<hbm>> -> memref<100000x56xf32, #tpu.memory_space<hbm>>
      tpu.wait_indirect_dma semaphore(%arg18 : memref<!tpu.dma_semaphore, #tpu.memory_space<semaphore_mem>>) src(%dma_wait3A_1122 : memref<100000x56xf32, #tpu.memory_space<hbm>>) dst(%dma_wait3A_1117 : memref<72x56xf32, #tpu.memory_space<vmem>>)
      %dma_wait3A_1123 = arith.constant 128 : i32
      %dma_wait3A_1124 = arith.constant 0 : i32
      %dma_wait3A_1125 = tpu.memref_slice %arg13[%dma_wait3A_1123, %dma_wait3A_1124] : memref<400x8xf32, #tpu.memory_space<vmem>> -> memref<72x8xf32, #tpu.memory_space<vmem>>
      %dma_wait3A_1126 = arith.constant 1328 : i32
      %dma_wait3A_1127 = tpu.memref_slice %arg10[%dma_wait3A_1126] : memref<1600xi32, #tpu.memory_space<vmem>> -> memref<72xi32, #tpu.memory_space<vmem>>
      %dma_wait3A_1128 = arith.constant 0 : i32
      %dma_wait3A_1129 = arith.constant 0 : i32
      %dma_wait3A_1130 = tpu.memref_slice %arg6[%dma_wait3A_1128, %dma_wait3A_1129] : memref<400x8xf32, #tpu.memory_space<hbm>> -> memref<400x8xf32, #tpu.memory_space<hbm>>
      tpu.wait_indirect_dma semaphore(%arg18 : memref<!tpu.dma_semaphore, #tpu.memory_space<semaphore_mem>>) src(%dma_wait3A_1130 : memref<400x8xf32, #tpu.memory_space<hbm>>) dst(%dma_wait3A_1125 : memref<72x8xf32, #tpu.memory_space<vmem>>)
      %dma_wait3A_1131 = arith.constant 328 : i32
      %dma_wait3A_1132 = arith.constant 0 : i32
      %dma_wait3A_1133 = tpu.memref_slice %arg13[%dma_wait3A_1131, %dma_wait3A_1132] : memref<400x8xf32, #tpu.memory_space<vmem>> -> memref<72x8xf32, #tpu.memory_space<vmem>>
      %dma_wait3A_1134 = arith.constant 1328 : i32
      %dma_wait3A_1135 = tpu.memref_slice %arg11[%dma_wait3A_1134] : memref<1600xi32, #tpu.memory_space<vmem>> -> memref<72xi32, #tpu.memory_space<vmem>>
      %dma_wait3A_1136 = arith.constant 0 : i32
      %dma_wait3A_1137 = arith.constant 0 : i32
      %dma_wait3A_1138 = tpu.memref_slice %arg7[%dma_wait3A_1136, %dma_wait3A_1137] : memref<400x8xf32, #tpu.memory_space<hbm>> -> memref<400x8xf32, #tpu.memory_space<hbm>>
      tpu.wait_indirect_dma semaphore(%arg18 : memref<!tpu.dma_semaphore, #tpu.memory_space<semaphore_mem>>) src(%dma_wait3A_1138 : memref<400x8xf32, #tpu.memory_space<hbm>>) dst(%dma_wait3A_1133 : memref<72x8xf32, #tpu.memory_space<vmem>>)
      %dma_start3A_1139 = arith.constant 0 : i32
      %dma_start3A_1140 = arith.constant 0 : i32
      %dma_start3A_1141 = tpu.memref_slice %arg15[%dma_start3A_1139, %dma_start3A_1140] : memref<200x56xf32, #tpu.memory_space<vmem>> -> memref<128x56xf32, #tpu.memory_space<vmem>>
      %dma_start3A_1142 = arith.constant 1400 : i32
      %dma_start3A_1143 = tpu.memref_slice %arg9[%dma_start3A_1142] : memref<1600xi32, #tpu.memory_space<vmem>> -> memref<128xi32, #tpu.memory_space<vmem>>
      %dma_start3A_1144 = arith.constant 0 : i32
      %dma_start3A_1145 = arith.constant 0 : i32
      %dma_start3A_1146 = tpu.memref_slice %arg5[%dma_start3A_1144, %dma_start3A_1145] : memref<100000x56xf32, #tpu.memory_space<hbm>> -> memref<100000x56xf32, #tpu.memory_space<hbm>>
      tpu.enqueue_indirect_dma source(%dma_start3A_1146 : memref<100000x56xf32, #tpu.memory_space<hbm>>) target(%dma_start3A_1141 : memref<128x56xf32, #tpu.memory_space<vmem>>) offsets(%dma_start3A_1143 : memref<128xi32, #tpu.memory_space<vmem>>) semaphore(%arg19 : memref<!tpu.dma_semaphore, #tpu.memory_space<semaphore_mem>>)
      %dma_start3A_1147 = arith.constant 0 : i32
      %dma_start3A_1148 = arith.constant 0 : i32
      %dma_start3A_1149 = tpu.memref_slice %arg16[%dma_start3A_1147, %dma_start3A_1148] : memref<400x8xf32, #tpu.memory_space<vmem>> -> memref<128x8xf32, #tpu.memory_space<vmem>>
      %dma_start3A_1150 = arith.constant 1400 : i32
      %dma_start3A_1151 = tpu.memref_slice %arg10[%dma_start3A_1150] : memref<1600xi32, #tpu.memory_space<vmem>> -> memref<128xi32, #tpu.memory_space<vmem>>
      %dma_start3A_1152 = arith.constant 0 : i32
      %dma_start3A_1153 = arith.constant 0 : i32
      %dma_start3A_1154 = tpu.memref_slice %arg6[%dma_start3A_1152, %dma_start3A_1153] : memref<400x8xf32, #tpu.memory_space<hbm>> -> memref<400x8xf32, #tpu.memory_space<hbm>>
      tpu.enqueue_indirect_dma source(%dma_start3A_1154 : memref<400x8xf32, #tpu.memory_space<hbm>>) target(%dma_start3A_1149 : memref<128x8xf32, #tpu.memory_space<vmem>>) offsets(%dma_start3A_1151 : memref<128xi32, #tpu.memory_space<vmem>>) semaphore(%arg19 : memref<!tpu.dma_semaphore, #tpu.memory_space<semaphore_mem>>)
      %dma_start3A_1155 = arith.constant 200 : i32
      %dma_start3A_1156 = arith.constant 0 : i32
      %dma_start3A_1157 = tpu.memref_slice %arg16[%dma_start3A_1155, %dma_start3A_1156] : memref<400x8xf32, #tpu.memory_space<vmem>> -> memref<128x8xf32, #tpu.memory_space<vmem>>
      %dma_start3A_1158 = arith.constant 1400 : i32
      %dma_start3A_1159 = tpu.memref_slice %arg11[%dma_start3A_1158] : memref<1600xi32, #tpu.memory_space<vmem>> -> memref<128xi32, #tpu.memory_space<vmem>>
      %dma_start3A_1160 = arith.constant 0 : i32
      %dma_start3A_1161 = arith.constant 0 : i32
      %dma_start3A_1162 = tpu.memref_slice %arg7[%dma_start3A_1160, %dma_start3A_1161] : memref<400x8xf32, #tpu.memory_space<hbm>> -> memref<400x8xf32, #tpu.memory_space<hbm>>
      tpu.enqueue_indirect_dma source(%dma_start3A_1162 : memref<400x8xf32, #tpu.memory_space<hbm>>) target(%dma_start3A_1157 : memref<128x8xf32, #tpu.memory_space<vmem>>) offsets(%dma_start3A_1159 : memref<128xi32, #tpu.memory_space<vmem>>) semaphore(%arg19 : memref<!tpu.dma_semaphore, #tpu.memory_space<semaphore_mem>>)
      %dma_start3A_1163 = arith.constant 128 : i32
      %dma_start3A_1164 = arith.constant 0 : i32
      %dma_start3A_1165 = tpu.memref_slice %arg15[%dma_start3A_1163, %dma_start3A_1164] : memref<200x56xf32, #tpu.memory_space<vmem>> -> memref<72x56xf32, #tpu.memory_space<vmem>>
      %dma_start3A_1166 = arith.constant 1528 : i32
      %dma_start3A_1167 = tpu.memref_slice %arg9[%dma_start3A_1166] : memref<1600xi32, #tpu.memory_space<vmem>> -> memref<72xi32, #tpu.memory_space<vmem>>
      %dma_start3A_1168 = arith.constant 0 : i32
      %dma_start3A_1169 = arith.constant 0 : i32
      %dma_start3A_1170 = tpu.memref_slice %arg5[%dma_start3A_1168, %dma_start3A_1169] : memref<100000x56xf32, #tpu.memory_space<hbm>> -> memref<100000x56xf32, #tpu.memory_space<hbm>>
      tpu.enqueue_indirect_dma source(%dma_start3A_1170 : memref<100000x56xf32, #tpu.memory_space<hbm>>) target(%dma_start3A_1165 : memref<72x56xf32, #tpu.memory_space<vmem>>) offsets(%dma_start3A_1167 : memref<72xi32, #tpu.memory_space<vmem>>) semaphore(%arg19 : memref<!tpu.dma_semaphore, #tpu.memory_space<semaphore_mem>>)
      %dma_start3A_1171 = arith.constant 128 : i32
      %dma_start3A_1172 = arith.constant 0 : i32
      %dma_start3A_1173 = tpu.memref_slice %arg16[%dma_start3A_1171, %dma_start3A_1172] : memref<400x8xf32, #tpu.memory_space<vmem>> -> memref<72x8xf32, #tpu.memory_space<vmem>>
      %dma_start3A_1174 = arith.constant 1528 : i32
      %dma_start3A_1175 = tpu.memref_slice %arg10[%dma_start3A_1174] : memref<1600xi32, #tpu.memory_space<vmem>> -> memref<72xi32, #tpu.memory_space<vmem>>
      %dma_start3A_1176 = arith.constant 0 : i32
      %dma_start3A_1177 = arith.constant 0 : i32
      %dma_start3A_1178 = tpu.memref_slice %arg6[%dma_start3A_1176, %dma_start3A_1177] : memref<400x8xf32, #tpu.memory_space<hbm>> -> memref<400x8xf32, #tpu.memory_space<hbm>>
      tpu.enqueue_indirect_dma source(%dma_start3A_1178 : memref<400x8xf32, #tpu.memory_space<hbm>>) target(%dma_start3A_1173 : memref<72x8xf32, #tpu.memory_space<vmem>>) offsets(%dma_start3A_1175 : memref<72xi32, #tpu.memory_space<vmem>>) semaphore(%arg19 : memref<!tpu.dma_semaphore, #tpu.memory_space<semaphore_mem>>)
      %dma_start3A_1179 = arith.constant 328 : i32
      %dma_start3A_1180 = arith.constant 0 : i32
      %dma_start3A_1181 = tpu.memref_slice %arg16[%dma_start3A_1179, %dma_start3A_1180] : memref<400x8xf32, #tpu.memory_space<vmem>> -> memref<72x8xf32, #tpu.memory_space<vmem>>
      %dma_start3A_1182 = arith.constant 1528 : i32
      %dma_start3A_1183 = tpu.memref_slice %arg11[%dma_start3A_1182] : memref<1600xi32, #tpu.memory_space<vmem>> -> memref<72xi32, #tpu.memory_space<vmem>>
      %dma_start3A_1184 = arith.constant 0 : i32
      %dma_start3A_1185 = arith.constant 0 : i32
      %dma_start3A_1186 = tpu.memref_slice %arg7[%dma_start3A_1184, %dma_start3A_1185] : memref<400x8xf32, #tpu.memory_space<hbm>> -> memref<400x8xf32, #tpu.memory_space<hbm>>
      tpu.enqueue_indirect_dma source(%dma_start3A_1186 : memref<400x8xf32, #tpu.memory_space<hbm>>) target(%dma_start3A_1181 : memref<72x8xf32, #tpu.memory_space<vmem>>) offsets(%dma_start3A_1183 : memref<72xi32, #tpu.memory_space<vmem>>) semaphore(%arg19 : memref<!tpu.dma_semaphore, #tpu.memory_space<semaphore_mem>>)
      %ge3A_1187 = arith.constant 2 : i32
      %ge3A_1188 = arith.cmpi sge, %add3A_1090, %ge3A_1187 : i32
      %convert_element_type3A_1189 = arith.extui %ge3A_1188 : i1 to i32
      %cond3A_1190 = arith.constant 0 : i32
      %cond3A_1191 = arith.cmpi ne, %convert_element_type3A_1189, %cond3A_1190 : i32
      scf.if %cond3A_1191 {
        %sub3A = arith.constant 2 : i32
        %sub3A_1275 = arith.subi %add3A_1090, %sub3A : i32
        %add3A_1276 = arith.addi %mul3A_305, %sub3A_1275 : i32
        %dma_wait3A_1277 = arith.constant 0 : i32
        %dma_wait3A_1278 = arith.constant 0 : i32
        %dma_wait3A_1279 = tpu.memref_slice %arg8[%add3A_1276, %dma_wait3A_1277, %dma_wait3A_1278] : memref<4096x200x60xf32, #tpu.memory_space<hbm>> -> memref<1x200x60xf32, #tpu.memory_space<hbm>>
        %dma_wait3A_1280 = tpu.memref_squeeze %dma_wait3A_1279 : memref<1x200x60xf32, #tpu.memory_space<hbm>> -> memref<200x60xf32, #tpu.memory_space<hbm>>
        %dma_wait3A_1281 = arith.constant 0 : i32
        %dma_wait3A_1282 = arith.constant 0 : i32
        %dma_wait3A_1283 = tpu.memref_slice %arg8[%add3A_1276, %dma_wait3A_1281, %dma_wait3A_1282] : memref<4096x200x60xf32, #tpu.memory_space<hbm>> -> memref<1x200x60xf32, #tpu.memory_space<hbm>>
        %dma_wait3A_1284 = tpu.memref_squeeze %dma_wait3A_1283 : memref<1x200x60xf32, #tpu.memory_space<hbm>> -> memref<200x60xf32, #tpu.memory_space<hbm>>
        tpu.wait_dma2 semaphore(%arg20 : memref<!tpu.dma_semaphore, #tpu.memory_space<semaphore_mem>>) src(%arg14 : memref<200x60xf32, #tpu.memory_space<vmem>>) dst(%dma_wait3A_1284 : memref<200x60xf32, #tpu.memory_space<hbm>>)
      } else {
      }
      %scan3A_1192 = arith.constant 0 : i32
      %scan3A_1193 = arith.constant 50 : i32
      %scan3A_1194 = arith.addi %scan3A_1192, %scan3A_1193 : i32
      %scan3A_1195 = arith.constant 1 : i32
      scf.for %scan3A_1275 = %scan3A_1192 to %scan3A_1194 step %scan3A_1195  : i32 {
        %mul3A_1276 = arith.constant 4 : i32
        %mul3A_1277 = arith.muli %scan3A_1275, %mul3A_1276 : i32
        %add3A_1278 = arith.constant 0 : i32
        %add3A_1279 = arith.addi %mul3A_1277, %add3A_1278 : i32
        %get3A = arith.index_cast %add3A_1279 : i32 to index
        %get3A_1280 = arith.constant 0 : index
        %get3A_1281 = tpu.vector_load %arg12[%get3A, %get3A_1280] {strides = array<i32>} : memref<200x56xf32, #tpu.memory_space<vmem>>, vector<16xf32>,
        %swap3A = arith.index_cast %add3A_1279 : i32 to index
        %swap3A_1282 = arith.constant 0 : index
        %swap3A_1283 = tpu.vector_load %arg14[%swap3A, %swap3A_1282] {strides = array<i32>} : memref<200x60xf32, #tpu.memory_space<vmem>>, vector<16xf32>,
        tpu.vector_store %arg14[%swap3A, %swap3A_1282], %get3A_1281 {strides = array<i32>} : memref<200x60xf32, #tpu.memory_space<vmem>>, vector<16xf32>,
        %get3A_1284 = arith.index_cast %add3A_1279 : i32 to index
        %get3A_1285 = arith.constant 16 : index
        %get3A_1286 = tpu.vector_load %arg12[%get3A_1284, %get3A_1285] {strides = array<i32>} : memref<200x56xf32, #tpu.memory_space<vmem>>, vector<16xf32>,
        %swap3A_1287 = arith.index_cast %add3A_1279 : i32 to index
        %swap3A_1288 = arith.constant 16 : index
        %swap3A_1289 = tpu.vector_load %arg14[%swap3A_1287, %swap3A_1288] {strides = array<i32>} : memref<200x60xf32, #tpu.memory_space<vmem>>, vector<16xf32>,
        tpu.vector_store %arg14[%swap3A_1287, %swap3A_1288], %get3A_1286 {strides = array<i32>} : memref<200x60xf32, #tpu.memory_space<vmem>>, vector<16xf32>,
        %get3A_1290 = arith.index_cast %add3A_1279 : i32 to index
        %get3A_1291 = arith.constant 28 : index
        %get3A_1292 = tpu.vector_load %arg12[%get3A_1290, %get3A_1291] {strides = array<i32>} : memref<200x56xf32, #tpu.memory_space<vmem>>, vector<16xf32>,
        %swap3A_1293 = arith.index_cast %add3A_1279 : i32 to index
        %swap3A_1294 = arith.constant 28 : index
        %swap3A_1295 = tpu.vector_load %arg14[%swap3A_1293, %swap3A_1294] {strides = array<i32>} : memref<200x60xf32, #tpu.memory_space<vmem>>, vector<16xf32>,
        tpu.vector_store %arg14[%swap3A_1293, %swap3A_1294], %get3A_1292 {strides = array<i32>} : memref<200x60xf32, #tpu.memory_space<vmem>>, vector<16xf32>,
        %add3A_1296 = vector.broadcast %add3A_1279 : i32 to vector<16xi32>
        %add3A_1297 = arith.addi %mul3A_303, %add3A_1296 : vector<16xi32>
        %gather3A = tpu.vector_load_idx %arg12[%add3A_1297, %select_n3A_98] : memref<200x56xf32, #tpu.memory_space<vmem>>[vector<16xi32>, vector<16xi32>], vector<16xf32>,
        %add3A_1298 = arith.addi %add3A_1297, %select_n3A_198 : vector<16xi32>
        %gather3A_1299 = tpu.vector_load_idx %arg13[%add3A_1298, %select_n3A_298] : memref<400x8xf32, #tpu.memory_space<vmem>>[vector<16xi32>, vector<16xi32>], vector<16xf32>,
        %select_n3A_1300 = arith.select %lt3A_300, %gather3A, %gather3A_1299 : vector<16xi1>, vector<16xf32>
        %swap3A_1301 = arith.index_cast %add3A_1279 : i32 to index
        %swap3A_1302 = arith.constant 44 : index
        %swap3A_1303 = tpu.vector_load %arg14[%swap3A_1301, %swap3A_1302] {strides = array<i32>} : memref<200x60xf32, #tpu.memory_space<vmem>>, vector<16xf32>,
        tpu.vector_store %arg14[%swap3A_1301, %swap3A_1302], %select_n3A_1300 {strides = array<i32>} : memref<200x60xf32, #tpu.memory_space<vmem>>, vector<16xf32>,
        %add3A_1304 = arith.constant 1 : i32
        %add3A_1305 = arith.addi %mul3A_1277, %add3A_1304 : i32
        %get3A_1306 = arith.index_cast %add3A_1305 : i32 to index
        %get3A_1307 = arith.constant 0 : index
        %get3A_1308 = tpu.vector_load %arg12[%get3A_1306, %get3A_1307] {strides = array<i32>} : memref<200x56xf32, #tpu.memory_space<vmem>>, vector<16xf32>,
        %swap3A_1309 = arith.index_cast %add3A_1305 : i32 to index
        %swap3A_1310 = arith.constant 0 : index
        %swap3A_1311 = tpu.vector_load %arg14[%swap3A_1309, %swap3A_1310] {strides = array<i32>} : memref<200x60xf32, #tpu.memory_space<vmem>>, vector<16xf32>,
        tpu.vector_store %arg14[%swap3A_1309, %swap3A_1310], %get3A_1308 {strides = array<i32>} : memref<200x60xf32, #tpu.memory_space<vmem>>, vector<16xf32>,
        %get3A_1312 = arith.index_cast %add3A_1305 : i32 to index
        %get3A_1313 = arith.constant 16 : index
        %get3A_1314 = tpu.vector_load %arg12[%get3A_1312, %get3A_1313] {strides = array<i32>} : memref<200x56xf32, #tpu.memory_space<vmem>>, vector<16xf32>,
        %swap3A_1315 = arith.index_cast %add3A_1305 : i32 to index
        %swap3A_1316 = arith.constant 16 : index
        %swap3A_1317 = tpu.vector_load %arg14[%swap3A_1315, %swap3A_1316] {strides = array<i32>} : memref<200x60xf32, #tpu.memory_space<vmem>>, vector<16xf32>,
        tpu.vector_store %arg14[%swap3A_1315, %swap3A_1316], %get3A_1314 {strides = array<i32>} : memref<200x60xf32, #tpu.memory_space<vmem>>, vector<16xf32>,
        %get3A_1318 = arith.index_cast %add3A_1305 : i32 to index
        %get3A_1319 = arith.constant 28 : index
        %get3A_1320 = tpu.vector_load %arg12[%get3A_1318, %get3A_1319] {strides = array<i32>} : memref<200x56xf32, #tpu.memory_space<vmem>>, vector<16xf32>,
        %swap3A_1321 = arith.index_cast %add3A_1305 : i32 to index
        %swap3A_1322 = arith.constant 28 : index
        %swap3A_1323 = tpu.vector_load %arg14[%swap3A_1321, %swap3A_1322] {strides = array<i32>} : memref<200x60xf32, #tpu.memory_space<vmem>>, vector<16xf32>,
        tpu.vector_store %arg14[%swap3A_1321, %swap3A_1322], %get3A_1320 {strides = array<i32>} : memref<200x60xf32, #tpu.memory_space<vmem>>, vector<16xf32>,
        %add3A_1324 = vector.broadcast %add3A_1305 : i32 to vector<16xi32>
        %add3A_1325 = arith.addi %mul3A_303, %add3A_1324 : vector<16xi32>
        %gather3A_1326 = tpu.vector_load_idx %arg12[%add3A_1325, %select_n3A_98] : memref<200x56xf32, #tpu.memory_space<vmem>>[vector<16xi32>, vector<16xi32>], vector<16xf32>,
        %add3A_1327 = arith.addi %add3A_1325, %select_n3A_198 : vector<16xi32>
        %gather3A_1328 = tpu.vector_load_idx %arg13[%add3A_1327, %select_n3A_298] : memref<400x8xf32, #tpu.memory_space<vmem>>[vector<16xi32>, vector<16xi32>], vector<16xf32>,
        %select_n3A_1329 = arith.select %lt3A_300, %gather3A_1326, %gather3A_1328 : vector<16xi1>, vector<16xf32>
        %swap3A_1330 = arith.index_cast %add3A_1305 : i32 to index
        %swap3A_1331 = arith.constant 44 : index
        %swap3A_1332 = tpu.vector_load %arg14[%swap3A_1330, %swap3A_1331] {strides = array<i32>} : memref<200x60xf32, #tpu.memory_space<vmem>>, vector<16xf32>,
        tpu.vector_store %arg14[%swap3A_1330, %swap3A_1331], %select_n3A_1329 {strides = array<i32>} : memref<200x60xf32, #tpu.memory_space<vmem>>, vector<16xf32>,
        %add3A_1333 = arith.constant 2 : i32
        %add3A_1334 = arith.addi %mul3A_1277, %add3A_1333 : i32
        %get3A_1335 = arith.index_cast %add3A_1334 : i32 to index
        %get3A_1336 = arith.constant 0 : index
        %get3A_1337 = tpu.vector_load %arg12[%get3A_1335, %get3A_1336] {strides = array<i32>} : memref<200x56xf32, #tpu.memory_space<vmem>>, vector<16xf32>,
        %swap3A_1338 = arith.index_cast %add3A_1334 : i32 to index
        %swap3A_1339 = arith.constant 0 : index
        %swap3A_1340 = tpu.vector_load %arg14[%swap3A_1338, %swap3A_1339] {strides = array<i32>} : memref<200x60xf32, #tpu.memory_space<vmem>>, vector<16xf32>,
        tpu.vector_store %arg14[%swap3A_1338, %swap3A_1339], %get3A_1337 {strides = array<i32>} : memref<200x60xf32, #tpu.memory_space<vmem>>, vector<16xf32>,
        %get3A_1341 = arith.index_cast %add3A_1334 : i32 to index
        %get3A_1342 = arith.constant 16 : index
        %get3A_1343 = tpu.vector_load %arg12[%get3A_1341, %get3A_1342] {strides = array<i32>} : memref<200x56xf32, #tpu.memory_space<vmem>>, vector<16xf32>,
        %swap3A_1344 = arith.index_cast %add3A_1334 : i32 to index
        %swap3A_1345 = arith.constant 16 : index
        %swap3A_1346 = tpu.vector_load %arg14[%swap3A_1344, %swap3A_1345] {strides = array<i32>} : memref<200x60xf32, #tpu.memory_space<vmem>>, vector<16xf32>,
        tpu.vector_store %arg14[%swap3A_1344, %swap3A_1345], %get3A_1343 {strides = array<i32>} : memref<200x60xf32, #tpu.memory_space<vmem>>, vector<16xf32>,
        %get3A_1347 = arith.index_cast %add3A_1334 : i32 to index
        %get3A_1348 = arith.constant 28 : index
        %get3A_1349 = tpu.vector_load %arg12[%get3A_1347, %get3A_1348] {strides = array<i32>} : memref<200x56xf32, #tpu.memory_space<vmem>>, vector<16xf32>,
        %swap3A_1350 = arith.index_cast %add3A_1334 : i32 to index
        %swap3A_1351 = arith.constant 28 : index
        %swap3A_1352 = tpu.vector_load %arg14[%swap3A_1350, %swap3A_1351] {strides = array<i32>} : memref<200x60xf32, #tpu.memory_space<vmem>>, vector<16xf32>,
        tpu.vector_store %arg14[%swap3A_1350, %swap3A_1351], %get3A_1349 {strides = array<i32>} : memref<200x60xf32, #tpu.memory_space<vmem>>, vector<16xf32>,
        %add3A_1353 = vector.broadcast %add3A_1334 : i32 to vector<16xi32>
        %add3A_1354 = arith.addi %mul3A_303, %add3A_1353 : vector<16xi32>
        %gather3A_1355 = tpu.vector_load_idx %arg12[%add3A_1354, %select_n3A_98] : memref<200x56xf32, #tpu.memory_space<vmem>>[vector<16xi32>, vector<16xi32>], vector<16xf32>,
        %add3A_1356 = arith.addi %add3A_1354, %select_n3A_198 : vector<16xi32>
        %gather3A_1357 = tpu.vector_load_idx %arg13[%add3A_1356, %select_n3A_298] : memref<400x8xf32, #tpu.memory_space<vmem>>[vector<16xi32>, vector<16xi32>], vector<16xf32>,
        %select_n3A_1358 = arith.select %lt3A_300, %gather3A_1355, %gather3A_1357 : vector<16xi1>, vector<16xf32>
        %swap3A_1359 = arith.index_cast %add3A_1334 : i32 to index
        %swap3A_1360 = arith.constant 44 : index
        %swap3A_1361 = tpu.vector_load %arg14[%swap3A_1359, %swap3A_1360] {strides = array<i32>} : memref<200x60xf32, #tpu.memory_space<vmem>>, vector<16xf32>,
        tpu.vector_store %arg14[%swap3A_1359, %swap3A_1360], %select_n3A_1358 {strides = array<i32>} : memref<200x60xf32, #tpu.memory_space<vmem>>, vector<16xf32>,
        %add3A_1362 = arith.constant 3 : i32
        %add3A_1363 = arith.addi %mul3A_1277, %add3A_1362 : i32
        %get3A_1364 = arith.index_cast %add3A_1363 : i32 to index
        %get3A_1365 = arith.constant 0 : index
        %get3A_1366 = tpu.vector_load %arg12[%get3A_1364, %get3A_1365] {strides = array<i32>} : memref<200x56xf32, #tpu.memory_space<vmem>>, vector<16xf32>,
        %swap3A_1367 = arith.index_cast %add3A_1363 : i32 to index
        %swap3A_1368 = arith.constant 0 : index
        %swap3A_1369 = tpu.vector_load %arg14[%swap3A_1367, %swap3A_1368] {strides = array<i32>} : memref<200x60xf32, #tpu.memory_space<vmem>>, vector<16xf32>,
        tpu.vector_store %arg14[%swap3A_1367, %swap3A_1368], %get3A_1366 {strides = array<i32>} : memref<200x60xf32, #tpu.memory_space<vmem>>, vector<16xf32>,
        %get3A_1370 = arith.index_cast %add3A_1363 : i32 to index
        %get3A_1371 = arith.constant 16 : index
        %get3A_1372 = tpu.vector_load %arg12[%get3A_1370, %get3A_1371] {strides = array<i32>} : memref<200x56xf32, #tpu.memory_space<vmem>>, vector<16xf32>,
        %swap3A_1373 = arith.index_cast %add3A_1363 : i32 to index
        %swap3A_1374 = arith.constant 16 : index
        %swap3A_1375 = tpu.vector_load %arg14[%swap3A_1373, %swap3A_1374] {strides = array<i32>} : memref<200x60xf32, #tpu.memory_space<vmem>>, vector<16xf32>,
        tpu.vector_store %arg14[%swap3A_1373, %swap3A_1374], %get3A_1372 {strides = array<i32>} : memref<200x60xf32, #tpu.memory_space<vmem>>, vector<16xf32>,
        %get3A_1376 = arith.index_cast %add3A_1363 : i32 to index
        %get3A_1377 = arith.constant 28 : index
        %get3A_1378 = tpu.vector_load %arg12[%get3A_1376, %get3A_1377] {strides = array<i32>} : memref<200x56xf32, #tpu.memory_space<vmem>>, vector<16xf32>,
        %swap3A_1379 = arith.index_cast %add3A_1363 : i32 to index
        %swap3A_1380 = arith.constant 28 : index
        %swap3A_1381 = tpu.vector_load %arg14[%swap3A_1379, %swap3A_1380] {strides = array<i32>} : memref<200x60xf32, #tpu.memory_space<vmem>>, vector<16xf32>,
        tpu.vector_store %arg14[%swap3A_1379, %swap3A_1380], %get3A_1378 {strides = array<i32>} : memref<200x60xf32, #tpu.memory_space<vmem>>, vector<16xf32>,
        %add3A_1382 = vector.broadcast %add3A_1363 : i32 to vector<16xi32>
        %add3A_1383 = arith.addi %mul3A_303, %add3A_1382 : vector<16xi32>
        %gather3A_1384 = tpu.vector_load_idx %arg12[%add3A_1383, %select_n3A_98] : memref<200x56xf32, #tpu.memory_space<vmem>>[vector<16xi32>, vector<16xi32>], vector<16xf32>,
        %add3A_1385 = arith.addi %add3A_1383, %select_n3A_198 : vector<16xi32>
        %gather3A_1386 = tpu.vector_load_idx %arg13[%add3A_1385, %select_n3A_298] : memref<400x8xf32, #tpu.memory_space<vmem>>[vector<16xi32>, vector<16xi32>], vector<16xf32>,
        %select_n3A_1387 = arith.select %lt3A_300, %gather3A_1384, %gather3A_1386 : vector<16xi1>, vector<16xf32>
        %swap3A_1388 = arith.index_cast %add3A_1363 : i32 to index
        %swap3A_1389 = arith.constant 44 : index
        %swap3A_1390 = tpu.vector_load %arg14[%swap3A_1388, %swap3A_1389] {strides = array<i32>} : memref<200x60xf32, #tpu.memory_space<vmem>>, vector<16xf32>,
        tpu.vector_store %arg14[%swap3A_1388, %swap3A_1389], %select_n3A_1387 {strides = array<i32>} : memref<200x60xf32, #tpu.memory_space<vmem>>, vector<16xf32>,
      }
      %scan3A_1196 = arith.constant 50 : i32
      %add3A_1197 = arith.addi %mul3A_305, %add3A_1090 : i32
      %dma_start3A_1198 = arith.constant 0 : i32
      %dma_start3A_1199 = arith.constant 0 : i32
      %dma_start3A_1200 = tpu.memref_slice %arg8[%add3A_1197, %dma_start3A_1198, %dma_start3A_1199] : memref<4096x200x60xf32, #tpu.memory_space<hbm>> -> memref<1x200x60xf32, #tpu.memory_space<hbm>>
      %dma_start3A_1201 = tpu.memref_squeeze %dma_start3A_1200 : memref<1x200x60xf32, #tpu.memory_space<hbm>> -> memref<200x60xf32, #tpu.memory_space<hbm>>
      %dma_start3A_1202 = arith.constant 0 : i32
      %dma_start3A_1203 = arith.constant 0 : i32
      %dma_start3A_1204 = tpu.memref_slice %arg8[%add3A_1197, %dma_start3A_1202, %dma_start3A_1203] : memref<4096x200x60xf32, #tpu.memory_space<hbm>> -> memref<1x200x60xf32, #tpu.memory_space<hbm>>
      %dma_start3A_1205 = tpu.memref_squeeze %dma_start3A_1204 : memref<1x200x60xf32, #tpu.memory_space<hbm>> -> memref<200x60xf32, #tpu.memory_space<hbm>>
      tpu.enqueue_dma source(%arg14 : memref<200x60xf32, #tpu.memory_space<vmem>>) target(%dma_start3A_1205 : memref<200x60xf32, #tpu.memory_space<hbm>>) target_semaphore(%arg20 : memref<!tpu.dma_semaphore, #tpu.memory_space<semaphore_mem>>)
      %dma_wait3A_1206 = arith.constant 0 : i32
      %dma_wait3A_1207 = arith.constant 0 : i32
      %dma_wait3A_1208 = tpu.memref_slice %arg15[%dma_wait3A_1206, %dma_wait3A_1207] : memref<200x56xf32, #tpu.memory_space<vmem>> -> memref<128x56xf32, #tpu.memory_space<vmem>>
      %dma_wait3A_1209 = arith.constant 1400 : i32
      %dma_wait3A_1210 = tpu.memref_slice %arg9[%dma_wait3A_1209] : memref<1600xi32, #tpu.memory_space<vmem>> -> memref<128xi32, #tpu.memory_space<vmem>>
      %dma_wait3A_1211 = arith.constant 0 : i32
      %dma_wait3A_1212 = arith.constant 0 : i32
      %dma_wait3A_1213 = tpu.memref_slice %arg5[%dma_wait3A_1211, %dma_wait3A_1212] : memref<100000x56xf32, #tpu.memory_space<hbm>> -> memref<100000x56xf32, #tpu.memory_space<hbm>>
      tpu.wait_indirect_dma semaphore(%arg19 : memref<!tpu.dma_semaphore, #tpu.memory_space<semaphore_mem>>) src(%dma_wait3A_1213 : memref<100000x56xf32, #tpu.memory_space<hbm>>) dst(%dma_wait3A_1208 : memref<128x56xf32, #tpu.memory_space<vmem>>)
      %dma_wait3A_1214 = arith.constant 0 : i32
      %dma_wait3A_1215 = arith.constant 0 : i32
      %dma_wait3A_1216 = tpu.memref_slice %arg16[%dma_wait3A_1214, %dma_wait3A_1215] : memref<400x8xf32, #tpu.memory_space<vmem>> -> memref<128x8xf32, #tpu.memory_space<vmem>>
      %dma_wait3A_1217 = arith.constant 1400 : i32
      %dma_wait3A_1218 = tpu.memref_slice %arg10[%dma_wait3A_1217] : memref<1600xi32, #tpu.memory_space<vmem>> -> memref<128xi32, #tpu.memory_space<vmem>>
      %dma_wait3A_1219 = arith.constant 0 : i32
      %dma_wait3A_1220 = arith.constant 0 : i32
      %dma_wait3A_1221 = tpu.memref_slice %arg6[%dma_wait3A_1219, %dma_wait3A_1220] : memref<400x8xf32, #tpu.memory_space<hbm>> -> memref<400x8xf32, #tpu.memory_space<hbm>>
      tpu.wait_indirect_dma semaphore(%arg19 : memref<!tpu.dma_semaphore, #tpu.memory_space<semaphore_mem>>) src(%dma_wait3A_1221 : memref<400x8xf32, #tpu.memory_space<hbm>>) dst(%dma_wait3A_1216 : memref<128x8xf32, #tpu.memory_space<vmem>>)
      %dma_wait3A_1222 = arith.constant 200 : i32
      %dma_wait3A_1223 = arith.constant 0 : i32
      %dma_wait3A_1224 = tpu.memref_slice %arg16[%dma_wait3A_1222, %dma_wait3A_1223] : memref<400x8xf32, #tpu.memory_space<vmem>> -> memref<128x8xf32, #tpu.memory_space<vmem>>
      %dma_wait3A_1225 = arith.constant 1400 : i32
      %dma_wait3A_1226 = tpu.memref_slice %arg11[%dma_wait3A_1225] : memref<1600xi32, #tpu.memory_space<vmem>> -> memref<128xi32, #tpu.memory_space<vmem>>
      %dma_wait3A_1227 = arith.constant 0 : i32
      %dma_wait3A_1228 = arith.constant 0 : i32
      %dma_wait3A_1229 = tpu.memref_slice %arg7[%dma_wait3A_1227, %dma_wait3A_1228] : memref<400x8xf32, #tpu.memory_space<hbm>> -> memref<400x8xf32, #tpu.memory_space<hbm>>
      tpu.wait_indirect_dma semaphore(%arg19 : memref<!tpu.dma_semaphore, #tpu.memory_space<semaphore_mem>>) src(%dma_wait3A_1229 : memref<400x8xf32, #tpu.memory_space<hbm>>) dst(%dma_wait3A_1224 : memref<128x8xf32, #tpu.memory_space<vmem>>)
      %dma_wait3A_1230 = arith.constant 128 : i32
      %dma_wait3A_1231 = arith.constant 0 : i32
      %dma_wait3A_1232 = tpu.memref_slice %arg15[%dma_wait3A_1230, %dma_wait3A_1231] : memref<200x56xf32, #tpu.memory_space<vmem>> -> memref<72x56xf32, #tpu.memory_space<vmem>>
      %dma_wait3A_1233 = arith.constant 1528 : i32
      %dma_wait3A_1234 = tpu.memref_slice %arg9[%dma_wait3A_1233] : memref<1600xi32, #tpu.memory_space<vmem>> -> memref<72xi32, #tpu.memory_space<vmem>>
      %dma_wait3A_1235 = arith.constant 0 : i32
      %dma_wait3A_1236 = arith.constant 0 : i32
      %dma_wait3A_1237 = tpu.memref_slice %arg5[%dma_wait3A_1235, %dma_wait3A_1236] : memref<100000x56xf32, #tpu.memory_space<hbm>> -> memref<100000x56xf32, #tpu.memory_space<hbm>>
      tpu.wait_indirect_dma semaphore(%arg19 : memref<!tpu.dma_semaphore, #tpu.memory_space<semaphore_mem>>) src(%dma_wait3A_1237 : memref<100000x56xf32, #tpu.memory_space<hbm>>) dst(%dma_wait3A_1232 : memref<72x56xf32, #tpu.memory_space<vmem>>)
      %dma_wait3A_1238 = arith.constant 128 : i32
      %dma_wait3A_1239 = arith.constant 0 : i32
      %dma_wait3A_1240 = tpu.memref_slice %arg16[%dma_wait3A_1238, %dma_wait3A_1239] : memref<400x8xf32, #tpu.memory_space<vmem>> -> memref<72x8xf32, #tpu.memory_space<vmem>>
      %dma_wait3A_1241 = arith.constant 1528 : i32
      %dma_wait3A_1242 = tpu.memref_slice %arg10[%dma_wait3A_1241] : memref<1600xi32, #tpu.memory_space<vmem>> -> memref<72xi32, #tpu.memory_space<vmem>>
      %dma_wait3A_1243 = arith.constant 0 : i32
      %dma_wait3A_1244 = arith.constant 0 : i32
      %dma_wait3A_1245 = tpu.memref_slice %arg6[%dma_wait3A_1243, %dma_wait3A_1244] : memref<400x8xf32, #tpu.memory_space<hbm>> -> memref<400x8xf32, #tpu.memory_space<hbm>>
      tpu.wait_indirect_dma semaphore(%arg19 : memref<!tpu.dma_semaphore, #tpu.memory_space<semaphore_mem>>) src(%dma_wait3A_1245 : memref<400x8xf32, #tpu.memory_space<hbm>>) dst(%dma_wait3A_1240 : memref<72x8xf32, #tpu.memory_space<vmem>>)
      %dma_wait3A_1246 = arith.constant 328 : i32
      %dma_wait3A_1247 = arith.constant 0 : i32
      %dma_wait3A_1248 = tpu.memref_slice %arg16[%dma_wait3A_1246, %dma_wait3A_1247] : memref<400x8xf32, #tpu.memory_space<vmem>> -> memref<72x8xf32, #tpu.memory_space<vmem>>
      %dma_wait3A_1249 = arith.constant 1528 : i32
      %dma_wait3A_1250 = tpu.memref_slice %arg11[%dma_wait3A_1249] : memref<1600xi32, #tpu.memory_space<vmem>> -> memref<72xi32, #tpu.memory_space<vmem>>
      %dma_wait3A_1251 = arith.constant 0 : i32
      %dma_wait3A_1252 = arith.constant 0 : i32
      %dma_wait3A_1253 = tpu.memref_slice %arg7[%dma_wait3A_1251, %dma_wait3A_1252] : memref<400x8xf32, #tpu.memory_space<hbm>> -> memref<400x8xf32, #tpu.memory_space<hbm>>
      tpu.wait_indirect_dma semaphore(%arg19 : memref<!tpu.dma_semaphore, #tpu.memory_space<semaphore_mem>>) src(%dma_wait3A_1253 : memref<400x8xf32, #tpu.memory_space<hbm>>) dst(%dma_wait3A_1248 : memref<72x8xf32, #tpu.memory_space<vmem>>)
      %ge3A_1254 = arith.constant 1 : i32
      %ge3A_1255 = arith.cmpi sge, %add3A_1090, %ge3A_1254 : i32
      %convert_element_type3A_1256 = arith.extui %ge3A_1255 : i1 to i32
      %cond3A_1257 = arith.constant 0 : i32
      %cond3A_1258 = arith.cmpi ne, %convert_element_type3A_1256, %cond3A_1257 : i32
      scf.if %cond3A_1258 {
        %sub3A = arith.constant 1 : i32
        %sub3A_1275 = arith.subi %add3A_1090, %sub3A : i32
        %add3A_1276 = arith.addi %mul3A_305, %sub3A_1275 : i32
        %dma_wait3A_1277 = arith.constant 0 : i32
        %dma_wait3A_1278 = arith.constant 0 : i32
        %dma_wait3A_1279 = tpu.memref_slice %arg8[%add3A_1276, %dma_wait3A_1277, %dma_wait3A_1278] : memref<4096x200x60xf32, #tpu.memory_space<hbm>> -> memref<1x200x60xf32, #tpu.memory_space<hbm>>
        %dma_wait3A_1280 = tpu.memref_squeeze %dma_wait3A_1279 : memref<1x200x60xf32, #tpu.memory_space<hbm>> -> memref<200x60xf32, #tpu.memory_space<hbm>>
        %dma_wait3A_1281 = arith.constant 0 : i32
        %dma_wait3A_1282 = arith.constant 0 : i32
        %dma_wait3A_1283 = tpu.memref_slice %arg8[%add3A_1276, %dma_wait3A_1281, %dma_wait3A_1282] : memref<4096x200x60xf32, #tpu.memory_space<hbm>> -> memref<1x200x60xf32, #tpu.memory_space<hbm>>
        %dma_wait3A_1284 = tpu.memref_squeeze %dma_wait3A_1283 : memref<1x200x60xf32, #tpu.memory_space<hbm>> -> memref<200x60xf32, #tpu.memory_space<hbm>>
        tpu.wait_dma2 semaphore(%arg21 : memref<!tpu.dma_semaphore, #tpu.memory_space<semaphore_mem>>) src(%arg17 : memref<200x60xf32, #tpu.memory_space<vmem>>) dst(%dma_wait3A_1284 : memref<200x60xf32, #tpu.memory_space<hbm>>)
      } else {
      }
      %scan3A_1259 = arith.constant 0 : i32
      %scan3A_1260 = arith.constant 50 : i32
      %scan3A_1261 = arith.addi %scan3A_1259, %scan3A_1260 : i32
      %scan3A_1262 = arith.constant 1 : i32
      scf.for %scan3A_1275 = %scan3A_1259 to %scan3A_1261 step %scan3A_1262  : i32 {
        %mul3A_1276 = arith.constant 4 : i32
        %mul3A_1277 = arith.muli %scan3A_1275, %mul3A_1276 : i32
        %add3A_1278 = arith.constant 0 : i32
        %add3A_1279 = arith.addi %mul3A_1277, %add3A_1278 : i32
        %get3A = arith.index_cast %add3A_1279 : i32 to index
        %get3A_1280 = arith.constant 0 : index
        %get3A_1281 = tpu.vector_load %arg15[%get3A, %get3A_1280] {strides = array<i32>} : memref<200x56xf32, #tpu.memory_space<vmem>>, vector<16xf32>,
        %swap3A = arith.index_cast %add3A_1279 : i32 to index
        %swap3A_1282 = arith.constant 0 : index
        %swap3A_1283 = tpu.vector_load %arg17[%swap3A, %swap3A_1282] {strides = array<i32>} : memref<200x60xf32, #tpu.memory_space<vmem>>, vector<16xf32>,
        tpu.vector_store %arg17[%swap3A, %swap3A_1282], %get3A_1281 {strides = array<i32>} : memref<200x60xf32, #tpu.memory_space<vmem>>, vector<16xf32>,
        %get3A_1284 = arith.index_cast %add3A_1279 : i32 to index
        %get3A_1285 = arith.constant 16 : index
        %get3A_1286 = tpu.vector_load %arg15[%get3A_1284, %get3A_1285] {strides = array<i32>} : memref<200x56xf32, #tpu.memory_space<vmem>>, vector<16xf32>,
        %swap3A_1287 = arith.index_cast %add3A_1279 : i32 to index
        %swap3A_1288 = arith.constant 16 : index
        %swap3A_1289 = tpu.vector_load %arg17[%swap3A_1287, %swap3A_1288] {strides = array<i32>} : memref<200x60xf32, #tpu.memory_space<vmem>>, vector<16xf32>,
        tpu.vector_store %arg17[%swap3A_1287, %swap3A_1288], %get3A_1286 {strides = array<i32>} : memref<200x60xf32, #tpu.memory_space<vmem>>, vector<16xf32>,
        %get3A_1290 = arith.index_cast %add3A_1279 : i32 to index
        %get3A_1291 = arith.constant 28 : index
        %get3A_1292 = tpu.vector_load %arg15[%get3A_1290, %get3A_1291] {strides = array<i32>} : memref<200x56xf32, #tpu.memory_space<vmem>>, vector<16xf32>,
        %swap3A_1293 = arith.index_cast %add3A_1279 : i32 to index
        %swap3A_1294 = arith.constant 28 : index
        %swap3A_1295 = tpu.vector_load %arg17[%swap3A_1293, %swap3A_1294] {strides = array<i32>} : memref<200x60xf32, #tpu.memory_space<vmem>>, vector<16xf32>,
        tpu.vector_store %arg17[%swap3A_1293, %swap3A_1294], %get3A_1292 {strides = array<i32>} : memref<200x60xf32, #tpu.memory_space<vmem>>, vector<16xf32>,
        %add3A_1296 = vector.broadcast %add3A_1279 : i32 to vector<16xi32>
        %add3A_1297 = arith.addi %mul3A_303, %add3A_1296 : vector<16xi32>
        %gather3A = tpu.vector_load_idx %arg15[%add3A_1297, %select_n3A_98] : memref<200x56xf32, #tpu.memory_space<vmem>>[vector<16xi32>, vector<16xi32>], vector<16xf32>,
        %add3A_1298 = arith.addi %add3A_1297, %select_n3A_198 : vector<16xi32>
        %gather3A_1299 = tpu.vector_load_idx %arg16[%add3A_1298, %select_n3A_298] : memref<400x8xf32, #tpu.memory_space<vmem>>[vector<16xi32>, vector<16xi32>], vector<16xf32>,
        %select_n3A_1300 = arith.select %lt3A_300, %gather3A, %gather3A_1299 : vector<16xi1>, vector<16xf32>
        %swap3A_1301 = arith.index_cast %add3A_1279 : i32 to index
        %swap3A_1302 = arith.constant 44 : index
        %swap3A_1303 = tpu.vector_load %arg17[%swap3A_1301, %swap3A_1302] {strides = array<i32>} : memref<200x60xf32, #tpu.memory_space<vmem>>, vector<16xf32>,
        tpu.vector_store %arg17[%swap3A_1301, %swap3A_1302], %select_n3A_1300 {strides = array<i32>} : memref<200x60xf32, #tpu.memory_space<vmem>>, vector<16xf32>,
        %add3A_1304 = arith.constant 1 : i32
        %add3A_1305 = arith.addi %mul3A_1277, %add3A_1304 : i32
        %get3A_1306 = arith.index_cast %add3A_1305 : i32 to index
        %get3A_1307 = arith.constant 0 : index
        %get3A_1308 = tpu.vector_load %arg15[%get3A_1306, %get3A_1307] {strides = array<i32>} : memref<200x56xf32, #tpu.memory_space<vmem>>, vector<16xf32>,
        %swap3A_1309 = arith.index_cast %add3A_1305 : i32 to index
        %swap3A_1310 = arith.constant 0 : index
        %swap3A_1311 = tpu.vector_load %arg17[%swap3A_1309, %swap3A_1310] {strides = array<i32>} : memref<200x60xf32, #tpu.memory_space<vmem>>, vector<16xf32>,
        tpu.vector_store %arg17[%swap3A_1309, %swap3A_1310], %get3A_1308 {strides = array<i32>} : memref<200x60xf32, #tpu.memory_space<vmem>>, vector<16xf32>,
        %get3A_1312 = arith.index_cast %add3A_1305 : i32 to index
        %get3A_1313 = arith.constant 16 : index
        %get3A_1314 = tpu.vector_load %arg15[%get3A_1312, %get3A_1313] {strides = array<i32>} : memref<200x56xf32, #tpu.memory_space<vmem>>, vector<16xf32>,
        %swap3A_1315 = arith.index_cast %add3A_1305 : i32 to index
        %swap3A_1316 = arith.constant 16 : index
        %swap3A_1317 = tpu.vector_load %arg17[%swap3A_1315, %swap3A_1316] {strides = array<i32>} : memref<200x60xf32, #tpu.memory_space<vmem>>, vector<16xf32>,
        tpu.vector_store %arg17[%swap3A_1315, %swap3A_1316], %get3A_1314 {strides = array<i32>} : memref<200x60xf32, #tpu.memory_space<vmem>>, vector<16xf32>,
        %get3A_1318 = arith.index_cast %add3A_1305 : i32 to index
        %get3A_1319 = arith.constant 28 : index
        %get3A_1320 = tpu.vector_load %arg15[%get3A_1318, %get3A_1319] {strides = array<i32>} : memref<200x56xf32, #tpu.memory_space<vmem>>, vector<16xf32>,
        %swap3A_1321 = arith.index_cast %add3A_1305 : i32 to index
        %swap3A_1322 = arith.constant 28 : index
        %swap3A_1323 = tpu.vector_load %arg17[%swap3A_1321, %swap3A_1322] {strides = array<i32>} : memref<200x60xf32, #tpu.memory_space<vmem>>, vector<16xf32>,
        tpu.vector_store %arg17[%swap3A_1321, %swap3A_1322], %get3A_1320 {strides = array<i32>} : memref<200x60xf32, #tpu.memory_space<vmem>>, vector<16xf32>,
        %add3A_1324 = vector.broadcast %add3A_1305 : i32 to vector<16xi32>
        %add3A_1325 = arith.addi %mul3A_303, %add3A_1324 : vector<16xi32>
        %gather3A_1326 = tpu.vector_load_idx %arg15[%add3A_1325, %select_n3A_98] : memref<200x56xf32, #tpu.memory_space<vmem>>[vector<16xi32>, vector<16xi32>], vector<16xf32>,
        %add3A_1327 = arith.addi %add3A_1325, %select_n3A_198 : vector<16xi32>
        %gather3A_1328 = tpu.vector_load_idx %arg16[%add3A_1327, %select_n3A_298] : memref<400x8xf32, #tpu.memory_space<vmem>>[vector<16xi32>, vector<16xi32>], vector<16xf32>,
        %select_n3A_1329 = arith.select %lt3A_300, %gather3A_1326, %gather3A_1328 : vector<16xi1>, vector<16xf32>
        %swap3A_1330 = arith.index_cast %add3A_1305 : i32 to index
        %swap3A_1331 = arith.constant 44 : index
        %swap3A_1332 = tpu.vector_load %arg17[%swap3A_1330, %swap3A_1331] {strides = array<i32>} : memref<200x60xf32, #tpu.memory_space<vmem>>, vector<16xf32>,
        tpu.vector_store %arg17[%swap3A_1330, %swap3A_1331], %select_n3A_1329 {strides = array<i32>} : memref<200x60xf32, #tpu.memory_space<vmem>>, vector<16xf32>,
        %add3A_1333 = arith.constant 2 : i32
        %add3A_1334 = arith.addi %mul3A_1277, %add3A_1333 : i32
        %get3A_1335 = arith.index_cast %add3A_1334 : i32 to index
        %get3A_1336 = arith.constant 0 : index
        %get3A_1337 = tpu.vector_load %arg15[%get3A_1335, %get3A_1336] {strides = array<i32>} : memref<200x56xf32, #tpu.memory_space<vmem>>, vector<16xf32>,
        %swap3A_1338 = arith.index_cast %add3A_1334 : i32 to index
        %swap3A_1339 = arith.constant 0 : index
        %swap3A_1340 = tpu.vector_load %arg17[%swap3A_1338, %swap3A_1339] {strides = array<i32>} : memref<200x60xf32, #tpu.memory_space<vmem>>, vector<16xf32>,
        tpu.vector_store %arg17[%swap3A_1338, %swap3A_1339], %get3A_1337 {strides = array<i32>} : memref<200x60xf32, #tpu.memory_space<vmem>>, vector<16xf32>,
        %get3A_1341 = arith.index_cast %add3A_1334 : i32 to index
        %get3A_1342 = arith.constant 16 : index
        %get3A_1343 = tpu.vector_load %arg15[%get3A_1341, %get3A_1342] {strides = array<i32>} : memref<200x56xf32, #tpu.memory_space<vmem>>, vector<16xf32>,
        %swap3A_1344 = arith.index_cast %add3A_1334 : i32 to index
        %swap3A_1345 = arith.constant 16 : index
        %swap3A_1346 = tpu.vector_load %arg17[%swap3A_1344, %swap3A_1345] {strides = array<i32>} : memref<200x60xf32, #tpu.memory_space<vmem>>, vector<16xf32>,
        tpu.vector_store %arg17[%swap3A_1344, %swap3A_1345], %get3A_1343 {strides = array<i32>} : memref<200x60xf32, #tpu.memory_space<vmem>>, vector<16xf32>,
        %get3A_1347 = arith.index_cast %add3A_1334 : i32 to index
        %get3A_1348 = arith.constant 28 : index
        %get3A_1349 = tpu.vector_load %arg15[%get3A_1347, %get3A_1348] {strides = array<i32>} : memref<200x56xf32, #tpu.memory_space<vmem>>, vector<16xf32>,
        %swap3A_1350 = arith.index_cast %add3A_1334 : i32 to index
        %swap3A_1351 = arith.constant 28 : index
        %swap3A_1352 = tpu.vector_load %arg17[%swap3A_1350, %swap3A_1351] {strides = array<i32>} : memref<200x60xf32, #tpu.memory_space<vmem>>, vector<16xf32>,
        tpu.vector_store %arg17[%swap3A_1350, %swap3A_1351], %get3A_1349 {strides = array<i32>} : memref<200x60xf32, #tpu.memory_space<vmem>>, vector<16xf32>,
        %add3A_1353 = vector.broadcast %add3A_1334 : i32 to vector<16xi32>
        %add3A_1354 = arith.addi %mul3A_303, %add3A_1353 : vector<16xi32>
        %gather3A_1355 = tpu.vector_load_idx %arg15[%add3A_1354, %select_n3A_98] : memref<200x56xf32, #tpu.memory_space<vmem>>[vector<16xi32>, vector<16xi32>], vector<16xf32>,
        %add3A_1356 = arith.addi %add3A_1354, %select_n3A_198 : vector<16xi32>
        %gather3A_1357 = tpu.vector_load_idx %arg16[%add3A_1356, %select_n3A_298] : memref<400x8xf32, #tpu.memory_space<vmem>>[vector<16xi32>, vector<16xi32>], vector<16xf32>,
        %select_n3A_1358 = arith.select %lt3A_300, %gather3A_1355, %gather3A_1357 : vector<16xi1>, vector<16xf32>
        %swap3A_1359 = arith.index_cast %add3A_1334 : i32 to index
        %swap3A_1360 = arith.constant 44 : index
        %swap3A_1361 = tpu.vector_load %arg17[%swap3A_1359, %swap3A_1360] {strides = array<i32>} : memref<200x60xf32, #tpu.memory_space<vmem>>, vector<16xf32>,
        tpu.vector_store %arg17[%swap3A_1359, %swap3A_1360], %select_n3A_1358 {strides = array<i32>} : memref<200x60xf32, #tpu.memory_space<vmem>>, vector<16xf32>,
        %add3A_1362 = arith.constant 3 : i32
        %add3A_1363 = arith.addi %mul3A_1277, %add3A_1362 : i32
        %get3A_1364 = arith.index_cast %add3A_1363 : i32 to index
        %get3A_1365 = arith.constant 0 : index
        %get3A_1366 = tpu.vector_load %arg15[%get3A_1364, %get3A_1365] {strides = array<i32>} : memref<200x56xf32, #tpu.memory_space<vmem>>, vector<16xf32>,
        %swap3A_1367 = arith.index_cast %add3A_1363 : i32 to index
        %swap3A_1368 = arith.constant 0 : index
        %swap3A_1369 = tpu.vector_load %arg17[%swap3A_1367, %swap3A_1368] {strides = array<i32>} : memref<200x60xf32, #tpu.memory_space<vmem>>, vector<16xf32>,
        tpu.vector_store %arg17[%swap3A_1367, %swap3A_1368], %get3A_1366 {strides = array<i32>} : memref<200x60xf32, #tpu.memory_space<vmem>>, vector<16xf32>,
        %get3A_1370 = arith.index_cast %add3A_1363 : i32 to index
        %get3A_1371 = arith.constant 16 : index
        %get3A_1372 = tpu.vector_load %arg15[%get3A_1370, %get3A_1371] {strides = array<i32>} : memref<200x56xf32, #tpu.memory_space<vmem>>, vector<16xf32>,
        %swap3A_1373 = arith.index_cast %add3A_1363 : i32 to index
        %swap3A_1374 = arith.constant 16 : index
        %swap3A_1375 = tpu.vector_load %arg17[%swap3A_1373, %swap3A_1374] {strides = array<i32>} : memref<200x60xf32, #tpu.memory_space<vmem>>, vector<16xf32>,
        tpu.vector_store %arg17[%swap3A_1373, %swap3A_1374], %get3A_1372 {strides = array<i32>} : memref<200x60xf32, #tpu.memory_space<vmem>>, vector<16xf32>,
        %get3A_1376 = arith.index_cast %add3A_1363 : i32 to index
        %get3A_1377 = arith.constant 28 : index
        %get3A_1378 = tpu.vector_load %arg15[%get3A_1376, %get3A_1377] {strides = array<i32>} : memref<200x56xf32, #tpu.memory_space<vmem>>, vector<16xf32>,
        %swap3A_1379 = arith.index_cast %add3A_1363 : i32 to index
        %swap3A_1380 = arith.constant 28 : index
        %swap3A_1381 = tpu.vector_load %arg17[%swap3A_1379, %swap3A_1380] {strides = array<i32>} : memref<200x60xf32, #tpu.memory_space<vmem>>, vector<16xf32>,
        tpu.vector_store %arg17[%swap3A_1379, %swap3A_1380], %get3A_1378 {strides = array<i32>} : memref<200x60xf32, #tpu.memory_space<vmem>>, vector<16xf32>,
        %add3A_1382 = vector.broadcast %add3A_1363 : i32 to vector<16xi32>
        %add3A_1383 = arith.addi %mul3A_303, %add3A_1382 : vector<16xi32>
        %gather3A_1384 = tpu.vector_load_idx %arg15[%add3A_1383, %select_n3A_98] : memref<200x56xf32, #tpu.memory_space<vmem>>[vector<16xi32>, vector<16xi32>], vector<16xf32>,
        %add3A_1385 = arith.addi %add3A_1383, %select_n3A_198 : vector<16xi32>
        %gather3A_1386 = tpu.vector_load_idx %arg16[%add3A_1385, %select_n3A_298] : memref<400x8xf32, #tpu.memory_space<vmem>>[vector<16xi32>, vector<16xi32>], vector<16xf32>,
        %select_n3A_1387 = arith.select %lt3A_300, %gather3A_1384, %gather3A_1386 : vector<16xi1>, vector<16xf32>
        %swap3A_1388 = arith.index_cast %add3A_1363 : i32 to index
        %swap3A_1389 = arith.constant 44 : index
        %swap3A_1390 = tpu.vector_load %arg17[%swap3A_1388, %swap3A_1389] {strides = array<i32>} : memref<200x60xf32, #tpu.memory_space<vmem>>, vector<16xf32>,
        tpu.vector_store %arg17[%swap3A_1388, %swap3A_1389], %select_n3A_1387 {strides = array<i32>} : memref<200x60xf32, #tpu.memory_space<vmem>>, vector<16xf32>,
      }
      %scan3A_1263 = arith.constant 50 : i32
      %add3A_1264 = arith.constant 1 : i32
      %add3A_1265 = arith.addi %add3A_1090, %add3A_1264 : i32
      %add3A_1266 = arith.addi %mul3A_305, %add3A_1265 : i32
      %dma_start3A_1267 = arith.constant 0 : i32
      %dma_start3A_1268 = arith.constant 0 : i32
      %dma_start3A_1269 = tpu.memref_slice %arg8[%add3A_1266, %dma_start3A_1267, %dma_start3A_1268] : memref<4096x200x60xf32, #tpu.memory_space<hbm>> -> memref<1x200x60xf32, #tpu.memory_space<hbm>>
      %dma_start3A_1270 = tpu.memref_squeeze %dma_start3A_1269 : memref<1x200x60xf32, #tpu.memory_space<hbm>> -> memref<200x60xf32, #tpu.memory_space<hbm>>
      %dma_start3A_1271 = arith.constant 0 : i32
      %dma_start3A_1272 = arith.constant 0 : i32
      %dma_start3A_1273 = tpu.memref_slice %arg8[%add3A_1266, %dma_start3A_1271, %dma_start3A_1272] : memref<4096x200x60xf32, #tpu.memory_space<hbm>> -> memref<1x200x60xf32, #tpu.memory_space<hbm>>
      %dma_start3A_1274 = tpu.memref_squeeze %dma_start3A_1273 : memref<1x200x60xf32, #tpu.memory_space<hbm>> -> memref<200x60xf32, #tpu.memory_space<hbm>>
      tpu.enqueue_dma source(%arg17 : memref<200x60xf32, #tpu.memory_space<vmem>>) target(%dma_start3A_1274 : memref<200x60xf32, #tpu.memory_space<hbm>>) target_semaphore(%arg21 : memref<!tpu.dma_semaphore, #tpu.memory_space<semaphore_mem>>)
    }
    %scan3A_309 = arith.constant 16 : i32
    %add3A_310 = arith.constant 126 : i32
    %add3A_311 = arith.addi %mul3A_305, %add3A_310 : i32
    %dma_wait3A = arith.constant 0 : i32
    %dma_wait3A_312 = arith.constant 0 : i32
    %dma_wait3A_313 = tpu.memref_slice %arg8[%add3A_311, %dma_wait3A, %dma_wait3A_312] : memref<4096x200x60xf32, #tpu.memory_space<hbm>> -> memref<1x200x60xf32, #tpu.memory_space<hbm>>
    %dma_wait3A_314 = tpu.memref_squeeze %dma_wait3A_313 : memref<1x200x60xf32, #tpu.memory_space<hbm>> -> memref<200x60xf32, #tpu.memory_space<hbm>>
    %dma_wait3A_315 = arith.constant 0 : i32
    %dma_wait3A_316 = arith.constant 0 : i32
    %dma_wait3A_317 = tpu.memref_slice %arg8[%add3A_311, %dma_wait3A_315, %dma_wait3A_316] : memref<4096x200x60xf32, #tpu.memory_space<hbm>> -> memref<1x200x60xf32, #tpu.memory_space<hbm>>
    %dma_wait3A_318 = tpu.memref_squeeze %dma_wait3A_317 : memref<1x200x60xf32, #tpu.memory_space<hbm>> -> memref<200x60xf32, #tpu.memory_space<hbm>>
    tpu.wait_dma2 semaphore(%arg20 : memref<!tpu.dma_semaphore, #tpu.memory_space<semaphore_mem>>) src(%arg14 : memref<200x60xf32, #tpu.memory_space<vmem>>) dst(%dma_wait3A_318 : memref<200x60xf32, #tpu.memory_space<hbm>>)
    %add3A_319 = arith.constant 127 : i32
    %add3A_320 = arith.addi %mul3A_305, %add3A_319 : i32
    %dma_wait3A_321 = arith.constant 0 : i32
    %dma_wait3A_322 = arith.constant 0 : i32
    %dma_wait3A_323 = tpu.memref_slice %arg8[%add3A_320, %dma_wait3A_321, %dma_wait3A_322] : memref<4096x200x60xf32, #tpu.memory_space<hbm>> -> memref<1x200x60xf32, #tpu.memory_space<hbm>>
    %dma_wait3A_324 = tpu.memref_squeeze %dma_wait3A_323 : memref<1x200x60xf32, #tpu.memory_space<hbm>> -> memref<200x60xf32, #tpu.memory_space<hbm>>
    %dma_wait3A_325 = arith.constant 0 : i32
    %dma_wait3A_326 = arith.constant 0 : i32
    %dma_wait3A_327 = tpu.memref_slice %arg8[%add3A_320, %dma_wait3A_325, %dma_wait3A_326] : memref<4096x200x60xf32, #tpu.memory_space<hbm>> -> memref<1x200x60xf32, #tpu.memory_space<hbm>>
    %dma_wait3A_328 = tpu.memref_squeeze %dma_wait3A_327 : memref<1x200x60xf32, #tpu.memory_space<hbm>> -> memref<200x60xf32, #tpu.memory_space<hbm>>
    tpu.wait_dma2 semaphore(%arg21 : memref<!tpu.dma_semaphore, #tpu.memory_space<semaphore_mem>>) src(%arg17 : memref<200x60xf32, #tpu.memory_space<vmem>>) dst(%dma_wait3A_328 : memref<200x60xf32, #tpu.memory_space<hbm>>)
    return
  }
}

</mosaic_0001>

<sc_bundles>
// kernel: _embed.3.cloned.1.call-start
scs
__scs_entry_jumppad:
0x0: {  	(pc) =	sbr.rel $0x88, $3  }
0x1: {  	(tag) =	ssettag $0x0;
	lr =	simm.s32 $0x1  }
0x2: {  	[smem:$0x3F9B] =	sst lr;
	_ =	strace $0xD0000000  }
0x3: {  	_ = 	snop  }
0x4: {  	_ = 	snop  }
0x5: {  	_ = 	snop  }
0x6: {  	_ = 	snop  }
0x7: {  	_ = 	snop  }
__scs_overlays_trampoline_lowered:
0x8: {  	[smem:$0x3FAA] =	sst s0  }
0x9: {  	[smem:$0x3FAB] =	sst s1  }
0xa: {  	[smem:$0x3FAC] =	sst s2  }
0xb: {  	[smem:$0x3FAD] =	sst s3  }
0xc: {  	[smem:$0x3FAE] =	sst s4  }
0xd: {  	[smem:$0x3FAF] =	sst s5  }
0xe: {  	[smem:$0x3FB0] =	sst s6  }
0xf: {  	[smem:$0x3FB1] =	sst s7  }
0x10: {  	[smem:$0x3FB2] =	sst s8  }
0x11: {  	[smem:$0x3FB3] =	sst s9;
	s0 =	simm.s32 @!p0 $0x0  }
0x12: {  	s1 =	sld [smem:$0x3F99];
	s0 =	simm.s32 @p0 $0x1  }
0x13: {  	[smem:$0x3FB4] =	sst s0;
	s0 =	simm.s32 @!p1 $0x0  }
0x14: {  	s2 =	sld [smem:$0x3F98];
	s0 =	simm.s32 @p1 $0x1  }
0x15: {  	[smem:$0x3FB5] =	sst s0;
	s0 =	simm.s32 @!p2 $0x0  }
0x16: {  	s3 =	sld [smem:$0x3FDB];
	s0 =	simm.s32 @p2 $0x1  }
0x17: {  	s4 =	simm.s32 $0x1BF5;
	[smem:$0x3FB7] =	sst s0  }
0x18: {  	s0 =	sld [smem:$0x3F9A];
	_ =	swait.ge [sflag:s4], $0x0  }
0x19: {  	s7 =	sld [smem:$0x3F9B]  }
0x1a: {  	s8 =	sadd.s32 $0xFFFFE003, lr  }
0x1b: {  	s9 =	sadd.s32 $0xFFFFFEF7, lr;
	s5 =	simm.s32 $0xFFFFFFFF;
	p2 =	slt.u32 s8, $0xFFFFF086  }
0x1c: {  	p1 =	slt.u32 s9, $0xF7A;
	s5 =	simm.s32 @!p2 $0x0  }
0x1d: {  	s5 =	simm.s32 @p1 $0x1;
	p0 =	seq.s32 s7, s2  }
0x1e: {  	s7 =	smul.u32 @!p0 $0xF7A, s2;
	p2 =	seq.s32 @!p0 s5, $0x0  }
0x1f: {  	s9 =	smul.u32 $0xF7A, s1;
	s8 =	simm.s32 @!p0 $0x1BF5;
	p2 =	por !p2, p0  }
0x20: {  	[sflag:s8] =	ssyncset.s32 @!p0 $0xFFFFF086;
	s6 =	sadd.s32 @!p0 s3, s7;
	s7 =	simm.s32 @!p0 $0x108  }
0x21: {  	s3 =	sadd.s32 s3, s9;
	s6 =	sadd.s32 @!p0 $0x88, s6;
	s7 =	simm.s32 @p2 $0x1082  }
0x22: {  	[simem:s7], [sflag:s8] =	dma.local @!p0 [hbm:s6], $0xF7A  }
0x23: {  	s9 =	sor.u32 $0xD0000000, s2;
	s6 =	simm.s32 $0x108;
	_ =	swait.ge @!p0 [sflag:s8], $0x0  }
0x24: {  	s3 =	sadd.s32 $0x88, s3;
	s6 =	simm.s32 @!p1 $0x1082;
	[sflag:s4] =	ssyncset.s32 $0xFFFFF086  }
0x25: {  	[simem:s6], [sflag:s4] =	dma.local [hbm:s3], $0xF7A  }
0x26: {  	[smem:$0x3F9B] =	sst s1;
	(tag) =	ssettag s2;
	_ =	strace s9  }
0x27: {  	s1 =	sld [smem:$0x3FAB]  }
0x28: {  	s2 =	sld [smem:$0x3FAC]  }
0x29: {  	s4 =	sld [smem:$0x3FAE]  }
0x2a: {  	p0 =	seq.s32 s5, $0x0;
	s5 =	sld [smem:$0x3FAF]  }
0x2b: {  	s6 =	sld [smem:$0x3FB0]  }
0x2c: {  	s7 =	sld [smem:$0x3FB1]  }
0x2d: {  	s3 =	simm.s32 $0x108;
	s8 =	sld [smem:$0x3FB2]  }
0x2e: {  	s3 =	simm.s32 @!p0 $0x1082;
	s9 =	sld [smem:$0x3FB3]  }
0x2f: {  	lr =	sadd.s32 s0, s3;
	s0 =	sld [smem:$0x3FAA]  }
0x30: {  	s3 =	sld [smem:$0x3FAD]  }
0x31: {  	[smem:$0x3FB6] =	sst s10  }
0x32: {  	s10 =	sld [smem:$0x3FB4];
	_ =	sdelay $0x3  }
0x33: {  	p0 =	seq.s32 s10, $0x1;
	s10 =	sld [smem:$0x3FB6];
	_ =	sdelay $0x3  }
0x34: {  	[smem:$0x3FB6] =	sst s10  }
0x35: {  	s10 =	sld [smem:$0x3FB5];
	_ =	sdelay $0x3  }
0x36: {  	p1 =	seq.s32 s10, $0x1;
	s10 =	sld [smem:$0x3FB6];
	_ =	sdelay $0x3  }
0x37: {  	[smem:$0x3FB6] =	sst s10  }
0x38: {  	s10 =	sld [smem:$0x3FB7]  }
0x39: {  	_ = 	snop;
	(pc) =	sbr.ind lr, $3  }
0x3a: {  	_ = 	snop  }
0x3b: {  	_ = 	snop  }
0x3c: {  	p2 =	seq.s32 s10, $0x1;
	s10 =	sld [smem:$0x3FB6]  }
0x3d: {  	_ =	shalt  }
0x3e: {  	_ =	shalt  }
0x3f: {  	_ =	shalt  }
0x40: {  	_ =	shalt  }
0x41: {  	_ =	shalt  }
0x42: {  	_ =	shalt  }
0x43: {  	_ =	shalt  }
0x44: {  	_ =	shalt  }
0x45: {  	_ =	shalt  }
0x46: {  	_ =	shalt  }
0x47: {  	_ =	shalt  }
0x48: {  	_ =	shalt  }
0x49: {  	_ =	shalt  }
0x4a: {  	_ =	shalt  }
0x4b: {  	_ =	shalt  }
0x4c: {  	_ =	shalt  }
0x4d: {  	_ =	shalt  }
0x4e: {  	_ =	shalt  }
0x4f: {  	_ =	shalt  }
0x50: {  	_ =	shalt  }
0x51: {  	_ =	shalt  }
0x52: {  	_ =	shalt  }
0x53: {  	_ =	shalt  }
0x54: {  	_ =	shalt  }
0x55: {  	_ =	shalt  }
0x56: {  	_ =	shalt  }
0x57: {  	_ =	shalt  }
0x58: {  	_ =	shalt  }
0x59: {  	_ =	shalt  }
0x5a: {  	_ =	shalt  }
0x5b: {  	_ =	shalt  }
0x5c: {  	_ =	shalt  }
0x5d: {  	_ =	shalt  }
0x5e: {  	_ =	shalt  }
0x5f: {  	_ =	shalt  }
0x60: {  	_ =	shalt  }
0x61: {  	_ =	shalt  }
0x62: {  	_ =	shalt  }
0x63: {  	_ =	shalt  }
0x64: {  	_ =	shalt  }
0x65: {  	_ =	shalt  }
0x66: {  	_ =	shalt  }
0x67: {  	_ =	shalt  }
0x68: {  	_ =	shalt  }
0x69: {  	_ =	shalt  }
0x6a: {  	_ =	shalt  }
0x6b: {  	_ =	shalt  }
0x6c: {  	_ =	shalt  }
0x6d: {  	_ =	shalt  }
0x6e: {  	_ =	shalt  }
0x6f: {  	_ =	shalt  }
0x70: {  	_ =	shalt  }
0x71: {  	_ =	shalt  }
0x72: {  	_ =	shalt  }
0x73: {  	_ =	shalt  }
0x74: {  	_ =	shalt  }
0x75: {  	_ =	shalt  }
0x76: {  	_ =	shalt  }
0x77: {  	_ =	shalt  }
0x78: {  	_ =	shalt  }
0x79: {  	_ =	shalt  }
0x7a: {  	_ =	shalt  }
0x7b: {  	_ =	shalt  }
0x7c: {  	_ =	shalt  }
0x7d: {  	_ =	shalt  }
0x7e: {  	_ =	shalt  }
0x7f: {  	_ =	shalt  }
0x80: {  	_ =	shalt  }
0x81: {  	_ =	shalt  }
0x82: {  	_ =	shalt  }
0x83: {  	_ =	shalt  }
0x84: {  	_ =	shalt  }
0x85: {  	_ =	shalt  }
0x86: {  	_ =	shalt  }
0x87: {  	_ =	shalt  }
.Lfunc_end0:
.L_simem_size_0:
called_computation.1_lowered:
.L_overlay_start_0:
0x88: {  	s2 =	sld [smem:$0x3FD9]  }
0x89: {  	s3 =	sld [smem:$0x3FFE];
	_ =	sdelay $0x1  }
0x8a: {  	s1 =	srdreg.scid  }
0x8b: {  	s0 =	sand.u32 $0x1, s1  }
0x8c: {  	s17 =	sshll.u32 s0, $0xA;
	s2 =	sadd.s32 s3, s2  }
0x8d: {  	s2 =	sadd.s32 s2, s17  }
0x8e: {  	[smem:$0x3FC2] =	sst s2  }
0x8f: {  	_ = 	snop  }
0x90: {  	s2 =	sld [smem:$0x3FD0];
	(tm) =	ssettm $0x1  }
0x91: {  	s18 =	sld [smem:$0x3FFB];
	_ =	sdelay $0x3  }
0x92: {  	_ =	strace s18  }
0x93: {  	s3 =	sld [smem:$0x3FFC];
	_ =	sdelay $0x3  }
0x94: {  	_ =	strace s3  }
0x95: {  	s3 =	sld [smem:$0x3FFD];
	_ =	sdelay $0x3  }
0x96: {  	_ =	strace s3  }
0x97: {  	_ =	strace $0x8FFFFFFF  }
0x98: {  	s19 =	sld [smem:$0x3FDB];
	_ =	sdelay $0x1  }
0x99: {  	s4 =	simm.s32 $_scs_section_size  }
0x9a: {  	s5 =	simm.s32 $_size__tile_overlayer_lowered;
	s6 =	simm.s32 $_tile_overlayer_lowered  }
0x9b: {  	s22 =	simm.s32 $0x1BFF;
	s21 =	sshll.u32 s6, $0x1;
	s3 =	sadd.s32 s4, s19  }
0x9c: {  	s7 =	simm.s32 $0x0;
	s20 =	sshll.u32 s5, $0x1;
	s5 =	sadd.s32 s21, s3  }
0x9d: {  	[timem:s7], [sflag:s22] =	dma.local [hbm:s5], s20  }
0x9e: {  	_ =	swait.ge [sflag:s22], s20  }
0x9f: {  	s4 =	ssub.s32 $0x0, s20;
	[sflag:s22] =	ssyncset.done $0x0  }
0xa0: {  	[sflag:s22] =	ssyncadd.s32 s4;
	_ =	sdelay $0x1  }
0xa1: {  	s23 =	simm.s32 $0x1B8B  }
0xa2: {  	_ =	swait.ge [sflag:s23], $0x1  }
0xa3: {  	[sflag:s23] =	ssyncset.done $0x0  }
0xa4: {  	s25 =	simm.s32 $0x1B8E;
	s24 =	sld [smem:$0x3FFE];
	[sflag:s23] =	ssyncadd.s32 $0xFFFFFFFF  }
0xa5: {  	s26 =	simm.s32 $execute0_lowered;
	[smem:$0x3FD2] =	sst s25  }
0xa6: {  	s5 =	sshll.u32 s26, $0x1;
	_ =	strace $0x80000046;
	[dreg:$0x1] =	wrdreg $0xFFFFFFFF  }
0xa7: {  	s28 =	simm.s32 $_size_execute0_lowered;
	s3 =	sadd.s32 s3, s5;
	[dreg:$0x0] =	wrdreg $0x0  }
0xa8: {  	s5 =	sshll.u32 s28, $0x1;
	[dreg:$0x2] =	wrdreg s3  }
0xa9: {  	[dreg:$0x3] =	wrdreg s5  }
0xaa: {  	[dreg:$0x4] =	wrdreg $0xC0  }
0xab: {  	_ =	task [dreg:s7], $0x5FFFF  }
0xac: {  	[dreg:$0x1] =	wrdreg $0xFFFFFFFF  }
0xad: {  	[dreg:$0x0] =	wrdreg $0x60  }
0xae: {  	[dreg:$0x2] =	wrdreg s24  }
0xaf: {  	[dreg:$0x3] =	wrdreg s2  }
0xb0: {  	[dreg:$0x4] =	wrdreg $0x9  }
0xb1: {  	_ =	task.clear_ibuf [dreg:s7], $0x5FFFF;
	_ =	strace $0x90000046  }
0xb2: {  	s29 =	simm.s32 $0x9;
	_ =	strace $0x80000048  }
0xb3: {  	_ =	swait.ge [sflag:s29], $0x1  }
0xb4: {  	[sflag:s29] =	ssyncadd.s32 $0xFFFFFFFF  }
0xb5: {  	_ =	strace $0x90000048  }
0xb6: {  	_ =	sfence  }
0xb7: {  	s30 =	sld [smem:$0x0];
	_ =	sdelay $0x2  }
0xb8: {  	s31 =	sshll.u32 s1, $0xD;
	s1 =	sshrl.u32 s1, $0x2  }
0xb9: {  	s3 =	sand.u32 $0x4000, s31;
	s1 =	sadd.s32 s1, s30  }
0xba: {  	s0 =	sor.u32 s3, s0;
	s1 =	sshll.u32 s1, $0x11  }
0xbb: {  	s0 =	sor.u32 s1, s0  }
0xbc: {  	s0 =	sadd.s32 $0x8F2B, s0  }
0xbd: {  	[sflag:s0] =	ssyncadd.remote.s32 $0x1  }
0xbe: {  	_ =	sfence.sel $0xFFFF  }
0xbf: {  	[dreg:$0x0] =	wrdreg $0xFFFFFFFF;
	(pc) =	sbr.abs _section_cstart, $3  }
0xc0: {  	[dreg:$0x1] =	wrdreg $0xFFFFFFFF  }
0xc1: {  	_ =	task.clear_ibuf [dreg:s7], $0x2FFFF;
	_ =	strace $0x9FFFFFFF  }
0xc2: {  	(tm) =	ssettm $0x7FFFFFFF  }
0xc3: {  	_ =	shalt  }
tec
execute0_lowered:
.L_overlay_start_1:
0x0: {  	(tag) =	ssettag $0x1  }
0x1: {  	s0 =	rddreg [dreg:$0x0]  }
0x2: {  	s1 =	rddreg [dreg:$0x1];
	s2 =	simm.s32 $0x0;
	s24 =	srdreg.scid  }
0x3: {  	s5 =	stileid.u32;
	s13 =	simm.s32 $0x5;
	s16 =	simm.s32 $0x80  }
0x4: {  	s17 =	simm.s32 $0x12C0;
	s18 =	simm.s32 $0x3E80;
	s20 =	simm.s32 $0x48  }
0x5: {  	s21 =	simm.s32 $0x2EC0;
	s29 =	simm.s32 $0x7D00;
	s31 =	simm.s32 $0xA8C0  }
0x6: {  	s28 =	simm.s32 $0xACC0;
	s12 =	simm.s32 $0x4B00;
	s30 =	simm.s32 $0xB540  }
0x7: {  	s6 =	simm.s32 $0x0;
	[smem:$0x7FF] =	sst s2;
	s3 =	sadd.s32 $0x2800, s0  }
0x8: {  	v0 =	vimm.s32 $0xE4000;
	s22 =	sadd.s32 $0x1B800, s0;
	_ =	strace $0x80000047;
	[dreg:$0x3] =	wrdreg s3  }
0x9: {  	s23 =	sadd.s32 $0x34800, s0;
	s7 =	sadd.s32 $0x2400, s0;
	v0 =	vunpack.c.l.s2.s4 v0;
	[dreg:$0x4] =	wrdreg s22  }
0xa: {  	v1 =	vimm.s32 $0x2F2E2D2C;
	s8 =	sadd.s32 $0x2600, s0;
	s0 =	sadd.s32 $0x4D800, s0;
	[dreg:$0x5] =	wrdreg s23  }
0xb: {  	v2 =	vimm.s32 $0x3130;
	s5 =	sshll.u32 s5, $0x1;
	v1 =	vunpack.c.0.s8.s32 v1;
	s3 =	sand.u32 $0x1, s24;
	[dreg:$0x6] =	wrdreg s0;
	v0 =	vunpack.c.l.s4.s8 v0  }
0xc: {  	vm0 =	vcmask $0xF00;
	v2 =	vunpack.c.0.s8.s32 v2;
	s23 =	simm.s32 $0x4280;
	s22 =	simm.s32 $0x9900;
	s4 =	ssub.s32 $0x2, s3  }
0xd: {  	s24 =	simm.s32 $0x2;
	s3 =	sor.u32 s3, s5;
	v1 =	vnsel vm0, $0x0, v1;
	vm0 =	vcmask $0x1F10;
	s25 =	sshrl.u32 s4, $0x1;
	v3 =	vunpack.c.0.s8.s32 v0  }
0xe: {  	vm1 =	vcmask $0x2B00;
	s26 =	smul.u32 $0x6400, s3;
	s3 =	sshll.u32 s3, $0x7;
	s0 =	ssub.s32 s4, s25;
	v0 =	vsel vm0, v2, v1;
	v2 =	vimm.s32 $0x30201  }
0xf: {  	[dreg:$0x8] =	wrdreg s3;
	s25 =	simm.s32 $0x48C0;
	s4 =	simm.s32 $0xAF00;
	vm0 =	vcmask $0x2700;
	v2 =	vunpack.c.0.s8.s32 v2;
	v3 =	vand.u32 $0x3, v3  }
0x10: {  	s3 =	simm.s32 $0x4;
	v1 =	vimm.s32 $0x640;
	[dreg:$0x7] =	wrdreg s26;
	s0 =	smax.u32 s0, $0x1;
	v3 =	vnsel vm0, $0x4, v3;
	vm0 =	vcmask $0x3B2C  }
0x11: {  	s26 =	simm.s32 $0x1;
	v1 =	vsel vm1, $0x0, v1;
	[dreg:$0x9] =	wrdreg s0;
	s0 =	simm.s32 $0xB300;
	v2 =	vsel vm0, v2, v3;
	vm0 =	vmmov $0x3f  }
.LBB2_1:
0x12: {  	[dreg:$0xa] =	wrdreg s6;
	s5 =	simm.s32 $0x0  }
.LBB2_2:
0x13: {  	s6 =	smul.u32 $0x640, s5  }
0x14: {  	s9 =	rddreg [dreg:$0x7]  }
0x15: {  	s6 =	sadd.s32 s9, s6  }
0x16: {  	s14 =	rddreg [dreg:$0x3];
	s6 =	sshrl.u32 s6, $0x3  }
0x17: {  	s9 =	sadd.s32 s14, s6  }
0x18: {  	[tilespmem:s2], [sflag:$0x5] =	stream.linear.gather [hbm4b:s9+s2], $0x640, $0x38;
	[tilespmem:$0xE740] =	vst v63  }
0x19: {  	_ =	swait.ge [sflag:s13], $0x640  }
0x1a: {  	[sflag:s13] =	ssyncset.done $0x0;
	s15 =	rddreg [dreg:$0x4]  }
0x1b: {  	s10 =	simm.s32 $0x640;
	[sflag:s13] =	ssyncadd.s32 $0xFFFFF9C0;
	s9 =	sadd.s32 s15, s6  }
0x1c: {  	[tilespmem:s10], [sflag:$0x5] =	stream.linear.gather [hbm4b:s9+s2], $0x640, $0x38;
	[tilespmem:$0xE740] =	vst v63  }
0x1d: {  	_ =	swait.ge [sflag:s13], $0x640  }
0x1e: {  	[sflag:s13] =	ssyncset.done $0x0;
	s19 =	rddreg [dreg:$0x5]  }
0x1f: {  	s11 =	simm.s32 $0xC80;
	[sflag:s13] =	ssyncadd.s32 $0xFFFFF9C0;
	s6 =	sadd.s32 s19, s6  }
0x20: {  	[tilespmem:s11], [sflag:$0x5] =	stream.linear.gather [hbm4b:s6+s2], $0x640, $0x38;
	[tilespmem:$0xE740] =	vst v63  }
0x21: {  	_ =	swait.ge [sflag:s13], $0x640  }
0x22: {  	[sflag:s13] =	ssyncset.done $0x0  }
0x23: {  	[sflag:s13] =	ssyncadd.s32 $0xFFFFF9C0  }
0x24: {  	[tilespmem:s17], [sflag:$0x1] =	stream.indirect.gather [hbm4b:s1+s16], $0x38, s2, s16, $0xb8;
	[tilespmem:$0xE740] =	vst v63  }
0x25: {  	_ = 	snop  }
0x26: {  	[tilespmem:s18], [sflag:$0x1] =	stream.indirect.gather [hbm4b:s7+s16], $0x8, s10, s16, $0xb8;
	[tilespmem:$0xE740] =	vst v63  }
0x27: {  	s14 =	simm.s32 $0x44C0  }
0x28: {  	[tilespmem:s14], [sflag:$0x1] =	stream.indirect.gather [hbm4b:s8+s16], $0x8, s11, s16, $0xb8;
	[tilespmem:$0xE740] =	vst v63  }
0x29: {  	_ = 	snop  }
0x2a: {  	[tilespmem:s21], [sflag:$0x1] =	stream.indirect.gather [hbm4b:s1+s20], $0x38, s16, s20, $0xb8;
	[tilespmem:$0xE740] =	vst v63  }
0x2b: {  	s15 =	simm.s32 $0x6C0  }
0x2c: {  	[tilespmem:s23], [sflag:$0x1] =	stream.indirect.gather [hbm4b:s7+s20], $0x8, s15, s20, $0xb8;
	[tilespmem:$0xE740] =	vst v63  }
0x2d: {  	s19 =	simm.s32 $0xD00  }
0x2e: {  	[tilespmem:s25], [sflag:$0x1] =	stream.indirect.gather [hbm4b:s8+s20], $0x8, s19, s20, $0xb8;
	[tilespmem:$0xE740] =	vst v63  }
0x2f: {  	_ =	swait.ge [sflag:s26], $0x1C00  }
0x30: {  	[sflag:s26] =	ssyncset.done $0x0  }
0x31: {  	[sflag:s26] =	ssyncadd.s32 $0xFFFFE400  }
0x32: {  	_ =	swait.ge [sflag:s26], $0x400  }
0x33: {  	[sflag:s26] =	ssyncset.done $0x0  }
0x34: {  	[sflag:s26] =	ssyncadd.s32 $0xFFFFFC00  }
0x35: {  	_ =	swait.ge [sflag:s26], $0x400  }
0x36: {  	[sflag:s26] =	ssyncset.done $0x0  }
0x37: {  	[sflag:s26] =	ssyncadd.s32 $0xFFFFFC00  }
0x38: {  	_ =	swait.ge [sflag:s26], $0xFC0  }
0x39: {  	[sflag:s26] =	ssyncset.done $0x0  }
0x3a: {  	[sflag:s26] =	ssyncadd.s32 $0xFFFFF040  }
0x3b: {  	_ =	swait.ge [sflag:s26], $0x240  }
0x3c: {  	[sflag:s26] =	ssyncset.done $0x0  }
0x3d: {  	[sflag:s26] =	ssyncadd.s32 $0xFFFFFDC0  }
0x3e: {  	_ =	swait.ge [sflag:s26], $0x240  }
0x3f: {  	[sflag:s26] =	ssyncset.done $0x0  }
0x40: {  	s9 =	simm.s32 $0xC8;
	[sflag:s26] =	ssyncadd.s32 $0xFFFFFDC0  }
0x41: {  	[tilespmem:s29], [sflag:$0x2] =	stream.indirect.gather [hbm4b:s1+s16], $0x38, s9, s16, $0xb8;
	[tilespmem:$0xE740] =	vst v63  }
0x42: {  	s10 =	simm.s32 $0x708  }
0x43: {  	[tilespmem:s31], [sflag:$0x2] =	stream.indirect.gather [hbm4b:s7+s16], $0x8, s10, s16, $0xb8;
	[tilespmem:$0xE740] =	vst v63  }
0x44: {  	s11 =	simm.s32 $0xD48  }
0x45: {  	[tilespmem:s4], [sflag:$0x2] =	stream.indirect.gather [hbm4b:s8+s16], $0x8, s11, s16, $0xb8;
	[tilespmem:$0xE740] =	vst v63  }
0x46: {  	s14 =	simm.s32 $0x148  }
0x47: {  	[tilespmem:s22], [sflag:$0x2] =	stream.indirect.gather [hbm4b:s1+s20], $0x38, s14, s20, $0xb8;
	[tilespmem:$0xE740] =	vst v63  }
0x48: {  	p0 =	seq.s32 s5, $0x0;
	s15 =	simm.s32 $0x788  }
0x49: {  	[tilespmem:s28], [sflag:$0x2] =	stream.indirect.gather [hbm4b:s7+s20], $0x8, s15, s20, $0xb8;
	[tilespmem:$0xE740] =	vst v63  }
0x4a: {  	s6 =	simm.s32 @!p0 $0x3;
	s19 =	simm.s32 $0xDC8  }
0x4b: {  	[tilespmem:s0], [sflag:$0x2] =	stream.indirect.gather [hbm4b:s8+s20], $0x8, s19, s20, $0xb8;
	[tilespmem:$0xE740] =	vst v63  }
0x4c: {  	_ =	swait.ge @!p0 [sflag:s6], $0x3200  }
0x4d: {  	[sflag:s6] =	ssyncset.done @!p0 $0x0  }
0x4e: {  	s10 =	simm.s32 $0x1330;
	[sflag:s6] =	ssyncadd.s32 @!p0 $0xFFFFCE00  }
0x4f: {  	v3 =	vld [tilespmem:s10+$0xFFFFFF90];
	_ =	sdelay $0x3  }
0x50: {  	s14 =	simm.s32 $0x4B80  }
0x51: {  	[tilespmem:s14+$0xFFFFFF80] =	vst v3  }
0x52: {  	v3 =	vld [tilespmem:s10+$0xFFFFFFA0];
	_ =	sdelay $0x2  }
0x53: {  	s9 =	simm.s32 $0x0  }
0x54: {  	v4 =	vmov s9  }
0x55: {  	[tilespmem:s14+$0xFFFFFF90] =	vst v3;
	v3 =	vmul.u32 $0x38, v4  }
0x56: {  	v4 =	vshll.u32 v4, $0x3;
	v5 =	vld [tilespmem:s10+$0xFFFFFFAC]  }
0x57: {  	v4 =	vadd.s32 v1, v4;
	v3 =	vadd.s32 v0, v3  }
0x58: {  	v4 =	vor.u32 v2, v4;
	_ =	sdelay $0x2  }
0x59: {  	[tilespmem:s14+$0xFFFFFF9C] =	vst v5  }
0x5a: {  	v3 =	vld.idx.msk [tilespmem:v3+s17+$0x0], $0xffff  }
0x5b: {  	v4 =	vld.idx.msk [tilespmem:v4+s18+$0x0], $0xffff;
	_ =	sdelay $0x4  }
0x5c: {  	v3 =	vsel vm0, v3, v4  }
0x5d: {  	[tilespmem:s14+$0xFFFFFFAC] =	vst v3  }
0x5e: {  	v3 =	vld [tilespmem:s10+$0xFFFFFFC8];
	_ =	sdelay $0x4  }
0x5f: {  	[tilespmem:s14+$0xFFFFFFC0] =	vst v3  }
0x60: {  	v3 =	vld [tilespmem:s10+$0xFFFFFFD8];
	_ =	sdelay $0x2  }
0x61: {  	s11 =	simm.s32 $0x1  }
0x62: {  	v4 =	vmov s11  }
0x63: {  	[tilespmem:s14+$0xFFFFFFD0] =	vst v3;
	v3 =	vmul.u32 $0x38, v4  }
0x64: {  	v4 =	vshll.u32 v4, $0x3;
	v5 =	vld [tilespmem:s10+$0xFFFFFFE4]  }
0x65: {  	v4 =	vadd.s32 v1, v4;
	v3 =	vadd.s32 v0, v3  }
0x66: {  	v4 =	vor.u32 v2, v4;
	_ =	sdelay $0x2  }
0x67: {  	[tilespmem:s14+$0xFFFFFFDC] =	vst v5  }
0x68: {  	v3 =	vld.idx.msk [tilespmem:v3+s17+$0x0], $0xffff  }
0x69: {  	v4 =	vld.idx.msk [tilespmem:v4+s18+$0x0], $0xffff;
	_ =	sdelay $0x4  }
0x6a: {  	v3 =	vsel vm0, v3, v4  }
0x6b: {  	[tilespmem:s14+$0xFFFFFFEC] =	vst v3  }
0x6c: {  	v3 =	vld [tilespmem:s10+$0x0];
	_ =	sdelay $0x4  }
0x6d: {  	[tilespmem:s14+$0x0] =	vst v3  }
0x6e: {  	v3 =	vld [tilespmem:s10+$0x10];
	_ =	sdelay $0x2  }
0x6f: {  	s15 =	simm.s32 $0x2  }
0x70: {  	v4 =	vmov s15  }
0x71: {  	[tilespmem:s14+$0x10] =	vst v3;
	v3 =	vmul.u32 $0x38, v4  }
0x72: {  	v4 =	vshll.u32 v4, $0x3;
	v5 =	vld [tilespmem:s10+$0x1C]  }
0x73: {  	v4 =	vadd.s32 v1, v4;
	v3 =	vadd.s32 v0, v3  }
0x74: {  	v4 =	vor.u32 v2, v4;
	_ =	sdelay $0x2  }
0x75: {  	[tilespmem:s14+$0x1C] =	vst v5  }
0x76: {  	v3 =	vld.idx.msk [tilespmem:v3+s17+$0x0], $0xffff  }
0x77: {  	v4 =	vld.idx.msk [tilespmem:v4+s18+$0x0], $0xffff;
	_ =	sdelay $0x4  }
0x78: {  	v3 =	vsel vm0, v3, v4  }
0x79: {  	[tilespmem:s14+$0x2C] =	vst v3  }
0x7a: {  	v3 =	vld [tilespmem:s10+$0x38];
	_ =	sdelay $0x4  }
0x7b: {  	[tilespmem:s14+$0x40] =	vst v3  }
0x7c: {  	v3 =	vld [tilespmem:s10+$0x48];
	_ =	sdelay $0x2  }
0x7d: {  	s19 =	simm.s32 $0x3  }
0x7e: {  	v4 =	vmov s19  }
0x7f: {  	[tilespmem:s14+$0x50] =	vst v3;
	v3 =	vmul.u32 $0x38, v4  }
0x80: {  	v4 =	vshll.u32 v4, $0x3;
	v5 =	vld [tilespmem:s10+$0x54]  }
0x81: {  	v4 =	vadd.s32 v1, v4;
	v3 =	vadd.s32 v0, v3  }
0x82: {  	v4 =	vor.u32 v2, v4;
	_ =	sdelay $0x2  }
0x83: {  	[tilespmem:s14+$0x5C] =	vst v5  }
0x84: {  	v3 =	vld.idx.msk [tilespmem:v3+s17+$0x0], $0xffff  }
0x85: {  	s9 =	simm.s32 $0x7;
	s6 =	sshll.u32 s5, $0x3;
	s15 =	simm.s32 $0x4B80;
	v4 =	vld.idx.msk [tilespmem:v4+s18+$0x0], $0xffff  }
.LBB2_3:
0x86: {  	_ = 	snop  }
0x87: {  	p1 =	sne.s32 s9, $0xC7;
	s14 =	sadd.s32 $0x100, s14;
	s10 =	sadd.s32 $0xE0, s10  }
0x88: {  	s11 =	smov.u32 s9;
	s9 =	sadd.s32 $0x4, s9;
	_ =	sdelay $0x1  }
0x89: {  	v3 =	vsel vm0, v3, v4  }
0x8a: {  	[tilespmem:s15+$0x6C] =	vst v3;
	s15 =	smov.u32 s14  }
0x8b: {  	v3 =	vld [tilespmem:s10+$0xFFFFFF90];
	_ =	sdelay $0x4  }
0x8c: {  	[tilespmem:s14+$0xFFFFFF80] =	vst v3  }
0x8d: {  	v3 =	vld [tilespmem:s10+$0xFFFFFFA0];
	_ =	sdelay $0x2  }
0x8e: {  	s19 =	sadd.s32 $0xFFFFFFFD, s11  }
0x8f: {  	v4 =	vmov s19  }
0x90: {  	[tilespmem:s14+$0xFFFFFF90] =	vst v3;
	v3 =	vmul.u32 $0x38, v4;
	v4 =	vshll.u32 v4, $0x3  }
0x91: {  	v5 =	vld [tilespmem:s10+$0xFFFFFFAC];
	v4 =	vadd.s32 v1, v4  }
0x92: {  	v3 =	vadd.s32 v0, v3;
	v4 =	vor.u32 v2, v4;
	_ =	sdelay $0x3  }
0x93: {  	[tilespmem:s14+$0xFFFFFF9C] =	vst v5  }
0x94: {  	v3 =	vld.idx.msk [tilespmem:v3+s17+$0x0], $0xffff  }
0x95: {  	v4 =	vld.idx.msk [tilespmem:v4+s18+$0x0], $0xffff;
	_ =	sdelay $0x5  }
0x96: {  	v3 =	vsel vm0, v3, v4  }
0x97: {  	[tilespmem:s14+$0xFFFFFFAC] =	vst v3  }
0x98: {  	v3 =	vld [tilespmem:s10+$0xFFFFFFC8];
	_ =	sdelay $0x4  }
0x99: {  	[tilespmem:s14+$0xFFFFFFC0] =	vst v3  }
0x9a: {  	v3 =	vld [tilespmem:s10+$0xFFFFFFD8];
	_ =	sdelay $0x2  }
0x9b: {  	s19 =	sadd.s32 $0xFFFFFFFE, s11  }
0x9c: {  	v4 =	vmov s19  }
0x9d: {  	[tilespmem:s14+$0xFFFFFFD0] =	vst v3;
	v3 =	vmul.u32 $0x38, v4;
	v4 =	vshll.u32 v4, $0x3  }
0x9e: {  	v5 =	vld [tilespmem:s10+$0xFFFFFFE4];
	v4 =	vadd.s32 v1, v4  }
0x9f: {  	v3 =	vadd.s32 v0, v3;
	v4 =	vor.u32 v2, v4;
	_ =	sdelay $0x3  }
0xa0: {  	[tilespmem:s14+$0xFFFFFFDC] =	vst v5  }
0xa1: {  	v3 =	vld.idx.msk [tilespmem:v3+s17+$0x0], $0xffff  }
0xa2: {  	v4 =	vld.idx.msk [tilespmem:v4+s18+$0x0], $0xffff;
	_ =	sdelay $0x5  }
0xa3: {  	v3 =	vsel vm0, v3, v4  }
0xa4: {  	[tilespmem:s14+$0xFFFFFFEC] =	vst v3  }
0xa5: {  	v3 =	vld [tilespmem:s10+$0x0];
	_ =	sdelay $0x4  }
0xa6: {  	[tilespmem:s14+$0x0] =	vst v3  }
0xa7: {  	v3 =	vld [tilespmem:s10+$0x10];
	_ =	sdelay $0x2  }
0xa8: {  	s19 =	sadd.s32 $0xFFFFFFFF, s11  }
0xa9: {  	v4 =	vmov s19  }
0xaa: {  	[tilespmem:s14+$0x10] =	vst v3;
	v3 =	vmul.u32 $0x38, v4;
	v4 =	vshll.u32 v4, $0x3  }
0xab: {  	v5 =	vld [tilespmem:s10+$0x1C];
	v4 =	vadd.s32 v1, v4  }
0xac: {  	v3 =	vadd.s32 v0, v3;
	v4 =	vor.u32 v2, v4;
	_ =	sdelay $0x3  }
0xad: {  	[tilespmem:s14+$0x1C] =	vst v5  }
0xae: {  	v3 =	vld.idx.msk [tilespmem:v3+s17+$0x0], $0xffff  }
0xaf: {  	v4 =	vld.idx.msk [tilespmem:v4+s18+$0x0], $0xffff;
	_ =	sdelay $0x5  }
0xb0: {  	v3 =	vsel vm0, v3, v4  }
0xb1: {  	[tilespmem:s14+$0x2C] =	vst v3  }
0xb2: {  	v3 =	vld [tilespmem:s10+$0x38];
	_ =	sdelay $0x4  }
0xb3: {  	[tilespmem:s14+$0x40] =	vst v3  }
0xb4: {  	v3 =	vld [tilespmem:s10+$0x48];
	_ =	sdelay $0x3  }
0xb5: {  	v4 =	vmov s11  }
0xb6: {  	[tilespmem:s14+$0x50] =	vst v3;
	v3 =	vmul.u32 $0x38, v4;
	v4 =	vshll.u32 v4, $0x3  }
0xb7: {  	v5 =	vld [tilespmem:s10+$0x54];
	v4 =	vadd.s32 v1, v4  }
0xb8: {  	v3 =	vadd.s32 v0, v3;
	v4 =	vor.u32 v2, v4;
	_ =	sdelay $0x1  }
.Ltmp0:
0xb9: {  	(pc) =	sbr.rel @p1 .LBB2_3-.Ltmp0, $4  }
0xba: {  	_ = 	snop  }
0xbb: {  	[tilespmem:s14+$0x5C] =	vst v5  }
0xbc: {  	v3 =	vld.idx.msk [tilespmem:v3+s17+$0x0], $0xffff  }
0xbd: {  	v4 =	vld.idx.msk [tilespmem:v4+s18+$0x0], $0xffff  }
0xbe: {  	_ = 	snop  }
0xbf: {  	s9 =	rddreg [dreg:$0x8]  }
0xc0: {  	s9 =	sadd.s32 s9, s6  }
0xc1: {  	s9 =	smul.u32 $0x640, s9  }
0xc2: {  	s10 =	rddreg [dreg:$0x6];
	v3 =	vsel vm0, v3, v4  }
0xc3: {  	s9 =	sadd.s32 s10, s9;
	[tilespmem:s15+$0x6C] =	vst v3  }
0xc4: {  	[hbm4b:s9+s2] =	stream.linear.scatter [tilespmem:s12], [sflag:$0x3], $0x3200, $0x38;
	[tilespmem:$0xE740] =	vst v63  }
0xc5: {  	_ =	swait.ge [sflag:s24], $0x1C00  }
0xc6: {  	[sflag:s24] =	ssyncset.done $0x0  }
0xc7: {  	[sflag:s24] =	ssyncadd.s32 $0xFFFFE400  }
0xc8: {  	_ =	swait.ge [sflag:s24], $0x400  }
0xc9: {  	[sflag:s24] =	ssyncset.done $0x0  }
0xca: {  	[sflag:s24] =	ssyncadd.s32 $0xFFFFFC00  }
0xcb: {  	_ =	swait.ge [sflag:s24], $0x400  }
0xcc: {  	[sflag:s24] =	ssyncset.done $0x0  }
0xcd: {  	[sflag:s24] =	ssyncadd.s32 $0xFFFFFC00  }
0xce: {  	_ =	swait.ge [sflag:s24], $0xFC0  }
0xcf: {  	[sflag:s24] =	ssyncset.done $0x0  }
0xd0: {  	[sflag:s24] =	ssyncadd.s32 $0xFFFFF040  }
0xd1: {  	_ =	swait.ge [sflag:s24], $0x240  }
0xd2: {  	[sflag:s24] =	ssyncset.done $0x0  }
0xd3: {  	[sflag:s24] =	ssyncadd.s32 $0xFFFFFDC0  }
0xd4: {  	_ =	swait.ge [sflag:s24], $0x240  }
0xd5: {  	[sflag:s24] =	ssyncset.done $0x0  }
0xd6: {  	s11 =	simm.s32 $0x190;
	[sflag:s24] =	ssyncadd.s32 $0xFFFFFDC0  }
0xd7: {  	[tilespmem:s17], [sflag:$0x1] =	stream.indirect.gather [hbm4b:s1+s16], $0x38, s11, s16, $0xb8;
	[tilespmem:$0xE740] =	vst v63  }
0xd8: {  	s14 =	simm.s32 $0x7D0  }
0xd9: {  	[tilespmem:s18], [sflag:$0x1] =	stream.indirect.gather [hbm4b:s7+s16], $0x8, s14, s16, $0xb8;
	[tilespmem:$0xE740] =	vst v63  }
0xda: {  	s19 =	simm.s32 $0xE10;
	s15 =	simm.s32 $0x44C0  }
0xdb: {  	[tilespmem:s15], [sflag:$0x1] =	stream.indirect.gather [hbm4b:s8+s16], $0x8, s19, s16, $0xb8;
	[tilespmem:$0xE740] =	vst v63  }
0xdc: {  	s11 =	simm.s32 $0x210  }
0xdd: {  	[tilespmem:s21], [sflag:$0x1] =	stream.indirect.gather [hbm4b:s1+s20], $0x38, s11, s20, $0xb8;
	[tilespmem:$0xE740] =	vst v63  }
0xde: {  	s14 =	simm.s32 $0x850  }
0xdf: {  	[tilespmem:s23], [sflag:$0x1] =	stream.indirect.gather [hbm4b:s7+s20], $0x8, s14, s20, $0xb8;
	[tilespmem:$0xE740] =	vst v63  }
0xe0: {  	s9 =	simm.s32 @!p0 $0x4;
	s15 =	simm.s32 $0xE90  }
0xe1: {  	[tilespmem:s25], [sflag:$0x1] =	stream.indirect.gather [hbm4b:s8+s20], $0x8, s15, s20, $0xb8;
	[tilespmem:$0xE740] =	vst v63  }
0xe2: {  	_ =	swait.ge @!p0 [sflag:s9], $0x3200  }
0xe3: {  	[sflag:s9] =	ssyncset.done @!p0 $0x0  }
0xe4: {  	s10 =	simm.s32 $0x7D70;
	[sflag:s9] =	ssyncadd.s32 @!p0 $0xFFFFCE00  }
0xe5: {  	v3 =	vld [tilespmem:s10+$0xFFFFFF90];
	_ =	sdelay $0x3  }
0xe6: {  	s14 =	simm.s32 $0xB5C0  }
0xe7: {  	[tilespmem:s14+$0xFFFFFF80] =	vst v3  }
0xe8: {  	v3 =	vld [tilespmem:s10+$0xFFFFFFA0];
	_ =	sdelay $0x2  }
0xe9: {  	s19 =	simm.s32 $0x0  }
0xea: {  	v4 =	vmov s19  }
0xeb: {  	[tilespmem:s14+$0xFFFFFF90] =	vst v3;
	v3 =	vmul.u32 $0x38, v4  }
0xec: {  	v4 =	vshll.u32 v4, $0x3;
	v5 =	vld [tilespmem:s10+$0xFFFFFFAC]  }
0xed: {  	v4 =	vadd.s32 v1, v4;
	v3 =	vadd.s32 v0, v3  }
0xee: {  	v4 =	vor.u32 v2, v4;
	_ =	sdelay $0x2  }
0xef: {  	[tilespmem:s14+$0xFFFFFF9C] =	vst v5  }
0xf0: {  	v3 =	vld.idx.msk [tilespmem:v3+s29+$0x0], $0xffff  }
0xf1: {  	v4 =	vld.idx.msk [tilespmem:v4+s31+$0x0], $0xffff;
	_ =	sdelay $0x4  }
0xf2: {  	v3 =	vsel vm0, v3, v4  }
0xf3: {  	[tilespmem:s14+$0xFFFFFFAC] =	vst v3  }
0xf4: {  	v3 =	vld [tilespmem:s10+$0xFFFFFFC8];
	_ =	sdelay $0x4  }
0xf5: {  	[tilespmem:s14+$0xFFFFFFC0] =	vst v3  }
0xf6: {  	v3 =	vld [tilespmem:s10+$0xFFFFFFD8];
	_ =	sdelay $0x2  }
0xf7: {  	s11 =	simm.s32 $0x1  }
0xf8: {  	v4 =	vmov s11  }
0xf9: {  	[tilespmem:s14+$0xFFFFFFD0] =	vst v3;
	v3 =	vmul.u32 $0x38, v4  }
0xfa: {  	v4 =	vshll.u32 v4, $0x3;
	v5 =	vld [tilespmem:s10+$0xFFFFFFE4]  }
0xfb: {  	v4 =	vadd.s32 v1, v4;
	v3 =	vadd.s32 v0, v3  }
0xfc: {  	v4 =	vor.u32 v2, v4;
	_ =	sdelay $0x2  }
0xfd: {  	[tilespmem:s14+$0xFFFFFFDC] =	vst v5  }
0xfe: {  	v3 =	vld.idx.msk [tilespmem:v3+s29+$0x0], $0xffff  }
0xff: {  	v4 =	vld.idx.msk [tilespmem:v4+s31+$0x0], $0xffff;
	_ =	sdelay $0x4  }
0x100: {  	v3 =	vsel vm0, v3, v4  }
0x101: {  	[tilespmem:s14+$0xFFFFFFEC] =	vst v3  }
0x102: {  	v3 =	vld [tilespmem:s10+$0x0];
	_ =	sdelay $0x4  }
0x103: {  	[tilespmem:s14+$0x0] =	vst v3  }
0x104: {  	v3 =	vld [tilespmem:s10+$0x10];
	_ =	sdelay $0x2  }
0x105: {  	s15 =	simm.s32 $0x2  }
0x106: {  	v4 =	vmov s15  }
0x107: {  	[tilespmem:s14+$0x10] =	vst v3;
	v3 =	vmul.u32 $0x38, v4  }
0x108: {  	v4 =	vshll.u32 v4, $0x3;
	v5 =	vld [tilespmem:s10+$0x1C]  }
0x109: {  	v4 =	vadd.s32 v1, v4;
	v3 =	vadd.s32 v0, v3  }
0x10a: {  	v4 =	vor.u32 v2, v4;
	_ =	sdelay $0x2  }
0x10b: {  	[tilespmem:s14+$0x1C] =	vst v5  }
0x10c: {  	v3 =	vld.idx.msk [tilespmem:v3+s29+$0x0], $0xffff  }
0x10d: {  	v4 =	vld.idx.msk [tilespmem:v4+s31+$0x0], $0xffff;
	_ =	sdelay $0x4  }
0x10e: {  	v3 =	vsel vm0, v3, v4  }
0x10f: {  	[tilespmem:s14+$0x2C] =	vst v3  }
0x110: {  	v3 =	vld [tilespmem:s10+$0x38];
	_ =	sdelay $0x4  }
0x111: {  	[tilespmem:s14+$0x40] =	vst v3  }
0x112: {  	v3 =	vld [tilespmem:s10+$0x48];
	_ =	sdelay $0x2  }
0x113: {  	s19 =	simm.s32 $0x3  }
0x114: {  	v4 =	vmov s19  }
0x115: {  	[tilespmem:s14+$0x50] =	vst v3;
	v3 =	vmul.u32 $0x38, v4  }
0x116: {  	v4 =	vshll.u32 v4, $0x3;
	v5 =	vld [tilespmem:s10+$0x54]  }
0x117: {  	v4 =	vadd.s32 v1, v4;
	v3 =	vadd.s32 v0, v3  }
0x118: {  	v4 =	vor.u32 v2, v4;
	_ =	sdelay $0x2  }
0x119: {  	[tilespmem:s14+$0x5C] =	vst v5  }
0x11a: {  	v3 =	vld.idx.msk [tilespmem:v3+s29+$0x0], $0xffff  }
0x11b: {  	s9 =	simm.s32 $0x7;
	s15 =	simm.s32 $0xB5C0;
	v4 =	vld.idx.msk [tilespmem:v4+s31+$0x0], $0xffff  }
.LBB2_5:
0x11c: {  	_ = 	snop  }
0x11d: {  	p0 =	sne.s32 s9, $0xC7;
	s14 =	sadd.s32 $0x100, s14;
	s10 =	sadd.s32 $0xE0, s10  }
0x11e: {  	s11 =	smov.u32 s9;
	s9 =	sadd.s32 $0x4, s9;
	_ =	sdelay $0x1  }
0x11f: {  	v3 =	vsel vm0, v3, v4  }
0x120: {  	[tilespmem:s15+$0x6C] =	vst v3;
	s15 =	smov.u32 s14  }
0x121: {  	v3 =	vld [tilespmem:s10+$0xFFFFFF90];
	_ =	sdelay $0x4  }
0x122: {  	[tilespmem:s14+$0xFFFFFF80] =	vst v3  }
0x123: {  	v3 =	vld [tilespmem:s10+$0xFFFFFFA0];
	_ =	sdelay $0x2  }
0x124: {  	s19 =	sadd.s32 $0xFFFFFFFD, s11  }
0x125: {  	v4 =	vmov s19  }
0x126: {  	[tilespmem:s14+$0xFFFFFF90] =	vst v3;
	v3 =	vmul.u32 $0x38, v4;
	v4 =	vshll.u32 v4, $0x3  }
0x127: {  	v5 =	vld [tilespmem:s10+$0xFFFFFFAC];
	v4 =	vadd.s32 v1, v4  }
0x128: {  	v3 =	vadd.s32 v0, v3;
	v4 =	vor.u32 v2, v4;
	_ =	sdelay $0x3  }
0x129: {  	[tilespmem:s14+$0xFFFFFF9C] =	vst v5  }
0x12a: {  	v3 =	vld.idx.msk [tilespmem:v3+s29+$0x0], $0xffff  }
0x12b: {  	v4 =	vld.idx.msk [tilespmem:v4+s31+$0x0], $0xffff;
	_ =	sdelay $0x5  }
0x12c: {  	v3 =	vsel vm0, v3, v4  }
0x12d: {  	[tilespmem:s14+$0xFFFFFFAC] =	vst v3  }
0x12e: {  	v3 =	vld [tilespmem:s10+$0xFFFFFFC8];
	_ =	sdelay $0x4  }
0x12f: {  	[tilespmem:s14+$0xFFFFFFC0] =	vst v3  }
0x130: {  	v3 =	vld [tilespmem:s10+$0xFFFFFFD8];
	_ =	sdelay $0x2  }
0x131: {  	s19 =	sadd.s32 $0xFFFFFFFE, s11  }
0x132: {  	v4 =	vmov s19  }
0x133: {  	[tilespmem:s14+$0xFFFFFFD0] =	vst v3;
	v3 =	vmul.u32 $0x38, v4;
	v4 =	vshll.u32 v4, $0x3  }
0x134: {  	v5 =	vld [tilespmem:s10+$0xFFFFFFE4];
	v4 =	vadd.s32 v1, v4  }
0x135: {  	v3 =	vadd.s32 v0, v3;
	v4 =	vor.u32 v2, v4;
	_ =	sdelay $0x3  }
0x136: {  	[tilespmem:s14+$0xFFFFFFDC] =	vst v5  }
0x137: {  	v3 =	vld.idx.msk [tilespmem:v3+s29+$0x0], $0xffff  }
0x138: {  	v4 =	vld.idx.msk [tilespmem:v4+s31+$0x0], $0xffff;
	_ =	sdelay $0x5  }
0x139: {  	v3 =	vsel vm0, v3, v4  }
0x13a: {  	[tilespmem:s14+$0xFFFFFFEC] =	vst v3  }
0x13b: {  	v3 =	vld [tilespmem:s10+$0x0];
	_ =	sdelay $0x4  }
0x13c: {  	[tilespmem:s14+$0x0] =	vst v3  }
0x13d: {  	v3 =	vld [tilespmem:s10+$0x10];
	_ =	sdelay $0x2  }
0x13e: {  	s19 =	sadd.s32 $0xFFFFFFFF, s11  }
0x13f: {  	v4 =	vmov s19  }
0x140: {  	[tilespmem:s14+$0x10] =	vst v3;
	v3 =	vmul.u32 $0x38, v4;
	v4 =	vshll.u32 v4, $0x3  }
0x141: {  	v5 =	vld [tilespmem:s10+$0x1C];
	v4 =	vadd.s32 v1, v4  }
0x142: {  	v3 =	vadd.s32 v0, v3;
	v4 =	vor.u32 v2, v4;
	_ =	sdelay $0x3  }
0x143: {  	[tilespmem:s14+$0x1C] =	vst v5  }
0x144: {  	v3 =	vld.idx.msk [tilespmem:v3+s29+$0x0], $0xffff  }
0x145: {  	v4 =	vld.idx.msk [tilespmem:v4+s31+$0x0], $0xffff;
	_ =	sdelay $0x5  }
0x146: {  	v3 =	vsel vm0, v3, v4  }
0x147: {  	[tilespmem:s14+$0x2C] =	vst v3  }
0x148: {  	v3 =	vld [tilespmem:s10+$0x38];
	_ =	sdelay $0x4  }
0x149: {  	[tilespmem:s14+$0x40] =	vst v3  }
0x14a: {  	v3 =	vld [tilespmem:s10+$0x48];
	_ =	sdelay $0x3  }
0x14b: {  	v4 =	vmov s11  }
0x14c: {  	[tilespmem:s14+$0x50] =	vst v3;
	v3 =	vmul.u32 $0x38, v4;
	v4 =	vshll.u32 v4, $0x3  }
0x14d: {  	v5 =	vld [tilespmem:s10+$0x54];
	v4 =	vadd.s32 v1, v4  }
0x14e: {  	v3 =	vadd.s32 v0, v3;
	v4 =	vor.u32 v2, v4;
	_ =	sdelay $0x1  }
.Ltmp1:
0x14f: {  	(pc) =	sbr.rel @p0 .LBB2_5-.Ltmp1, $4  }
0x150: {  	_ = 	snop  }
0x151: {  	[tilespmem:s14+$0x5C] =	vst v5  }
0x152: {  	v3 =	vld.idx.msk [tilespmem:v3+s29+$0x0], $0xffff  }
0x153: {  	v4 =	vld.idx.msk [tilespmem:v4+s31+$0x0], $0xffff  }
0x154: {  	s9 =	rddreg [dreg:$0x8]  }
0x155: {  	s6 =	sadd.s32 s6, s9  }
0x156: {  	s6 =	smul.u32 $0x640, s6  }
0x157: {  	s11 =	rddreg [dreg:$0x6]  }
0x158: {  	v3 =	vsel vm0, v3, v4;
	s6 =	sadd.s32 s11, s6  }
0x159: {  	[tilespmem:s15+$0x6C] =	vst v3;
	s9 =	sadd.s32 $0x640, s6  }
0x15a: {  	[hbm4b:s9+s2] =	stream.linear.scatter [tilespmem:s30], [sflag:$0x4], $0x3200, $0x38;
	[tilespmem:$0xE740] =	vst v63  }
0x15b: {  	_ =	swait.ge [sflag:s26], $0x1C00  }
0x15c: {  	[sflag:s26] =	ssyncset.done $0x0  }
0x15d: {  	[sflag:s26] =	ssyncadd.s32 $0xFFFFE400  }
0x15e: {  	_ =	swait.ge [sflag:s26], $0x400  }
0x15f: {  	[sflag:s26] =	ssyncset.done $0x0  }
0x160: {  	[sflag:s26] =	ssyncadd.s32 $0xFFFFFC00  }
0x161: {  	_ =	swait.ge [sflag:s26], $0x400  }
0x162: {  	[sflag:s26] =	ssyncset.done $0x0  }
0x163: {  	[sflag:s26] =	ssyncadd.s32 $0xFFFFFC00  }
0x164: {  	_ =	swait.ge [sflag:s26], $0xFC0  }
0x165: {  	[sflag:s26] =	ssyncset.done $0x0  }
0x166: {  	[sflag:s26] =	ssyncadd.s32 $0xFFFFF040  }
0x167: {  	_ =	swait.ge [sflag:s26], $0x240  }
0x168: {  	[sflag:s26] =	ssyncset.done $0x0  }
0x169: {  	[sflag:s26] =	ssyncadd.s32 $0xFFFFFDC0  }
0x16a: {  	_ =	swait.ge [sflag:s26], $0x240  }
0x16b: {  	[sflag:s26] =	ssyncset.done $0x0  }
0x16c: {  	s14 =	simm.s32 $0x258;
	[sflag:s26] =	ssyncadd.s32 $0xFFFFFDC0  }
0x16d: {  	[tilespmem:s29], [sflag:$0x2] =	stream.indirect.gather [hbm4b:s1+s16], $0x38, s14, s16, $0xb8;
	[tilespmem:$0xE740] =	vst v63  }
0x16e: {  	s15 =	simm.s32 $0x898  }
0x16f: {  	[tilespmem:s31], [sflag:$0x2] =	stream.indirect.gather [hbm4b:s7+s16], $0x8, s15, s16, $0xb8;
	[tilespmem:$0xE740] =	vst v63  }
0x170: {  	s19 =	simm.s32 $0xED8  }
0x171: {  	[tilespmem:s4], [sflag:$0x2] =	stream.indirect.gather [hbm4b:s8+s16], $0x8, s19, s16, $0xb8;
	[tilespmem:$0xE740] =	vst v63  }
0x172: {  	s10 =	simm.s32 $0x2D8  }
0x173: {  	[tilespmem:s22], [sflag:$0x2] =	stream.indirect.gather [hbm4b:s1+s20], $0x38, s10, s20, $0xb8;
	[tilespmem:$0xE740] =	vst v63  }
0x174: {  	s11 =	simm.s32 $0x918  }
0x175: {  	[tilespmem:s28], [sflag:$0x2] =	stream.indirect.gather [hbm4b:s7+s20], $0x8, s11, s20, $0xb8;
	[tilespmem:$0xE740] =	vst v63  }
0x176: {  	s9 =	simm.s32 $0x3;
	s14 =	simm.s32 $0xF58  }
0x177: {  	[tilespmem:s0], [sflag:$0x2] =	stream.indirect.gather [hbm4b:s8+s20], $0x8, s14, s20, $0xb8;
	[tilespmem:$0xE740] =	vst v63  }
0x178: {  	_ =	swait.ge [sflag:s9], $0x3200  }
0x179: {  	[sflag:s9] =	ssyncset.done $0x0  }
0x17a: {  	s10 =	simm.s32 $0x1330;
	[sflag:s9] =	ssyncadd.s32 $0xFFFFCE00  }
0x17b: {  	v3 =	vld [tilespmem:s10+$0xFFFFFF90];
	_ =	sdelay $0x3  }
0x17c: {  	s14 =	simm.s32 $0x4B80  }
0x17d: {  	[tilespmem:s14+$0xFFFFFF80] =	vst v3  }
0x17e: {  	v3 =	vld [tilespmem:s10+$0xFFFFFFA0];
	_ =	sdelay $0x2  }
0x17f: {  	s11 =	simm.s32 $0x0  }
0x180: {  	v4 =	vmov s11  }
0x181: {  	[tilespmem:s14+$0xFFFFFF90] =	vst v3;
	v3 =	vmul.u32 $0x38, v4  }
0x182: {  	v4 =	vshll.u32 v4, $0x3;
	v5 =	vld [tilespmem:s10+$0xFFFFFFAC]  }
0x183: {  	v4 =	vadd.s32 v1, v4;
	v3 =	vadd.s32 v0, v3  }
0x184: {  	v4 =	vor.u32 v2, v4;
	_ =	sdelay $0x2  }
0x185: {  	[tilespmem:s14+$0xFFFFFF9C] =	vst v5  }
0x186: {  	v3 =	vld.idx.msk [tilespmem:v3+s17+$0x0], $0xffff  }
0x187: {  	v4 =	vld.idx.msk [tilespmem:v4+s18+$0x0], $0xffff;
	_ =	sdelay $0x4  }
0x188: {  	v3 =	vsel vm0, v3, v4  }
0x189: {  	[tilespmem:s14+$0xFFFFFFAC] =	vst v3  }
0x18a: {  	v3 =	vld [tilespmem:s10+$0xFFFFFFC8];
	_ =	sdelay $0x4  }
0x18b: {  	[tilespmem:s14+$0xFFFFFFC0] =	vst v3  }
0x18c: {  	v3 =	vld [tilespmem:s10+$0xFFFFFFD8];
	_ =	sdelay $0x2  }
0x18d: {  	s15 =	simm.s32 $0x1  }
0x18e: {  	v4 =	vmov s15  }
0x18f: {  	[tilespmem:s14+$0xFFFFFFD0] =	vst v3;
	v3 =	vmul.u32 $0x38, v4  }
0x190: {  	v4 =	vshll.u32 v4, $0x3;
	v5 =	vld [tilespmem:s10+$0xFFFFFFE4]  }
0x191: {  	v4 =	vadd.s32 v1, v4;
	v3 =	vadd.s32 v0, v3  }
0x192: {  	v4 =	vor.u32 v2, v4;
	_ =	sdelay $0x2  }
0x193: {  	[tilespmem:s14+$0xFFFFFFDC] =	vst v5  }
0x194: {  	v3 =	vld.idx.msk [tilespmem:v3+s17+$0x0], $0xffff  }
0x195: {  	v4 =	vld.idx.msk [tilespmem:v4+s18+$0x0], $0xffff;
	_ =	sdelay $0x4  }
0x196: {  	v3 =	vsel vm0, v3, v4  }
0x197: {  	[tilespmem:s14+$0xFFFFFFEC] =	vst v3  }
0x198: {  	v3 =	vld [tilespmem:s10+$0x0];
	_ =	sdelay $0x4  }
0x199: {  	[tilespmem:s14+$0x0] =	vst v3  }
0x19a: {  	v3 =	vld [tilespmem:s10+$0x10];
	_ =	sdelay $0x2  }
0x19b: {  	s19 =	simm.s32 $0x2  }
0x19c: {  	v4 =	vmov s19  }
0x19d: {  	[tilespmem:s14+$0x10] =	vst v3;
	v3 =	vmul.u32 $0x38, v4  }
0x19e: {  	v4 =	vshll.u32 v4, $0x3;
	v5 =	vld [tilespmem:s10+$0x1C]  }
0x19f: {  	v4 =	vadd.s32 v1, v4;
	v3 =	vadd.s32 v0, v3  }
0x1a0: {  	v4 =	vor.u32 v2, v4;
	_ =	sdelay $0x2  }
0x1a1: {  	[tilespmem:s14+$0x1C] =	vst v5  }
0x1a2: {  	v3 =	vld.idx.msk [tilespmem:v3+s17+$0x0], $0xffff  }
0x1a3: {  	v4 =	vld.idx.msk [tilespmem:v4+s18+$0x0], $0xffff;
	_ =	sdelay $0x4  }
0x1a4: {  	v3 =	vsel vm0, v3, v4  }
0x1a5: {  	[tilespmem:s14+$0x2C] =	vst v3  }
0x1a6: {  	v3 =	vld [tilespmem:s10+$0x38];
	_ =	sdelay $0x4  }
0x1a7: {  	[tilespmem:s14+$0x40] =	vst v3  }
0x1a8: {  	v3 =	vld [tilespmem:s10+$0x48];
	_ =	sdelay $0x3  }
0x1a9: {  	v4 =	vmov s9  }
0x1aa: {  	[tilespmem:s14+$0x50] =	vst v3;
	v3 =	vmul.u32 $0x38, v4  }
0x1ab: {  	v4 =	vshll.u32 v4, $0x3;
	v5 =	vld [tilespmem:s10+$0x54]  }
0x1ac: {  	v4 =	vadd.s32 v1, v4;
	v3 =	vadd.s32 v0, v3  }
0x1ad: {  	v4 =	vor.u32 v2, v4;
	_ =	sdelay $0x2  }
0x1ae: {  	[tilespmem:s14+$0x5C] =	vst v5  }
0x1af: {  	v3 =	vld.idx.msk [tilespmem:v3+s17+$0x0], $0xffff  }
0x1b0: {  	s15 =	simm.s32 $0x4B80;
	s9 =	simm.s32 $0x7;
	v4 =	vld.idx.msk [tilespmem:v4+s18+$0x0], $0xffff  }
.LBB2_7:
0x1b1: {  	_ = 	snop  }
0x1b2: {  	p0 =	sne.s32 s9, $0xC7;
	s14 =	sadd.s32 $0x100, s14;
	s10 =	sadd.s32 $0xE0, s10  }
0x1b3: {  	s11 =	smov.u32 s9;
	s9 =	sadd.s32 $0x4, s9;
	_ =	sdelay $0x1  }
0x1b4: {  	v3 =	vsel vm0, v3, v4  }
0x1b5: {  	[tilespmem:s15+$0x6C] =	vst v3;
	s15 =	smov.u32 s14  }
0x1b6: {  	v3 =	vld [tilespmem:s10+$0xFFFFFF90];
	_ =	sdelay $0x4  }
0x1b7: {  	[tilespmem:s14+$0xFFFFFF80] =	vst v3  }
0x1b8: {  	v3 =	vld [tilespmem:s10+$0xFFFFFFA0];
	_ =	sdelay $0x2  }
0x1b9: {  	s19 =	sadd.s32 $0xFFFFFFFD, s11  }
0x1ba: {  	v4 =	vmov s19  }
0x1bb: {  	[tilespmem:s14+$0xFFFFFF90] =	vst v3;
	v3 =	vmul.u32 $0x38, v4;
	v4 =	vshll.u32 v4, $0x3  }
0x1bc: {  	v5 =	vld [tilespmem:s10+$0xFFFFFFAC];
	v4 =	vadd.s32 v1, v4  }
0x1bd: {  	v3 =	vadd.s32 v0, v3;
	v4 =	vor.u32 v2, v4;
	_ =	sdelay $0x3  }
0x1be: {  	[tilespmem:s14+$0xFFFFFF9C] =	vst v5  }
0x1bf: {  	v3 =	vld.idx.msk [tilespmem:v3+s17+$0x0], $0xffff  }
0x1c0: {  	v4 =	vld.idx.msk [tilespmem:v4+s18+$0x0], $0xffff;
	_ =	sdelay $0x5  }
0x1c1: {  	v3 =	vsel vm0, v3, v4  }
0x1c2: {  	[tilespmem:s14+$0xFFFFFFAC] =	vst v3  }
0x1c3: {  	v3 =	vld [tilespmem:s10+$0xFFFFFFC8];
	_ =	sdelay $0x4  }
0x1c4: {  	[tilespmem:s14+$0xFFFFFFC0] =	vst v3  }
0x1c5: {  	v3 =	vld [tilespmem:s10+$0xFFFFFFD8];
	_ =	sdelay $0x2  }
0x1c6: {  	s19 =	sadd.s32 $0xFFFFFFFE, s11  }
0x1c7: {  	v4 =	vmov s19  }
0x1c8: {  	[tilespmem:s14+$0xFFFFFFD0] =	vst v3;
	v3 =	vmul.u32 $0x38, v4;
	v4 =	vshll.u32 v4, $0x3  }
0x1c9: {  	v5 =	vld [tilespmem:s10+$0xFFFFFFE4];
	v4 =	vadd.s32 v1, v4  }
0x1ca: {  	v3 =	vadd.s32 v0, v3;
	v4 =	vor.u32 v2, v4;
	_ =	sdelay $0x3  }
0x1cb: {  	[tilespmem:s14+$0xFFFFFFDC] =	vst v5  }
0x1cc: {  	v3 =	vld.idx.msk [tilespmem:v3+s17+$0x0], $0xffff  }
0x1cd: {  	v4 =	vld.idx.msk [tilespmem:v4+s18+$0x0], $0xffff;
	_ =	sdelay $0x5  }
0x1ce: {  	v3 =	vsel vm0, v3, v4  }
0x1cf: {  	[tilespmem:s14+$0xFFFFFFEC] =	vst v3  }
0x1d0: {  	v3 =	vld [tilespmem:s10+$0x0];
	_ =	sdelay $0x4  }
0x1d1: {  	[tilespmem:s14+$0x0] =	vst v3  }
0x1d2: {  	v3 =	vld [tilespmem:s10+$0x10];
	_ =	sdelay $0x2  }
0x1d3: {  	s19 =	sadd.s32 $0xFFFFFFFF, s11  }
0x1d4: {  	v4 =	vmov s19  }
0x1d5: {  	[tilespmem:s14+$0x10] =	vst v3;
	v3 =	vmul.u32 $0x38, v4;
	v4 =	vshll.u32 v4, $0x3  }
0x1d6: {  	v5 =	vld [tilespmem:s10+$0x1C];
	v4 =	vadd.s32 v1, v4  }
0x1d7: {  	v3 =	vadd.s32 v0, v3;
	v4 =	vor.u32 v2, v4;
	_ =	sdelay $0x3  }
0x1d8: {  	[tilespmem:s14+$0x1C] =	vst v5  }
0x1d9: {  	v3 =	vld.idx.msk [tilespmem:v3+s17+$0x0], $0xffff  }
0x1da: {  	v4 =	vld.idx.msk [tilespmem:v4+s18+$0x0], $0xffff;
	_ =	sdelay $0x5  }
0x1db: {  	v3 =	vsel vm0, v3, v4  }
0x1dc: {  	[tilespmem:s14+$0x2C] =	vst v3  }
0x1dd: {  	v3 =	vld [tilespmem:s10+$0x38];
	_ =	sdelay $0x4  }
0x1de: {  	[tilespmem:s14+$0x40] =	vst v3  }
0x1df: {  	v3 =	vld [tilespmem:s10+$0x48];
	_ =	sdelay $0x3  }
0x1e0: {  	v4 =	vmov s11  }
0x1e1: {  	[tilespmem:s14+$0x50] =	vst v3;
	v3 =	vmul.u32 $0x38, v4;
	v4 =	vshll.u32 v4, $0x3  }
0x1e2: {  	v5 =	vld [tilespmem:s10+$0x54];
	v4 =	vadd.s32 v1, v4  }
0x1e3: {  	v3 =	vadd.s32 v0, v3;
	v4 =	vor.u32 v2, v4;
	_ =	sdelay $0x1  }
.Ltmp2:
0x1e4: {  	(pc) =	sbr.rel @p0 .LBB2_7-.Ltmp2, $4  }
0x1e5: {  	_ = 	snop  }
0x1e6: {  	[tilespmem:s14+$0x5C] =	vst v5  }
0x1e7: {  	v3 =	vld.idx.msk [tilespmem:v3+s17+$0x0], $0xffff  }
0x1e8: {  	v4 =	vld.idx.msk [tilespmem:v4+s18+$0x0], $0xffff  }
0x1e9: {  	_ =	sdelay $0x3  }
0x1ea: {  	v3 =	vsel vm0, v3, v4  }
0x1eb: {  	s9 =	sadd.s32 $0xC80, s6;
	[tilespmem:s15+$0x6C] =	vst v3  }
0x1ec: {  	[hbm4b:s9+s2] =	stream.linear.scatter [tilespmem:s12], [sflag:$0x3], $0x3200, $0x38;
	[tilespmem:$0xE740] =	vst v63  }
0x1ed: {  	_ =	swait.ge [sflag:s24], $0x1C00  }
0x1ee: {  	[sflag:s24] =	ssyncset.done $0x0  }
0x1ef: {  	[sflag:s24] =	ssyncadd.s32 $0xFFFFE400  }
0x1f0: {  	_ =	swait.ge [sflag:s24], $0x400  }
0x1f1: {  	[sflag:s24] =	ssyncset.done $0x0  }
0x1f2: {  	[sflag:s24] =	ssyncadd.s32 $0xFFFFFC00  }
0x1f3: {  	_ =	swait.ge [sflag:s24], $0x400  }
0x1f4: {  	[sflag:s24] =	ssyncset.done $0x0  }
0x1f5: {  	[sflag:s24] =	ssyncadd.s32 $0xFFFFFC00  }
0x1f6: {  	_ =	swait.ge [sflag:s24], $0xFC0  }
0x1f7: {  	[sflag:s24] =	ssyncset.done $0x0  }
0x1f8: {  	[sflag:s24] =	ssyncadd.s32 $0xFFFFF040  }
0x1f9: {  	_ =	swait.ge [sflag:s24], $0x240  }
0x1fa: {  	[sflag:s24] =	ssyncset.done $0x0  }
0x1fb: {  	[sflag:s24] =	ssyncadd.s32 $0xFFFFFDC0  }
0x1fc: {  	_ =	swait.ge [sflag:s24], $0x240  }
0x1fd: {  	[sflag:s24] =	ssyncset.done $0x0  }
0x1fe: {  	s14 =	simm.s32 $0x320;
	[sflag:s24] =	ssyncadd.s32 $0xFFFFFDC0  }
0x1ff: {  	[tilespmem:s17], [sflag:$0x1] =	stream.indirect.gather [hbm4b:s1+s16], $0x38, s14, s16, $0xb8;
	[tilespmem:$0xE740] =	vst v63  }
0x200: {  	s15 =	simm.s32 $0x960  }
0x201: {  	[tilespmem:s18], [sflag:$0x1] =	stream.indirect.gather [hbm4b:s7+s16], $0x8, s15, s16, $0xb8;
	[tilespmem:$0xE740] =	vst v63  }
0x202: {  	s19 =	simm.s32 $0x44C0;
	s10 =	simm.s32 $0xFA0  }
0x203: {  	[tilespmem:s19], [sflag:$0x1] =	stream.indirect.gather [hbm4b:s8+s16], $0x8, s10, s16, $0xb8;
	[tilespmem:$0xE740] =	vst v63  }
0x204: {  	s11 =	simm.s32 $0x3A0  }
0x205: {  	[tilespmem:s21], [sflag:$0x1] =	stream.indirect.gather [hbm4b:s1+s20], $0x38, s11, s20, $0xb8;
	[tilespmem:$0xE740] =	vst v63  }
0x206: {  	s14 =	simm.s32 $0x9E0  }
0x207: {  	[tilespmem:s23], [sflag:$0x1] =	stream.indirect.gather [hbm4b:s7+s20], $0x8, s14, s20, $0xb8;
	[tilespmem:$0xE740] =	vst v63  }
0x208: {  	s15 =	simm.s32 $0x1020  }
0x209: {  	[tilespmem:s25], [sflag:$0x1] =	stream.indirect.gather [hbm4b:s8+s20], $0x8, s15, s20, $0xb8;
	[tilespmem:$0xE740] =	vst v63  }
0x20a: {  	_ =	swait.ge [sflag:s3], $0x3200  }
0x20b: {  	[sflag:s3] =	ssyncset.done $0x0  }
0x20c: {  	s10 =	simm.s32 $0x7D70;
	[sflag:s3] =	ssyncadd.s32 $0xFFFFCE00  }
0x20d: {  	v3 =	vld [tilespmem:s10+$0xFFFFFF90];
	_ =	sdelay $0x3  }
0x20e: {  	s14 =	simm.s32 $0xB5C0  }
0x20f: {  	[tilespmem:s14+$0xFFFFFF80] =	vst v3  }
0x210: {  	v3 =	vld [tilespmem:s10+$0xFFFFFFA0];
	_ =	sdelay $0x2  }
0x211: {  	s19 =	simm.s32 $0x0  }
0x212: {  	v4 =	vmov s19  }
0x213: {  	[tilespmem:s14+$0xFFFFFF90] =	vst v3;
	v3 =	vmul.u32 $0x38, v4  }
0x214: {  	v4 =	vshll.u32 v4, $0x3;
	v5 =	vld [tilespmem:s10+$0xFFFFFFAC]  }
0x215: {  	v4 =	vadd.s32 v1, v4;
	v3 =	vadd.s32 v0, v3  }
0x216: {  	v4 =	vor.u32 v2, v4;
	_ =	sdelay $0x2  }
0x217: {  	[tilespmem:s14+$0xFFFFFF9C] =	vst v5  }
0x218: {  	v3 =	vld.idx.msk [tilespmem:v3+s29+$0x0], $0xffff  }
0x219: {  	v4 =	vld.idx.msk [tilespmem:v4+s31+$0x0], $0xffff;
	_ =	sdelay $0x4  }
0x21a: {  	v3 =	vsel vm0, v3, v4  }
0x21b: {  	[tilespmem:s14+$0xFFFFFFAC] =	vst v3  }
0x21c: {  	v3 =	vld [tilespmem:s10+$0xFFFFFFC8];
	_ =	sdelay $0x4  }
0x21d: {  	[tilespmem:s14+$0xFFFFFFC0] =	vst v3  }
0x21e: {  	v3 =	vld [tilespmem:s10+$0xFFFFFFD8];
	_ =	sdelay $0x2  }
0x21f: {  	s11 =	simm.s32 $0x1  }
0x220: {  	v4 =	vmov s11  }
0x221: {  	[tilespmem:s14+$0xFFFFFFD0] =	vst v3;
	v3 =	vmul.u32 $0x38, v4  }
0x222: {  	v4 =	vshll.u32 v4, $0x3;
	v5 =	vld [tilespmem:s10+$0xFFFFFFE4]  }
0x223: {  	v4 =	vadd.s32 v1, v4;
	v3 =	vadd.s32 v0, v3  }
0x224: {  	v4 =	vor.u32 v2, v4;
	_ =	sdelay $0x2  }
0x225: {  	[tilespmem:s14+$0xFFFFFFDC] =	vst v5  }
0x226: {  	v3 =	vld.idx.msk [tilespmem:v3+s29+$0x0], $0xffff  }
0x227: {  	v4 =	vld.idx.msk [tilespmem:v4+s31+$0x0], $0xffff;
	_ =	sdelay $0x4  }
0x228: {  	v3 =	vsel vm0, v3, v4  }
0x229: {  	[tilespmem:s14+$0xFFFFFFEC] =	vst v3  }
0x22a: {  	v3 =	vld [tilespmem:s10+$0x0];
	_ =	sdelay $0x4  }
0x22b: {  	[tilespmem:s14+$0x0] =	vst v3  }
0x22c: {  	v3 =	vld [tilespmem:s10+$0x10];
	_ =	sdelay $0x2  }
0x22d: {  	s15 =	simm.s32 $0x2  }
0x22e: {  	v4 =	vmov s15  }
0x22f: {  	[tilespmem:s14+$0x10] =	vst v3;
	v3 =	vmul.u32 $0x38, v4  }
0x230: {  	v4 =	vshll.u32 v4, $0x3;
	v5 =	vld [tilespmem:s10+$0x1C]  }
0x231: {  	v4 =	vadd.s32 v1, v4;
	v3 =	vadd.s32 v0, v3  }
0x232: {  	v4 =	vor.u32 v2, v4;
	_ =	sdelay $0x2  }
0x233: {  	[tilespmem:s14+$0x1C] =	vst v5  }
0x234: {  	v3 =	vld.idx.msk [tilespmem:v3+s29+$0x0], $0xffff  }
0x235: {  	v4 =	vld.idx.msk [tilespmem:v4+s31+$0x0], $0xffff;
	_ =	sdelay $0x4  }
0x236: {  	v3 =	vsel vm0, v3, v4  }
0x237: {  	[tilespmem:s14+$0x2C] =	vst v3  }
0x238: {  	v3 =	vld [tilespmem:s10+$0x38];
	_ =	sdelay $0x4  }
0x239: {  	[tilespmem:s14+$0x40] =	vst v3  }
0x23a: {  	v3 =	vld [tilespmem:s10+$0x48];
	_ =	sdelay $0x2  }
0x23b: {  	s19 =	simm.s32 $0x3  }
0x23c: {  	v4 =	vmov s19  }
0x23d: {  	[tilespmem:s14+$0x50] =	vst v3;
	v3 =	vmul.u32 $0x38, v4  }
0x23e: {  	v4 =	vshll.u32 v4, $0x3;
	v5 =	vld [tilespmem:s10+$0x54]  }
0x23f: {  	v4 =	vadd.s32 v1, v4;
	v3 =	vadd.s32 v0, v3  }
0x240: {  	v4 =	vor.u32 v2, v4;
	_ =	sdelay $0x2  }
0x241: {  	[tilespmem:s14+$0x5C] =	vst v5  }
0x242: {  	v3 =	vld.idx.msk [tilespmem:v3+s29+$0x0], $0xffff  }
0x243: {  	s9 =	simm.s32 $0x7;
	s15 =	simm.s32 $0xB5C0;
	v4 =	vld.idx.msk [tilespmem:v4+s31+$0x0], $0xffff  }
.LBB2_9:
0x244: {  	_ = 	snop  }
0x245: {  	p0 =	sne.s32 s9, $0xC7;
	s14 =	sadd.s32 $0x100, s14;
	s10 =	sadd.s32 $0xE0, s10  }
0x246: {  	s11 =	smov.u32 s9;
	s9 =	sadd.s32 $0x4, s9;
	_ =	sdelay $0x1  }
0x247: {  	v3 =	vsel vm0, v3, v4  }
0x248: {  	[tilespmem:s15+$0x6C] =	vst v3;
	s15 =	smov.u32 s14  }
0x249: {  	v3 =	vld [tilespmem:s10+$0xFFFFFF90];
	_ =	sdelay $0x4  }
0x24a: {  	[tilespmem:s14+$0xFFFFFF80] =	vst v3  }
0x24b: {  	v3 =	vld [tilespmem:s10+$0xFFFFFFA0];
	_ =	sdelay $0x2  }
0x24c: {  	s19 =	sadd.s32 $0xFFFFFFFD, s11  }
0x24d: {  	v4 =	vmov s19  }
0x24e: {  	[tilespmem:s14+$0xFFFFFF90] =	vst v3;
	v3 =	vmul.u32 $0x38, v4;
	v4 =	vshll.u32 v4, $0x3  }
0x24f: {  	v5 =	vld [tilespmem:s10+$0xFFFFFFAC];
	v4 =	vadd.s32 v1, v4  }
0x250: {  	v3 =	vadd.s32 v0, v3;
	v4 =	vor.u32 v2, v4;
	_ =	sdelay $0x3  }
0x251: {  	[tilespmem:s14+$0xFFFFFF9C] =	vst v5  }
0x252: {  	v3 =	vld.idx.msk [tilespmem:v3+s29+$0x0], $0xffff  }
0x253: {  	v4 =	vld.idx.msk [tilespmem:v4+s31+$0x0], $0xffff;
	_ =	sdelay $0x5  }
0x254: {  	v3 =	vsel vm0, v3, v4  }
0x255: {  	[tilespmem:s14+$0xFFFFFFAC] =	vst v3  }
0x256: {  	v3 =	vld [tilespmem:s10+$0xFFFFFFC8];
	_ =	sdelay $0x4  }
0x257: {  	[tilespmem:s14+$0xFFFFFFC0] =	vst v3  }
0x258: {  	v3 =	vld [tilespmem:s10+$0xFFFFFFD8];
	_ =	sdelay $0x2  }
0x259: {  	s19 =	sadd.s32 $0xFFFFFFFE, s11  }
0x25a: {  	v4 =	vmov s19  }
0x25b: {  	[tilespmem:s14+$0xFFFFFFD0] =	vst v3;
	v3 =	vmul.u32 $0x38, v4;
	v4 =	vshll.u32 v4, $0x3  }
0x25c: {  	v5 =	vld [tilespmem:s10+$0xFFFFFFE4];
	v4 =	vadd.s32 v1, v4  }
0x25d: {  	v3 =	vadd.s32 v0, v3;
	v4 =	vor.u32 v2, v4;
	_ =	sdelay $0x3  }
0x25e: {  	[tilespmem:s14+$0xFFFFFFDC] =	vst v5  }
0x25f: {  	v3 =	vld.idx.msk [tilespmem:v3+s29+$0x0], $0xffff  }
0x260: {  	v4 =	vld.idx.msk [tilespmem:v4+s31+$0x0], $0xffff;
	_ =	sdelay $0x5  }
0x261: {  	v3 =	vsel vm0, v3, v4  }
0x262: {  	[tilespmem:s14+$0xFFFFFFEC] =	vst v3  }
0x263: {  	v3 =	vld [tilespmem:s10+$0x0];
	_ =	sdelay $0x4  }
0x264: {  	[tilespmem:s14+$0x0] =	vst v3  }
0x265: {  	v3 =	vld [tilespmem:s10+$0x10];
	_ =	sdelay $0x2  }
0x266: {  	s19 =	sadd.s32 $0xFFFFFFFF, s11  }
0x267: {  	v4 =	vmov s19  }
0x268: {  	[tilespmem:s14+$0x10] =	vst v3;
	v3 =	vmul.u32 $0x38, v4;
	v4 =	vshll.u32 v4, $0x3  }
0x269: {  	v5 =	vld [tilespmem:s10+$0x1C];
	v4 =	vadd.s32 v1, v4  }
0x26a: {  	v3 =	vadd.s32 v0, v3;
	v4 =	vor.u32 v2, v4;
	_ =	sdelay $0x3  }
0x26b: {  	[tilespmem:s14+$0x1C] =	vst v5  }
0x26c: {  	v3 =	vld.idx.msk [tilespmem:v3+s29+$0x0], $0xffff  }
0x26d: {  	v4 =	vld.idx.msk [tilespmem:v4+s31+$0x0], $0xffff;
	_ =	sdelay $0x5  }
0x26e: {  	v3 =	vsel vm0, v3, v4  }
0x26f: {  	[tilespmem:s14+$0x2C] =	vst v3  }
0x270: {  	v3 =	vld [tilespmem:s10+$0x38];
	_ =	sdelay $0x4  }
0x271: {  	[tilespmem:s14+$0x40] =	vst v3  }
0x272: {  	v3 =	vld [tilespmem:s10+$0x48];
	_ =	sdelay $0x3  }
0x273: {  	v4 =	vmov s11  }
0x274: {  	[tilespmem:s14+$0x50] =	vst v3;
	v3 =	vmul.u32 $0x38, v4;
	v4 =	vshll.u32 v4, $0x3  }
0x275: {  	v5 =	vld [tilespmem:s10+$0x54];
	v4 =	vadd.s32 v1, v4  }
0x276: {  	v3 =	vadd.s32 v0, v3;
	v4 =	vor.u32 v2, v4;
	_ =	sdelay $0x1  }
.Ltmp3:
0x277: {  	(pc) =	sbr.rel @p0 .LBB2_9-.Ltmp3, $4  }
0x278: {  	_ = 	snop  }
0x279: {  	[tilespmem:s14+$0x5C] =	vst v5  }
0x27a: {  	v3 =	vld.idx.msk [tilespmem:v3+s29+$0x0], $0xffff  }
0x27b: {  	v4 =	vld.idx.msk [tilespmem:v4+s31+$0x0], $0xffff  }
0x27c: {  	_ =	sdelay $0x3  }
0x27d: {  	v3 =	vsel vm0, v3, v4  }
0x27e: {  	s9 =	sadd.s32 $0x12C0, s6;
	[tilespmem:s15+$0x6C] =	vst v3  }
0x27f: {  	[hbm4b:s9+s2] =	stream.linear.scatter [tilespmem:s30], [sflag:$0x4], $0x3200, $0x38;
	[tilespmem:$0xE740] =	vst v63  }
0x280: {  	_ =	swait.ge [sflag:s26], $0x1C00  }
0x281: {  	[sflag:s26] =	ssyncset.done $0x0  }
0x282: {  	[sflag:s26] =	ssyncadd.s32 $0xFFFFE400  }
0x283: {  	_ =	swait.ge [sflag:s26], $0x400  }
0x284: {  	[sflag:s26] =	ssyncset.done $0x0  }
0x285: {  	[sflag:s26] =	ssyncadd.s32 $0xFFFFFC00  }
0x286: {  	_ =	swait.ge [sflag:s26], $0x400  }
0x287: {  	[sflag:s26] =	ssyncset.done $0x0  }
0x288: {  	[sflag:s26] =	ssyncadd.s32 $0xFFFFFC00  }
0x289: {  	_ =	swait.ge [sflag:s26], $0xFC0  }
0x28a: {  	[sflag:s26] =	ssyncset.done $0x0  }
0x28b: {  	[sflag:s26] =	ssyncadd.s32 $0xFFFFF040  }
0x28c: {  	_ =	swait.ge [sflag:s26], $0x240  }
0x28d: {  	[sflag:s26] =	ssyncset.done $0x0  }
0x28e: {  	[sflag:s26] =	ssyncadd.s32 $0xFFFFFDC0  }
0x28f: {  	_ =	swait.ge [sflag:s26], $0x240  }
0x290: {  	[sflag:s26] =	ssyncset.done $0x0  }
0x291: {  	s14 =	simm.s32 $0x3E8;
	[sflag:s26] =	ssyncadd.s32 $0xFFFFFDC0  }
0x292: {  	[tilespmem:s29], [sflag:$0x2] =	stream.indirect.gather [hbm4b:s1+s16], $0x38, s14, s16, $0xb8;
	[tilespmem:$0xE740] =	vst v63  }
0x293: {  	s15 =	simm.s32 $0xA28  }
0x294: {  	[tilespmem:s31], [sflag:$0x2] =	stream.indirect.gather [hbm4b:s7+s16], $0x8, s15, s16, $0xb8;
	[tilespmem:$0xE740] =	vst v63  }
0x295: {  	s19 =	simm.s32 $0x1068  }
0x296: {  	[tilespmem:s4], [sflag:$0x2] =	stream.indirect.gather [hbm4b:s8+s16], $0x8, s19, s16, $0xb8;
	[tilespmem:$0xE740] =	vst v63  }
0x297: {  	s10 =	simm.s32 $0x468  }
0x298: {  	[tilespmem:s22], [sflag:$0x2] =	stream.indirect.gather [hbm4b:s1+s20], $0x38, s10, s20, $0xb8;
	[tilespmem:$0xE740] =	vst v63  }
0x299: {  	s11 =	simm.s32 $0xAA8  }
0x29a: {  	[tilespmem:s28], [sflag:$0x2] =	stream.indirect.gather [hbm4b:s7+s20], $0x8, s11, s20, $0xb8;
	[tilespmem:$0xE740] =	vst v63  }
0x29b: {  	s9 =	simm.s32 $0x3;
	s14 =	simm.s32 $0x10E8  }
0x29c: {  	[tilespmem:s0], [sflag:$0x2] =	stream.indirect.gather [hbm4b:s8+s20], $0x8, s14, s20, $0xb8;
	[tilespmem:$0xE740] =	vst v63  }
0x29d: {  	_ =	swait.ge [sflag:s9], $0x3200  }
0x29e: {  	[sflag:s9] =	ssyncset.done $0x0  }
0x29f: {  	s10 =	simm.s32 $0x1330;
	[sflag:s9] =	ssyncadd.s32 $0xFFFFCE00  }
0x2a0: {  	v3 =	vld [tilespmem:s10+$0xFFFFFF90];
	_ =	sdelay $0x3  }
0x2a1: {  	s14 =	simm.s32 $0x4B80  }
0x2a2: {  	[tilespmem:s14+$0xFFFFFF80] =	vst v3  }
0x2a3: {  	v3 =	vld [tilespmem:s10+$0xFFFFFFA0];
	_ =	sdelay $0x2  }
0x2a4: {  	s11 =	simm.s32 $0x0  }
0x2a5: {  	v4 =	vmov s11  }
0x2a6: {  	[tilespmem:s14+$0xFFFFFF90] =	vst v3;
	v3 =	vmul.u32 $0x38, v4  }
0x2a7: {  	v4 =	vshll.u32 v4, $0x3;
	v5 =	vld [tilespmem:s10+$0xFFFFFFAC]  }
0x2a8: {  	v4 =	vadd.s32 v1, v4;
	v3 =	vadd.s32 v0, v3  }
0x2a9: {  	v4 =	vor.u32 v2, v4;
	_ =	sdelay $0x2  }
0x2aa: {  	[tilespmem:s14+$0xFFFFFF9C] =	vst v5  }
0x2ab: {  	v3 =	vld.idx.msk [tilespmem:v3+s17+$0x0], $0xffff  }
0x2ac: {  	v4 =	vld.idx.msk [tilespmem:v4+s18+$0x0], $0xffff;
	_ =	sdelay $0x4  }
0x2ad: {  	v3 =	vsel vm0, v3, v4  }
0x2ae: {  	[tilespmem:s14+$0xFFFFFFAC] =	vst v3  }
0x2af: {  	v3 =	vld [tilespmem:s10+$0xFFFFFFC8];
	_ =	sdelay $0x4  }
0x2b0: {  	[tilespmem:s14+$0xFFFFFFC0] =	vst v3  }
0x2b1: {  	v3 =	vld [tilespmem:s10+$0xFFFFFFD8];
	_ =	sdelay $0x2  }
0x2b2: {  	s15 =	simm.s32 $0x1  }
0x2b3: {  	v4 =	vmov s15  }
0x2b4: {  	[tilespmem:s14+$0xFFFFFFD0] =	vst v3;
	v3 =	vmul.u32 $0x38, v4  }
0x2b5: {  	v4 =	vshll.u32 v4, $0x3;
	v5 =	vld [tilespmem:s10+$0xFFFFFFE4]  }
0x2b6: {  	v4 =	vadd.s32 v1, v4;
	v3 =	vadd.s32 v0, v3  }
0x2b7: {  	v4 =	vor.u32 v2, v4;
	_ =	sdelay $0x2  }
0x2b8: {  	[tilespmem:s14+$0xFFFFFFDC] =	vst v5  }
0x2b9: {  	v3 =	vld.idx.msk [tilespmem:v3+s17+$0x0], $0xffff  }
0x2ba: {  	v4 =	vld.idx.msk [tilespmem:v4+s18+$0x0], $0xffff;
	_ =	sdelay $0x4  }
0x2bb: {  	v3 =	vsel vm0, v3, v4  }
0x2bc: {  	[tilespmem:s14+$0xFFFFFFEC] =	vst v3  }
0x2bd: {  	v3 =	vld [tilespmem:s10+$0x0];
	_ =	sdelay $0x4  }
0x2be: {  	[tilespmem:s14+$0x0] =	vst v3  }
0x2bf: {  	v3 =	vld [tilespmem:s10+$0x10];
	_ =	sdelay $0x2  }
0x2c0: {  	s19 =	simm.s32 $0x2  }
0x2c1: {  	v4 =	vmov s19  }
0x2c2: {  	[tilespmem:s14+$0x10] =	vst v3;
	v3 =	vmul.u32 $0x38, v4  }
0x2c3: {  	v4 =	vshll.u32 v4, $0x3;
	v5 =	vld [tilespmem:s10+$0x1C]  }
0x2c4: {  	v4 =	vadd.s32 v1, v4;
	v3 =	vadd.s32 v0, v3  }
0x2c5: {  	v4 =	vor.u32 v2, v4;
	_ =	sdelay $0x2  }
0x2c6: {  	[tilespmem:s14+$0x1C] =	vst v5  }
0x2c7: {  	v3 =	vld.idx.msk [tilespmem:v3+s17+$0x0], $0xffff  }
0x2c8: {  	v4 =	vld.idx.msk [tilespmem:v4+s18+$0x0], $0xffff;
	_ =	sdelay $0x4  }
0x2c9: {  	v3 =	vsel vm0, v3, v4  }
0x2ca: {  	[tilespmem:s14+$0x2C] =	vst v3  }
0x2cb: {  	v3 =	vld [tilespmem:s10+$0x38];
	_ =	sdelay $0x4  }
0x2cc: {  	[tilespmem:s14+$0x40] =	vst v3  }
0x2cd: {  	v3 =	vld [tilespmem:s10+$0x48];
	_ =	sdelay $0x3  }
0x2ce: {  	v4 =	vmov s9  }
0x2cf: {  	[tilespmem:s14+$0x50] =	vst v3;
	v3 =	vmul.u32 $0x38, v4  }
0x2d0: {  	v4 =	vshll.u32 v4, $0x3;
	v5 =	vld [tilespmem:s10+$0x54]  }
0x2d1: {  	v4 =	vadd.s32 v1, v4;
	v3 =	vadd.s32 v0, v3  }
0x2d2: {  	v4 =	vor.u32 v2, v4;
	_ =	sdelay $0x2  }
0x2d3: {  	[tilespmem:s14+$0x5C] =	vst v5  }
0x2d4: {  	v3 =	vld.idx.msk [tilespmem:v3+s17+$0x0], $0xffff  }
0x2d5: {  	s15 =	simm.s32 $0x4B80;
	s9 =	simm.s32 $0x7;
	v4 =	vld.idx.msk [tilespmem:v4+s18+$0x0], $0xffff  }
.LBB2_11:
0x2d6: {  	_ = 	snop  }
0x2d7: {  	p0 =	sne.s32 s9, $0xC7;
	s14 =	sadd.s32 $0x100, s14;
	s10 =	sadd.s32 $0xE0, s10  }
0x2d8: {  	s11 =	smov.u32 s9;
	s9 =	sadd.s32 $0x4, s9;
	_ =	sdelay $0x1  }
0x2d9: {  	v3 =	vsel vm0, v3, v4  }
0x2da: {  	[tilespmem:s15+$0x6C] =	vst v3;
	s15 =	smov.u32 s14  }
0x2db: {  	v3 =	vld [tilespmem:s10+$0xFFFFFF90];
	_ =	sdelay $0x4  }
0x2dc: {  	[tilespmem:s14+$0xFFFFFF80] =	vst v3  }
0x2dd: {  	v3 =	vld [tilespmem:s10+$0xFFFFFFA0];
	_ =	sdelay $0x2  }
0x2de: {  	s19 =	sadd.s32 $0xFFFFFFFD, s11  }
0x2df: {  	v4 =	vmov s19  }
0x2e0: {  	[tilespmem:s14+$0xFFFFFF90] =	vst v3;
	v3 =	vmul.u32 $0x38, v4;
	v4 =	vshll.u32 v4, $0x3  }
0x2e1: {  	v5 =	vld [tilespmem:s10+$0xFFFFFFAC];
	v4 =	vadd.s32 v1, v4  }
0x2e2: {  	v3 =	vadd.s32 v0, v3;
	v4 =	vor.u32 v2, v4;
	_ =	sdelay $0x3  }
0x2e3: {  	[tilespmem:s14+$0xFFFFFF9C] =	vst v5  }
0x2e4: {  	v3 =	vld.idx.msk [tilespmem:v3+s17+$0x0], $0xffff  }
0x2e5: {  	v4 =	vld.idx.msk [tilespmem:v4+s18+$0x0], $0xffff;
	_ =	sdelay $0x5  }
0x2e6: {  	v3 =	vsel vm0, v3, v4  }
0x2e7: {  	[tilespmem:s14+$0xFFFFFFAC] =	vst v3  }
0x2e8: {  	v3 =	vld [tilespmem:s10+$0xFFFFFFC8];
	_ =	sdelay $0x4  }
0x2e9: {  	[tilespmem:s14+$0xFFFFFFC0] =	vst v3  }
0x2ea: {  	v3 =	vld [tilespmem:s10+$0xFFFFFFD8];
	_ =	sdelay $0x2  }
0x2eb: {  	s19 =	sadd.s32 $0xFFFFFFFE, s11  }
0x2ec: {  	v4 =	vmov s19  }
0x2ed: {  	[tilespmem:s14+$0xFFFFFFD0] =	vst v3;
	v3 =	vmul.u32 $0x38, v4;
	v4 =	vshll.u32 v4, $0x3  }
0x2ee: {  	v5 =	vld [tilespmem:s10+$0xFFFFFFE4];
	v4 =	vadd.s32 v1, v4  }
0x2ef: {  	v3 =	vadd.s32 v0, v3;
	v4 =	vor.u32 v2, v4;
	_ =	sdelay $0x3  }
0x2f0: {  	[tilespmem:s14+$0xFFFFFFDC] =	vst v5  }
0x2f1: {  	v3 =	vld.idx.msk [tilespmem:v3+s17+$0x0], $0xffff  }
0x2f2: {  	v4 =	vld.idx.msk [tilespmem:v4+s18+$0x0], $0xffff;
	_ =	sdelay $0x5  }
0x2f3: {  	v3 =	vsel vm0, v3, v4  }
0x2f4: {  	[tilespmem:s14+$0xFFFFFFEC] =	vst v3  }
0x2f5: {  	v3 =	vld [tilespmem:s10+$0x0];
	_ =	sdelay $0x4  }
0x2f6: {  	[tilespmem:s14+$0x0] =	vst v3  }
0x2f7: {  	v3 =	vld [tilespmem:s10+$0x10];
	_ =	sdelay $0x2  }
0x2f8: {  	s19 =	sadd.s32 $0xFFFFFFFF, s11  }
0x2f9: {  	v4 =	vmov s19  }
0x2fa: {  	[tilespmem:s14+$0x10] =	vst v3;
	v3 =	vmul.u32 $0x38, v4;
	v4 =	vshll.u32 v4, $0x3  }
0x2fb: {  	v5 =	vld [tilespmem:s10+$0x1C];
	v4 =	vadd.s32 v1, v4  }
0x2fc: {  	v3 =	vadd.s32 v0, v3;
	v4 =	vor.u32 v2, v4;
	_ =	sdelay $0x3  }
0x2fd: {  	[tilespmem:s14+$0x1C] =	vst v5  }
0x2fe: {  	v3 =	vld.idx.msk [tilespmem:v3+s17+$0x0], $0xffff  }
0x2ff: {  	v4 =	vld.idx.msk [tilespmem:v4+s18+$0x0], $0xffff;
	_ =	sdelay $0x5  }
0x300: {  	v3 =	vsel vm0, v3, v4  }
0x301: {  	[tilespmem:s14+$0x2C] =	vst v3  }
0x302: {  	v3 =	vld [tilespmem:s10+$0x38];
	_ =	sdelay $0x4  }
0x303: {  	[tilespmem:s14+$0x40] =	vst v3  }
0x304: {  	v3 =	vld [tilespmem:s10+$0x48];
	_ =	sdelay $0x3  }
0x305: {  	v4 =	vmov s11  }
0x306: {  	[tilespmem:s14+$0x50] =	vst v3;
	v3 =	vmul.u32 $0x38, v4;
	v4 =	vshll.u32 v4, $0x3  }
0x307: {  	v5 =	vld [tilespmem:s10+$0x54];
	v4 =	vadd.s32 v1, v4  }
0x308: {  	v3 =	vadd.s32 v0, v3;
	v4 =	vor.u32 v2, v4;
	_ =	sdelay $0x1  }
.Ltmp4:
0x309: {  	(pc) =	sbr.rel @p0 .LBB2_11-.Ltmp4, $4  }
0x30a: {  	_ = 	snop  }
0x30b: {  	[tilespmem:s14+$0x5C] =	vst v5  }
0x30c: {  	v3 =	vld.idx.msk [tilespmem:v3+s17+$0x0], $0xffff  }
0x30d: {  	v4 =	vld.idx.msk [tilespmem:v4+s18+$0x0], $0xffff  }
0x30e: {  	_ =	sdelay $0x3  }
0x30f: {  	v3 =	vsel vm0, v3, v4  }
0x310: {  	s9 =	sadd.s32 $0x1900, s6;
	[tilespmem:s15+$0x6C] =	vst v3  }
0x311: {  	[hbm4b:s9+s2] =	stream.linear.scatter [tilespmem:s12], [sflag:$0x3], $0x3200, $0x38;
	[tilespmem:$0xE740] =	vst v63  }
0x312: {  	_ =	swait.ge [sflag:s24], $0x1C00  }
0x313: {  	[sflag:s24] =	ssyncset.done $0x0  }
0x314: {  	[sflag:s24] =	ssyncadd.s32 $0xFFFFE400  }
0x315: {  	_ =	swait.ge [sflag:s24], $0x400  }
0x316: {  	[sflag:s24] =	ssyncset.done $0x0  }
0x317: {  	[sflag:s24] =	ssyncadd.s32 $0xFFFFFC00  }
0x318: {  	_ =	swait.ge [sflag:s24], $0x400  }
0x319: {  	[sflag:s24] =	ssyncset.done $0x0  }
0x31a: {  	[sflag:s24] =	ssyncadd.s32 $0xFFFFFC00  }
0x31b: {  	_ =	swait.ge [sflag:s24], $0xFC0  }
0x31c: {  	[sflag:s24] =	ssyncset.done $0x0  }
0x31d: {  	[sflag:s24] =	ssyncadd.s32 $0xFFFFF040  }
0x31e: {  	_ =	swait.ge [sflag:s24], $0x240  }
0x31f: {  	[sflag:s24] =	ssyncset.done $0x0  }
0x320: {  	[sflag:s24] =	ssyncadd.s32 $0xFFFFFDC0  }
0x321: {  	_ =	swait.ge [sflag:s24], $0x240  }
0x322: {  	[sflag:s24] =	ssyncset.done $0x0  }
0x323: {  	s14 =	simm.s32 $0x4B0;
	[sflag:s24] =	ssyncadd.s32 $0xFFFFFDC0  }
0x324: {  	[tilespmem:s17], [sflag:$0x1] =	stream.indirect.gather [hbm4b:s1+s16], $0x38, s14, s16, $0xb8;
	[tilespmem:$0xE740] =	vst v63  }
0x325: {  	s15 =	simm.s32 $0xAF0  }
0x326: {  	[tilespmem:s18], [sflag:$0x1] =	stream.indirect.gather [hbm4b:s7+s16], $0x8, s15, s16, $0xb8;
	[tilespmem:$0xE740] =	vst v63  }
0x327: {  	s19 =	simm.s32 $0x44C0;
	s10 =	simm.s32 $0x1130  }
0x328: {  	[tilespmem:s19], [sflag:$0x1] =	stream.indirect.gather [hbm4b:s8+s16], $0x8, s10, s16, $0xb8;
	[tilespmem:$0xE740] =	vst v63  }
0x329: {  	s11 =	simm.s32 $0x530  }
0x32a: {  	[tilespmem:s21], [sflag:$0x1] =	stream.indirect.gather [hbm4b:s1+s20], $0x38, s11, s20, $0xb8;
	[tilespmem:$0xE740] =	vst v63  }
0x32b: {  	s14 =	simm.s32 $0xB70  }
0x32c: {  	[tilespmem:s23], [sflag:$0x1] =	stream.indirect.gather [hbm4b:s7+s20], $0x8, s14, s20, $0xb8;
	[tilespmem:$0xE740] =	vst v63  }
0x32d: {  	s15 =	simm.s32 $0x11B0  }
0x32e: {  	[tilespmem:s25], [sflag:$0x1] =	stream.indirect.gather [hbm4b:s8+s20], $0x8, s15, s20, $0xb8;
	[tilespmem:$0xE740] =	vst v63  }
0x32f: {  	_ =	swait.ge [sflag:s3], $0x3200  }
0x330: {  	[sflag:s3] =	ssyncset.done $0x0  }
0x331: {  	s10 =	simm.s32 $0x7D70;
	[sflag:s3] =	ssyncadd.s32 $0xFFFFCE00  }
0x332: {  	v3 =	vld [tilespmem:s10+$0xFFFFFF90];
	_ =	sdelay $0x3  }
0x333: {  	s14 =	simm.s32 $0xB5C0  }
0x334: {  	[tilespmem:s14+$0xFFFFFF80] =	vst v3  }
0x335: {  	v3 =	vld [tilespmem:s10+$0xFFFFFFA0];
	_ =	sdelay $0x2  }
0x336: {  	s19 =	simm.s32 $0x0  }
0x337: {  	v4 =	vmov s19  }
0x338: {  	[tilespmem:s14+$0xFFFFFF90] =	vst v3;
	v3 =	vmul.u32 $0x38, v4  }
0x339: {  	v4 =	vshll.u32 v4, $0x3;
	v5 =	vld [tilespmem:s10+$0xFFFFFFAC]  }
0x33a: {  	v4 =	vadd.s32 v1, v4;
	v3 =	vadd.s32 v0, v3  }
0x33b: {  	v4 =	vor.u32 v2, v4;
	_ =	sdelay $0x2  }
0x33c: {  	[tilespmem:s14+$0xFFFFFF9C] =	vst v5  }
0x33d: {  	v3 =	vld.idx.msk [tilespmem:v3+s29+$0x0], $0xffff  }
0x33e: {  	v4 =	vld.idx.msk [tilespmem:v4+s31+$0x0], $0xffff;
	_ =	sdelay $0x4  }
0x33f: {  	v3 =	vsel vm0, v3, v4  }
0x340: {  	[tilespmem:s14+$0xFFFFFFAC] =	vst v3  }
0x341: {  	v3 =	vld [tilespmem:s10+$0xFFFFFFC8];
	_ =	sdelay $0x4  }
0x342: {  	[tilespmem:s14+$0xFFFFFFC0] =	vst v3  }
0x343: {  	v3 =	vld [tilespmem:s10+$0xFFFFFFD8];
	_ =	sdelay $0x2  }
0x344: {  	s11 =	simm.s32 $0x1  }
0x345: {  	v4 =	vmov s11  }
0x346: {  	[tilespmem:s14+$0xFFFFFFD0] =	vst v3;
	v3 =	vmul.u32 $0x38, v4  }
0x347: {  	v4 =	vshll.u32 v4, $0x3;
	v5 =	vld [tilespmem:s10+$0xFFFFFFE4]  }
0x348: {  	v4 =	vadd.s32 v1, v4;
	v3 =	vadd.s32 v0, v3  }
0x349: {  	v4 =	vor.u32 v2, v4;
	_ =	sdelay $0x2  }
0x34a: {  	[tilespmem:s14+$0xFFFFFFDC] =	vst v5  }
0x34b: {  	v3 =	vld.idx.msk [tilespmem:v3+s29+$0x0], $0xffff  }
0x34c: {  	v4 =	vld.idx.msk [tilespmem:v4+s31+$0x0], $0xffff;
	_ =	sdelay $0x4  }
0x34d: {  	v3 =	vsel vm0, v3, v4  }
0x34e: {  	[tilespmem:s14+$0xFFFFFFEC] =	vst v3  }
0x34f: {  	v3 =	vld [tilespmem:s10+$0x0];
	_ =	sdelay $0x4  }
0x350: {  	[tilespmem:s14+$0x0] =	vst v3  }
0x351: {  	v3 =	vld [tilespmem:s10+$0x10];
	_ =	sdelay $0x2  }
0x352: {  	s15 =	simm.s32 $0x2  }
0x353: {  	v4 =	vmov s15  }
0x354: {  	[tilespmem:s14+$0x10] =	vst v3;
	v3 =	vmul.u32 $0x38, v4  }
0x355: {  	v4 =	vshll.u32 v4, $0x3;
	v5 =	vld [tilespmem:s10+$0x1C]  }
0x356: {  	v4 =	vadd.s32 v1, v4;
	v3 =	vadd.s32 v0, v3  }
0x357: {  	v4 =	vor.u32 v2, v4;
	_ =	sdelay $0x2  }
0x358: {  	[tilespmem:s14+$0x1C] =	vst v5  }
0x359: {  	v3 =	vld.idx.msk [tilespmem:v3+s29+$0x0], $0xffff  }
0x35a: {  	v4 =	vld.idx.msk [tilespmem:v4+s31+$0x0], $0xffff;
	_ =	sdelay $0x4  }
0x35b: {  	v3 =	vsel vm0, v3, v4  }
0x35c: {  	[tilespmem:s14+$0x2C] =	vst v3  }
0x35d: {  	v3 =	vld [tilespmem:s10+$0x38];
	_ =	sdelay $0x4  }
0x35e: {  	[tilespmem:s14+$0x40] =	vst v3  }
0x35f: {  	v3 =	vld [tilespmem:s10+$0x48];
	_ =	sdelay $0x2  }
0x360: {  	s19 =	simm.s32 $0x3  }
0x361: {  	v4 =	vmov s19  }
0x362: {  	[tilespmem:s14+$0x50] =	vst v3;
	v3 =	vmul.u32 $0x38, v4  }
0x363: {  	v4 =	vshll.u32 v4, $0x3;
	v5 =	vld [tilespmem:s10+$0x54]  }
0x364: {  	v4 =	vadd.s32 v1, v4;
	v3 =	vadd.s32 v0, v3  }
0x365: {  	v4 =	vor.u32 v2, v4;
	_ =	sdelay $0x2  }
0x366: {  	[tilespmem:s14+$0x5C] =	vst v5  }
0x367: {  	v3 =	vld.idx.msk [tilespmem:v3+s29+$0x0], $0xffff  }
0x368: {  	s9 =	simm.s32 $0x7;
	s15 =	simm.s32 $0xB5C0;
	v4 =	vld.idx.msk [tilespmem:v4+s31+$0x0], $0xffff  }
.LBB2_13:
0x369: {  	_ = 	snop  }
0x36a: {  	p0 =	sne.s32 s9, $0xC7;
	s14 =	sadd.s32 $0x100, s14;
	s10 =	sadd.s32 $0xE0, s10  }
0x36b: {  	s11 =	smov.u32 s9;
	s9 =	sadd.s32 $0x4, s9;
	_ =	sdelay $0x1  }
0x36c: {  	v3 =	vsel vm0, v3, v4  }
0x36d: {  	[tilespmem:s15+$0x6C] =	vst v3;
	s15 =	smov.u32 s14  }
0x36e: {  	v3 =	vld [tilespmem:s10+$0xFFFFFF90];
	_ =	sdelay $0x4  }
0x36f: {  	[tilespmem:s14+$0xFFFFFF80] =	vst v3  }
0x370: {  	v3 =	vld [tilespmem:s10+$0xFFFFFFA0];
	_ =	sdelay $0x2  }
0x371: {  	s19 =	sadd.s32 $0xFFFFFFFD, s11  }
0x372: {  	v4 =	vmov s19  }
0x373: {  	[tilespmem:s14+$0xFFFFFF90] =	vst v3;
	v3 =	vmul.u32 $0x38, v4;
	v4 =	vshll.u32 v4, $0x3  }
0x374: {  	v5 =	vld [tilespmem:s10+$0xFFFFFFAC];
	v4 =	vadd.s32 v1, v4  }
0x375: {  	v3 =	vadd.s32 v0, v3;
	v4 =	vor.u32 v2, v4;
	_ =	sdelay $0x3  }
0x376: {  	[tilespmem:s14+$0xFFFFFF9C] =	vst v5  }
0x377: {  	v3 =	vld.idx.msk [tilespmem:v3+s29+$0x0], $0xffff  }
0x378: {  	v4 =	vld.idx.msk [tilespmem:v4+s31+$0x0], $0xffff;
	_ =	sdelay $0x5  }
0x379: {  	v3 =	vsel vm0, v3, v4  }
0x37a: {  	[tilespmem:s14+$0xFFFFFFAC] =	vst v3  }
0x37b: {  	v3 =	vld [tilespmem:s10+$0xFFFFFFC8];
	_ =	sdelay $0x4  }
0x37c: {  	[tilespmem:s14+$0xFFFFFFC0] =	vst v3  }
0x37d: {  	v3 =	vld [tilespmem:s10+$0xFFFFFFD8];
	_ =	sdelay $0x2  }
0x37e: {  	s19 =	sadd.s32 $0xFFFFFFFE, s11  }
0x37f: {  	v4 =	vmov s19  }
0x380: {  	[tilespmem:s14+$0xFFFFFFD0] =	vst v3;
	v3 =	vmul.u32 $0x38, v4;
	v4 =	vshll.u32 v4, $0x3  }
0x381: {  	v5 =	vld [tilespmem:s10+$0xFFFFFFE4];
	v4 =	vadd.s32 v1, v4  }
0x382: {  	v3 =	vadd.s32 v0, v3;
	v4 =	vor.u32 v2, v4;
	_ =	sdelay $0x3  }
0x383: {  	[tilespmem:s14+$0xFFFFFFDC] =	vst v5  }
0x384: {  	v3 =	vld.idx.msk [tilespmem:v3+s29+$0x0], $0xffff  }
0x385: {  	v4 =	vld.idx.msk [tilespmem:v4+s31+$0x0], $0xffff;
	_ =	sdelay $0x5  }
0x386: {  	v3 =	vsel vm0, v3, v4  }
0x387: {  	[tilespmem:s14+$0xFFFFFFEC] =	vst v3  }
0x388: {  	v3 =	vld [tilespmem:s10+$0x0];
	_ =	sdelay $0x4  }
0x389: {  	[tilespmem:s14+$0x0] =	vst v3  }
0x38a: {  	v3 =	vld [tilespmem:s10+$0x10];
	_ =	sdelay $0x2  }
0x38b: {  	s19 =	sadd.s32 $0xFFFFFFFF, s11  }
0x38c: {  	v4 =	vmov s19  }
0x38d: {  	[tilespmem:s14+$0x10] =	vst v3;
	v3 =	vmul.u32 $0x38, v4;
	v4 =	vshll.u32 v4, $0x3  }
0x38e: {  	v5 =	vld [tilespmem:s10+$0x1C];
	v4 =	vadd.s32 v1, v4  }
0x38f: {  	v3 =	vadd.s32 v0, v3;
	v4 =	vor.u32 v2, v4;
	_ =	sdelay $0x3  }
0x390: {  	[tilespmem:s14+$0x1C] =	vst v5  }
0x391: {  	v3 =	vld.idx.msk [tilespmem:v3+s29+$0x0], $0xffff  }
0x392: {  	v4 =	vld.idx.msk [tilespmem:v4+s31+$0x0], $0xffff;
	_ =	sdelay $0x5  }
0x393: {  	v3 =	vsel vm0, v3, v4  }
0x394: {  	[tilespmem:s14+$0x2C] =	vst v3  }
0x395: {  	v3 =	vld [tilespmem:s10+$0x38];
	_ =	sdelay $0x4  }
0x396: {  	[tilespmem:s14+$0x40] =	vst v3  }
0x397: {  	v3 =	vld [tilespmem:s10+$0x48];
	_ =	sdelay $0x3  }
0x398: {  	v4 =	vmov s11  }
0x399: {  	[tilespmem:s14+$0x50] =	vst v3;
	v3 =	vmul.u32 $0x38, v4;
	v4 =	vshll.u32 v4, $0x3  }
0x39a: {  	v5 =	vld [tilespmem:s10+$0x54];
	v4 =	vadd.s32 v1, v4  }
0x39b: {  	v3 =	vadd.s32 v0, v3;
	v4 =	vor.u32 v2, v4;
	_ =	sdelay $0x1  }
.Ltmp5:
0x39c: {  	(pc) =	sbr.rel @p0 .LBB2_13-.Ltmp5, $4  }
0x39d: {  	_ = 	snop  }
0x39e: {  	[tilespmem:s14+$0x5C] =	vst v5  }
0x39f: {  	v3 =	vld.idx.msk [tilespmem:v3+s29+$0x0], $0xffff  }
0x3a0: {  	v4 =	vld.idx.msk [tilespmem:v4+s31+$0x0], $0xffff  }
0x3a1: {  	_ =	sdelay $0x3  }
0x3a2: {  	v3 =	vsel vm0, v3, v4  }
0x3a3: {  	s9 =	sadd.s32 $0x1F40, s6;
	[tilespmem:s15+$0x6C] =	vst v3  }
0x3a4: {  	[hbm4b:s9+s2] =	stream.linear.scatter [tilespmem:s30], [sflag:$0x4], $0x3200, $0x38;
	[tilespmem:$0xE740] =	vst v63  }
0x3a5: {  	_ =	swait.ge [sflag:s26], $0x1C00  }
0x3a6: {  	[sflag:s26] =	ssyncset.done $0x0  }
0x3a7: {  	[sflag:s26] =	ssyncadd.s32 $0xFFFFE400  }
0x3a8: {  	_ =	swait.ge [sflag:s26], $0x400  }
0x3a9: {  	[sflag:s26] =	ssyncset.done $0x0  }
0x3aa: {  	[sflag:s26] =	ssyncadd.s32 $0xFFFFFC00  }
0x3ab: {  	_ =	swait.ge [sflag:s26], $0x400  }
0x3ac: {  	[sflag:s26] =	ssyncset.done $0x0  }
0x3ad: {  	[sflag:s26] =	ssyncadd.s32 $0xFFFFFC00  }
0x3ae: {  	_ =	swait.ge [sflag:s26], $0xFC0  }
0x3af: {  	[sflag:s26] =	ssyncset.done $0x0  }
0x3b0: {  	[sflag:s26] =	ssyncadd.s32 $0xFFFFF040  }
0x3b1: {  	_ =	swait.ge [sflag:s26], $0x240  }
0x3b2: {  	[sflag:s26] =	ssyncset.done $0x0  }
0x3b3: {  	[sflag:s26] =	ssyncadd.s32 $0xFFFFFDC0  }
0x3b4: {  	_ =	swait.ge [sflag:s26], $0x240  }
0x3b5: {  	[sflag:s26] =	ssyncset.done $0x0  }
0x3b6: {  	s14 =	simm.s32 $0x578;
	[sflag:s26] =	ssyncadd.s32 $0xFFFFFDC0  }
0x3b7: {  	[tilespmem:s29], [sflag:$0x2] =	stream.indirect.gather [hbm4b:s1+s16], $0x38, s14, s16, $0xb8;
	[tilespmem:$0xE740] =	vst v63  }
0x3b8: {  	s15 =	simm.s32 $0xBB8  }
0x3b9: {  	[tilespmem:s31], [sflag:$0x2] =	stream.indirect.gather [hbm4b:s7+s16], $0x8, s15, s16, $0xb8;
	[tilespmem:$0xE740] =	vst v63  }
0x3ba: {  	s19 =	simm.s32 $0x11F8  }
0x3bb: {  	[tilespmem:s4], [sflag:$0x2] =	stream.indirect.gather [hbm4b:s8+s16], $0x8, s19, s16, $0xb8;
	[tilespmem:$0xE740] =	vst v63  }
0x3bc: {  	s10 =	simm.s32 $0x5F8  }
0x3bd: {  	[tilespmem:s22], [sflag:$0x2] =	stream.indirect.gather [hbm4b:s1+s20], $0x38, s10, s20, $0xb8;
	[tilespmem:$0xE740] =	vst v63  }
0x3be: {  	s11 =	simm.s32 $0xC38  }
0x3bf: {  	[tilespmem:s28], [sflag:$0x2] =	stream.indirect.gather [hbm4b:s7+s20], $0x8, s11, s20, $0xb8;
	[tilespmem:$0xE740] =	vst v63  }
0x3c0: {  	s9 =	simm.s32 $0x3;
	s14 =	simm.s32 $0x1278  }
0x3c1: {  	[tilespmem:s0], [sflag:$0x2] =	stream.indirect.gather [hbm4b:s8+s20], $0x8, s14, s20, $0xb8;
	[tilespmem:$0xE740] =	vst v63  }
0x3c2: {  	_ =	swait.ge [sflag:s9], $0x3200  }
0x3c3: {  	[sflag:s9] =	ssyncset.done $0x0  }
0x3c4: {  	s10 =	simm.s32 $0x1330;
	[sflag:s9] =	ssyncadd.s32 $0xFFFFCE00  }
0x3c5: {  	v3 =	vld [tilespmem:s10+$0xFFFFFF90];
	_ =	sdelay $0x3  }
0x3c6: {  	s14 =	simm.s32 $0x4B80  }
0x3c7: {  	[tilespmem:s14+$0xFFFFFF80] =	vst v3  }
0x3c8: {  	v3 =	vld [tilespmem:s10+$0xFFFFFFA0];
	_ =	sdelay $0x2  }
0x3c9: {  	s11 =	simm.s32 $0x0  }
0x3ca: {  	v4 =	vmov s11  }
0x3cb: {  	[tilespmem:s14+$0xFFFFFF90] =	vst v3;
	v3 =	vmul.u32 $0x38, v4  }
0x3cc: {  	v4 =	vshll.u32 v4, $0x3;
	v5 =	vld [tilespmem:s10+$0xFFFFFFAC]  }
0x3cd: {  	v4 =	vadd.s32 v1, v4;
	v3 =	vadd.s32 v0, v3  }
0x3ce: {  	v4 =	vor.u32 v2, v4;
	_ =	sdelay $0x2  }
0x3cf: {  	[tilespmem:s14+$0xFFFFFF9C] =	vst v5  }
0x3d0: {  	v3 =	vld.idx.msk [tilespmem:v3+s17+$0x0], $0xffff  }
0x3d1: {  	v4 =	vld.idx.msk [tilespmem:v4+s18+$0x0], $0xffff;
	_ =	sdelay $0x4  }
0x3d2: {  	v3 =	vsel vm0, v3, v4  }
0x3d3: {  	[tilespmem:s14+$0xFFFFFFAC] =	vst v3  }
0x3d4: {  	v3 =	vld [tilespmem:s10+$0xFFFFFFC8];
	_ =	sdelay $0x4  }
0x3d5: {  	[tilespmem:s14+$0xFFFFFFC0] =	vst v3  }
0x3d6: {  	v3 =	vld [tilespmem:s10+$0xFFFFFFD8];
	_ =	sdelay $0x2  }
0x3d7: {  	s15 =	simm.s32 $0x1  }
0x3d8: {  	v4 =	vmov s15  }
0x3d9: {  	[tilespmem:s14+$0xFFFFFFD0] =	vst v3;
	v3 =	vmul.u32 $0x38, v4  }
0x3da: {  	v4 =	vshll.u32 v4, $0x3;
	v5 =	vld [tilespmem:s10+$0xFFFFFFE4]  }
0x3db: {  	v4 =	vadd.s32 v1, v4;
	v3 =	vadd.s32 v0, v3  }
0x3dc: {  	v4 =	vor.u32 v2, v4;
	_ =	sdelay $0x2  }
0x3dd: {  	[tilespmem:s14+$0xFFFFFFDC] =	vst v5  }
0x3de: {  	v3 =	vld.idx.msk [tilespmem:v3+s17+$0x0], $0xffff  }
0x3df: {  	v4 =	vld.idx.msk [tilespmem:v4+s18+$0x0], $0xffff;
	_ =	sdelay $0x4  }
0x3e0: {  	v3 =	vsel vm0, v3, v4  }
0x3e1: {  	[tilespmem:s14+$0xFFFFFFEC] =	vst v3  }
0x3e2: {  	v3 =	vld [tilespmem:s10+$0x0];
	_ =	sdelay $0x4  }
0x3e3: {  	[tilespmem:s14+$0x0] =	vst v3  }
0x3e4: {  	v3 =	vld [tilespmem:s10+$0x10];
	_ =	sdelay $0x2  }
0x3e5: {  	s19 =	simm.s32 $0x2  }
0x3e6: {  	v4 =	vmov s19  }
0x3e7: {  	[tilespmem:s14+$0x10] =	vst v3;
	v3 =	vmul.u32 $0x38, v4  }
0x3e8: {  	v4 =	vshll.u32 v4, $0x3;
	v5 =	vld [tilespmem:s10+$0x1C]  }
0x3e9: {  	v4 =	vadd.s32 v1, v4;
	v3 =	vadd.s32 v0, v3  }
0x3ea: {  	v4 =	vor.u32 v2, v4;
	_ =	sdelay $0x2  }
0x3eb: {  	[tilespmem:s14+$0x1C] =	vst v5  }
0x3ec: {  	v3 =	vld.idx.msk [tilespmem:v3+s17+$0x0], $0xffff  }
0x3ed: {  	v4 =	vld.idx.msk [tilespmem:v4+s18+$0x0], $0xffff;
	_ =	sdelay $0x4  }
0x3ee: {  	v3 =	vsel vm0, v3, v4  }
0x3ef: {  	[tilespmem:s14+$0x2C] =	vst v3  }
0x3f0: {  	v3 =	vld [tilespmem:s10+$0x38];
	_ =	sdelay $0x4  }
0x3f1: {  	[tilespmem:s14+$0x40] =	vst v3  }
0x3f2: {  	v3 =	vld [tilespmem:s10+$0x48];
	_ =	sdelay $0x3  }
0x3f3: {  	v4 =	vmov s9  }
0x3f4: {  	[tilespmem:s14+$0x50] =	vst v3;
	v3 =	vmul.u32 $0x38, v4  }
0x3f5: {  	v4 =	vshll.u32 v4, $0x3;
	v5 =	vld [tilespmem:s10+$0x54]  }
0x3f6: {  	v4 =	vadd.s32 v1, v4;
	v3 =	vadd.s32 v0, v3  }
0x3f7: {  	v4 =	vor.u32 v2, v4;
	_ =	sdelay $0x2  }
0x3f8: {  	[tilespmem:s14+$0x5C] =	vst v5  }
0x3f9: {  	v3 =	vld.idx.msk [tilespmem:v3+s17+$0x0], $0xffff  }
0x3fa: {  	s15 =	simm.s32 $0x4B80;
	s9 =	simm.s32 $0x7;
	v4 =	vld.idx.msk [tilespmem:v4+s18+$0x0], $0xffff  }
.LBB2_15:
0x3fb: {  	_ = 	snop  }
0x3fc: {  	p0 =	sne.s32 s9, $0xC7;
	s14 =	sadd.s32 $0x100, s14;
	s10 =	sadd.s32 $0xE0, s10  }
0x3fd: {  	s11 =	smov.u32 s9;
	s9 =	sadd.s32 $0x4, s9;
	_ =	sdelay $0x1  }
0x3fe: {  	v3 =	vsel vm0, v3, v4  }
0x3ff: {  	[tilespmem:s15+$0x6C] =	vst v3;
	s15 =	smov.u32 s14  }
0x400: {  	v3 =	vld [tilespmem:s10+$0xFFFFFF90];
	_ =	sdelay $0x4  }
0x401: {  	[tilespmem:s14+$0xFFFFFF80] =	vst v3  }
0x402: {  	v3 =	vld [tilespmem:s10+$0xFFFFFFA0];
	_ =	sdelay $0x2  }
0x403: {  	s19 =	sadd.s32 $0xFFFFFFFD, s11  }
0x404: {  	v4 =	vmov s19  }
0x405: {  	[tilespmem:s14+$0xFFFFFF90] =	vst v3;
	v3 =	vmul.u32 $0x38, v4;
	v4 =	vshll.u32 v4, $0x3  }
0x406: {  	v5 =	vld [tilespmem:s10+$0xFFFFFFAC];
	v4 =	vadd.s32 v1, v4  }
0x407: {  	v3 =	vadd.s32 v0, v3;
	v4 =	vor.u32 v2, v4;
	_ =	sdelay $0x3  }
0x408: {  	[tilespmem:s14+$0xFFFFFF9C] =	vst v5  }
0x409: {  	v3 =	vld.idx.msk [tilespmem:v3+s17+$0x0], $0xffff  }
0x40a: {  	v4 =	vld.idx.msk [tilespmem:v4+s18+$0x0], $0xffff;
	_ =	sdelay $0x5  }
0x40b: {  	v3 =	vsel vm0, v3, v4  }
0x40c: {  	[tilespmem:s14+$0xFFFFFFAC] =	vst v3  }
0x40d: {  	v3 =	vld [tilespmem:s10+$0xFFFFFFC8];
	_ =	sdelay $0x4  }
0x40e: {  	[tilespmem:s14+$0xFFFFFFC0] =	vst v3  }
0x40f: {  	v3 =	vld [tilespmem:s10+$0xFFFFFFD8];
	_ =	sdelay $0x2  }
0x410: {  	s19 =	sadd.s32 $0xFFFFFFFE, s11  }
0x411: {  	v4 =	vmov s19  }
0x412: {  	[tilespmem:s14+$0xFFFFFFD0] =	vst v3;
	v3 =	vmul.u32 $0x38, v4;
	v4 =	vshll.u32 v4, $0x3  }
0x413: {  	v5 =	vld [tilespmem:s10+$0xFFFFFFE4];
	v4 =	vadd.s32 v1, v4  }
0x414: {  	v3 =	vadd.s32 v0, v3;
	v4 =	vor.u32 v2, v4;
	_ =	sdelay $0x3  }
0x415: {  	[tilespmem:s14+$0xFFFFFFDC] =	vst v5  }
0x416: {  	v3 =	vld.idx.msk [tilespmem:v3+s17+$0x0], $0xffff  }
0x417: {  	v4 =	vld.idx.msk [tilespmem:v4+s18+$0x0], $0xffff;
	_ =	sdelay $0x5  }
0x418: {  	v3 =	vsel vm0, v3, v4  }
0x419: {  	[tilespmem:s14+$0xFFFFFFEC] =	vst v3  }
0x41a: {  	v3 =	vld [tilespmem:s10+$0x0];
	_ =	sdelay $0x4  }
0x41b: {  	[tilespmem:s14+$0x0] =	vst v3  }
0x41c: {  	v3 =	vld [tilespmem:s10+$0x10];
	_ =	sdelay $0x2  }
0x41d: {  	s19 =	sadd.s32 $0xFFFFFFFF, s11  }
0x41e: {  	v4 =	vmov s19  }
0x41f: {  	[tilespmem:s14+$0x10] =	vst v3;
	v3 =	vmul.u32 $0x38, v4;
	v4 =	vshll.u32 v4, $0x3  }
0x420: {  	v5 =	vld [tilespmem:s10+$0x1C];
	v4 =	vadd.s32 v1, v4  }
0x421: {  	v3 =	vadd.s32 v0, v3;
	v4 =	vor.u32 v2, v4;
	_ =	sdelay $0x3  }
0x422: {  	[tilespmem:s14+$0x1C] =	vst v5  }
0x423: {  	v3 =	vld.idx.msk [tilespmem:v3+s17+$0x0], $0xffff  }
0x424: {  	v4 =	vld.idx.msk [tilespmem:v4+s18+$0x0], $0xffff;
	_ =	sdelay $0x5  }
0x425: {  	v3 =	vsel vm0, v3, v4  }
0x426: {  	[tilespmem:s14+$0x2C] =	vst v3  }
0x427: {  	v3 =	vld [tilespmem:s10+$0x38];
	_ =	sdelay $0x4  }
0x428: {  	[tilespmem:s14+$0x40] =	vst v3  }
0x429: {  	v3 =	vld [tilespmem:s10+$0x48];
	_ =	sdelay $0x3  }
0x42a: {  	v4 =	vmov s11  }
0x42b: {  	[tilespmem:s14+$0x50] =	vst v3;
	v3 =	vmul.u32 $0x38, v4;
	v4 =	vshll.u32 v4, $0x3  }
0x42c: {  	v5 =	vld [tilespmem:s10+$0x54];
	v4 =	vadd.s32 v1, v4  }
0x42d: {  	v3 =	vadd.s32 v0, v3;
	v4 =	vor.u32 v2, v4;
	_ =	sdelay $0x1  }
.Ltmp6:
0x42e: {  	(pc) =	sbr.rel @p0 .LBB2_15-.Ltmp6, $4  }
0x42f: {  	_ = 	snop  }
0x430: {  	[tilespmem:s14+$0x5C] =	vst v5  }
0x431: {  	v3 =	vld.idx.msk [tilespmem:v3+s17+$0x0], $0xffff  }
0x432: {  	v4 =	vld.idx.msk [tilespmem:v4+s18+$0x0], $0xffff  }
0x433: {  	_ =	sdelay $0x3  }
0x434: {  	v3 =	vsel vm0, v3, v4  }
0x435: {  	s9 =	sadd.s32 $0x2580, s6;
	[tilespmem:s15+$0x6C] =	vst v3  }
0x436: {  	[hbm4b:s9+s2] =	stream.linear.scatter [tilespmem:s12], [sflag:$0x3], $0x3200, $0x38;
	[tilespmem:$0xE740] =	vst v63  }
0x437: {  	_ =	swait.ge [sflag:s24], $0x1C00  }
0x438: {  	[sflag:s24] =	ssyncset.done $0x0  }
0x439: {  	[sflag:s24] =	ssyncadd.s32 $0xFFFFE400  }
0x43a: {  	_ =	swait.ge [sflag:s24], $0x400  }
0x43b: {  	[sflag:s24] =	ssyncset.done $0x0  }
0x43c: {  	[sflag:s24] =	ssyncadd.s32 $0xFFFFFC00  }
0x43d: {  	_ =	swait.ge [sflag:s24], $0x400  }
0x43e: {  	[sflag:s24] =	ssyncset.done $0x0  }
0x43f: {  	[sflag:s24] =	ssyncadd.s32 $0xFFFFFC00  }
0x440: {  	_ =	swait.ge [sflag:s24], $0xFC0  }
0x441: {  	[sflag:s24] =	ssyncset.done $0x0  }
0x442: {  	[sflag:s24] =	ssyncadd.s32 $0xFFFFF040  }
0x443: {  	_ =	swait.ge [sflag:s24], $0x240  }
0x444: {  	[sflag:s24] =	ssyncset.done $0x0  }
0x445: {  	[sflag:s24] =	ssyncadd.s32 $0xFFFFFDC0  }
0x446: {  	_ =	swait.ge [sflag:s24], $0x240  }
0x447: {  	[sflag:s24] =	ssyncset.done $0x0  }
0x448: {  	[sflag:s24] =	ssyncadd.s32 $0xFFFFFDC0  }
0x449: {  	_ =	swait.ge [sflag:s3], $0x3200  }
0x44a: {  	[sflag:s3] =	ssyncset.done $0x0  }
0x44b: {  	s10 =	simm.s32 $0x7D70;
	[sflag:s3] =	ssyncadd.s32 $0xFFFFCE00  }
0x44c: {  	v3 =	vld [tilespmem:s10+$0xFFFFFF90];
	_ =	sdelay $0x3  }
0x44d: {  	s14 =	simm.s32 $0xB5C0  }
0x44e: {  	[tilespmem:s14+$0xFFFFFF80] =	vst v3  }
0x44f: {  	v3 =	vld [tilespmem:s10+$0xFFFFFFA0];
	_ =	sdelay $0x2  }
0x450: {  	s19 =	simm.s32 $0x0  }
0x451: {  	v4 =	vmov s19  }
0x452: {  	[tilespmem:s14+$0xFFFFFF90] =	vst v3;
	v3 =	vmul.u32 $0x38, v4  }
0x453: {  	v4 =	vshll.u32 v4, $0x3;
	v5 =	vld [tilespmem:s10+$0xFFFFFFAC]  }
0x454: {  	v4 =	vadd.s32 v1, v4;
	v3 =	vadd.s32 v0, v3  }
0x455: {  	v4 =	vor.u32 v2, v4;
	_ =	sdelay $0x2  }
0x456: {  	[tilespmem:s14+$0xFFFFFF9C] =	vst v5  }
0x457: {  	v3 =	vld.idx.msk [tilespmem:v3+s29+$0x0], $0xffff  }
0x458: {  	v4 =	vld.idx.msk [tilespmem:v4+s31+$0x0], $0xffff;
	_ =	sdelay $0x4  }
0x459: {  	v3 =	vsel vm0, v3, v4  }
0x45a: {  	[tilespmem:s14+$0xFFFFFFAC] =	vst v3  }
0x45b: {  	v3 =	vld [tilespmem:s10+$0xFFFFFFC8];
	_ =	sdelay $0x4  }
0x45c: {  	[tilespmem:s14+$0xFFFFFFC0] =	vst v3  }
0x45d: {  	v3 =	vld [tilespmem:s10+$0xFFFFFFD8];
	_ =	sdelay $0x2  }
0x45e: {  	s11 =	simm.s32 $0x1  }
0x45f: {  	v4 =	vmov s11  }
0x460: {  	[tilespmem:s14+$0xFFFFFFD0] =	vst v3;
	v3 =	vmul.u32 $0x38, v4  }
0x461: {  	v4 =	vshll.u32 v4, $0x3;
	v5 =	vld [tilespmem:s10+$0xFFFFFFE4]  }
0x462: {  	v4 =	vadd.s32 v1, v4;
	v3 =	vadd.s32 v0, v3  }
0x463: {  	v4 =	vor.u32 v2, v4;
	_ =	sdelay $0x2  }
0x464: {  	[tilespmem:s14+$0xFFFFFFDC] =	vst v5  }
0x465: {  	v3 =	vld.idx.msk [tilespmem:v3+s29+$0x0], $0xffff  }
0x466: {  	v4 =	vld.idx.msk [tilespmem:v4+s31+$0x0], $0xffff;
	_ =	sdelay $0x4  }
0x467: {  	v3 =	vsel vm0, v3, v4  }
0x468: {  	[tilespmem:s14+$0xFFFFFFEC] =	vst v3  }
0x469: {  	v3 =	vld [tilespmem:s10+$0x0];
	_ =	sdelay $0x4  }
0x46a: {  	[tilespmem:s14+$0x0] =	vst v3  }
0x46b: {  	v3 =	vld [tilespmem:s10+$0x10];
	_ =	sdelay $0x2  }
0x46c: {  	s15 =	simm.s32 $0x2  }
0x46d: {  	v4 =	vmov s15  }
0x46e: {  	[tilespmem:s14+$0x10] =	vst v3;
	v3 =	vmul.u32 $0x38, v4  }
0x46f: {  	v4 =	vshll.u32 v4, $0x3;
	v5 =	vld [tilespmem:s10+$0x1C]  }
0x470: {  	v4 =	vadd.s32 v1, v4;
	v3 =	vadd.s32 v0, v3  }
0x471: {  	v4 =	vor.u32 v2, v4;
	_ =	sdelay $0x2  }
0x472: {  	[tilespmem:s14+$0x1C] =	vst v5  }
0x473: {  	v3 =	vld.idx.msk [tilespmem:v3+s29+$0x0], $0xffff  }
0x474: {  	v4 =	vld.idx.msk [tilespmem:v4+s31+$0x0], $0xffff;
	_ =	sdelay $0x4  }
0x475: {  	v3 =	vsel vm0, v3, v4  }
0x476: {  	[tilespmem:s14+$0x2C] =	vst v3  }
0x477: {  	v3 =	vld [tilespmem:s10+$0x38];
	_ =	sdelay $0x4  }
0x478: {  	[tilespmem:s14+$0x40] =	vst v3  }
0x479: {  	v3 =	vld [tilespmem:s10+$0x48];
	_ =	sdelay $0x2  }
0x47a: {  	s19 =	simm.s32 $0x3  }
0x47b: {  	v4 =	vmov s19  }
0x47c: {  	[tilespmem:s14+$0x50] =	vst v3;
	v3 =	vmul.u32 $0x38, v4  }
0x47d: {  	v4 =	vshll.u32 v4, $0x3;
	v5 =	vld [tilespmem:s10+$0x54]  }
0x47e: {  	v4 =	vadd.s32 v1, v4;
	v3 =	vadd.s32 v0, v3  }
0x47f: {  	v4 =	vor.u32 v2, v4;
	_ =	sdelay $0x2  }
0x480: {  	[tilespmem:s14+$0x5C] =	vst v5  }
0x481: {  	v3 =	vld.idx.msk [tilespmem:v3+s29+$0x0], $0xffff  }
0x482: {  	s9 =	simm.s32 $0x7;
	s15 =	simm.s32 $0xB5C0;
	v4 =	vld.idx.msk [tilespmem:v4+s31+$0x0], $0xffff  }
.LBB2_17:
0x483: {  	_ = 	snop  }
0x484: {  	p0 =	sne.s32 s9, $0xC7;
	s14 =	sadd.s32 $0x100, s14;
	s10 =	sadd.s32 $0xE0, s10  }
0x485: {  	s11 =	smov.u32 s9;
	s9 =	sadd.s32 $0x4, s9;
	_ =	sdelay $0x1  }
0x486: {  	v3 =	vsel vm0, v3, v4  }
0x487: {  	[tilespmem:s15+$0x6C] =	vst v3;
	s15 =	smov.u32 s14  }
0x488: {  	v3 =	vld [tilespmem:s10+$0xFFFFFF90];
	_ =	sdelay $0x4  }
0x489: {  	[tilespmem:s14+$0xFFFFFF80] =	vst v3  }
0x48a: {  	v3 =	vld [tilespmem:s10+$0xFFFFFFA0];
	_ =	sdelay $0x2  }
0x48b: {  	s19 =	sadd.s32 $0xFFFFFFFD, s11  }
0x48c: {  	v4 =	vmov s19  }
0x48d: {  	[tilespmem:s14+$0xFFFFFF90] =	vst v3;
	v3 =	vmul.u32 $0x38, v4;
	v4 =	vshll.u32 v4, $0x3  }
0x48e: {  	v5 =	vld [tilespmem:s10+$0xFFFFFFAC];
	v4 =	vadd.s32 v1, v4  }
0x48f: {  	v3 =	vadd.s32 v0, v3;
	v4 =	vor.u32 v2, v4;
	_ =	sdelay $0x3  }
0x490: {  	[tilespmem:s14+$0xFFFFFF9C] =	vst v5  }
0x491: {  	v3 =	vld.idx.msk [tilespmem:v3+s29+$0x0], $0xffff  }
0x492: {  	v4 =	vld.idx.msk [tilespmem:v4+s31+$0x0], $0xffff;
	_ =	sdelay $0x5  }
0x493: {  	v3 =	vsel vm0, v3, v4  }
0x494: {  	[tilespmem:s14+$0xFFFFFFAC] =	vst v3  }
0x495: {  	v3 =	vld [tilespmem:s10+$0xFFFFFFC8];
	_ =	sdelay $0x4  }
0x496: {  	[tilespmem:s14+$0xFFFFFFC0] =	vst v3  }
0x497: {  	v3 =	vld [tilespmem:s10+$0xFFFFFFD8];
	_ =	sdelay $0x2  }
0x498: {  	s19 =	sadd.s32 $0xFFFFFFFE, s11  }
0x499: {  	v4 =	vmov s19  }
0x49a: {  	[tilespmem:s14+$0xFFFFFFD0] =	vst v3;
	v3 =	vmul.u32 $0x38, v4;
	v4 =	vshll.u32 v4, $0x3  }
0x49b: {  	v5 =	vld [tilespmem:s10+$0xFFFFFFE4];
	v4 =	vadd.s32 v1, v4  }
0x49c: {  	v3 =	vadd.s32 v0, v3;
	v4 =	vor.u32 v2, v4;
	_ =	sdelay $0x3  }
0x49d: {  	[tilespmem:s14+$0xFFFFFFDC] =	vst v5  }
0x49e: {  	v3 =	vld.idx.msk [tilespmem:v3+s29+$0x0], $0xffff  }
0x49f: {  	v4 =	vld.idx.msk [tilespmem:v4+s31+$0x0], $0xffff;
	_ =	sdelay $0x5  }
0x4a0: {  	v3 =	vsel vm0, v3, v4  }
0x4a1: {  	[tilespmem:s14+$0xFFFFFFEC] =	vst v3  }
0x4a2: {  	v3 =	vld [tilespmem:s10+$0x0];
	_ =	sdelay $0x4  }
0x4a3: {  	[tilespmem:s14+$0x0] =	vst v3  }
0x4a4: {  	v3 =	vld [tilespmem:s10+$0x10];
	_ =	sdelay $0x2  }
0x4a5: {  	s19 =	sadd.s32 $0xFFFFFFFF, s11  }
0x4a6: {  	v4 =	vmov s19  }
0x4a7: {  	[tilespmem:s14+$0x10] =	vst v3;
	v3 =	vmul.u32 $0x38, v4;
	v4 =	vshll.u32 v4, $0x3  }
0x4a8: {  	v5 =	vld [tilespmem:s10+$0x1C];
	v4 =	vadd.s32 v1, v4  }
0x4a9: {  	v3 =	vadd.s32 v0, v3;
	v4 =	vor.u32 v2, v4;
	_ =	sdelay $0x3  }
0x4aa: {  	[tilespmem:s14+$0x1C] =	vst v5  }
0x4ab: {  	v3 =	vld.idx.msk [tilespmem:v3+s29+$0x0], $0xffff  }
0x4ac: {  	v4 =	vld.idx.msk [tilespmem:v4+s31+$0x0], $0xffff;
	_ =	sdelay $0x5  }
0x4ad: {  	v3 =	vsel vm0, v3, v4  }
0x4ae: {  	[tilespmem:s14+$0x2C] =	vst v3  }
0x4af: {  	v3 =	vld [tilespmem:s10+$0x38];
	_ =	sdelay $0x4  }
0x4b0: {  	[tilespmem:s14+$0x40] =	vst v3  }
0x4b1: {  	v3 =	vld [tilespmem:s10+$0x48];
	_ =	sdelay $0x3  }
0x4b2: {  	v4 =	vmov s11  }
0x4b3: {  	[tilespmem:s14+$0x50] =	vst v3;
	v3 =	vmul.u32 $0x38, v4;
	v4 =	vshll.u32 v4, $0x3  }
0x4b4: {  	v5 =	vld [tilespmem:s10+$0x54];
	v4 =	vadd.s32 v1, v4  }
0x4b5: {  	v3 =	vadd.s32 v0, v3;
	v4 =	vor.u32 v2, v4;
	_ =	sdelay $0x1  }
.Ltmp7:
0x4b6: {  	(pc) =	sbr.rel @p0 .LBB2_17-.Ltmp7, $4  }
0x4b7: {  	_ = 	snop  }
0x4b8: {  	[tilespmem:s14+$0x5C] =	vst v5  }
0x4b9: {  	v3 =	vld.idx.msk [tilespmem:v3+s29+$0x0], $0xffff  }
0x4ba: {  	v4 =	vld.idx.msk [tilespmem:v4+s31+$0x0], $0xffff  }
0x4bb: {  	s5 =	sadd.s32 $0x1, s5  }
0x4bc: {  	p0 =	sne.s32 s5, $0x10  }
.Ltmp8:
0x4bd: {  	_ = 	snop;
	(pc) =	sbr.rel @p0 .LBB2_2-.Ltmp8, $4  }
0x4be: {  	_ = 	snop  }
0x4bf: {  	v3 =	vsel vm0, v3, v4  }
0x4c0: {  	s6 =	sadd.s32 $0x2BC0, s6;
	[tilespmem:s15+$0x6C] =	vst v3  }
0x4c1: {  	[hbm4b:s6+s2] =	stream.linear.scatter [tilespmem:s30], [sflag:$0x4], $0x3200, $0x38;
	[tilespmem:$0xE740] =	vst v63  }
0x4c2: {  	s5 =	simm.s32 $0x3  }
0x4c3: {  	_ =	swait.ge [sflag:s5], $0x3200  }
0x4c4: {  	[sflag:s5] =	ssyncset.done $0x0  }
0x4c5: {  	[sflag:s5] =	ssyncadd.s32 $0xFFFFCE00  }
0x4c6: {  	_ =	swait.ge [sflag:s3], $0x3200  }
0x4c7: {  	s6 =	rddreg [dreg:$0xa]  }
0x4c8: {  	s19 =	rddreg [dreg:$0x9];
	s6 =	sadd.s32 $0x1, s6  }
0x4c9: {  	p0 =	sne.s32 s6, s19  }
.Ltmp9:
0x4ca: {  	_ = 	snop;
	(pc) =	sbr.rel @p0 .LBB2_1-.Ltmp9, $3  }
0x4cb: {  	_ =	sdelay $0x1  }
0x4cc: {  	[sflag:s3] =	ssyncset.done $0x0  }
0x4cd: {  	[sflag:s3] =	ssyncadd.s32 $0xFFFFCE00  }
0x4ce: {  	_ =	sfence.sel $0x180000  }
0x4cf: {  	[bflag:$0x0] =	sbarrier.arrive $0xFFFF  }
0x4d0: {  	_ =	strace $0x90000047  }
0x4d1: {  	s0 =	stileid.u32;
	[bflag:$0x2] =	sbarrier.arrive $0xFFFF  }
0x4d2: {  	p0 =	sne.s32 s0, $0x0;
	s0 =	rddreg [dreg:$0x2]  }
0x4d3: {  	s0 =	sadd.s32 @!p0 $0x100000, s0  }
0x4d4: {  	[sflag:s0] =	ssyncadd.tile.s32 @!p0 $0x1;
	_ =	shalt  }
.Lfunc_end2:
_tile_overlayer_lowered:
.L_overlay_start_2:
0x4d5: {  	(tag) =	ssettag $0x2  }
0x4d6: {  	s0 =	rddreg [dreg:$0x0];
	s2 =	stileid.u32  }
0x4d7: {  	s1 =	rddreg [dreg:$0x1];
	p0 =	sne.s32 s2, $0x0  }
0x4d8: {  	s3 =	rddreg [dreg:$0x2];
	[bflag:$0x3] =	sbarrier.arrive $0xFFFF;
	s2 =	simm.s32 @!p0 $0x1C05  }
0x4d9: {  	[timem:s3], [sflag:s2] =	dma.local @!p0 [hbm:s0], s1  }
0x4da: {  	s0 =	simm.s32 @!p0 $0x5  }
0x4db: {  	_ =	swait.ge @!p0 [sflag:s0], s1  }
0x4dc: {  	s1 =	ssub.s32 @!p0 $0x0, s1;
	[sflag:s0] =	ssyncset.done @!p0 $0x0  }
0x4dd: {  	[sflag:s0] =	ssyncadd.s32 @!p0 s1  }
0x4de: {  	[bflag:$0x3] =	sbarrier.arrive $0xFFFF  }
0x4df: {  	_ =	shalt  }

// kernel: sparse-core-data-format-call.cloned.1.call-start
scs
called_computation_lowered:
.L_overlay_start_0:
0x0: {  	s2 =	sld [smem:$0x3FD9]  }
0x1: {  	s3 =	sld [smem:$0x3FFE];
	_ =	sdelay $0x1  }
0x2: {  	s1 =	srdreg.scid  }
0x3: {  	s0 =	sand.u32 $0x1, s1  }
0x4: {  	s18 =	sshll.u32 s0, $0xA;
	s2 =	sadd.s32 s3, s2  }
0x5: {  	s2 =	sadd.s32 s2, s18  }
0x6: {  	[smem:$0x3FC2] =	sst s2  }
0x7: {  	_ = 	snop  }
0x8: {  	s2 =	sld [smem:$0x3FD0];
	(tm) =	ssettm $0x1  }
0x9: {  	s19 =	sld [smem:$0x3FFB];
	_ =	sdelay $0x3  }
0xa: {  	_ =	strace s19  }
0xb: {  	s3 =	sld [smem:$0x3FFC];
	_ =	sdelay $0x3  }
0xc: {  	_ =	strace s3  }
0xd: {  	s3 =	sld [smem:$0x3FFD];
	_ =	sdelay $0x3  }
0xe: {  	_ =	strace s3  }
0xf: {  	_ =	strace $0x8FFFFFFF  }
0x10: {  	s20 =	sld [smem:$0x3FDB];
	_ =	sdelay $0x1  }
0x11: {  	s4 =	simm.s32 $_scs_section_size  }
0x12: {  	s5 =	simm.s32 $_size__tile_overlayer_lowered;
	s6 =	simm.s32 $_tile_overlayer_lowered  }
0x13: {  	s23 =	simm.s32 $0x1BFF;
	s22 =	sshll.u32 s6, $0x1;
	s3 =	sadd.s32 s4, s20  }
0x14: {  	s7 =	simm.s32 $0x0;
	s21 =	sshll.u32 s5, $0x1;
	s5 =	sadd.s32 s22, s3  }
0x15: {  	[timem:s7], [sflag:s23] =	dma.local [hbm:s5], s21  }
0x16: {  	_ =	swait.ge [sflag:s23], s21  }
0x17: {  	s4 =	ssub.s32 $0x0, s21;
	[sflag:s23] =	ssyncset.done $0x0  }
0x18: {  	[sflag:s23] =	ssyncadd.s32 s4;
	_ =	sdelay $0x1  }
0x19: {  	s24 =	simm.s32 $0x1B8B  }
0x1a: {  	_ =	swait.ge [sflag:s24], $0x1  }
0x1b: {  	[sflag:s24] =	ssyncset.done $0x0  }
0x1c: {  	s26 =	simm.s32 $0x1B8E;
	s25 =	sld [smem:$0x3FFE];
	[sflag:s24] =	ssyncadd.s32 $0xFFFFFFFF  }
0x1d: {  	s27 =	simm.s32 $execute0_lowered;
	[smem:$0x3FD2] =	sst s26  }
0x1e: {  	s5 =	sshll.u32 s27, $0x1;
	_ =	strace $0x80000049;
	[dreg:$0x1] =	wrdreg $0xFFFFFFFF  }
0x1f: {  	s28 =	simm.s32 $_size_execute0_lowered;
	s3 =	sadd.s32 s3, s5;
	[dreg:$0x0] =	wrdreg $0x0  }
0x20: {  	s5 =	sshll.u32 s28, $0x1;
	[dreg:$0x2] =	wrdreg s3  }
0x21: {  	[dreg:$0x3] =	wrdreg s5  }
0x22: {  	[dreg:$0x4] =	wrdreg $0xC0  }
0x23: {  	_ =	task [dreg:s7], $0x5FFFF  }
0x24: {  	[dreg:$0x1] =	wrdreg $0xFFFFFFFF  }
0x25: {  	[dreg:$0x0] =	wrdreg $0x60  }
0x26: {  	[dreg:$0x2] =	wrdreg s25  }
0x27: {  	[dreg:$0x3] =	wrdreg s2  }
0x28: {  	[dreg:$0x4] =	wrdreg $0x9  }
0x29: {  	_ =	task.clear_ibuf [dreg:s7], $0x5FFFF;
	_ =	strace $0x90000049  }
0x2a: {  	s29 =	simm.s32 $0x9;
	_ =	strace $0x8000004B  }
0x2b: {  	_ =	swait.ge [sflag:s29], $0x1  }
0x2c: {  	[sflag:s29] =	ssyncadd.s32 $0xFFFFFFFF  }
0x2d: {  	_ =	strace $0x9000004B  }
0x2e: {  	_ =	sfence  }
0x2f: {  	s30 =	sld [smem:$0x0];
	_ =	sdelay $0x2  }
0x30: {  	s31 =	sshll.u32 s1, $0xD;
	s1 =	sshrl.u32 s1, $0x2  }
0x31: {  	s3 =	sand.u32 $0x4000, s31;
	s1 =	sadd.s32 s1, s30  }
0x32: {  	s0 =	sor.u32 s3, s0;
	s1 =	sshll.u32 s1, $0x11  }
0x33: {  	s0 =	sor.u32 s1, s0  }
0x34: {  	s0 =	sadd.s32 $0x8F2B, s0  }
0x35: {  	[sflag:s0] =	ssyncadd.remote.s32 $0x1  }
0x36: {  	_ =	sfence.sel $0xFFFF  }
0x37: {  	[dreg:$0x0] =	wrdreg $0xFFFFFFFF;
	(pc) =	sbr.abs _section_cstart, $3  }
0x38: {  	[dreg:$0x1] =	wrdreg $0xFFFFFFFF  }
0x39: {  	_ =	task.clear_ibuf [dreg:s7], $0x2FFFF;
	_ =	strace $0x9FFFFFFF  }
0x3a: {  	(tm) =	ssettm $0x7FFFFFFF  }
0x3b: {  	_ =	shalt  }
tec
execute0_lowered:
.L_overlay_start_1:
0x0: {  	(tag) =	ssettag $0x1  }
0x1: {  	s0 =	srdreg.scid  }
0x2: {  	s1 =	sshll.u32 s0, $0x4  }
0x3: {  	s6 =	rddreg [dreg:$0x0];
	s0 =	stileid.u32;
	s1 =	sand.u32 $0x10, s1  }
0x4: {  	s3 =	rddreg [dreg:$0x1];
	s1 =	sor.u32 s0, s1  }
0x5: {  	s5 =	simm.s32 $0x1;
	s31 =	simm.s32 $0x2;
	s2 =	sshll.u32 s1, $0x7  }
0x6: {  	s15 =	simm.s32 $0x0;
	s8 =	simm.s32 $0xC8000;
	s4 =	ssub.s32 $0x1000, s2  }
0x7: {  	s14 =	simm.s32 $0x0;
	s9 =	simm.s32 $0x0;
	s30 =	sand.u32 $0xF80, s4  }
0x8: {  	s10 =	simm.s32 $0x0;
	s11 =	simm.s32 $0x0;
	p0 =	sne.s32 s30, $0x0  }
.Ltmp0:
0x9: {  	s7 =	sshrl.u32 s4, $0xC;
	s5 =	simm.s32 @!p0 $0x0;
	(pc) =	sbr.rel .LBB1_1-.Ltmp0, $4  }
0xa: {  	s13 =	simm.s32 $0x0;
	s1 =	rddreg [dreg:$0x2];
	s5 =	sadd.s32 s5, s7  }
0xb: {  	_ =	strace $0x8000004A;
	s4 =	simm.s32 $0x1;
	s5 =	smul.u32 $0xC8, s5  }
0xc: {  	s6 =	sadd.s32 $0x68D800, s6;
	s12 =	smov.u32 s2;
	[sflag:s4] =	ssyncpa.u1 $0x0  }
0xd: {  	[sflag:s31] =	ssyncpa.u1 $0x0;
	p0 =	por $0x0, $0x0;
	s7 =	sor.u32 $0x1, s5  }
.LBB1_4:
0xe: {  	s18 =	sshll.u32 s9, $0xC;
	s19 =	sand.u32 $0x78, s10;
	s20 =	sshll.u32 s10, $0x3  }
0xf: {  	s22 =	sshll.u32 s9, $0x7;
	p1 =	sgt.s32 s9, $0xC7;
	s25 =	sshra.s32 s9, $0x1F  }
0x10: {  	s23 =	smov.u32 s10;
	s24 =	sshra.s32 s10, $0x1F;
	s29 =	sand.u32 $0x7, s10  }
0x11: {  	s18 =	sand.u32 $0xFFFF8000, s18;
	s21 =	sand.u32 $0xFFFFFC00, s20;
	s20 =	sand.u32 $0xC00, s20  }
0x12: {  	s30 =	sand.u32 $0x380, s22;
	s22 =	sand.u32 s25, s9;
	s18 =	sadd.s32 s21, s18  }
0x13: {  	s19 =	sor.u32 s19, s20;
	s20 =	smov.u32 s9;
	s18 =	sshrl.u32 s18, $0xC  }
0x14: {  	s20 =	simm.s32 @!p1 $0xC7;
	p1 =	sgt.s32 s10, $0xF80;
	s31 =	smulhi.u32 $0x147AE15, s18  }
0x15: {  	s26 =	sand.u32 s24, s10;
	s20 =	ssub.s32 s20, s22;
	s23 =	simm.s32 @!p1 $0xF80  }
0x16: {  	s27 =	ssub.s32 $0xC8, s20;
	s22 =	ssub.s32 s23, s26;
	s21 =	smul.u32 $0xC8, s31  }
0x17: {  	s20 =	sadd.s32 $0xFFFFFF39, s20;
	s23 =	smul.u32 $0x3C, s27;
	s28 =	sadd.s32 $0xFFFFF080, s22  }
0x18: {  	p1 =	sgt.s32 s20, $0x0;
	s20 =	ssub.s32 $0x1000, s22;
	p2 =	sgt.s32 s28, $0x7F  }
0x19: {  	s19 =	sor.u32 s30, s19;
	s23 =	simm.s32 @p1 $0x0;
	s20 =	simm.s32 @p2 $0x0  }
0x1a: {  	[tilespmem:s17+$0x810 ss:$0x81] =	vst.msk $0xffff, v2;
	s19 =	sshrl.u32 s19, $0x3;
	s18 =	ssub.s32 s18, s21;
	s20 =	smul.u32 s20, s23  }
0x1b: {  	[tilespmem:s17+$0x1020 ss:$0x81] =	vst.msk $0xffff, v0;
	s19 =	sadd.s32 s3, s19;
	s21 =	sshll.u32 s29, $0x12;
	s18 =	sshll.u32 s18, $0x9  }
0x1c: {  	[tilespmem:s17+$0x0 ss:$0x81] =	vst.msk $0xffff, v1;
	s31 =	sor.u32 $0x80, s21;
	s18 =	sadd.s32 s18, s19;
	s30 =	sand.u32 $0x3FFFFFFC, s20  }
0x1d: {  	[hbm4b:s18+s31] =	stream.strided.scatter [tilespmem:s16], [sflag:$0x2], s30, s8, s31, $0x20;
	[tilespmem:$0x8080] =	vst v63  }
.LBB1_5:
0x1e: {  	p1 =	slt.u32 s13, $0x2  }
0x1f: {  	s17 =	smov.u32 s15;
	p2 =	sgt.s32 @!p1 s15, $0xC7;
	s16 =	sshra.s32 @!p1 s15, $0x1F  }
0x20: {  	p3 =	sgt.s32 @!p1 s14, $0xF80;
	s18 =	sshra.s32 @!p1 s14, $0x1F;
	p2 =	por !p2, p1  }
0x21: {  	s15 =	sand.u32 @!p1 s16, s15;
	p3 =	por !p3, p1;
	s16 =	smov.u32 s14  }
0x22: {  	s14 =	sand.u32 @!p1 s18, s14;
	s17 =	simm.s32 @p2 $0xC7;
	s16 =	simm.s32 @p3 $0xF80  }
0x23: {  	s18 =	smov.u32 s12;
	s15 =	ssub.s32 @!p1 s17, s15;
	s14 =	ssub.s32 @!p1 s16, s14  }
0x24: {  	s16 =	sadd.s32 @!p1 $0xFFFFFF39, s15;
	s15 =	ssub.s32 @!p1 $0xC8, s15;
	s17 =	sadd.s32 @!p1 $0xFFFFF080, s14  }
0x25: {  	p2 =	sgt.s32 @!p1 s16, $0x0;
	s15 =	smul.u32 @!p1 $0x3C, s15;
	p3 =	sgt.s32 @!p1 s17, $0x7F  }
0x26: {  	s14 =	ssub.s32 @!p1 $0x1000, s14;
	p2 =	por !p2, p1;
	p3 =	por !p3, p1  }
0x27: {  	s16 =	sadd.s32 $0x1, s11;
	s15 =	simm.s32 @!p2 $0x0;
	s14 =	simm.s32 @!p3 $0x0  }
0x28: {  	p2 =	sgt.s32 s16, $0xC7;
	s14 =	smul.u32 @!p1 s14, s15;
	s15 =	sadd.s32 $0x1000, s12  }
0x29: {  	s18 =	smov.u32 @p2 s15  }
0x2a: {  	s16 =	simm.s32 @p2 $0x0;
	p2 =	sgt.s32 s18, $0xFFF  }
0x2b: {  	s18 =	smov.u32 @p2 s2;
	p2 =	sne.s32 s13, s7  }
.Ltmp1:
0x2c: {  	p0 =	por !p0, !p0;
	s17 =	simm.s32 @!p1 $0x2;
	(pc) =	sbr.rel @!p2 .LBB1_6-.Ltmp1, $4  }
0x2d: {  	s15 =	smov.u32 s9;
	s9 =	smov.u32 s11;
	s14 =	sand.u32 @!p1 $0x3FFFFFFC, s14  }
0x2e: {  	s11 =	smov.u32 s16;
	_ =	swait.ge @!p1 [sflag:s17], s14;
	s19 =	ssub.s32 @!p1 $0x0, s14  }
0x2f: {  	s14 =	smov.u32 s10;
	s13 =	sadd.s32 $0x1, s13;
	[sflag:s17] =	ssyncset.done @!p1 $0x0  }
0x30: {  	s10 =	smov.u32 s12;
	s12 =	smov.u32 s18;
	[sflag:s17] =	ssyncadd.s32 @!p1 s19  }
.LBB1_1:
0x31: {  	p1 =	sge.u32 s13, s5  }
0x32: {  	s16 =	sand.u32 @!p1 $0x1FFFFFF, s11  }
0x33: {  	s17 =	smulhi.u32 @!p1 $0x147AE15, s16;
	_ =	sdelay $0x1  }
0x34: {  	s17 =	smul.u32 @!p1 $0xC8, s17  }
0x35: {  	s18 =	sxor.u32 @!p1 $0xFFFFFFFF, s13;
	s19 =	smul.u32 @!p1 $0xC80, s12  }
0x36: {  	s31 =	sadd.s32 $0xFFFFFFFF, s13;
	s18 =	sshll.u32 @!p1 s18, $0xD;
	s16 =	ssub.s32 @!p1 s16, s17  }
0x37: {  	s17 =	sand.u32 @!p1 $0x2000, s18;
	s18 =	sadd.s32 @!p1 s6, s19;
	s16 =	sshll.u32 @!p1 s16, $0x4  }
0x38: {  	s19 =	simm.s32 @!p1 $0x6400;
	s16 =	sadd.s32 @!p1 s16, s18;
	s18 =	simm.s32 @!p1 $0x40  }
0x39: {  	[tilespmem:s17], [sflag:$0x1] =	stream.strided.gather @!p1 [hbm4b:s16+s18], $0x2000, s19, s18, $0x38;
	[tilespmem:$0x8080] =	vst v63  }
0x3a: {  	p1 =	sge.u32 s31, s5  }
.Ltmp2:
0x3b: {  	_ = 	snop;
	(pc) =	sbr.rel @p1 .LBB1_5-.Ltmp2, $1  }
0x3c: {  	_ =	sdelay $0x3  }
0x3d: {  	s16 =	simm.s32 $0x1  }
0x3e: {  	_ =	swait.ge [sflag:s4], $0x2000;
	s16 =	simm.s32 @!p0 $0x0  }
0x3f: {  	[sflag:s4] =	ssyncset.done $0x0;
	s17 =	sshll.u32 s16, $0xD  }
0x40: {  	[sflag:s4] =	ssyncadd.s32 $0xFFFFE000;
	s20 =	sor.u32 $0x20, s17  }
0x41: {  	s16 =	smul.u32 $0x8100, s16;
	v3 =	vld [tilespmem:s20+$0x10]  }
0x42: {  	s30 =	sand.u32 $0x1, s13;
	v2 =	vld [tilespmem:s20+$0xFFFFFFF0]  }
0x43: {  	s17 =	smul.u32 $0x8100, s30;
	s16 =	sshrl.u32 s16, $0x2;
	v0 =	vld [tilespmem:s20+$0x0]  }
0x44: {  	v1 =	vld [tilespmem:s20+$0xFFFFFFE0];
	s18 =	sor.u32 $0x4000, s16  }
0x45: {  	s31 =	sshrl.u32 s17, $0x2;
	s17 =	sadd.s32 $0x0, s18  }
0x46: {  	s19 =	simm.s32 $0x4;
	s20 =	sadd.s32 $0x40, s20;
	s16 =	sor.u32 $0x4000, s31;
	[tilespmem:s17+$0x1830 ss:$0x81] =	vst.msk $0xffff, v3  }
.LBB1_3:
0x47: {  	v3 =	vld [tilespmem:s20+$0x10];
	p1 =	sne.s32 s19, $0x1FC;
	[tilespmem:s17+$0x810 ss:$0x81] =	vst.msk $0xffff, v2;
	s21 =	smov.u32 s19;
	s19 =	sadd.s32 $0x4, s19  }
.Ltmp3:
0x48: {  	v2 =	vld [tilespmem:s20+$0xFFFFFFF0];
	[tilespmem:s17+$0x1020 ss:$0x81] =	vst.msk $0xffff, v0;
	(pc) =	sbr.rel @p1 .LBB1_3-.Ltmp3, $4  }
0x49: {  	v0 =	vld [tilespmem:s20+$0x0];
	[tilespmem:s17+$0x0 ss:$0x81] =	vst.msk $0xffff, v1  }
0x4a: {  	s17 =	sshra.s32 s21, $0x2;
	v1 =	vld [tilespmem:s20+$0xFFFFFFE0]  }
0x4b: {  	s17 =	sadd.s32 s17, s18  }
0x4c: {  	s20 =	sadd.s32 $0x40, s20;
	[tilespmem:s17+$0x1830 ss:$0x81] =	vst.msk $0xffff, v3  }
.Ltmp4:
0x4d: {  	_ = 	snop;
	(pc) =	sbr.rel .LBB1_4-.Ltmp4, $1  }
0x4e: {  	_ =	sdelay $0x3  }
.LBB1_6:
0x4f: {  	_ =	sfence.sel $0x180000  }
0x50: {  	s2 =	simm.s32 $0x1;
	[bflag:$0x0] =	sbarrier.arrive $0xFFFF  }
0x51: {  	s31 =	simm.s32 $0x2;
	[sflag:s2] =	ssyncpa.u1 $0x1  }
0x52: {  	[sflag:s31] =	ssyncpa.u1 $0x1  }
0x53: {  	p0 =	sne.s32 s0, $0x0;
	_ =	strace $0x9000004A  }
0x54: {  	s0 =	sadd.s32 @!p0 $0x100000, s1;
	[bflag:$0x2] =	sbarrier.arrive $0xFFFF  }
0x55: {  	[sflag:s0] =	ssyncadd.tile.s32 @!p0 $0x1;
	_ =	shalt  }
.Lfunc_end1:
_tile_overlayer_lowered:
.L_overlay_start_2:
0x56: {  	(tag) =	ssettag $0x2  }
0x57: {  	s0 =	rddreg [dreg:$0x0];
	s2 =	stileid.u32  }
0x58: {  	s1 =	rddreg [dreg:$0x1];
	p0 =	sne.s32 s2, $0x0  }
0x59: {  	s3 =	rddreg [dreg:$0x2];
	[bflag:$0x3] =	sbarrier.arrive $0xFFFF;
	s2 =	simm.s32 @!p0 $0x1C01  }
0x5a: {  	[timem:s3], [sflag:s2] =	dma.local @!p0 [hbm:s0], s1  }
0x5b: {  	s0 =	simm.s32 @!p0 $0x1  }
0x5c: {  	_ =	swait.ge @!p0 [sflag:s0], s1  }
0x5d: {  	s1 =	ssub.s32 @!p0 $0x0, s1;
	[sflag:s0] =	ssyncset.done @!p0 $0x0  }
0x5e: {  	[sflag:s0] =	ssyncadd.s32 @!p0 s1  }
0x5f: {  	[bflag:$0x3] =	sbarrier.arrive $0xFFFF  }
0x60: {  	_ =	shalt  }

</sc_bundles>
